<compile_context>
chip_gen: v7x
topology: tpu7x:2x2x1
jax: 0.10.2.dev20260603
libtpu: 0.0.44.dev20260713+nightly
codegen_flags: <defaults>
</compile_context>

<pallas_src>
import jax
import jax.numpy as jnp
from jax import lax
from jax.experimental import pallas as pl
from jax.experimental.pallas import tpu as pltpu
from jax.experimental.pallas import tpu_sc as plsc

N = 10000
D = 128
E = 320000
NG = 64

NC = 2
NS = 16
NW = NC * NS
C = 64
N_PAD = 10240
GC = 32
NBUF = 4
NG_FAST = 9
NG_SLOW = 1
CH_FAST = NG_FAST * GC
CH_SLOW = NG_SLOW * GC
E_PAD = NS * C * (CH_FAST + CH_SLOW)
RPS = N_PAD // NS


def _segsum_body(h_hbm, src_hbm, dst_hbm, out_hbm,
                 idx_s, idx_d, rows, acc,
                 gsem0, gsem1, gsem2, gsem3, ssem0, ssem1, ssem2, ssem3):
    c = lax.axis_index("c")
    s = lax.axis_index("s")
    wid = c * NS + s
    gsems = (gsem0, gsem1, gsem2, gsem3)
    ssems = (ssem0, ssem1, ssem2, ssem3)

    def _z(k, carry):
        i = k // (D // 16)
        j = k % (D // 16)
        rows[0, i, pl.ds(j * 16, 16)] = jnp.zeros((16,), jnp.float32)
        return carry
    lax.fori_loop(0, C * (D // 16), _z, 0)
    for r in range(RPS // C):
        pltpu.sync_copy(rows.at[0], acc.at[pl.ds(s * RPS + r * C, C)])
    plsc.subcore_barrier()

    def _startg(b, j):
        pltpu.async_copy(h_hbm.at[idx_s.at[j]], rows.at[b], gsems[b])

    def _waitg(b, j):
        pltpu.make_async_copy(h_hbm.at[idx_s.at[j]], rows.at[b], gsems[b]).wait()

    def _starts(b, j):
        pltpu.async_copy(rows.at[b], acc.at[idx_d.at[j]], ssems[b], add=True)

    def _waits(b, j):
        pltpu.make_async_copy(rows.at[b], acc.at[idx_d.at[j]], ssems[b]).wait()

    @pl.loop(0, jnp.where(c == 0, NG_FAST, NG_SLOW))
    def _group(g):
        pltpu.sync_copy(src_hbm.at[wid, pl.ds(g * GC, GC)], idx_s)
        pltpu.sync_copy(dst_hbm.at[wid, pl.ds(g * GC, GC)], idx_d)
        for b in range(NBUF):
            _startg(b, b)

        @pl.loop(0, GC - NBUF, step=NBUF)
        def _chunk(j):
            for b in range(NBUF):
                _waitg(b, j + b)
                _starts(b, j + b)
            for b in range(NBUF):
                _waits(b, j + b)
                _startg(b, j + b + NBUF)

        for b in range(NBUF):
            _waitg(b, GC - NBUF + b)
            _starts(b, GC - NBUF + b)
        for b in range(NBUF):
            _waits(b, GC - NBUF + b)

    plsc.subcore_barrier()

    pltpu.sync_copy(acc.at[pl.ds(s * RPS, RPS)],
                    out_hbm.at[c, pl.ds(s * RPS, RPS)])


_segsum = pl.kernel(
    _segsum_body,
    out_type=jax.ShapeDtypeStruct((NC, N_PAD, D), jnp.float32),
    mesh=plsc.VectorSubcoreMesh(core_axis_name="c", subcore_axis_name="s"),
    scratch_types=[
        pltpu.VMEM((GC, C), jnp.int32),
        pltpu.VMEM((GC, C), jnp.int32),
        pltpu.VMEM((NBUF, C, D), jnp.float32),
        pltpu.VMEM_SHARED((N_PAD, D), jnp.float32),
    ] + [pltpu.SemaphoreType.DMA] * 8,
)


def _bn(z, g, b):
    m = jnp.mean(z, axis=0, keepdims=True)
    zc = z - m
    v = jnp.mean(zc * zc, axis=0, keepdims=True)
    return g * zc * jax.lax.rsqrt(v + 1e-5) + b


def _mlp(h_ref, p_ref, W1_ref, b1_ref, g1_ref, be1_ref, W2_ref, b2_ref,
         gbn_ref, bbn_ref, final_relu):
    z = h_ref[...] + p_ref[0, :N, :] + p_ref[1, :N, :]
    z = jnp.dot(z, W1_ref[...], preferred_element_type=jnp.float32) + b1_ref[...]
    z = _bn(z, g1_ref[...], be1_ref[...])
    z = jnp.maximum(z, 0.0)
    z = jnp.dot(z, W2_ref[...], preferred_element_type=jnp.float32) + b2_ref[...]
    z = _bn(z, gbn_ref[...], bbn_ref[...])
    if final_relu:
        z = jnp.maximum(z, 0.0)
    return z


def _dense0_body(h_ref, p_ref, W1_ref, b1_ref, g1_ref, be1_ref,
                 W2_ref, b2_ref, gbn_ref, bbn_ref, out_ref):
    out_ref[...] = _mlp(h_ref, p_ref, W1_ref, b1_ref, g1_ref, be1_ref,
                        W2_ref, b2_ref, gbn_ref, bbn_ref, final_relu=True)


def _dense1_body(idx_ref, h_ref, p_ref, W1_ref, b1_ref, g1_ref, be1_ref,
                 W2_ref, b2_ref, gbn_ref, bbn_ref, out_ref, sel_ref):
    out_ref[...] = _mlp(h_ref, p_ref, W1_ref, b1_ref, g1_ref, be1_ref,
                        W2_ref, b2_ref, gbn_ref, bbn_ref, final_relu=False)

    def _sel(j, carry):
        r = idx_ref[j]
        sel_ref[pl.ds(j, 1), :] = out_ref[pl.ds(r, 1), :]
        return carry
    lax.fori_loop(0, NG, _sel, 0)


_VSPEC = pl.BlockSpec(memory_space=pltpu.MemorySpace.VMEM)

_dense0 = pl.pallas_call(
    _dense0_body,
    out_shape=jax.ShapeDtypeStruct((N, D), jnp.float32),
    in_specs=[_VSPEC] * 10,
    out_specs=_VSPEC,
)

_dense1 = pl.pallas_call(
    _dense1_body,
    out_shape=(jax.ShapeDtypeStruct((N, D), jnp.float32),
               jax.ShapeDtypeStruct((NG, D), jnp.float32)),
    in_specs=[pl.BlockSpec(memory_space=pltpu.MemorySpace.SMEM)] + [_VSPEC] * 10,
    out_specs=(_VSPEC, _VSPEC),
)


def kernel(x, edge_index, edge_attr, batch, index,
           W1_0, b1_0, g1_0, be1_0, W2_0, b2_0, gbn_0, bbn_0,
           W1_1, b1_1, g1_1, be1_1, W2_1, b2_1, gbn_1, bbn_1):
    src = edge_index[0]
    dst = edge_index[1]
    pad = E_PAD - E
    sink = N + (jnp.arange(pad, dtype=jnp.int32) % (N_PAD - N))
    src_f = jnp.concatenate([src, jnp.zeros((pad,), jnp.int32)])
    dst_f = jnp.concatenate([dst, sink])
    nfast = NS * CH_FAST * C

    def _split(e):
        heavy = e[:nfast].reshape(NS, CH_FAST, C)
        if CH_SLOW:
            light = e[nfast:].reshape(NS, CH_SLOW, C)
            light = jnp.pad(light, ((0, 0), (0, CH_FAST - CH_SLOW), (0, 0)))
        else:
            light = jnp.zeros_like(heavy)
        return jnp.concatenate([heavy, light], axis=0)

    src_p = _split(src_f)
    dst_p = _split(dst_f)

    r1 = lambda a: a.reshape(1, D)
    p0 = _segsum(x, src_p, dst_p)
    h1 = _dense0(x, p0, W1_0, r1(b1_0), r1(g1_0), r1(be1_0),
                 W2_0, r1(b2_0), r1(gbn_0), r1(bbn_0))
    p1 = _segsum(h1, src_p, dst_p)
    h2, sel = _dense1(index, h1, p1, W1_1, r1(b1_1), r1(g1_1), r1(be1_1),
                      W2_1, r1(b2_1), r1(gbn_1), r1(bbn_1))
    return (h2, sel)

# --- scband reference (transcript-rebuilt; emitter-appended) ---
"""Pipeline reference for scband-gnn-node-71159018160482 (READ-ONLY COPY).

The authoritative reference and input builder live on the scoring server;
editing this copy changes nothing except your own understanding.
"""

import jax, jax.numpy as jnp
import numpy as np

N = 10000
E = 320000
D = 128
NG = 64

def _bn(h, g, b):
    m = h.mean(axis=0)
    v = h.var(axis=0)
    return g * (h - m) / jnp.sqrt(v + 1e-5) + b

def _gin(h, src, dst, W1, b1, g1, be1, W2, b2):
    # GINConv with train_eps=False, eps=0: nn((1+eps)*x + sum_{j in N(i)} x_j)
    agg = jax.ops.segment_sum(h[src], dst, num_segments=h.shape[0])
    z = h + agg
    # PyG MLP([in, in, out]): Linear -> BatchNorm -> ReLU -> Linear (plain last)
    z = z @ W1 + b1
    z = _bn(z, g1, be1)
    z = jax.nn.relu(z)
    z = z @ W2 + b2
    return z

def setup_inputs(seed: int = 0):
    key = jax.random.key(seed)
    ks = jax.random.split(key, 8)
    inp = {}
    inp["x"] = jax.random.normal(ks[0], (N, D), dtype=jnp.float32)
    inp["edge_index"] = jax.random.randint(ks[1], (2, E), 0, N, dtype=jnp.int32)
    inp["edge_attr"] = jax.random.normal(ks[2], (E, 4), dtype=jnp.float32)
    inp["batch"] = jnp.sort(jax.random.randint(ks[3], (N,), 0, NG, dtype=jnp.int32))
    inp["index"] = jax.random.randint(ks[4], (NG,), 0, N, dtype=jnp.int32)
    pk = jax.random.split(ks[5], 4)
    s = 1.0 / np.sqrt(D)
    for l in range(2):
        inp[f"W1_{l}"] = jax.random.normal(pk[2 * l], (D, D), dtype=jnp.float32) * s
        inp[f"b1_{l}"] = jnp.zeros((D,), dtype=jnp.float32)
        inp[f"g1_{l}"] = jnp.ones((D,), dtype=jnp.float32)
        inp[f"be1_{l}"] = jnp.zeros((D,), dtype=jnp.float32)
        inp[f"W2_{l}"] = jax.random.normal(pk[2 * l + 1], (D, D), dtype=jnp.float32) * s
        inp[f"b2_{l}"] = jnp.zeros((D,), dtype=jnp.float32)
        inp[f"gbn_{l}"] = jnp.ones((D,), dtype=jnp.float32)
        inp[f"bbn_{l}"] = jnp.zeros((D,), dtype=jnp.float32)
    return inp

def reference(x, edge_index, edge_attr, batch, index,
              W1_0, b1_0, g1_0, be1_0, W2_0, b2_0, gbn_0, bbn_0,
              W1_1, b1_1, g1_1, be1_1, W2_1, b2_1, gbn_1, bbn_1):
    # edge_attr is carried by the data object but ignored by GINConv; batch is unused here.
    src = edge_index[0]
    dst = edge_index[1]
    h = x
    # layer 0: conv -> bn -> relu (dropout is identity in eval mode)
    h = _gin(h, src, dst, W1_0, b1_0, g1_0, be1_0, W2_0, b2_0)
    h = _bn(h, gbn_0, bbn_0)
    h = jax.nn.relu(h)
    # layer 1 (last): conv -> bn (no relu; dropout identity in eval mode)
    h = _gin(h, src, dst, W1_1, b1_1, g1_1, be1_1, W2_1, b2_1)
    h = _bn(h, gbn_1, bbn_1)
    node_representation = h
    node_select = node_representation[index]
    return (node_representation, node_select)

if __name__ == "__main__":
    import jax
    _d = setup_inputs()
    print(jax.jit(kernel)(*tuple(_d.values())))

</pallas_src>

<mosaic_0001>
#map = affine_map<(d0, d1) -> (0, 0)>
#map1 = affine_map<(d0, d1) -> (0, 0, 0)>
module attributes {stable_mosaic.version = 14 : i64} {
  func.func @_segsum_body(%arg0: i32, %arg1: i32, %arg2: memref<10000x128xf32, #tpu.memory_space<hbm>>, %arg3: memref<32x288x64xi32, #tpu.memory_space<hbm>>, %arg4: memref<32x288x64xi32, #tpu.memory_space<hbm>>, %arg5: memref<2x10240x128xf32, #tpu.memory_space<hbm>>, %arg6: memref<32x64xi32, #tpu.memory_space<vmem>>, %arg7: memref<32x64xi32, #tpu.memory_space<vmem>>, %arg8: memref<4x64x128xf32, #tpu.memory_space<vmem>>, %arg9: memref<10240x128xf32, #tpu.memory_space<vmem_shared>>, %arg10: memref<!tpu.dma_semaphore, #tpu.memory_space<semaphore_mem>>, %arg11: memref<!tpu.dma_semaphore, #tpu.memory_space<semaphore_mem>>, %arg12: memref<!tpu.dma_semaphore, #tpu.memory_space<semaphore_mem>>, %arg13: memref<!tpu.dma_semaphore, #tpu.memory_space<semaphore_mem>>, %arg14: memref<!tpu.dma_semaphore, #tpu.memory_space<semaphore_mem>>, %arg15: memref<!tpu.dma_semaphore, #tpu.memory_space<semaphore_mem>>, %arg16: memref<!tpu.dma_semaphore, #tpu.memory_space<semaphore_mem>>, %arg17: memref<!tpu.dma_semaphore, #tpu.memory_space<semaphore_mem>>) attributes {dimension_semantics = [#tpu.dimension_semantics<core_parallel>, #tpu.dimension_semantics<subcore_parallel>], iteration_bounds = array<i64: 2, 16>, scalar_prefetch = 0 : i64, scratch_operands = 12 : i64, tpu.core_type = #tpu.core_type<sc_vector_subcore>, window_params = [{transform_indices = #map}, {transform_indices = #map1}, {transform_indices = #map1}, {transform_indices = #map1}]} {
    %mul3A = arith.constant 16 : i32
    %mul3A_0 = arith.muli %arg0, %mul3A : i32
    %add3A = arith.addi %mul3A_0, %arg1 : i32
    %scan3A = arith.constant 0 : i32
    %scan3A_1 = arith.constant 0 : i32
    %scan3A_2 = arith.constant 512 : i32
    %scan3A_3 = arith.addi %scan3A_1, %scan3A_2 : i32
    %scan3A_4 = arith.constant 1 : i32
    scf.for %scan3A_78 = %scan3A_1 to %scan3A_3 step %scan3A_4  : i32 {
      %jit3A_79 = arith.constant 8 : i32
      %div3A_80 = arith.divsi %scan3A_78, %jit3A_79 : i32
      %sign3A = arith.constant 0 : i32
      %sign3A_81 = arith.cmpi sgt, %scan3A_78, %sign3A : i32
      %sign3A_82 = arith.extui %sign3A_81 : i1 to i32
      %sign3A_83 = arith.constant 0 : i32
      %sign3A_84 = arith.cmpi slt, %scan3A_78, %sign3A_83 : i32
      %sign3A_85 = arith.extui %sign3A_84 : i1 to i32
      %sign3A_86 = arith.subi %sign3A_82, %sign3A_85 : i32
      %sign3A_87 = arith.constant 0 : i32
      %sign3A_88 = arith.cmpi sgt, %jit3A_79, %sign3A_87 : i32
      %sign3A_89 = arith.extui %sign3A_88 : i1 to i32
      %sign3A_90 = arith.constant 0 : i32
      %sign3A_91 = arith.cmpi slt, %jit3A_79, %sign3A_90 : i32
      %sign3A_92 = arith.extui %sign3A_91 : i1 to i32
      %sign3A_93 = arith.subi %sign3A_89, %sign3A_92 : i32
      %ne3A = arith.cmpi ne, %sign3A_86, %sign3A_93 : i32
      %rem3A = arith.remsi %scan3A_78, %jit3A_79 : i32
      %ne3A_94 = arith.constant 0 : i32
      %ne3A_95 = arith.cmpi ne, %rem3A, %ne3A_94 : i32
      %and3A = arith.andi %ne3A, %ne3A_95 : i1
      %sub3A_96 = arith.constant 1 : i32
      %sub3A_97 = arith.subi %div3A_80, %sub3A_96 : i32
      %select_n3A_98 = arith.select %and3A, %sub3A_97, %div3A_80 : i32
      %jit3A_99 = arith.constant 8 : i32
      %eq3A_100 = arith.constant 0 : i32
      %eq3A_101 = arith.cmpi eq, %jit3A_99, %eq3A_100 : i32
      %jit3A_102 = arith.constant 1 : i32
      %select_n3A_103 = arith.select %eq3A_101, %jit3A_102, %jit3A_99 : i32
      %rem3A_104 = arith.remsi %scan3A_78, %select_n3A_103 : i32
      %ne3A_105 = arith.constant 0 : i32
      %ne3A_106 = arith.cmpi ne, %rem3A_104, %ne3A_105 : i32
      %lt3A = arith.constant 0 : i32
      %lt3A_107 = arith.cmpi slt, %rem3A_104, %lt3A : i32
      %lt3A_108 = arith.constant 0 : i32
      %lt3A_109 = arith.cmpi slt, %select_n3A_103, %lt3A_108 : i32
      %ne3A_110 = arith.xori %lt3A_107, %lt3A_109 : i1
      %and3A_111 = arith.andi %ne3A_110, %ne3A_106 : i1
      %add3A_112 = arith.addi %rem3A_104, %select_n3A_103 : i32
      %select_n3A_113 = arith.select %and3A_111, %add3A_112, %rem3A_104 : i32
      %broadcast_in_dim3A = arith.constant 0.000000e+00 : f32
      %broadcast_in_dim3A_114 = vector.broadcast %broadcast_in_dim3A : f32 to vector<16xf32>
      %mul3A_115 = arith.constant 16 : i32
      %mul3A_116 = arith.muli %select_n3A_113, %mul3A_115 : i32
      %swap3A = arith.constant 0 : i32
      %swap3A_117 = arith.index_cast %swap3A : i32 to index
      %swap3A_118 = arith.index_cast %select_n3A_98 : i32 to index
      %swap3A_119 = arith.index_cast %mul3A_116 : i32 to index
      %swap3A_120 = tpu.vector_load %arg8[%swap3A_117, %swap3A_118, %swap3A_119] {strides = array<i32>} : memref<4x64x128xf32, #tpu.memory_space<vmem>>, vector<1x1x16xf32>,
      %swap3A_121 = vector.shape_cast %swap3A_120 : vector<1x1x16xf32> to vector<16xf32>
      %swap3A_122 = vector.shape_cast %broadcast_in_dim3A_114 : vector<16xf32> to vector<1x1x16xf32>
      tpu.vector_store %arg8[%swap3A_117, %swap3A_118, %swap3A_119], %swap3A_122 {strides = array<i32>} : memref<4x64x128xf32, #tpu.memory_space<vmem>>, vector<1x1x16xf32>,
    }
    %scan3A_5 = arith.constant 512 : i32
    %mul3A_6 = arith.constant 640 : i32
    %mul3A_7 = arith.muli %arg1, %mul3A_6 : i32
    %add3A_8 = arith.constant 0 : i32
    %add3A_9 = arith.addi %mul3A_7, %add3A_8 : i32
    %run_scoped3A = arith.constant 0 : i32
    "tpu.region"() ({
      %run_scoped3A_78 = tpu.sem_alloc : memref<!tpu.dma_semaphore, #tpu.memory_space<semaphore_mem>>
      %dma_start3A = arith.constant 0 : i32
      %dma_start3A_79 = arith.constant 0 : i32
      %dma_start3A_80 = tpu.memref_slice %arg8[%run_scoped3A, %dma_start3A, %dma_start3A_79] : memref<4x64x128xf32, #tpu.memory_space<vmem>> -> memref<1x64x128xf32, #tpu.memory_space<vmem>>
      %dma_start3A_81 = tpu.memref_squeeze %dma_start3A_80 : memref<1x64x128xf32, #tpu.memory_space<vmem>> -> memref<64x128xf32, #tpu.memory_space<vmem>>
      %dma_start3A_82 = arith.constant 0 : i32
      %dma_start3A_83 = tpu.memref_slice %arg9[%add3A_9, %dma_start3A_82] : memref<10240x128xf32, #tpu.memory_space<vmem_shared>> -> memref<64x128xf32, #tpu.memory_space<vmem_shared>>
      %dma_start3A_84 = arith.constant 0 : i32
      %dma_start3A_85 = tpu.memref_slice %arg9[%add3A_9, %dma_start3A_84] : memref<10240x128xf32, #tpu.memory_space<vmem_shared>> -> memref<64x128xf32, #tpu.memory_space<vmem_shared>>
      %dma_start3A_86 = arith.constant 0 : i32
      %dma_start3A_87 = arith.constant 0 : i32
      %dma_start3A_88 = tpu.memref_slice %arg8[%run_scoped3A, %dma_start3A_86, %dma_start3A_87] : memref<4x64x128xf32, #tpu.memory_space<vmem>> -> memref<1x64x128xf32, #tpu.memory_space<vmem>>
      %dma_start3A_89 = tpu.memref_squeeze %dma_start3A_88 : memref<1x64x128xf32, #tpu.memory_space<vmem>> -> memref<64x128xf32, #tpu.memory_space<vmem>>
      tpu.enqueue_dma source(%dma_start3A_89 : memref<64x128xf32, #tpu.memory_space<vmem>>) target(%dma_start3A_85 : memref<64x128xf32, #tpu.memory_space<vmem_shared>>) target_semaphore(%run_scoped3A_78 : memref<!tpu.dma_semaphore, #tpu.memory_space<semaphore_mem>>)
      %dma_wait3A = arith.constant 0 : i32
      %dma_wait3A_90 = arith.constant 0 : i32
      %dma_wait3A_91 = tpu.memref_slice %arg8[%run_scoped3A, %dma_wait3A, %dma_wait3A_90] : memref<4x64x128xf32, #tpu.memory_space<vmem>> -> memref<1x64x128xf32, #tpu.memory_space<vmem>>
      %dma_wait3A_92 = tpu.memref_squeeze %dma_wait3A_91 : memref<1x64x128xf32, #tpu.memory_space<vmem>> -> memref<64x128xf32, #tpu.memory_space<vmem>>
      %dma_wait3A_93 = arith.constant 0 : i32
      %dma_wait3A_94 = tpu.memref_slice %arg9[%add3A_9, %dma_wait3A_93] : memref<10240x128xf32, #tpu.memory_space<vmem_shared>> -> memref<64x128xf32, #tpu.memory_space<vmem_shared>>
      %dma_wait3A_95 = arith.constant 0 : i32
      %dma_wait3A_96 = tpu.memref_slice %arg9[%add3A_9, %dma_wait3A_95] : memref<10240x128xf32, #tpu.memory_space<vmem_shared>> -> memref<64x128xf32, #tpu.memory_space<vmem_shared>>
      %dma_wait3A_97 = arith.constant 0 : i32
      %dma_wait3A_98 = arith.constant 0 : i32
      %dma_wait3A_99 = tpu.memref_slice %arg8[%run_scoped3A, %dma_wait3A_97, %dma_wait3A_98] : memref<4x64x128xf32, #tpu.memory_space<vmem>> -> memref<1x64x128xf32, #tpu.memory_space<vmem>>
      %dma_wait3A_100 = tpu.memref_squeeze %dma_wait3A_99 : memref<1x64x128xf32, #tpu.memory_space<vmem>> -> memref<64x128xf32, #tpu.memory_space<vmem>>
      tpu.wait_dma2 semaphore(%run_scoped3A_78 : memref<!tpu.dma_semaphore, #tpu.memory_space<semaphore_mem>>) src(%dma_wait3A_100 : memref<64x128xf32, #tpu.memory_space<vmem>>) dst(%dma_wait3A_96 : memref<64x128xf32, #tpu.memory_space<vmem_shared>>)
      tpu.yield
    }) : () -> ()
    %mul3A_10 = arith.constant 640 : i32
    %mul3A_11 = arith.muli %arg1, %mul3A_10 : i32
    %add3A_12 = arith.constant 64 : i32
    %add3A_13 = arith.addi %mul3A_11, %add3A_12 : i32
    %run_scoped3A_14 = arith.constant 0 : i32
    "tpu.region"() ({
      %run_scoped3A_78 = tpu.sem_alloc : memref<!tpu.dma_semaphore, #tpu.memory_space<semaphore_mem>>
      %dma_start3A = arith.constant 0 : i32
      %dma_start3A_79 = arith.constant 0 : i32
      %dma_start3A_80 = tpu.memref_slice %arg8[%run_scoped3A_14, %dma_start3A, %dma_start3A_79] : memref<4x64x128xf32, #tpu.memory_space<vmem>> -> memref<1x64x128xf32, #tpu.memory_space<vmem>>
      %dma_start3A_81 = tpu.memref_squeeze %dma_start3A_80 : memref<1x64x128xf32, #tpu.memory_space<vmem>> -> memref<64x128xf32, #tpu.memory_space<vmem>>
      %dma_start3A_82 = arith.constant 0 : i32
      %dma_start3A_83 = tpu.memref_slice %arg9[%add3A_13, %dma_start3A_82] : memref<10240x128xf32, #tpu.memory_space<vmem_shared>> -> memref<64x128xf32, #tpu.memory_space<vmem_shared>>
      %dma_start3A_84 = arith.constant 0 : i32
      %dma_start3A_85 = tpu.memref_slice %arg9[%add3A_13, %dma_start3A_84] : memref<10240x128xf32, #tpu.memory_space<vmem_shared>> -> memref<64x128xf32, #tpu.memory_space<vmem_shared>>
      %dma_start3A_86 = arith.constant 0 : i32
      %dma_start3A_87 = arith.constant 0 : i32
      %dma_start3A_88 = tpu.memref_slice %arg8[%run_scoped3A_14, %dma_start3A_86, %dma_start3A_87] : memref<4x64x128xf32, #tpu.memory_space<vmem>> -> memref<1x64x128xf32, #tpu.memory_space<vmem>>
      %dma_start3A_89 = tpu.memref_squeeze %dma_start3A_88 : memref<1x64x128xf32, #tpu.memory_space<vmem>> -> memref<64x128xf32, #tpu.memory_space<vmem>>
      tpu.enqueue_dma source(%dma_start3A_89 : memref<64x128xf32, #tpu.memory_space<vmem>>) target(%dma_start3A_85 : memref<64x128xf32, #tpu.memory_space<vmem_shared>>) target_semaphore(%run_scoped3A_78 : memref<!tpu.dma_semaphore, #tpu.memory_space<semaphore_mem>>)
      %dma_wait3A = arith.constant 0 : i32
      %dma_wait3A_90 = arith.constant 0 : i32
      %dma_wait3A_91 = tpu.memref_slice %arg8[%run_scoped3A_14, %dma_wait3A, %dma_wait3A_90] : memref<4x64x128xf32, #tpu.memory_space<vmem>> -> memref<1x64x128xf32, #tpu.memory_space<vmem>>
      %dma_wait3A_92 = tpu.memref_squeeze %dma_wait3A_91 : memref<1x64x128xf32, #tpu.memory_space<vmem>> -> memref<64x128xf32, #tpu.memory_space<vmem>>
      %dma_wait3A_93 = arith.constant 0 : i32
      %dma_wait3A_94 = tpu.memref_slice %arg9[%add3A_13, %dma_wait3A_93] : memref<10240x128xf32, #tpu.memory_space<vmem_shared>> -> memref<64x128xf32, #tpu.memory_space<vmem_shared>>
      %dma_wait3A_95 = arith.constant 0 : i32
      %dma_wait3A_96 = tpu.memref_slice %arg9[%add3A_13, %dma_wait3A_95] : memref<10240x128xf32, #tpu.memory_space<vmem_shared>> -> memref<64x128xf32, #tpu.memory_space<vmem_shared>>
      %dma_wait3A_97 = arith.constant 0 : i32
      %dma_wait3A_98 = arith.constant 0 : i32
      %dma_wait3A_99 = tpu.memref_slice %arg8[%run_scoped3A_14, %dma_wait3A_97, %dma_wait3A_98] : memref<4x64x128xf32, #tpu.memory_space<vmem>> -> memref<1x64x128xf32, #tpu.memory_space<vmem>>
      %dma_wait3A_100 = tpu.memref_squeeze %dma_wait3A_99 : memref<1x64x128xf32, #tpu.memory_space<vmem>> -> memref<64x128xf32, #tpu.memory_space<vmem>>
      tpu.wait_dma2 semaphore(%run_scoped3A_78 : memref<!tpu.dma_semaphore, #tpu.memory_space<semaphore_mem>>) src(%dma_wait3A_100 : memref<64x128xf32, #tpu.memory_space<vmem>>) dst(%dma_wait3A_96 : memref<64x128xf32, #tpu.memory_space<vmem_shared>>)
      tpu.yield
    }) : () -> ()
    %mul3A_15 = arith.constant 640 : i32
    %mul3A_16 = arith.muli %arg1, %mul3A_15 : i32
    %add3A_17 = arith.constant 128 : i32
    %add3A_18 = arith.addi %mul3A_16, %add3A_17 : i32
    %run_scoped3A_19 = arith.constant 0 : i32
    "tpu.region"() ({
      %run_scoped3A_78 = tpu.sem_alloc : memref<!tpu.dma_semaphore, #tpu.memory_space<semaphore_mem>>
      %dma_start3A = arith.constant 0 : i32
      %dma_start3A_79 = arith.constant 0 : i32
      %dma_start3A_80 = tpu.memref_slice %arg8[%run_scoped3A_19, %dma_start3A, %dma_start3A_79] : memref<4x64x128xf32, #tpu.memory_space<vmem>> -> memref<1x64x128xf32, #tpu.memory_space<vmem>>
      %dma_start3A_81 = tpu.memref_squeeze %dma_start3A_80 : memref<1x64x128xf32, #tpu.memory_space<vmem>> -> memref<64x128xf32, #tpu.memory_space<vmem>>
      %dma_start3A_82 = arith.constant 0 : i32
      %dma_start3A_83 = tpu.memref_slice %arg9[%add3A_18, %dma_start3A_82] : memref<10240x128xf32, #tpu.memory_space<vmem_shared>> -> memref<64x128xf32, #tpu.memory_space<vmem_shared>>
      %dma_start3A_84 = arith.constant 0 : i32
      %dma_start3A_85 = tpu.memref_slice %arg9[%add3A_18, %dma_start3A_84] : memref<10240x128xf32, #tpu.memory_space<vmem_shared>> -> memref<64x128xf32, #tpu.memory_space<vmem_shared>>
      %dma_start3A_86 = arith.constant 0 : i32
      %dma_start3A_87 = arith.constant 0 : i32
      %dma_start3A_88 = tpu.memref_slice %arg8[%run_scoped3A_19, %dma_start3A_86, %dma_start3A_87] : memref<4x64x128xf32, #tpu.memory_space<vmem>> -> memref<1x64x128xf32, #tpu.memory_space<vmem>>
      %dma_start3A_89 = tpu.memref_squeeze %dma_start3A_88 : memref<1x64x128xf32, #tpu.memory_space<vmem>> -> memref<64x128xf32, #tpu.memory_space<vmem>>
      tpu.enqueue_dma source(%dma_start3A_89 : memref<64x128xf32, #tpu.memory_space<vmem>>) target(%dma_start3A_85 : memref<64x128xf32, #tpu.memory_space<vmem_shared>>) target_semaphore(%run_scoped3A_78 : memref<!tpu.dma_semaphore, #tpu.memory_space<semaphore_mem>>)
      %dma_wait3A = arith.constant 0 : i32
      %dma_wait3A_90 = arith.constant 0 : i32
      %dma_wait3A_91 = tpu.memref_slice %arg8[%run_scoped3A_19, %dma_wait3A, %dma_wait3A_90] : memref<4x64x128xf32, #tpu.memory_space<vmem>> -> memref<1x64x128xf32, #tpu.memory_space<vmem>>
      %dma_wait3A_92 = tpu.memref_squeeze %dma_wait3A_91 : memref<1x64x128xf32, #tpu.memory_space<vmem>> -> memref<64x128xf32, #tpu.memory_space<vmem>>
      %dma_wait3A_93 = arith.constant 0 : i32
      %dma_wait3A_94 = tpu.memref_slice %arg9[%add3A_18, %dma_wait3A_93] : memref<10240x128xf32, #tpu.memory_space<vmem_shared>> -> memref<64x128xf32, #tpu.memory_space<vmem_shared>>
      %dma_wait3A_95 = arith.constant 0 : i32
      %dma_wait3A_96 = tpu.memref_slice %arg9[%add3A_18, %dma_wait3A_95] : memref<10240x128xf32, #tpu.memory_space<vmem_shared>> -> memref<64x128xf32, #tpu.memory_space<vmem_shared>>
      %dma_wait3A_97 = arith.constant 0 : i32
      %dma_wait3A_98 = arith.constant 0 : i32
      %dma_wait3A_99 = tpu.memref_slice %arg8[%run_scoped3A_19, %dma_wait3A_97, %dma_wait3A_98] : memref<4x64x128xf32, #tpu.memory_space<vmem>> -> memref<1x64x128xf32, #tpu.memory_space<vmem>>
      %dma_wait3A_100 = tpu.memref_squeeze %dma_wait3A_99 : memref<1x64x128xf32, #tpu.memory_space<vmem>> -> memref<64x128xf32, #tpu.memory_space<vmem>>
      tpu.wait_dma2 semaphore(%run_scoped3A_78 : memref<!tpu.dma_semaphore, #tpu.memory_space<semaphore_mem>>) src(%dma_wait3A_100 : memref<64x128xf32, #tpu.memory_space<vmem>>) dst(%dma_wait3A_96 : memref<64x128xf32, #tpu.memory_space<vmem_shared>>)
      tpu.yield
    }) : () -> ()
    %mul3A_20 = arith.constant 640 : i32
    %mul3A_21 = arith.muli %arg1, %mul3A_20 : i32
    %add3A_22 = arith.constant 192 : i32
    %add3A_23 = arith.addi %mul3A_21, %add3A_22 : i32
    %run_scoped3A_24 = arith.constant 0 : i32
    "tpu.region"() ({
      %run_scoped3A_78 = tpu.sem_alloc : memref<!tpu.dma_semaphore, #tpu.memory_space<semaphore_mem>>
      %dma_start3A = arith.constant 0 : i32
      %dma_start3A_79 = arith.constant 0 : i32
      %dma_start3A_80 = tpu.memref_slice %arg8[%run_scoped3A_24, %dma_start3A, %dma_start3A_79] : memref<4x64x128xf32, #tpu.memory_space<vmem>> -> memref<1x64x128xf32, #tpu.memory_space<vmem>>
      %dma_start3A_81 = tpu.memref_squeeze %dma_start3A_80 : memref<1x64x128xf32, #tpu.memory_space<vmem>> -> memref<64x128xf32, #tpu.memory_space<vmem>>
      %dma_start3A_82 = arith.constant 0 : i32
      %dma_start3A_83 = tpu.memref_slice %arg9[%add3A_23, %dma_start3A_82] : memref<10240x128xf32, #tpu.memory_space<vmem_shared>> -> memref<64x128xf32, #tpu.memory_space<vmem_shared>>
      %dma_start3A_84 = arith.constant 0 : i32
      %dma_start3A_85 = tpu.memref_slice %arg9[%add3A_23, %dma_start3A_84] : memref<10240x128xf32, #tpu.memory_space<vmem_shared>> -> memref<64x128xf32, #tpu.memory_space<vmem_shared>>
      %dma_start3A_86 = arith.constant 0 : i32
      %dma_start3A_87 = arith.constant 0 : i32
      %dma_start3A_88 = tpu.memref_slice %arg8[%run_scoped3A_24, %dma_start3A_86, %dma_start3A_87] : memref<4x64x128xf32, #tpu.memory_space<vmem>> -> memref<1x64x128xf32, #tpu.memory_space<vmem>>
      %dma_start3A_89 = tpu.memref_squeeze %dma_start3A_88 : memref<1x64x128xf32, #tpu.memory_space<vmem>> -> memref<64x128xf32, #tpu.memory_space<vmem>>
      tpu.enqueue_dma source(%dma_start3A_89 : memref<64x128xf32, #tpu.memory_space<vmem>>) target(%dma_start3A_85 : memref<64x128xf32, #tpu.memory_space<vmem_shared>>) target_semaphore(%run_scoped3A_78 : memref<!tpu.dma_semaphore, #tpu.memory_space<semaphore_mem>>)
      %dma_wait3A = arith.constant 0 : i32
      %dma_wait3A_90 = arith.constant 0 : i32
      %dma_wait3A_91 = tpu.memref_slice %arg8[%run_scoped3A_24, %dma_wait3A, %dma_wait3A_90] : memref<4x64x128xf32, #tpu.memory_space<vmem>> -> memref<1x64x128xf32, #tpu.memory_space<vmem>>
      %dma_wait3A_92 = tpu.memref_squeeze %dma_wait3A_91 : memref<1x64x128xf32, #tpu.memory_space<vmem>> -> memref<64x128xf32, #tpu.memory_space<vmem>>
      %dma_wait3A_93 = arith.constant 0 : i32
      %dma_wait3A_94 = tpu.memref_slice %arg9[%add3A_23, %dma_wait3A_93] : memref<10240x128xf32, #tpu.memory_space<vmem_shared>> -> memref<64x128xf32, #tpu.memory_space<vmem_shared>>
      %dma_wait3A_95 = arith.constant 0 : i32
      %dma_wait3A_96 = tpu.memref_slice %arg9[%add3A_23, %dma_wait3A_95] : memref<10240x128xf32, #tpu.memory_space<vmem_shared>> -> memref<64x128xf32, #tpu.memory_space<vmem_shared>>
      %dma_wait3A_97 = arith.constant 0 : i32
      %dma_wait3A_98 = arith.constant 0 : i32
      %dma_wait3A_99 = tpu.memref_slice %arg8[%run_scoped3A_24, %dma_wait3A_97, %dma_wait3A_98] : memref<4x64x128xf32, #tpu.memory_space<vmem>> -> memref<1x64x128xf32, #tpu.memory_space<vmem>>
      %dma_wait3A_100 = tpu.memref_squeeze %dma_wait3A_99 : memref<1x64x128xf32, #tpu.memory_space<vmem>> -> memref<64x128xf32, #tpu.memory_space<vmem>>
      tpu.wait_dma2 semaphore(%run_scoped3A_78 : memref<!tpu.dma_semaphore, #tpu.memory_space<semaphore_mem>>) src(%dma_wait3A_100 : memref<64x128xf32, #tpu.memory_space<vmem>>) dst(%dma_wait3A_96 : memref<64x128xf32, #tpu.memory_space<vmem_shared>>)
      tpu.yield
    }) : () -> ()
    %mul3A_25 = arith.constant 640 : i32
    %mul3A_26 = arith.muli %arg1, %mul3A_25 : i32
    %add3A_27 = arith.constant 256 : i32
    %add3A_28 = arith.addi %mul3A_26, %add3A_27 : i32
    %run_scoped3A_29 = arith.constant 0 : i32
    "tpu.region"() ({
      %run_scoped3A_78 = tpu.sem_alloc : memref<!tpu.dma_semaphore, #tpu.memory_space<semaphore_mem>>
      %dma_start3A = arith.constant 0 : i32
      %dma_start3A_79 = arith.constant 0 : i32
      %dma_start3A_80 = tpu.memref_slice %arg8[%run_scoped3A_29, %dma_start3A, %dma_start3A_79] : memref<4x64x128xf32, #tpu.memory_space<vmem>> -> memref<1x64x128xf32, #tpu.memory_space<vmem>>
      %dma_start3A_81 = tpu.memref_squeeze %dma_start3A_80 : memref<1x64x128xf32, #tpu.memory_space<vmem>> -> memref<64x128xf32, #tpu.memory_space<vmem>>
      %dma_start3A_82 = arith.constant 0 : i32
      %dma_start3A_83 = tpu.memref_slice %arg9[%add3A_28, %dma_start3A_82] : memref<10240x128xf32, #tpu.memory_space<vmem_shared>> -> memref<64x128xf32, #tpu.memory_space<vmem_shared>>
      %dma_start3A_84 = arith.constant 0 : i32
      %dma_start3A_85 = tpu.memref_slice %arg9[%add3A_28, %dma_start3A_84] : memref<10240x128xf32, #tpu.memory_space<vmem_shared>> -> memref<64x128xf32, #tpu.memory_space<vmem_shared>>
      %dma_start3A_86 = arith.constant 0 : i32
      %dma_start3A_87 = arith.constant 0 : i32
      %dma_start3A_88 = tpu.memref_slice %arg8[%run_scoped3A_29, %dma_start3A_86, %dma_start3A_87] : memref<4x64x128xf32, #tpu.memory_space<vmem>> -> memref<1x64x128xf32, #tpu.memory_space<vmem>>
      %dma_start3A_89 = tpu.memref_squeeze %dma_start3A_88 : memref<1x64x128xf32, #tpu.memory_space<vmem>> -> memref<64x128xf32, #tpu.memory_space<vmem>>
      tpu.enqueue_dma source(%dma_start3A_89 : memref<64x128xf32, #tpu.memory_space<vmem>>) target(%dma_start3A_85 : memref<64x128xf32, #tpu.memory_space<vmem_shared>>) target_semaphore(%run_scoped3A_78 : memref<!tpu.dma_semaphore, #tpu.memory_space<semaphore_mem>>)
      %dma_wait3A = arith.constant 0 : i32
      %dma_wait3A_90 = arith.constant 0 : i32
      %dma_wait3A_91 = tpu.memref_slice %arg8[%run_scoped3A_29, %dma_wait3A, %dma_wait3A_90] : memref<4x64x128xf32, #tpu.memory_space<vmem>> -> memref<1x64x128xf32, #tpu.memory_space<vmem>>
      %dma_wait3A_92 = tpu.memref_squeeze %dma_wait3A_91 : memref<1x64x128xf32, #tpu.memory_space<vmem>> -> memref<64x128xf32, #tpu.memory_space<vmem>>
      %dma_wait3A_93 = arith.constant 0 : i32
      %dma_wait3A_94 = tpu.memref_slice %arg9[%add3A_28, %dma_wait3A_93] : memref<10240x128xf32, #tpu.memory_space<vmem_shared>> -> memref<64x128xf32, #tpu.memory_space<vmem_shared>>
      %dma_wait3A_95 = arith.constant 0 : i32
      %dma_wait3A_96 = tpu.memref_slice %arg9[%add3A_28, %dma_wait3A_95] : memref<10240x128xf32, #tpu.memory_space<vmem_shared>> -> memref<64x128xf32, #tpu.memory_space<vmem_shared>>
      %dma_wait3A_97 = arith.constant 0 : i32
      %dma_wait3A_98 = arith.constant 0 : i32
      %dma_wait3A_99 = tpu.memref_slice %arg8[%run_scoped3A_29, %dma_wait3A_97, %dma_wait3A_98] : memref<4x64x128xf32, #tpu.memory_space<vmem>> -> memref<1x64x128xf32, #tpu.memory_space<vmem>>
      %dma_wait3A_100 = tpu.memref_squeeze %dma_wait3A_99 : memref<1x64x128xf32, #tpu.memory_space<vmem>> -> memref<64x128xf32, #tpu.memory_space<vmem>>
      tpu.wait_dma2 semaphore(%run_scoped3A_78 : memref<!tpu.dma_semaphore, #tpu.memory_space<semaphore_mem>>) src(%dma_wait3A_100 : memref<64x128xf32, #tpu.memory_space<vmem>>) dst(%dma_wait3A_96 : memref<64x128xf32, #tpu.memory_space<vmem_shared>>)
      tpu.yield
    }) : () -> ()
    %mul3A_30 = arith.constant 640 : i32
    %mul3A_31 = arith.muli %arg1, %mul3A_30 : i32
    %add3A_32 = arith.constant 320 : i32
    %add3A_33 = arith.addi %mul3A_31, %add3A_32 : i32
    %run_scoped3A_34 = arith.constant 0 : i32
    "tpu.region"() ({
      %run_scoped3A_78 = tpu.sem_alloc : memref<!tpu.dma_semaphore, #tpu.memory_space<semaphore_mem>>
      %dma_start3A = arith.constant 0 : i32
      %dma_start3A_79 = arith.constant 0 : i32
      %dma_start3A_80 = tpu.memref_slice %arg8[%run_scoped3A_34, %dma_start3A, %dma_start3A_79] : memref<4x64x128xf32, #tpu.memory_space<vmem>> -> memref<1x64x128xf32, #tpu.memory_space<vmem>>
      %dma_start3A_81 = tpu.memref_squeeze %dma_start3A_80 : memref<1x64x128xf32, #tpu.memory_space<vmem>> -> memref<64x128xf32, #tpu.memory_space<vmem>>
      %dma_start3A_82 = arith.constant 0 : i32
      %dma_start3A_83 = tpu.memref_slice %arg9[%add3A_33, %dma_start3A_82] : memref<10240x128xf32, #tpu.memory_space<vmem_shared>> -> memref<64x128xf32, #tpu.memory_space<vmem_shared>>
      %dma_start3A_84 = arith.constant 0 : i32
      %dma_start3A_85 = tpu.memref_slice %arg9[%add3A_33, %dma_start3A_84] : memref<10240x128xf32, #tpu.memory_space<vmem_shared>> -> memref<64x128xf32, #tpu.memory_space<vmem_shared>>
      %dma_start3A_86 = arith.constant 0 : i32
      %dma_start3A_87 = arith.constant 0 : i32
      %dma_start3A_88 = tpu.memref_slice %arg8[%run_scoped3A_34, %dma_start3A_86, %dma_start3A_87] : memref<4x64x128xf32, #tpu.memory_space<vmem>> -> memref<1x64x128xf32, #tpu.memory_space<vmem>>
      %dma_start3A_89 = tpu.memref_squeeze %dma_start3A_88 : memref<1x64x128xf32, #tpu.memory_space<vmem>> -> memref<64x128xf32, #tpu.memory_space<vmem>>
      tpu.enqueue_dma source(%dma_start3A_89 : memref<64x128xf32, #tpu.memory_space<vmem>>) target(%dma_start3A_85 : memref<64x128xf32, #tpu.memory_space<vmem_shared>>) target_semaphore(%run_scoped3A_78 : memref<!tpu.dma_semaphore, #tpu.memory_space<semaphore_mem>>)
      %dma_wait3A = arith.constant 0 : i32
      %dma_wait3A_90 = arith.constant 0 : i32
      %dma_wait3A_91 = tpu.memref_slice %arg8[%run_scoped3A_34, %dma_wait3A, %dma_wait3A_90] : memref<4x64x128xf32, #tpu.memory_space<vmem>> -> memref<1x64x128xf32, #tpu.memory_space<vmem>>
      %dma_wait3A_92 = tpu.memref_squeeze %dma_wait3A_91 : memref<1x64x128xf32, #tpu.memory_space<vmem>> -> memref<64x128xf32, #tpu.memory_space<vmem>>
      %dma_wait3A_93 = arith.constant 0 : i32
      %dma_wait3A_94 = tpu.memref_slice %arg9[%add3A_33, %dma_wait3A_93] : memref<10240x128xf32, #tpu.memory_space<vmem_shared>> -> memref<64x128xf32, #tpu.memory_space<vmem_shared>>
      %dma_wait3A_95 = arith.constant 0 : i32
      %dma_wait3A_96 = tpu.memref_slice %arg9[%add3A_33, %dma_wait3A_95] : memref<10240x128xf32, #tpu.memory_space<vmem_shared>> -> memref<64x128xf32, #tpu.memory_space<vmem_shared>>
      %dma_wait3A_97 = arith.constant 0 : i32
      %dma_wait3A_98 = arith.constant 0 : i32
      %dma_wait3A_99 = tpu.memref_slice %arg8[%run_scoped3A_34, %dma_wait3A_97, %dma_wait3A_98] : memref<4x64x128xf32, #tpu.memory_space<vmem>> -> memref<1x64x128xf32, #tpu.memory_space<vmem>>
      %dma_wait3A_100 = tpu.memref_squeeze %dma_wait3A_99 : memref<1x64x128xf32, #tpu.memory_space<vmem>> -> memref<64x128xf32, #tpu.memory_space<vmem>>
      tpu.wait_dma2 semaphore(%run_scoped3A_78 : memref<!tpu.dma_semaphore, #tpu.memory_space<semaphore_mem>>) src(%dma_wait3A_100 : memref<64x128xf32, #tpu.memory_space<vmem>>) dst(%dma_wait3A_96 : memref<64x128xf32, #tpu.memory_space<vmem_shared>>)
      tpu.yield
    }) : () -> ()
    %mul3A_35 = arith.constant 640 : i32
    %mul3A_36 = arith.muli %arg1, %mul3A_35 : i32
    %add3A_37 = arith.constant 384 : i32
    %add3A_38 = arith.addi %mul3A_36, %add3A_37 : i32
    %run_scoped3A_39 = arith.constant 0 : i32
    "tpu.region"() ({
      %run_scoped3A_78 = tpu.sem_alloc : memref<!tpu.dma_semaphore, #tpu.memory_space<semaphore_mem>>
      %dma_start3A = arith.constant 0 : i32
      %dma_start3A_79 = arith.constant 0 : i32
      %dma_start3A_80 = tpu.memref_slice %arg8[%run_scoped3A_39, %dma_start3A, %dma_start3A_79] : memref<4x64x128xf32, #tpu.memory_space<vmem>> -> memref<1x64x128xf32, #tpu.memory_space<vmem>>
      %dma_start3A_81 = tpu.memref_squeeze %dma_start3A_80 : memref<1x64x128xf32, #tpu.memory_space<vmem>> -> memref<64x128xf32, #tpu.memory_space<vmem>>
      %dma_start3A_82 = arith.constant 0 : i32
      %dma_start3A_83 = tpu.memref_slice %arg9[%add3A_38, %dma_start3A_82] : memref<10240x128xf32, #tpu.memory_space<vmem_shared>> -> memref<64x128xf32, #tpu.memory_space<vmem_shared>>
      %dma_start3A_84 = arith.constant 0 : i32
      %dma_start3A_85 = tpu.memref_slice %arg9[%add3A_38, %dma_start3A_84] : memref<10240x128xf32, #tpu.memory_space<vmem_shared>> -> memref<64x128xf32, #tpu.memory_space<vmem_shared>>
      %dma_start3A_86 = arith.constant 0 : i32
      %dma_start3A_87 = arith.constant 0 : i32
      %dma_start3A_88 = tpu.memref_slice %arg8[%run_scoped3A_39, %dma_start3A_86, %dma_start3A_87] : memref<4x64x128xf32, #tpu.memory_space<vmem>> -> memref<1x64x128xf32, #tpu.memory_space<vmem>>
      %dma_start3A_89 = tpu.memref_squeeze %dma_start3A_88 : memref<1x64x128xf32, #tpu.memory_space<vmem>> -> memref<64x128xf32, #tpu.memory_space<vmem>>
      tpu.enqueue_dma source(%dma_start3A_89 : memref<64x128xf32, #tpu.memory_space<vmem>>) target(%dma_start3A_85 : memref<64x128xf32, #tpu.memory_space<vmem_shared>>) target_semaphore(%run_scoped3A_78 : memref<!tpu.dma_semaphore, #tpu.memory_space<semaphore_mem>>)
      %dma_wait3A = arith.constant 0 : i32
      %dma_wait3A_90 = arith.constant 0 : i32
      %dma_wait3A_91 = tpu.memref_slice %arg8[%run_scoped3A_39, %dma_wait3A, %dma_wait3A_90] : memref<4x64x128xf32, #tpu.memory_space<vmem>> -> memref<1x64x128xf32, #tpu.memory_space<vmem>>
      %dma_wait3A_92 = tpu.memref_squeeze %dma_wait3A_91 : memref<1x64x128xf32, #tpu.memory_space<vmem>> -> memref<64x128xf32, #tpu.memory_space<vmem>>
      %dma_wait3A_93 = arith.constant 0 : i32
      %dma_wait3A_94 = tpu.memref_slice %arg9[%add3A_38, %dma_wait3A_93] : memref<10240x128xf32, #tpu.memory_space<vmem_shared>> -> memref<64x128xf32, #tpu.memory_space<vmem_shared>>
      %dma_wait3A_95 = arith.constant 0 : i32
      %dma_wait3A_96 = tpu.memref_slice %arg9[%add3A_38, %dma_wait3A_95] : memref<10240x128xf32, #tpu.memory_space<vmem_shared>> -> memref<64x128xf32, #tpu.memory_space<vmem_shared>>
      %dma_wait3A_97 = arith.constant 0 : i32
      %dma_wait3A_98 = arith.constant 0 : i32
      %dma_wait3A_99 = tpu.memref_slice %arg8[%run_scoped3A_39, %dma_wait3A_97, %dma_wait3A_98] : memref<4x64x128xf32, #tpu.memory_space<vmem>> -> memref<1x64x128xf32, #tpu.memory_space<vmem>>
      %dma_wait3A_100 = tpu.memref_squeeze %dma_wait3A_99 : memref<1x64x128xf32, #tpu.memory_space<vmem>> -> memref<64x128xf32, #tpu.memory_space<vmem>>
      tpu.wait_dma2 semaphore(%run_scoped3A_78 : memref<!tpu.dma_semaphore, #tpu.memory_space<semaphore_mem>>) src(%dma_wait3A_100 : memref<64x128xf32, #tpu.memory_space<vmem>>) dst(%dma_wait3A_96 : memref<64x128xf32, #tpu.memory_space<vmem_shared>>)
      tpu.yield
    }) : () -> ()
    %mul3A_40 = arith.constant 640 : i32
    %mul3A_41 = arith.muli %arg1, %mul3A_40 : i32
    %add3A_42 = arith.constant 448 : i32
    %add3A_43 = arith.addi %mul3A_41, %add3A_42 : i32
    %run_scoped3A_44 = arith.constant 0 : i32
    "tpu.region"() ({
      %run_scoped3A_78 = tpu.sem_alloc : memref<!tpu.dma_semaphore, #tpu.memory_space<semaphore_mem>>
      %dma_start3A = arith.constant 0 : i32
      %dma_start3A_79 = arith.constant 0 : i32
      %dma_start3A_80 = tpu.memref_slice %arg8[%run_scoped3A_44, %dma_start3A, %dma_start3A_79] : memref<4x64x128xf32, #tpu.memory_space<vmem>> -> memref<1x64x128xf32, #tpu.memory_space<vmem>>
      %dma_start3A_81 = tpu.memref_squeeze %dma_start3A_80 : memref<1x64x128xf32, #tpu.memory_space<vmem>> -> memref<64x128xf32, #tpu.memory_space<vmem>>
      %dma_start3A_82 = arith.constant 0 : i32
      %dma_start3A_83 = tpu.memref_slice %arg9[%add3A_43, %dma_start3A_82] : memref<10240x128xf32, #tpu.memory_space<vmem_shared>> -> memref<64x128xf32, #tpu.memory_space<vmem_shared>>
      %dma_start3A_84 = arith.constant 0 : i32
      %dma_start3A_85 = tpu.memref_slice %arg9[%add3A_43, %dma_start3A_84] : memref<10240x128xf32, #tpu.memory_space<vmem_shared>> -> memref<64x128xf32, #tpu.memory_space<vmem_shared>>
      %dma_start3A_86 = arith.constant 0 : i32
      %dma_start3A_87 = arith.constant 0 : i32
      %dma_start3A_88 = tpu.memref_slice %arg8[%run_scoped3A_44, %dma_start3A_86, %dma_start3A_87] : memref<4x64x128xf32, #tpu.memory_space<vmem>> -> memref<1x64x128xf32, #tpu.memory_space<vmem>>
      %dma_start3A_89 = tpu.memref_squeeze %dma_start3A_88 : memref<1x64x128xf32, #tpu.memory_space<vmem>> -> memref<64x128xf32, #tpu.memory_space<vmem>>
      tpu.enqueue_dma source(%dma_start3A_89 : memref<64x128xf32, #tpu.memory_space<vmem>>) target(%dma_start3A_85 : memref<64x128xf32, #tpu.memory_space<vmem_shared>>) target_semaphore(%run_scoped3A_78 : memref<!tpu.dma_semaphore, #tpu.memory_space<semaphore_mem>>)
      %dma_wait3A = arith.constant 0 : i32
      %dma_wait3A_90 = arith.constant 0 : i32
      %dma_wait3A_91 = tpu.memref_slice %arg8[%run_scoped3A_44, %dma_wait3A, %dma_wait3A_90] : memref<4x64x128xf32, #tpu.memory_space<vmem>> -> memref<1x64x128xf32, #tpu.memory_space<vmem>>
      %dma_wait3A_92 = tpu.memref_squeeze %dma_wait3A_91 : memref<1x64x128xf32, #tpu.memory_space<vmem>> -> memref<64x128xf32, #tpu.memory_space<vmem>>
      %dma_wait3A_93 = arith.constant 0 : i32
      %dma_wait3A_94 = tpu.memref_slice %arg9[%add3A_43, %dma_wait3A_93] : memref<10240x128xf32, #tpu.memory_space<vmem_shared>> -> memref<64x128xf32, #tpu.memory_space<vmem_shared>>
      %dma_wait3A_95 = arith.constant 0 : i32
      %dma_wait3A_96 = tpu.memref_slice %arg9[%add3A_43, %dma_wait3A_95] : memref<10240x128xf32, #tpu.memory_space<vmem_shared>> -> memref<64x128xf32, #tpu.memory_space<vmem_shared>>
      %dma_wait3A_97 = arith.constant 0 : i32
      %dma_wait3A_98 = arith.constant 0 : i32
      %dma_wait3A_99 = tpu.memref_slice %arg8[%run_scoped3A_44, %dma_wait3A_97, %dma_wait3A_98] : memref<4x64x128xf32, #tpu.memory_space<vmem>> -> memref<1x64x128xf32, #tpu.memory_space<vmem>>
      %dma_wait3A_100 = tpu.memref_squeeze %dma_wait3A_99 : memref<1x64x128xf32, #tpu.memory_space<vmem>> -> memref<64x128xf32, #tpu.memory_space<vmem>>
      tpu.wait_dma2 semaphore(%run_scoped3A_78 : memref<!tpu.dma_semaphore, #tpu.memory_space<semaphore_mem>>) src(%dma_wait3A_100 : memref<64x128xf32, #tpu.memory_space<vmem>>) dst(%dma_wait3A_96 : memref<64x128xf32, #tpu.memory_space<vmem_shared>>)
      tpu.yield
    }) : () -> ()
    %mul3A_45 = arith.constant 640 : i32
    %mul3A_46 = arith.muli %arg1, %mul3A_45 : i32
    %add3A_47 = arith.constant 512 : i32
    %add3A_48 = arith.addi %mul3A_46, %add3A_47 : i32
    %run_scoped3A_49 = arith.constant 0 : i32
    "tpu.region"() ({
      %run_scoped3A_78 = tpu.sem_alloc : memref<!tpu.dma_semaphore, #tpu.memory_space<semaphore_mem>>
      %dma_start3A = arith.constant 0 : i32
      %dma_start3A_79 = arith.constant 0 : i32
      %dma_start3A_80 = tpu.memref_slice %arg8[%run_scoped3A_49, %dma_start3A, %dma_start3A_79] : memref<4x64x128xf32, #tpu.memory_space<vmem>> -> memref<1x64x128xf32, #tpu.memory_space<vmem>>
      %dma_start3A_81 = tpu.memref_squeeze %dma_start3A_80 : memref<1x64x128xf32, #tpu.memory_space<vmem>> -> memref<64x128xf32, #tpu.memory_space<vmem>>
      %dma_start3A_82 = arith.constant 0 : i32
      %dma_start3A_83 = tpu.memref_slice %arg9[%add3A_48, %dma_start3A_82] : memref<10240x128xf32, #tpu.memory_space<vmem_shared>> -> memref<64x128xf32, #tpu.memory_space<vmem_shared>>
      %dma_start3A_84 = arith.constant 0 : i32
      %dma_start3A_85 = tpu.memref_slice %arg9[%add3A_48, %dma_start3A_84] : memref<10240x128xf32, #tpu.memory_space<vmem_shared>> -> memref<64x128xf32, #tpu.memory_space<vmem_shared>>
      %dma_start3A_86 = arith.constant 0 : i32
      %dma_start3A_87 = arith.constant 0 : i32
      %dma_start3A_88 = tpu.memref_slice %arg8[%run_scoped3A_49, %dma_start3A_86, %dma_start3A_87] : memref<4x64x128xf32, #tpu.memory_space<vmem>> -> memref<1x64x128xf32, #tpu.memory_space<vmem>>
      %dma_start3A_89 = tpu.memref_squeeze %dma_start3A_88 : memref<1x64x128xf32, #tpu.memory_space<vmem>> -> memref<64x128xf32, #tpu.memory_space<vmem>>
      tpu.enqueue_dma source(%dma_start3A_89 : memref<64x128xf32, #tpu.memory_space<vmem>>) target(%dma_start3A_85 : memref<64x128xf32, #tpu.memory_space<vmem_shared>>) target_semaphore(%run_scoped3A_78 : memref<!tpu.dma_semaphore, #tpu.memory_space<semaphore_mem>>)
      %dma_wait3A = arith.constant 0 : i32
      %dma_wait3A_90 = arith.constant 0 : i32
      %dma_wait3A_91 = tpu.memref_slice %arg8[%run_scoped3A_49, %dma_wait3A, %dma_wait3A_90] : memref<4x64x128xf32, #tpu.memory_space<vmem>> -> memref<1x64x128xf32, #tpu.memory_space<vmem>>
      %dma_wait3A_92 = tpu.memref_squeeze %dma_wait3A_91 : memref<1x64x128xf32, #tpu.memory_space<vmem>> -> memref<64x128xf32, #tpu.memory_space<vmem>>
      %dma_wait3A_93 = arith.constant 0 : i32
      %dma_wait3A_94 = tpu.memref_slice %arg9[%add3A_48, %dma_wait3A_93] : memref<10240x128xf32, #tpu.memory_space<vmem_shared>> -> memref<64x128xf32, #tpu.memory_space<vmem_shared>>
      %dma_wait3A_95 = arith.constant 0 : i32
      %dma_wait3A_96 = tpu.memref_slice %arg9[%add3A_48, %dma_wait3A_95] : memref<10240x128xf32, #tpu.memory_space<vmem_shared>> -> memref<64x128xf32, #tpu.memory_space<vmem_shared>>
      %dma_wait3A_97 = arith.constant 0 : i32
      %dma_wait3A_98 = arith.constant 0 : i32
      %dma_wait3A_99 = tpu.memref_slice %arg8[%run_scoped3A_49, %dma_wait3A_97, %dma_wait3A_98] : memref<4x64x128xf32, #tpu.memory_space<vmem>> -> memref<1x64x128xf32, #tpu.memory_space<vmem>>
      %dma_wait3A_100 = tpu.memref_squeeze %dma_wait3A_99 : memref<1x64x128xf32, #tpu.memory_space<vmem>> -> memref<64x128xf32, #tpu.memory_space<vmem>>
      tpu.wait_dma2 semaphore(%run_scoped3A_78 : memref<!tpu.dma_semaphore, #tpu.memory_space<semaphore_mem>>) src(%dma_wait3A_100 : memref<64x128xf32, #tpu.memory_space<vmem>>) dst(%dma_wait3A_96 : memref<64x128xf32, #tpu.memory_space<vmem_shared>>)
      tpu.yield
    }) : () -> ()
    %mul3A_50 = arith.constant 640 : i32
    %mul3A_51 = arith.muli %arg1, %mul3A_50 : i32
    %add3A_52 = arith.constant 576 : i32
    %add3A_53 = arith.addi %mul3A_51, %add3A_52 : i32
    %run_scoped3A_54 = arith.constant 0 : i32
    "tpu.region"() ({
      %run_scoped3A_78 = tpu.sem_alloc : memref<!tpu.dma_semaphore, #tpu.memory_space<semaphore_mem>>
      %dma_start3A = arith.constant 0 : i32
      %dma_start3A_79 = arith.constant 0 : i32
      %dma_start3A_80 = tpu.memref_slice %arg8[%run_scoped3A_54, %dma_start3A, %dma_start3A_79] : memref<4x64x128xf32, #tpu.memory_space<vmem>> -> memref<1x64x128xf32, #tpu.memory_space<vmem>>
      %dma_start3A_81 = tpu.memref_squeeze %dma_start3A_80 : memref<1x64x128xf32, #tpu.memory_space<vmem>> -> memref<64x128xf32, #tpu.memory_space<vmem>>
      %dma_start3A_82 = arith.constant 0 : i32
      %dma_start3A_83 = tpu.memref_slice %arg9[%add3A_53, %dma_start3A_82] : memref<10240x128xf32, #tpu.memory_space<vmem_shared>> -> memref<64x128xf32, #tpu.memory_space<vmem_shared>>
      %dma_start3A_84 = arith.constant 0 : i32
      %dma_start3A_85 = tpu.memref_slice %arg9[%add3A_53, %dma_start3A_84] : memref<10240x128xf32, #tpu.memory_space<vmem_shared>> -> memref<64x128xf32, #tpu.memory_space<vmem_shared>>
      %dma_start3A_86 = arith.constant 0 : i32
      %dma_start3A_87 = arith.constant 0 : i32
      %dma_start3A_88 = tpu.memref_slice %arg8[%run_scoped3A_54, %dma_start3A_86, %dma_start3A_87] : memref<4x64x128xf32, #tpu.memory_space<vmem>> -> memref<1x64x128xf32, #tpu.memory_space<vmem>>
      %dma_start3A_89 = tpu.memref_squeeze %dma_start3A_88 : memref<1x64x128xf32, #tpu.memory_space<vmem>> -> memref<64x128xf32, #tpu.memory_space<vmem>>
      tpu.enqueue_dma source(%dma_start3A_89 : memref<64x128xf32, #tpu.memory_space<vmem>>) target(%dma_start3A_85 : memref<64x128xf32, #tpu.memory_space<vmem_shared>>) target_semaphore(%run_scoped3A_78 : memref<!tpu.dma_semaphore, #tpu.memory_space<semaphore_mem>>)
      %dma_wait3A = arith.constant 0 : i32
      %dma_wait3A_90 = arith.constant 0 : i32
      %dma_wait3A_91 = tpu.memref_slice %arg8[%run_scoped3A_54, %dma_wait3A, %dma_wait3A_90] : memref<4x64x128xf32, #tpu.memory_space<vmem>> -> memref<1x64x128xf32, #tpu.memory_space<vmem>>
      %dma_wait3A_92 = tpu.memref_squeeze %dma_wait3A_91 : memref<1x64x128xf32, #tpu.memory_space<vmem>> -> memref<64x128xf32, #tpu.memory_space<vmem>>
      %dma_wait3A_93 = arith.constant 0 : i32
      %dma_wait3A_94 = tpu.memref_slice %arg9[%add3A_53, %dma_wait3A_93] : memref<10240x128xf32, #tpu.memory_space<vmem_shared>> -> memref<64x128xf32, #tpu.memory_space<vmem_shared>>
      %dma_wait3A_95 = arith.constant 0 : i32
      %dma_wait3A_96 = tpu.memref_slice %arg9[%add3A_53, %dma_wait3A_95] : memref<10240x128xf32, #tpu.memory_space<vmem_shared>> -> memref<64x128xf32, #tpu.memory_space<vmem_shared>>
      %dma_wait3A_97 = arith.constant 0 : i32
      %dma_wait3A_98 = arith.constant 0 : i32
      %dma_wait3A_99 = tpu.memref_slice %arg8[%run_scoped3A_54, %dma_wait3A_97, %dma_wait3A_98] : memref<4x64x128xf32, #tpu.memory_space<vmem>> -> memref<1x64x128xf32, #tpu.memory_space<vmem>>
      %dma_wait3A_100 = tpu.memref_squeeze %dma_wait3A_99 : memref<1x64x128xf32, #tpu.memory_space<vmem>> -> memref<64x128xf32, #tpu.memory_space<vmem>>
      tpu.wait_dma2 semaphore(%run_scoped3A_78 : memref<!tpu.dma_semaphore, #tpu.memory_space<semaphore_mem>>) src(%dma_wait3A_100 : memref<64x128xf32, #tpu.memory_space<vmem>>) dst(%dma_wait3A_96 : memref<64x128xf32, #tpu.memory_space<vmem_shared>>)
      tpu.yield
    }) : () -> ()
    %barrier3A = arith.constant 0 : index
    tpu.barrier barrier_id(%barrier3A)
    %eq3A = arith.constant 0 : i32
    %eq3A_55 = arith.cmpi eq, %arg0, %eq3A : i32
    %jit3A = arith.constant 9 : i32
    %jit3A_56 = arith.constant 1 : i32
    %select_n3A = arith.select %eq3A_55, %jit3A, %jit3A_56 : i32
    %sub3A = arith.constant 0 : i32
    %sub3A_57 = arith.subi %select_n3A, %sub3A : i32
    %sub3A_58 = arith.constant 1 : i32
    %sub3A_59 = arith.constant 1 : i32
    %sub3A_60 = arith.subi %sub3A_58, %sub3A_59 : i32
    %add3A_61 = arith.addi %sub3A_57, %sub3A_60 : i32
    %div3A = arith.constant 1 : i32
    %div3A_62 = arith.divsi %add3A_61, %div3A : i32
    %while3A = arith.constant 1 : i32
    %while3A_63 = arith.constant 0 : i32
    %while3A_64 = arith.constant 0 : i32
    %while3A_65 = arith.subi %div3A_62, %while3A_64 : i32
    %while3A_66 = arith.addi %while3A_64, %while3A_65 : i32
    %while3A_67 = arith.constant 1 : i32
    %while3A_68 = arith.divsi %while3A_65, %while3A_67 : i32
    %while3A_69 = arith.muli %while3A_68, %while3A_67 : i32
    %while3A_70 = arith.addi %while3A_64, %while3A_69 : i32
    %while3A_71 = arith.constant 1 : i32
    scf.for %while3A_78 = %while3A_64 to %while3A_70 step %while3A_71  : i32 {
      %mul3A_79 = arith.muli %while3A_78, %while3A : i32
      %add3A_80 = arith.addi %while3A_63, %mul3A_79 : i32
      %mul3A_81 = arith.constant 32 : i32
      %mul3A_82 = arith.muli %add3A_80, %mul3A_81 : i32
      "tpu.region"() ({
        %run_scoped3A_280 = tpu.sem_alloc : memref<!tpu.dma_semaphore, #tpu.memory_space<semaphore_mem>>
        %dma_start3A_281 = arith.constant 0 : i32
        %dma_start3A_282 = tpu.memref_slice %arg3[%add3A, %mul3A_82, %dma_start3A_281] : memref<32x288x64xi32, #tpu.memory_space<hbm>> -> memref<1x32x64xi32, #tpu.memory_space<hbm>>
        %dma_start3A_283 = tpu.memref_squeeze %dma_start3A_282 : memref<1x32x64xi32, #tpu.memory_space<hbm>> -> memref<32x64xi32, #tpu.memory_space<hbm>>
        %dma_start3A_284 = arith.constant 0 : i32
        %dma_start3A_285 = tpu.memref_slice %arg3[%add3A, %mul3A_82, %dma_start3A_284] : memref<32x288x64xi32, #tpu.memory_space<hbm>> -> memref<1x32x64xi32, #tpu.memory_space<hbm>>
        %dma_start3A_286 = tpu.memref_squeeze %dma_start3A_285 : memref<1x32x64xi32, #tpu.memory_space<hbm>> -> memref<32x64xi32, #tpu.memory_space<hbm>>
        tpu.enqueue_dma source(%dma_start3A_286 : memref<32x64xi32, #tpu.memory_space<hbm>>) target(%arg6 : memref<32x64xi32, #tpu.memory_space<vmem>>) target_semaphore(%run_scoped3A_280 : memref<!tpu.dma_semaphore, #tpu.memory_space<semaphore_mem>>)
        %dma_wait3A_287 = arith.constant 0 : i32
        %dma_wait3A_288 = tpu.memref_slice %arg3[%add3A, %mul3A_82, %dma_wait3A_287] : memref<32x288x64xi32, #tpu.memory_space<hbm>> -> memref<1x32x64xi32, #tpu.memory_space<hbm>>
        %dma_wait3A_289 = tpu.memref_squeeze %dma_wait3A_288 : memref<1x32x64xi32, #tpu.memory_space<hbm>> -> memref<32x64xi32, #tpu.memory_space<hbm>>
        %dma_wait3A_290 = arith.constant 0 : i32
        %dma_wait3A_291 = tpu.memref_slice %arg3[%add3A, %mul3A_82, %dma_wait3A_290] : memref<32x288x64xi32, #tpu.memory_space<hbm>> -> memref<1x32x64xi32, #tpu.memory_space<hbm>>
        %dma_wait3A_292 = tpu.memref_squeeze %dma_wait3A_291 : memref<1x32x64xi32, #tpu.memory_space<hbm>> -> memref<32x64xi32, #tpu.memory_space<hbm>>
        tpu.wait_dma2 semaphore(%run_scoped3A_280 : memref<!tpu.dma_semaphore, #tpu.memory_space<semaphore_mem>>) src(%dma_wait3A_292 : memref<32x64xi32, #tpu.memory_space<hbm>>) dst(%arg6 : memref<32x64xi32, #tpu.memory_space<vmem>>)
        tpu.yield
      }) : () -> ()
      %mul3A_83 = arith.constant 32 : i32
      %mul3A_84 = arith.muli %add3A_80, %mul3A_83 : i32
      "tpu.region"() ({
        %run_scoped3A_280 = tpu.sem_alloc : memref<!tpu.dma_semaphore, #tpu.memory_space<semaphore_mem>>
        %dma_start3A_281 = arith.constant 0 : i32
        %dma_start3A_282 = tpu.memref_slice %arg4[%add3A, %mul3A_84, %dma_start3A_281] : memref<32x288x64xi32, #tpu.memory_space<hbm>> -> memref<1x32x64xi32, #tpu.memory_space<hbm>>
        %dma_start3A_283 = tpu.memref_squeeze %dma_start3A_282 : memref<1x32x64xi32, #tpu.memory_space<hbm>> -> memref<32x64xi32, #tpu.memory_space<hbm>>
        %dma_start3A_284 = arith.constant 0 : i32
        %dma_start3A_285 = tpu.memref_slice %arg4[%add3A, %mul3A_84, %dma_start3A_284] : memref<32x288x64xi32, #tpu.memory_space<hbm>> -> memref<1x32x64xi32, #tpu.memory_space<hbm>>
        %dma_start3A_286 = tpu.memref_squeeze %dma_start3A_285 : memref<1x32x64xi32, #tpu.memory_space<hbm>> -> memref<32x64xi32, #tpu.memory_space<hbm>>
        tpu.enqueue_dma source(%dma_start3A_286 : memref<32x64xi32, #tpu.memory_space<hbm>>) target(%arg7 : memref<32x64xi32, #tpu.memory_space<vmem>>) target_semaphore(%run_scoped3A_280 : memref<!tpu.dma_semaphore, #tpu.memory_space<semaphore_mem>>)
        %dma_wait3A_287 = arith.constant 0 : i32
        %dma_wait3A_288 = tpu.memref_slice %arg4[%add3A, %mul3A_84, %dma_wait3A_287] : memref<32x288x64xi32, #tpu.memory_space<hbm>> -> memref<1x32x64xi32, #tpu.memory_space<hbm>>
        %dma_wait3A_289 = tpu.memref_squeeze %dma_wait3A_288 : memref<1x32x64xi32, #tpu.memory_space<hbm>> -> memref<32x64xi32, #tpu.memory_space<hbm>>
        %dma_wait3A_290 = arith.constant 0 : i32
        %dma_wait3A_291 = tpu.memref_slice %arg4[%add3A, %mul3A_84, %dma_wait3A_290] : memref<32x288x64xi32, #tpu.memory_space<hbm>> -> memref<1x32x64xi32, #tpu.memory_space<hbm>>
        %dma_wait3A_292 = tpu.memref_squeeze %dma_wait3A_291 : memref<1x32x64xi32, #tpu.memory_space<hbm>> -> memref<32x64xi32, #tpu.memory_space<hbm>>
        tpu.wait_dma2 semaphore(%run_scoped3A_280 : memref<!tpu.dma_semaphore, #tpu.memory_space<semaphore_mem>>) src(%dma_wait3A_292 : memref<32x64xi32, #tpu.memory_space<hbm>>) dst(%arg7 : memref<32x64xi32, #tpu.memory_space<vmem>>)
        tpu.yield
      }) : () -> ()
      %dma_start3A = arith.constant 0 : i32
      %dma_start3A_85 = arith.constant 0 : i32
      %dma_start3A_86 = arith.constant 0 : i32
      %dma_start3A_87 = arith.constant 0 : i32
      %dma_start3A_88 = tpu.memref_slice %arg8[%dma_start3A_85, %dma_start3A_86, %dma_start3A_87] : memref<4x64x128xf32, #tpu.memory_space<vmem>> -> memref<1x64x128xf32, #tpu.memory_space<vmem>>
      %dma_start3A_89 = tpu.memref_squeeze %dma_start3A_88 : memref<1x64x128xf32, #tpu.memory_space<vmem>> -> memref<64x128xf32, #tpu.memory_space<vmem>>
      %dma_start3A_90 = arith.constant 0 : i32
      %dma_start3A_91 = tpu.memref_slice %arg6[%dma_start3A, %dma_start3A_90] : memref<32x64xi32, #tpu.memory_space<vmem>> -> memref<1x64xi32, #tpu.memory_space<vmem>>
      %dma_start3A_92 = tpu.memref_squeeze %dma_start3A_91 : memref<1x64xi32, #tpu.memory_space<vmem>> -> memref<64xi32, #tpu.memory_space<vmem>>
      %dma_start3A_93 = arith.constant 0 : i32
      %dma_start3A_94 = arith.constant 0 : i32
      %dma_start3A_95 = tpu.memref_slice %arg2[%dma_start3A_93, %dma_start3A_94] : memref<10000x128xf32, #tpu.memory_space<hbm>> -> memref<10000x128xf32, #tpu.memory_space<hbm>>
      tpu.enqueue_indirect_dma source(%dma_start3A_95 : memref<10000x128xf32, #tpu.memory_space<hbm>>) target(%dma_start3A_89 : memref<64x128xf32, #tpu.memory_space<vmem>>) offsets(%dma_start3A_92 : memref<64xi32, #tpu.memory_space<vmem>>) semaphore(%arg10 : memref<!tpu.dma_semaphore, #tpu.memory_space<semaphore_mem>>)
      %dma_start3A_96 = arith.constant 1 : i32
      %dma_start3A_97 = arith.constant 1 : i32
      %dma_start3A_98 = arith.constant 0 : i32
      %dma_start3A_99 = arith.constant 0 : i32
      %dma_start3A_100 = tpu.memref_slice %arg8[%dma_start3A_97, %dma_start3A_98, %dma_start3A_99] : memref<4x64x128xf32, #tpu.memory_space<vmem>> -> memref<1x64x128xf32, #tpu.memory_space<vmem>>
      %dma_start3A_101 = tpu.memref_squeeze %dma_start3A_100 : memref<1x64x128xf32, #tpu.memory_space<vmem>> -> memref<64x128xf32, #tpu.memory_space<vmem>>
      %dma_start3A_102 = arith.constant 0 : i32
      %dma_start3A_103 = tpu.memref_slice %arg6[%dma_start3A_96, %dma_start3A_102] : memref<32x64xi32, #tpu.memory_space<vmem>> -> memref<1x64xi32, #tpu.memory_space<vmem>>
      %dma_start3A_104 = tpu.memref_squeeze %dma_start3A_103 : memref<1x64xi32, #tpu.memory_space<vmem>> -> memref<64xi32, #tpu.memory_space<vmem>>
      %dma_start3A_105 = arith.constant 0 : i32
      %dma_start3A_106 = arith.constant 0 : i32
      %dma_start3A_107 = tpu.memref_slice %arg2[%dma_start3A_105, %dma_start3A_106] : memref<10000x128xf32, #tpu.memory_space<hbm>> -> memref<10000x128xf32, #tpu.memory_space<hbm>>
      tpu.enqueue_indirect_dma source(%dma_start3A_107 : memref<10000x128xf32, #tpu.memory_space<hbm>>) target(%dma_start3A_101 : memref<64x128xf32, #tpu.memory_space<vmem>>) offsets(%dma_start3A_104 : memref<64xi32, #tpu.memory_space<vmem>>) semaphore(%arg11 : memref<!tpu.dma_semaphore, #tpu.memory_space<semaphore_mem>>)
      %dma_start3A_108 = arith.constant 2 : i32
      %dma_start3A_109 = arith.constant 2 : i32
      %dma_start3A_110 = arith.constant 0 : i32
      %dma_start3A_111 = arith.constant 0 : i32
      %dma_start3A_112 = tpu.memref_slice %arg8[%dma_start3A_109, %dma_start3A_110, %dma_start3A_111] : memref<4x64x128xf32, #tpu.memory_space<vmem>> -> memref<1x64x128xf32, #tpu.memory_space<vmem>>
      %dma_start3A_113 = tpu.memref_squeeze %dma_start3A_112 : memref<1x64x128xf32, #tpu.memory_space<vmem>> -> memref<64x128xf32, #tpu.memory_space<vmem>>
      %dma_start3A_114 = arith.constant 0 : i32
      %dma_start3A_115 = tpu.memref_slice %arg6[%dma_start3A_108, %dma_start3A_114] : memref<32x64xi32, #tpu.memory_space<vmem>> -> memref<1x64xi32, #tpu.memory_space<vmem>>
      %dma_start3A_116 = tpu.memref_squeeze %dma_start3A_115 : memref<1x64xi32, #tpu.memory_space<vmem>> -> memref<64xi32, #tpu.memory_space<vmem>>
      %dma_start3A_117 = arith.constant 0 : i32
      %dma_start3A_118 = arith.constant 0 : i32
      %dma_start3A_119 = tpu.memref_slice %arg2[%dma_start3A_117, %dma_start3A_118] : memref<10000x128xf32, #tpu.memory_space<hbm>> -> memref<10000x128xf32, #tpu.memory_space<hbm>>
      tpu.enqueue_indirect_dma source(%dma_start3A_119 : memref<10000x128xf32, #tpu.memory_space<hbm>>) target(%dma_start3A_113 : memref<64x128xf32, #tpu.memory_space<vmem>>) offsets(%dma_start3A_116 : memref<64xi32, #tpu.memory_space<vmem>>) semaphore(%arg12 : memref<!tpu.dma_semaphore, #tpu.memory_space<semaphore_mem>>)
      %dma_start3A_120 = arith.constant 3 : i32
      %dma_start3A_121 = arith.constant 3 : i32
      %dma_start3A_122 = arith.constant 0 : i32
      %dma_start3A_123 = arith.constant 0 : i32
      %dma_start3A_124 = tpu.memref_slice %arg8[%dma_start3A_121, %dma_start3A_122, %dma_start3A_123] : memref<4x64x128xf32, #tpu.memory_space<vmem>> -> memref<1x64x128xf32, #tpu.memory_space<vmem>>
      %dma_start3A_125 = tpu.memref_squeeze %dma_start3A_124 : memref<1x64x128xf32, #tpu.memory_space<vmem>> -> memref<64x128xf32, #tpu.memory_space<vmem>>
      %dma_start3A_126 = arith.constant 0 : i32
      %dma_start3A_127 = tpu.memref_slice %arg6[%dma_start3A_120, %dma_start3A_126] : memref<32x64xi32, #tpu.memory_space<vmem>> -> memref<1x64xi32, #tpu.memory_space<vmem>>
      %dma_start3A_128 = tpu.memref_squeeze %dma_start3A_127 : memref<1x64xi32, #tpu.memory_space<vmem>> -> memref<64xi32, #tpu.memory_space<vmem>>
      %dma_start3A_129 = arith.constant 0 : i32
      %dma_start3A_130 = arith.constant 0 : i32
      %dma_start3A_131 = tpu.memref_slice %arg2[%dma_start3A_129, %dma_start3A_130] : memref<10000x128xf32, #tpu.memory_space<hbm>> -> memref<10000x128xf32, #tpu.memory_space<hbm>>
      tpu.enqueue_indirect_dma source(%dma_start3A_131 : memref<10000x128xf32, #tpu.memory_space<hbm>>) target(%dma_start3A_125 : memref<64x128xf32, #tpu.memory_space<vmem>>) offsets(%dma_start3A_128 : memref<64xi32, #tpu.memory_space<vmem>>) semaphore(%arg13 : memref<!tpu.dma_semaphore, #tpu.memory_space<semaphore_mem>>)
      %scan3A_132 = arith.constant 0 : i32
      %scan3A_133 = arith.constant 7 : i32
      %scan3A_134 = arith.addi %scan3A_132, %scan3A_133 : i32
      %scan3A_135 = arith.constant 1 : i32
      scf.for %scan3A_280 = %scan3A_132 to %scan3A_134 step %scan3A_135  : i32 {
        %mul3A_281 = arith.constant 4 : i32
        %mul3A_282 = arith.muli %scan3A_280, %mul3A_281 : i32
        %add3A_283 = arith.constant 0 : i32
        %add3A_284 = arith.addi %add3A_283, %mul3A_282 : i32
        %add3A_285 = arith.constant 0 : i32
        %add3A_286 = arith.addi %add3A_284, %add3A_285 : i32
        %dma_wait3A_287 = arith.constant 0 : i32
        %dma_wait3A_288 = arith.constant 0 : i32
        %dma_wait3A_289 = arith.constant 0 : i32
        %dma_wait3A_290 = tpu.memref_slice %arg8[%dma_wait3A_287, %dma_wait3A_288, %dma_wait3A_289] : memref<4x64x128xf32, #tpu.memory_space<vmem>> -> memref<1x64x128xf32, #tpu.memory_space<vmem>>
        %dma_wait3A_291 = tpu.memref_squeeze %dma_wait3A_290 : memref<1x64x128xf32, #tpu.memory_space<vmem>> -> memref<64x128xf32, #tpu.memory_space<vmem>>
        %dma_wait3A_292 = arith.constant 0 : i32
        %dma_wait3A_293 = tpu.memref_slice %arg6[%add3A_286, %dma_wait3A_292] : memref<32x64xi32, #tpu.memory_space<vmem>> -> memref<1x64xi32, #tpu.memory_space<vmem>>
        %dma_wait3A_294 = tpu.memref_squeeze %dma_wait3A_293 : memref<1x64xi32, #tpu.memory_space<vmem>> -> memref<64xi32, #tpu.memory_space<vmem>>
        %dma_wait3A_295 = arith.constant 0 : i32
        %dma_wait3A_296 = arith.constant 0 : i32
        %dma_wait3A_297 = tpu.memref_slice %arg2[%dma_wait3A_295, %dma_wait3A_296] : memref<10000x128xf32, #tpu.memory_space<hbm>> -> memref<10000x128xf32, #tpu.memory_space<hbm>>
        tpu.wait_indirect_dma semaphore(%arg10 : memref<!tpu.dma_semaphore, #tpu.memory_space<semaphore_mem>>) src(%dma_wait3A_297 : memref<10000x128xf32, #tpu.memory_space<hbm>>) dst(%dma_wait3A_291 : memref<64x128xf32, #tpu.memory_space<vmem>>)
        %add3A_298 = arith.constant 0 : i32
        %add3A_299 = arith.addi %add3A_284, %add3A_298 : i32
        %dma_start3A_300 = arith.constant 0 : i32
        %dma_start3A_301 = arith.constant 0 : i32
        %dma_start3A_302 = arith.constant 0 : i32
        %dma_start3A_303 = tpu.memref_slice %arg8[%dma_start3A_300, %dma_start3A_301, %dma_start3A_302] : memref<4x64x128xf32, #tpu.memory_space<vmem>> -> memref<1x64x128xf32, #tpu.memory_space<vmem>>
        %dma_start3A_304 = tpu.memref_squeeze %dma_start3A_303 : memref<1x64x128xf32, #tpu.memory_space<vmem>> -> memref<64x128xf32, #tpu.memory_space<vmem>>
        %dma_start3A_305 = arith.constant 0 : i32
        %dma_start3A_306 = tpu.memref_slice %arg7[%add3A_299, %dma_start3A_305] : memref<32x64xi32, #tpu.memory_space<vmem>> -> memref<1x64xi32, #tpu.memory_space<vmem>>
        %dma_start3A_307 = tpu.memref_squeeze %dma_start3A_306 : memref<1x64xi32, #tpu.memory_space<vmem>> -> memref<64xi32, #tpu.memory_space<vmem>>
        %dma_start3A_308 = arith.constant 0 : i32
        %dma_start3A_309 = arith.constant 0 : i32
        %dma_start3A_310 = tpu.memref_slice %arg9[%dma_start3A_308, %dma_start3A_309] : memref<10240x128xf32, #tpu.memory_space<vmem_shared>> -> memref<10240x128xf32, #tpu.memory_space<vmem_shared>>
        tpu.enqueue_indirect_dma source(%dma_start3A_304 : memref<64x128xf32, #tpu.memory_space<vmem>>) target(%dma_start3A_310 : memref<10240x128xf32, #tpu.memory_space<vmem_shared>>) offsets(%dma_start3A_307 : memref<64xi32, #tpu.memory_space<vmem>>) semaphore(%arg14 : memref<!tpu.dma_semaphore, #tpu.memory_space<semaphore_mem>>) {add = true}
        %add3A_311 = arith.constant 1 : i32
        %add3A_312 = arith.addi %add3A_284, %add3A_311 : i32
        %dma_wait3A_313 = arith.constant 1 : i32
        %dma_wait3A_314 = arith.constant 0 : i32
        %dma_wait3A_315 = arith.constant 0 : i32
        %dma_wait3A_316 = tpu.memref_slice %arg8[%dma_wait3A_313, %dma_wait3A_314, %dma_wait3A_315] : memref<4x64x128xf32, #tpu.memory_space<vmem>> -> memref<1x64x128xf32, #tpu.memory_space<vmem>>
        %dma_wait3A_317 = tpu.memref_squeeze %dma_wait3A_316 : memref<1x64x128xf32, #tpu.memory_space<vmem>> -> memref<64x128xf32, #tpu.memory_space<vmem>>
        %dma_wait3A_318 = arith.constant 0 : i32
        %dma_wait3A_319 = tpu.memref_slice %arg6[%add3A_312, %dma_wait3A_318] : memref<32x64xi32, #tpu.memory_space<vmem>> -> memref<1x64xi32, #tpu.memory_space<vmem>>
        %dma_wait3A_320 = tpu.memref_squeeze %dma_wait3A_319 : memref<1x64xi32, #tpu.memory_space<vmem>> -> memref<64xi32, #tpu.memory_space<vmem>>
        %dma_wait3A_321 = arith.constant 0 : i32
        %dma_wait3A_322 = arith.constant 0 : i32
        %dma_wait3A_323 = tpu.memref_slice %arg2[%dma_wait3A_321, %dma_wait3A_322] : memref<10000x128xf32, #tpu.memory_space<hbm>> -> memref<10000x128xf32, #tpu.memory_space<hbm>>
        tpu.wait_indirect_dma semaphore(%arg11 : memref<!tpu.dma_semaphore, #tpu.memory_space<semaphore_mem>>) src(%dma_wait3A_323 : memref<10000x128xf32, #tpu.memory_space<hbm>>) dst(%dma_wait3A_317 : memref<64x128xf32, #tpu.memory_space<vmem>>)
        %add3A_324 = arith.constant 1 : i32
        %add3A_325 = arith.addi %add3A_284, %add3A_324 : i32
        %dma_start3A_326 = arith.constant 1 : i32
        %dma_start3A_327 = arith.constant 0 : i32
        %dma_start3A_328 = arith.constant 0 : i32
        %dma_start3A_329 = tpu.memref_slice %arg8[%dma_start3A_326, %dma_start3A_327, %dma_start3A_328] : memref<4x64x128xf32, #tpu.memory_space<vmem>> -> memref<1x64x128xf32, #tpu.memory_space<vmem>>
        %dma_start3A_330 = tpu.memref_squeeze %dma_start3A_329 : memref<1x64x128xf32, #tpu.memory_space<vmem>> -> memref<64x128xf32, #tpu.memory_space<vmem>>
        %dma_start3A_331 = arith.constant 0 : i32
        %dma_start3A_332 = tpu.memref_slice %arg7[%add3A_325, %dma_start3A_331] : memref<32x64xi32, #tpu.memory_space<vmem>> -> memref<1x64xi32, #tpu.memory_space<vmem>>
        %dma_start3A_333 = tpu.memref_squeeze %dma_start3A_332 : memref<1x64xi32, #tpu.memory_space<vmem>> -> memref<64xi32, #tpu.memory_space<vmem>>
        %dma_start3A_334 = arith.constant 0 : i32
        %dma_start3A_335 = arith.constant 0 : i32
        %dma_start3A_336 = tpu.memref_slice %arg9[%dma_start3A_334, %dma_start3A_335] : memref<10240x128xf32, #tpu.memory_space<vmem_shared>> -> memref<10240x128xf32, #tpu.memory_space<vmem_shared>>
        tpu.enqueue_indirect_dma source(%dma_start3A_330 : memref<64x128xf32, #tpu.memory_space<vmem>>) target(%dma_start3A_336 : memref<10240x128xf32, #tpu.memory_space<vmem_shared>>) offsets(%dma_start3A_333 : memref<64xi32, #tpu.memory_space<vmem>>) semaphore(%arg15 : memref<!tpu.dma_semaphore, #tpu.memory_space<semaphore_mem>>) {add = true}
        %add3A_337 = arith.constant 2 : i32
        %add3A_338 = arith.addi %add3A_284, %add3A_337 : i32
        %dma_wait3A_339 = arith.constant 2 : i32
        %dma_wait3A_340 = arith.constant 0 : i32
        %dma_wait3A_341 = arith.constant 0 : i32
        %dma_wait3A_342 = tpu.memref_slice %arg8[%dma_wait3A_339, %dma_wait3A_340, %dma_wait3A_341] : memref<4x64x128xf32, #tpu.memory_space<vmem>> -> memref<1x64x128xf32, #tpu.memory_space<vmem>>
        %dma_wait3A_343 = tpu.memref_squeeze %dma_wait3A_342 : memref<1x64x128xf32, #tpu.memory_space<vmem>> -> memref<64x128xf32, #tpu.memory_space<vmem>>
        %dma_wait3A_344 = arith.constant 0 : i32
        %dma_wait3A_345 = tpu.memref_slice %arg6[%add3A_338, %dma_wait3A_344] : memref<32x64xi32, #tpu.memory_space<vmem>> -> memref<1x64xi32, #tpu.memory_space<vmem>>
        %dma_wait3A_346 = tpu.memref_squeeze %dma_wait3A_345 : memref<1x64xi32, #tpu.memory_space<vmem>> -> memref<64xi32, #tpu.memory_space<vmem>>
        %dma_wait3A_347 = arith.constant 0 : i32
        %dma_wait3A_348 = arith.constant 0 : i32
        %dma_wait3A_349 = tpu.memref_slice %arg2[%dma_wait3A_347, %dma_wait3A_348] : memref<10000x128xf32, #tpu.memory_space<hbm>> -> memref<10000x128xf32, #tpu.memory_space<hbm>>
        tpu.wait_indirect_dma semaphore(%arg12 : memref<!tpu.dma_semaphore, #tpu.memory_space<semaphore_mem>>) src(%dma_wait3A_349 : memref<10000x128xf32, #tpu.memory_space<hbm>>) dst(%dma_wait3A_343 : memref<64x128xf32, #tpu.memory_space<vmem>>)
        %add3A_350 = arith.constant 2 : i32
        %add3A_351 = arith.addi %add3A_284, %add3A_350 : i32
        %dma_start3A_352 = arith.constant 2 : i32
        %dma_start3A_353 = arith.constant 0 : i32
        %dma_start3A_354 = arith.constant 0 : i32
        %dma_start3A_355 = tpu.memref_slice %arg8[%dma_start3A_352, %dma_start3A_353, %dma_start3A_354] : memref<4x64x128xf32, #tpu.memory_space<vmem>> -> memref<1x64x128xf32, #tpu.memory_space<vmem>>
        %dma_start3A_356 = tpu.memref_squeeze %dma_start3A_355 : memref<1x64x128xf32, #tpu.memory_space<vmem>> -> memref<64x128xf32, #tpu.memory_space<vmem>>
        %dma_start3A_357 = arith.constant 0 : i32
        %dma_start3A_358 = tpu.memref_slice %arg7[%add3A_351, %dma_start3A_357] : memref<32x64xi32, #tpu.memory_space<vmem>> -> memref<1x64xi32, #tpu.memory_space<vmem>>
        %dma_start3A_359 = tpu.memref_squeeze %dma_start3A_358 : memref<1x64xi32, #tpu.memory_space<vmem>> -> memref<64xi32, #tpu.memory_space<vmem>>
        %dma_start3A_360 = arith.constant 0 : i32
        %dma_start3A_361 = arith.constant 0 : i32
        %dma_start3A_362 = tpu.memref_slice %arg9[%dma_start3A_360, %dma_start3A_361] : memref<10240x128xf32, #tpu.memory_space<vmem_shared>> -> memref<10240x128xf32, #tpu.memory_space<vmem_shared>>
        tpu.enqueue_indirect_dma source(%dma_start3A_356 : memref<64x128xf32, #tpu.memory_space<vmem>>) target(%dma_start3A_362 : memref<10240x128xf32, #tpu.memory_space<vmem_shared>>) offsets(%dma_start3A_359 : memref<64xi32, #tpu.memory_space<vmem>>) semaphore(%arg16 : memref<!tpu.dma_semaphore, #tpu.memory_space<semaphore_mem>>) {add = true}
        %add3A_363 = arith.constant 3 : i32
        %add3A_364 = arith.addi %add3A_284, %add3A_363 : i32
        %dma_wait3A_365 = arith.constant 3 : i32
        %dma_wait3A_366 = arith.constant 0 : i32
        %dma_wait3A_367 = arith.constant 0 : i32
        %dma_wait3A_368 = tpu.memref_slice %arg8[%dma_wait3A_365, %dma_wait3A_366, %dma_wait3A_367] : memref<4x64x128xf32, #tpu.memory_space<vmem>> -> memref<1x64x128xf32, #tpu.memory_space<vmem>>
        %dma_wait3A_369 = tpu.memref_squeeze %dma_wait3A_368 : memref<1x64x128xf32, #tpu.memory_space<vmem>> -> memref<64x128xf32, #tpu.memory_space<vmem>>
        %dma_wait3A_370 = arith.constant 0 : i32
        %dma_wait3A_371 = tpu.memref_slice %arg6[%add3A_364, %dma_wait3A_370] : memref<32x64xi32, #tpu.memory_space<vmem>> -> memref<1x64xi32, #tpu.memory_space<vmem>>
        %dma_wait3A_372 = tpu.memref_squeeze %dma_wait3A_371 : memref<1x64xi32, #tpu.memory_space<vmem>> -> memref<64xi32, #tpu.memory_space<vmem>>
        %dma_wait3A_373 = arith.constant 0 : i32
        %dma_wait3A_374 = arith.constant 0 : i32
        %dma_wait3A_375 = tpu.memref_slice %arg2[%dma_wait3A_373, %dma_wait3A_374] : memref<10000x128xf32, #tpu.memory_space<hbm>> -> memref<10000x128xf32, #tpu.memory_space<hbm>>
        tpu.wait_indirect_dma semaphore(%arg13 : memref<!tpu.dma_semaphore, #tpu.memory_space<semaphore_mem>>) src(%dma_wait3A_375 : memref<10000x128xf32, #tpu.memory_space<hbm>>) dst(%dma_wait3A_369 : memref<64x128xf32, #tpu.memory_space<vmem>>)
        %add3A_376 = arith.constant 3 : i32
        %add3A_377 = arith.addi %add3A_284, %add3A_376 : i32
        %dma_start3A_378 = arith.constant 3 : i32
        %dma_start3A_379 = arith.constant 0 : i32
        %dma_start3A_380 = arith.constant 0 : i32
        %dma_start3A_381 = tpu.memref_slice %arg8[%dma_start3A_378, %dma_start3A_379, %dma_start3A_380] : memref<4x64x128xf32, #tpu.memory_space<vmem>> -> memref<1x64x128xf32, #tpu.memory_space<vmem>>
        %dma_start3A_382 = tpu.memref_squeeze %dma_start3A_381 : memref<1x64x128xf32, #tpu.memory_space<vmem>> -> memref<64x128xf32, #tpu.memory_space<vmem>>
        %dma_start3A_383 = arith.constant 0 : i32
        %dma_start3A_384 = tpu.memref_slice %arg7[%add3A_377, %dma_start3A_383] : memref<32x64xi32, #tpu.memory_space<vmem>> -> memref<1x64xi32, #tpu.memory_space<vmem>>
        %dma_start3A_385 = tpu.memref_squeeze %dma_start3A_384 : memref<1x64xi32, #tpu.memory_space<vmem>> -> memref<64xi32, #tpu.memory_space<vmem>>
        %dma_start3A_386 = arith.constant 0 : i32
        %dma_start3A_387 = arith.constant 0 : i32
        %dma_start3A_388 = tpu.memref_slice %arg9[%dma_start3A_386, %dma_start3A_387] : memref<10240x128xf32, #tpu.memory_space<vmem_shared>> -> memref<10240x128xf32, #tpu.memory_space<vmem_shared>>
        tpu.enqueue_indirect_dma source(%dma_start3A_382 : memref<64x128xf32, #tpu.memory_space<vmem>>) target(%dma_start3A_388 : memref<10240x128xf32, #tpu.memory_space<vmem_shared>>) offsets(%dma_start3A_385 : memref<64xi32, #tpu.memory_space<vmem>>) semaphore(%arg17 : memref<!tpu.dma_semaphore, #tpu.memory_space<semaphore_mem>>) {add = true}
        %add3A_389 = arith.constant 0 : i32
        %add3A_390 = arith.addi %add3A_284, %add3A_389 : i32
        %dma_wait3A_391 = arith.constant 0 : i32
        %dma_wait3A_392 = arith.constant 0 : i32
        %dma_wait3A_393 = arith.constant 0 : i32
        %dma_wait3A_394 = tpu.memref_slice %arg8[%dma_wait3A_391, %dma_wait3A_392, %dma_wait3A_393] : memref<4x64x128xf32, #tpu.memory_space<vmem>> -> memref<1x64x128xf32, #tpu.memory_space<vmem>>
        %dma_wait3A_395 = tpu.memref_squeeze %dma_wait3A_394 : memref<1x64x128xf32, #tpu.memory_space<vmem>> -> memref<64x128xf32, #tpu.memory_space<vmem>>
        %dma_wait3A_396 = arith.constant 0 : i32
        %dma_wait3A_397 = tpu.memref_slice %arg7[%add3A_390, %dma_wait3A_396] : memref<32x64xi32, #tpu.memory_space<vmem>> -> memref<1x64xi32, #tpu.memory_space<vmem>>
        %dma_wait3A_398 = tpu.memref_squeeze %dma_wait3A_397 : memref<1x64xi32, #tpu.memory_space<vmem>> -> memref<64xi32, #tpu.memory_space<vmem>>
        %dma_wait3A_399 = arith.constant 0 : i32
        %dma_wait3A_400 = arith.constant 0 : i32
        %dma_wait3A_401 = tpu.memref_slice %arg9[%dma_wait3A_399, %dma_wait3A_400] : memref<10240x128xf32, #tpu.memory_space<vmem_shared>> -> memref<10240x128xf32, #tpu.memory_space<vmem_shared>>
        tpu.wait_indirect_dma semaphore(%arg14 : memref<!tpu.dma_semaphore, #tpu.memory_space<semaphore_mem>>) src(%dma_wait3A_395 : memref<64x128xf32, #tpu.memory_space<vmem>>) dst(%dma_wait3A_401 : memref<10240x128xf32, #tpu.memory_space<vmem_shared>>)
        %add3A_402 = arith.constant 0 : i32
        %add3A_403 = arith.addi %add3A_284, %add3A_402 : i32
        %add3A_404 = arith.constant 4 : i32
        %add3A_405 = arith.addi %add3A_403, %add3A_404 : i32
        %dma_start3A_406 = arith.constant 0 : i32
        %dma_start3A_407 = arith.constant 0 : i32
        %dma_start3A_408 = arith.constant 0 : i32
        %dma_start3A_409 = tpu.memref_slice %arg8[%dma_start3A_406, %dma_start3A_407, %dma_start3A_408] : memref<4x64x128xf32, #tpu.memory_space<vmem>> -> memref<1x64x128xf32, #tpu.memory_space<vmem>>
        %dma_start3A_410 = tpu.memref_squeeze %dma_start3A_409 : memref<1x64x128xf32, #tpu.memory_space<vmem>> -> memref<64x128xf32, #tpu.memory_space<vmem>>
        %dma_start3A_411 = arith.constant 0 : i32
        %dma_start3A_412 = tpu.memref_slice %arg6[%add3A_405, %dma_start3A_411] : memref<32x64xi32, #tpu.memory_space<vmem>> -> memref<1x64xi32, #tpu.memory_space<vmem>>
        %dma_start3A_413 = tpu.memref_squeeze %dma_start3A_412 : memref<1x64xi32, #tpu.memory_space<vmem>> -> memref<64xi32, #tpu.memory_space<vmem>>
        %dma_start3A_414 = arith.constant 0 : i32
        %dma_start3A_415 = arith.constant 0 : i32
        %dma_start3A_416 = tpu.memref_slice %arg2[%dma_start3A_414, %dma_start3A_415] : memref<10000x128xf32, #tpu.memory_space<hbm>> -> memref<10000x128xf32, #tpu.memory_space<hbm>>
        tpu.enqueue_indirect_dma source(%dma_start3A_416 : memref<10000x128xf32, #tpu.memory_space<hbm>>) target(%dma_start3A_410 : memref<64x128xf32, #tpu.memory_space<vmem>>) offsets(%dma_start3A_413 : memref<64xi32, #tpu.memory_space<vmem>>) semaphore(%arg10 : memref<!tpu.dma_semaphore, #tpu.memory_space<semaphore_mem>>)
        %add3A_417 = arith.constant 1 : i32
        %add3A_418 = arith.addi %add3A_284, %add3A_417 : i32
        %dma_wait3A_419 = arith.constant 1 : i32
        %dma_wait3A_420 = arith.constant 0 : i32
        %dma_wait3A_421 = arith.constant 0 : i32
        %dma_wait3A_422 = tpu.memref_slice %arg8[%dma_wait3A_419, %dma_wait3A_420, %dma_wait3A_421] : memref<4x64x128xf32, #tpu.memory_space<vmem>> -> memref<1x64x128xf32, #tpu.memory_space<vmem>>
        %dma_wait3A_423 = tpu.memref_squeeze %dma_wait3A_422 : memref<1x64x128xf32, #tpu.memory_space<vmem>> -> memref<64x128xf32, #tpu.memory_space<vmem>>
        %dma_wait3A_424 = arith.constant 0 : i32
        %dma_wait3A_425 = tpu.memref_slice %arg7[%add3A_418, %dma_wait3A_424] : memref<32x64xi32, #tpu.memory_space<vmem>> -> memref<1x64xi32, #tpu.memory_space<vmem>>
        %dma_wait3A_426 = tpu.memref_squeeze %dma_wait3A_425 : memref<1x64xi32, #tpu.memory_space<vmem>> -> memref<64xi32, #tpu.memory_space<vmem>>
        %dma_wait3A_427 = arith.constant 0 : i32
        %dma_wait3A_428 = arith.constant 0 : i32
        %dma_wait3A_429 = tpu.memref_slice %arg9[%dma_wait3A_427, %dma_wait3A_428] : memref<10240x128xf32, #tpu.memory_space<vmem_shared>> -> memref<10240x128xf32, #tpu.memory_space<vmem_shared>>
        tpu.wait_indirect_dma semaphore(%arg15 : memref<!tpu.dma_semaphore, #tpu.memory_space<semaphore_mem>>) src(%dma_wait3A_423 : memref<64x128xf32, #tpu.memory_space<vmem>>) dst(%dma_wait3A_429 : memref<10240x128xf32, #tpu.memory_space<vmem_shared>>)
        %add3A_430 = arith.constant 1 : i32
        %add3A_431 = arith.addi %add3A_284, %add3A_430 : i32
        %add3A_432 = arith.constant 4 : i32
        %add3A_433 = arith.addi %add3A_431, %add3A_432 : i32
        %dma_start3A_434 = arith.constant 1 : i32
        %dma_start3A_435 = arith.constant 0 : i32
        %dma_start3A_436 = arith.constant 0 : i32
        %dma_start3A_437 = tpu.memref_slice %arg8[%dma_start3A_434, %dma_start3A_435, %dma_start3A_436] : memref<4x64x128xf32, #tpu.memory_space<vmem>> -> memref<1x64x128xf32, #tpu.memory_space<vmem>>
        %dma_start3A_438 = tpu.memref_squeeze %dma_start3A_437 : memref<1x64x128xf32, #tpu.memory_space<vmem>> -> memref<64x128xf32, #tpu.memory_space<vmem>>
        %dma_start3A_439 = arith.constant 0 : i32
        %dma_start3A_440 = tpu.memref_slice %arg6[%add3A_433, %dma_start3A_439] : memref<32x64xi32, #tpu.memory_space<vmem>> -> memref<1x64xi32, #tpu.memory_space<vmem>>
        %dma_start3A_441 = tpu.memref_squeeze %dma_start3A_440 : memref<1x64xi32, #tpu.memory_space<vmem>> -> memref<64xi32, #tpu.memory_space<vmem>>
        %dma_start3A_442 = arith.constant 0 : i32
        %dma_start3A_443 = arith.constant 0 : i32
        %dma_start3A_444 = tpu.memref_slice %arg2[%dma_start3A_442, %dma_start3A_443] : memref<10000x128xf32, #tpu.memory_space<hbm>> -> memref<10000x128xf32, #tpu.memory_space<hbm>>
        tpu.enqueue_indirect_dma source(%dma_start3A_444 : memref<10000x128xf32, #tpu.memory_space<hbm>>) target(%dma_start3A_438 : memref<64x128xf32, #tpu.memory_space<vmem>>) offsets(%dma_start3A_441 : memref<64xi32, #tpu.memory_space<vmem>>) semaphore(%arg11 : memref<!tpu.dma_semaphore, #tpu.memory_space<semaphore_mem>>)
        %add3A_445 = arith.constant 2 : i32
        %add3A_446 = arith.addi %add3A_284, %add3A_445 : i32
        %dma_wait3A_447 = arith.constant 2 : i32
        %dma_wait3A_448 = arith.constant 0 : i32
        %dma_wait3A_449 = arith.constant 0 : i32
        %dma_wait3A_450 = tpu.memref_slice %arg8[%dma_wait3A_447, %dma_wait3A_448, %dma_wait3A_449] : memref<4x64x128xf32, #tpu.memory_space<vmem>> -> memref<1x64x128xf32, #tpu.memory_space<vmem>>
        %dma_wait3A_451 = tpu.memref_squeeze %dma_wait3A_450 : memref<1x64x128xf32, #tpu.memory_space<vmem>> -> memref<64x128xf32, #tpu.memory_space<vmem>>
        %dma_wait3A_452 = arith.constant 0 : i32
        %dma_wait3A_453 = tpu.memref_slice %arg7[%add3A_446, %dma_wait3A_452] : memref<32x64xi32, #tpu.memory_space<vmem>> -> memref<1x64xi32, #tpu.memory_space<vmem>>
        %dma_wait3A_454 = tpu.memref_squeeze %dma_wait3A_453 : memref<1x64xi32, #tpu.memory_space<vmem>> -> memref<64xi32, #tpu.memory_space<vmem>>
        %dma_wait3A_455 = arith.constant 0 : i32
        %dma_wait3A_456 = arith.constant 0 : i32
        %dma_wait3A_457 = tpu.memref_slice %arg9[%dma_wait3A_455, %dma_wait3A_456] : memref<10240x128xf32, #tpu.memory_space<vmem_shared>> -> memref<10240x128xf32, #tpu.memory_space<vmem_shared>>
        tpu.wait_indirect_dma semaphore(%arg16 : memref<!tpu.dma_semaphore, #tpu.memory_space<semaphore_mem>>) src(%dma_wait3A_451 : memref<64x128xf32, #tpu.memory_space<vmem>>) dst(%dma_wait3A_457 : memref<10240x128xf32, #tpu.memory_space<vmem_shared>>)
        %add3A_458 = arith.constant 2 : i32
        %add3A_459 = arith.addi %add3A_284, %add3A_458 : i32
        %add3A_460 = arith.constant 4 : i32
        %add3A_461 = arith.addi %add3A_459, %add3A_460 : i32
        %dma_start3A_462 = arith.constant 2 : i32
        %dma_start3A_463 = arith.constant 0 : i32
        %dma_start3A_464 = arith.constant 0 : i32
        %dma_start3A_465 = tpu.memref_slice %arg8[%dma_start3A_462, %dma_start3A_463, %dma_start3A_464] : memref<4x64x128xf32, #tpu.memory_space<vmem>> -> memref<1x64x128xf32, #tpu.memory_space<vmem>>
        %dma_start3A_466 = tpu.memref_squeeze %dma_start3A_465 : memref<1x64x128xf32, #tpu.memory_space<vmem>> -> memref<64x128xf32, #tpu.memory_space<vmem>>
        %dma_start3A_467 = arith.constant 0 : i32
        %dma_start3A_468 = tpu.memref_slice %arg6[%add3A_461, %dma_start3A_467] : memref<32x64xi32, #tpu.memory_space<vmem>> -> memref<1x64xi32, #tpu.memory_space<vmem>>
        %dma_start3A_469 = tpu.memref_squeeze %dma_start3A_468 : memref<1x64xi32, #tpu.memory_space<vmem>> -> memref<64xi32, #tpu.memory_space<vmem>>
        %dma_start3A_470 = arith.constant 0 : i32
        %dma_start3A_471 = arith.constant 0 : i32
        %dma_start3A_472 = tpu.memref_slice %arg2[%dma_start3A_470, %dma_start3A_471] : memref<10000x128xf32, #tpu.memory_space<hbm>> -> memref<10000x128xf32, #tpu.memory_space<hbm>>
        tpu.enqueue_indirect_dma source(%dma_start3A_472 : memref<10000x128xf32, #tpu.memory_space<hbm>>) target(%dma_start3A_466 : memref<64x128xf32, #tpu.memory_space<vmem>>) offsets(%dma_start3A_469 : memref<64xi32, #tpu.memory_space<vmem>>) semaphore(%arg12 : memref<!tpu.dma_semaphore, #tpu.memory_space<semaphore_mem>>)
        %add3A_473 = arith.constant 3 : i32
        %add3A_474 = arith.addi %add3A_284, %add3A_473 : i32
        %dma_wait3A_475 = arith.constant 3 : i32
        %dma_wait3A_476 = arith.constant 0 : i32
        %dma_wait3A_477 = arith.constant 0 : i32
        %dma_wait3A_478 = tpu.memref_slice %arg8[%dma_wait3A_475, %dma_wait3A_476, %dma_wait3A_477] : memref<4x64x128xf32, #tpu.memory_space<vmem>> -> memref<1x64x128xf32, #tpu.memory_space<vmem>>
        %dma_wait3A_479 = tpu.memref_squeeze %dma_wait3A_478 : memref<1x64x128xf32, #tpu.memory_space<vmem>> -> memref<64x128xf32, #tpu.memory_space<vmem>>
        %dma_wait3A_480 = arith.constant 0 : i32
        %dma_wait3A_481 = tpu.memref_slice %arg7[%add3A_474, %dma_wait3A_480] : memref<32x64xi32, #tpu.memory_space<vmem>> -> memref<1x64xi32, #tpu.memory_space<vmem>>
        %dma_wait3A_482 = tpu.memref_squeeze %dma_wait3A_481 : memref<1x64xi32, #tpu.memory_space<vmem>> -> memref<64xi32, #tpu.memory_space<vmem>>
        %dma_wait3A_483 = arith.constant 0 : i32
        %dma_wait3A_484 = arith.constant 0 : i32
        %dma_wait3A_485 = tpu.memref_slice %arg9[%dma_wait3A_483, %dma_wait3A_484] : memref<10240x128xf32, #tpu.memory_space<vmem_shared>> -> memref<10240x128xf32, #tpu.memory_space<vmem_shared>>
        tpu.wait_indirect_dma semaphore(%arg17 : memref<!tpu.dma_semaphore, #tpu.memory_space<semaphore_mem>>) src(%dma_wait3A_479 : memref<64x128xf32, #tpu.memory_space<vmem>>) dst(%dma_wait3A_485 : memref<10240x128xf32, #tpu.memory_space<vmem_shared>>)
        %add3A_486 = arith.constant 3 : i32
        %add3A_487 = arith.addi %add3A_284, %add3A_486 : i32
        %add3A_488 = arith.constant 4 : i32
        %add3A_489 = arith.addi %add3A_487, %add3A_488 : i32
        %dma_start3A_490 = arith.constant 3 : i32
        %dma_start3A_491 = arith.constant 0 : i32
        %dma_start3A_492 = arith.constant 0 : i32
        %dma_start3A_493 = tpu.memref_slice %arg8[%dma_start3A_490, %dma_start3A_491, %dma_start3A_492] : memref<4x64x128xf32, #tpu.memory_space<vmem>> -> memref<1x64x128xf32, #tpu.memory_space<vmem>>
        %dma_start3A_494 = tpu.memref_squeeze %dma_start3A_493 : memref<1x64x128xf32, #tpu.memory_space<vmem>> -> memref<64x128xf32, #tpu.memory_space<vmem>>
        %dma_start3A_495 = arith.constant 0 : i32
        %dma_start3A_496 = tpu.memref_slice %arg6[%add3A_489, %dma_start3A_495] : memref<32x64xi32, #tpu.memory_space<vmem>> -> memref<1x64xi32, #tpu.memory_space<vmem>>
        %dma_start3A_497 = tpu.memref_squeeze %dma_start3A_496 : memref<1x64xi32, #tpu.memory_space<vmem>> -> memref<64xi32, #tpu.memory_space<vmem>>
        %dma_start3A_498 = arith.constant 0 : i32
        %dma_start3A_499 = arith.constant 0 : i32
        %dma_start3A_500 = tpu.memref_slice %arg2[%dma_start3A_498, %dma_start3A_499] : memref<10000x128xf32, #tpu.memory_space<hbm>> -> memref<10000x128xf32, #tpu.memory_space<hbm>>
        tpu.enqueue_indirect_dma source(%dma_start3A_500 : memref<10000x128xf32, #tpu.memory_space<hbm>>) target(%dma_start3A_494 : memref<64x128xf32, #tpu.memory_space<vmem>>) offsets(%dma_start3A_497 : memref<64xi32, #tpu.memory_space<vmem>>) semaphore(%arg13 : memref<!tpu.dma_semaphore, #tpu.memory_space<semaphore_mem>>)
      }
      %scan3A_136 = arith.constant 7 : i32
      %dma_wait3A = arith.constant 28 : i32
      %dma_wait3A_137 = arith.constant 0 : i32
      %dma_wait3A_138 = arith.constant 0 : i32
      %dma_wait3A_139 = arith.constant 0 : i32
      %dma_wait3A_140 = tpu.memref_slice %arg8[%dma_wait3A_137, %dma_wait3A_138, %dma_wait3A_139] : memref<4x64x128xf32, #tpu.memory_space<vmem>> -> memref<1x64x128xf32, #tpu.memory_space<vmem>>
      %dma_wait3A_141 = tpu.memref_squeeze %dma_wait3A_140 : memref<1x64x128xf32, #tpu.memory_space<vmem>> -> memref<64x128xf32, #tpu.memory_space<vmem>>
      %dma_wait3A_142 = arith.constant 0 : i32
      %dma_wait3A_143 = tpu.memref_slice %arg6[%dma_wait3A, %dma_wait3A_142] : memref<32x64xi32, #tpu.memory_space<vmem>> -> memref<1x64xi32, #tpu.memory_space<vmem>>
      %dma_wait3A_144 = tpu.memref_squeeze %dma_wait3A_143 : memref<1x64xi32, #tpu.memory_space<vmem>> -> memref<64xi32, #tpu.memory_space<vmem>>
      %dma_wait3A_145 = arith.constant 0 : i32
      %dma_wait3A_146 = arith.constant 0 : i32
      %dma_wait3A_147 = tpu.memref_slice %arg2[%dma_wait3A_145, %dma_wait3A_146] : memref<10000x128xf32, #tpu.memory_space<hbm>> -> memref<10000x128xf32, #tpu.memory_space<hbm>>
      tpu.wait_indirect_dma semaphore(%arg10 : memref<!tpu.dma_semaphore, #tpu.memory_space<semaphore_mem>>) src(%dma_wait3A_147 : memref<10000x128xf32, #tpu.memory_space<hbm>>) dst(%dma_wait3A_141 : memref<64x128xf32, #tpu.memory_space<vmem>>)
      %dma_start3A_148 = arith.constant 0 : i32
      %dma_start3A_149 = arith.constant 28 : i32
      %dma_start3A_150 = arith.constant 0 : i32
      %dma_start3A_151 = arith.constant 0 : i32
      %dma_start3A_152 = tpu.memref_slice %arg8[%dma_start3A_148, %dma_start3A_150, %dma_start3A_151] : memref<4x64x128xf32, #tpu.memory_space<vmem>> -> memref<1x64x128xf32, #tpu.memory_space<vmem>>
      %dma_start3A_153 = tpu.memref_squeeze %dma_start3A_152 : memref<1x64x128xf32, #tpu.memory_space<vmem>> -> memref<64x128xf32, #tpu.memory_space<vmem>>
      %dma_start3A_154 = arith.constant 0 : i32
      %dma_start3A_155 = tpu.memref_slice %arg7[%dma_start3A_149, %dma_start3A_154] : memref<32x64xi32, #tpu.memory_space<vmem>> -> memref<1x64xi32, #tpu.memory_space<vmem>>
      %dma_start3A_156 = tpu.memref_squeeze %dma_start3A_155 : memref<1x64xi32, #tpu.memory_space<vmem>> -> memref<64xi32, #tpu.memory_space<vmem>>
      %dma_start3A_157 = arith.constant 0 : i32
      %dma_start3A_158 = arith.constant 0 : i32
      %dma_start3A_159 = tpu.memref_slice %arg9[%dma_start3A_157, %dma_start3A_158] : memref<10240x128xf32, #tpu.memory_space<vmem_shared>> -> memref<10240x128xf32, #tpu.memory_space<vmem_shared>>
      tpu.enqueue_indirect_dma source(%dma_start3A_153 : memref<64x128xf32, #tpu.memory_space<vmem>>) target(%dma_start3A_159 : memref<10240x128xf32, #tpu.memory_space<vmem_shared>>) offsets(%dma_start3A_156 : memref<64xi32, #tpu.memory_space<vmem>>) semaphore(%arg14 : memref<!tpu.dma_semaphore, #tpu.memory_space<semaphore_mem>>) {add = true}
      %dma_wait3A_160 = arith.constant 29 : i32
      %dma_wait3A_161 = arith.constant 1 : i32
      %dma_wait3A_162 = arith.constant 0 : i32
      %dma_wait3A_163 = arith.constant 0 : i32
      %dma_wait3A_164 = tpu.memref_slice %arg8[%dma_wait3A_161, %dma_wait3A_162, %dma_wait3A_163] : memref<4x64x128xf32, #tpu.memory_space<vmem>> -> memref<1x64x128xf32, #tpu.memory_space<vmem>>
      %dma_wait3A_165 = tpu.memref_squeeze %dma_wait3A_164 : memref<1x64x128xf32, #tpu.memory_space<vmem>> -> memref<64x128xf32, #tpu.memory_space<vmem>>
      %dma_wait3A_166 = arith.constant 0 : i32
      %dma_wait3A_167 = tpu.memref_slice %arg6[%dma_wait3A_160, %dma_wait3A_166] : memref<32x64xi32, #tpu.memory_space<vmem>> -> memref<1x64xi32, #tpu.memory_space<vmem>>
      %dma_wait3A_168 = tpu.memref_squeeze %dma_wait3A_167 : memref<1x64xi32, #tpu.memory_space<vmem>> -> memref<64xi32, #tpu.memory_space<vmem>>
      %dma_wait3A_169 = arith.constant 0 : i32
      %dma_wait3A_170 = arith.constant 0 : i32
      %dma_wait3A_171 = tpu.memref_slice %arg2[%dma_wait3A_169, %dma_wait3A_170] : memref<10000x128xf32, #tpu.memory_space<hbm>> -> memref<10000x128xf32, #tpu.memory_space<hbm>>
      tpu.wait_indirect_dma semaphore(%arg11 : memref<!tpu.dma_semaphore, #tpu.memory_space<semaphore_mem>>) src(%dma_wait3A_171 : memref<10000x128xf32, #tpu.memory_space<hbm>>) dst(%dma_wait3A_165 : memref<64x128xf32, #tpu.memory_space<vmem>>)
      %dma_start3A_172 = arith.constant 1 : i32
      %dma_start3A_173 = arith.constant 29 : i32
      %dma_start3A_174 = arith.constant 0 : i32
      %dma_start3A_175 = arith.constant 0 : i32
      %dma_start3A_176 = tpu.memref_slice %arg8[%dma_start3A_172, %dma_start3A_174, %dma_start3A_175] : memref<4x64x128xf32, #tpu.memory_space<vmem>> -> memref<1x64x128xf32, #tpu.memory_space<vmem>>
      %dma_start3A_177 = tpu.memref_squeeze %dma_start3A_176 : memref<1x64x128xf32, #tpu.memory_space<vmem>> -> memref<64x128xf32, #tpu.memory_space<vmem>>
      %dma_start3A_178 = arith.constant 0 : i32
      %dma_start3A_179 = tpu.memref_slice %arg7[%dma_start3A_173, %dma_start3A_178] : memref<32x64xi32, #tpu.memory_space<vmem>> -> memref<1x64xi32, #tpu.memory_space<vmem>>
      %dma_start3A_180 = tpu.memref_squeeze %dma_start3A_179 : memref<1x64xi32, #tpu.memory_space<vmem>> -> memref<64xi32, #tpu.memory_space<vmem>>
      %dma_start3A_181 = arith.constant 0 : i32
      %dma_start3A_182 = arith.constant 0 : i32
      %dma_start3A_183 = tpu.memref_slice %arg9[%dma_start3A_181, %dma_start3A_182] : memref<10240x128xf32, #tpu.memory_space<vmem_shared>> -> memref<10240x128xf32, #tpu.memory_space<vmem_shared>>
      tpu.enqueue_indirect_dma source(%dma_start3A_177 : memref<64x128xf32, #tpu.memory_space<vmem>>) target(%dma_start3A_183 : memref<10240x128xf32, #tpu.memory_space<vmem_shared>>) offsets(%dma_start3A_180 : memref<64xi32, #tpu.memory_space<vmem>>) semaphore(%arg15 : memref<!tpu.dma_semaphore, #tpu.memory_space<semaphore_mem>>) {add = true}
      %dma_wait3A_184 = arith.constant 30 : i32
      %dma_wait3A_185 = arith.constant 2 : i32
      %dma_wait3A_186 = arith.constant 0 : i32
      %dma_wait3A_187 = arith.constant 0 : i32
      %dma_wait3A_188 = tpu.memref_slice %arg8[%dma_wait3A_185, %dma_wait3A_186, %dma_wait3A_187] : memref<4x64x128xf32, #tpu.memory_space<vmem>> -> memref<1x64x128xf32, #tpu.memory_space<vmem>>
      %dma_wait3A_189 = tpu.memref_squeeze %dma_wait3A_188 : memref<1x64x128xf32, #tpu.memory_space<vmem>> -> memref<64x128xf32, #tpu.memory_space<vmem>>
      %dma_wait3A_190 = arith.constant 0 : i32
      %dma_wait3A_191 = tpu.memref_slice %arg6[%dma_wait3A_184, %dma_wait3A_190] : memref<32x64xi32, #tpu.memory_space<vmem>> -> memref<1x64xi32, #tpu.memory_space<vmem>>
      %dma_wait3A_192 = tpu.memref_squeeze %dma_wait3A_191 : memref<1x64xi32, #tpu.memory_space<vmem>> -> memref<64xi32, #tpu.memory_space<vmem>>
      %dma_wait3A_193 = arith.constant 0 : i32
      %dma_wait3A_194 = arith.constant 0 : i32
      %dma_wait3A_195 = tpu.memref_slice %arg2[%dma_wait3A_193, %dma_wait3A_194] : memref<10000x128xf32, #tpu.memory_space<hbm>> -> memref<10000x128xf32, #tpu.memory_space<hbm>>
      tpu.wait_indirect_dma semaphore(%arg12 : memref<!tpu.dma_semaphore, #tpu.memory_space<semaphore_mem>>) src(%dma_wait3A_195 : memref<10000x128xf32, #tpu.memory_space<hbm>>) dst(%dma_wait3A_189 : memref<64x128xf32, #tpu.memory_space<vmem>>)
      %dma_start3A_196 = arith.constant 2 : i32
      %dma_start3A_197 = arith.constant 30 : i32
      %dma_start3A_198 = arith.constant 0 : i32
      %dma_start3A_199 = arith.constant 0 : i32
      %dma_start3A_200 = tpu.memref_slice %arg8[%dma_start3A_196, %dma_start3A_198, %dma_start3A_199] : memref<4x64x128xf32, #tpu.memory_space<vmem>> -> memref<1x64x128xf32, #tpu.memory_space<vmem>>
      %dma_start3A_201 = tpu.memref_squeeze %dma_start3A_200 : memref<1x64x128xf32, #tpu.memory_space<vmem>> -> memref<64x128xf32, #tpu.memory_space<vmem>>
      %dma_start3A_202 = arith.constant 0 : i32
      %dma_start3A_203 = tpu.memref_slice %arg7[%dma_start3A_197, %dma_start3A_202] : memref<32x64xi32, #tpu.memory_space<vmem>> -> memref<1x64xi32, #tpu.memory_space<vmem>>
      %dma_start3A_204 = tpu.memref_squeeze %dma_start3A_203 : memref<1x64xi32, #tpu.memory_space<vmem>> -> memref<64xi32, #tpu.memory_space<vmem>>
      %dma_start3A_205 = arith.constant 0 : i32
      %dma_start3A_206 = arith.constant 0 : i32
      %dma_start3A_207 = tpu.memref_slice %arg9[%dma_start3A_205, %dma_start3A_206] : memref<10240x128xf32, #tpu.memory_space<vmem_shared>> -> memref<10240x128xf32, #tpu.memory_space<vmem_shared>>
      tpu.enqueue_indirect_dma source(%dma_start3A_201 : memref<64x128xf32, #tpu.memory_space<vmem>>) target(%dma_start3A_207 : memref<10240x128xf32, #tpu.memory_space<vmem_shared>>) offsets(%dma_start3A_204 : memref<64xi32, #tpu.memory_space<vmem>>) semaphore(%arg16 : memref<!tpu.dma_semaphore, #tpu.memory_space<semaphore_mem>>) {add = true}
      %dma_wait3A_208 = arith.constant 31 : i32
      %dma_wait3A_209 = arith.constant 3 : i32
      %dma_wait3A_210 = arith.constant 0 : i32
      %dma_wait3A_211 = arith.constant 0 : i32
      %dma_wait3A_212 = tpu.memref_slice %arg8[%dma_wait3A_209, %dma_wait3A_210, %dma_wait3A_211] : memref<4x64x128xf32, #tpu.memory_space<vmem>> -> memref<1x64x128xf32, #tpu.memory_space<vmem>>
      %dma_wait3A_213 = tpu.memref_squeeze %dma_wait3A_212 : memref<1x64x128xf32, #tpu.memory_space<vmem>> -> memref<64x128xf32, #tpu.memory_space<vmem>>
      %dma_wait3A_214 = arith.constant 0 : i32
      %dma_wait3A_215 = tpu.memref_slice %arg6[%dma_wait3A_208, %dma_wait3A_214] : memref<32x64xi32, #tpu.memory_space<vmem>> -> memref<1x64xi32, #tpu.memory_space<vmem>>
      %dma_wait3A_216 = tpu.memref_squeeze %dma_wait3A_215 : memref<1x64xi32, #tpu.memory_space<vmem>> -> memref<64xi32, #tpu.memory_space<vmem>>
      %dma_wait3A_217 = arith.constant 0 : i32
      %dma_wait3A_218 = arith.constant 0 : i32
      %dma_wait3A_219 = tpu.memref_slice %arg2[%dma_wait3A_217, %dma_wait3A_218] : memref<10000x128xf32, #tpu.memory_space<hbm>> -> memref<10000x128xf32, #tpu.memory_space<hbm>>
      tpu.wait_indirect_dma semaphore(%arg13 : memref<!tpu.dma_semaphore, #tpu.memory_space<semaphore_mem>>) src(%dma_wait3A_219 : memref<10000x128xf32, #tpu.memory_space<hbm>>) dst(%dma_wait3A_213 : memref<64x128xf32, #tpu.memory_space<vmem>>)
      %dma_start3A_220 = arith.constant 3 : i32
      %dma_start3A_221 = arith.constant 31 : i32
      %dma_start3A_222 = arith.constant 0 : i32
      %dma_start3A_223 = arith.constant 0 : i32
      %dma_start3A_224 = tpu.memref_slice %arg8[%dma_start3A_220, %dma_start3A_222, %dma_start3A_223] : memref<4x64x128xf32, #tpu.memory_space<vmem>> -> memref<1x64x128xf32, #tpu.memory_space<vmem>>
      %dma_start3A_225 = tpu.memref_squeeze %dma_start3A_224 : memref<1x64x128xf32, #tpu.memory_space<vmem>> -> memref<64x128xf32, #tpu.memory_space<vmem>>
      %dma_start3A_226 = arith.constant 0 : i32
      %dma_start3A_227 = tpu.memref_slice %arg7[%dma_start3A_221, %dma_start3A_226] : memref<32x64xi32, #tpu.memory_space<vmem>> -> memref<1x64xi32, #tpu.memory_space<vmem>>
      %dma_start3A_228 = tpu.memref_squeeze %dma_start3A_227 : memref<1x64xi32, #tpu.memory_space<vmem>> -> memref<64xi32, #tpu.memory_space<vmem>>
      %dma_start3A_229 = arith.constant 0 : i32
      %dma_start3A_230 = arith.constant 0 : i32
      %dma_start3A_231 = tpu.memref_slice %arg9[%dma_start3A_229, %dma_start3A_230] : memref<10240x128xf32, #tpu.memory_space<vmem_shared>> -> memref<10240x128xf32, #tpu.memory_space<vmem_shared>>
      tpu.enqueue_indirect_dma source(%dma_start3A_225 : memref<64x128xf32, #tpu.memory_space<vmem>>) target(%dma_start3A_231 : memref<10240x128xf32, #tpu.memory_space<vmem_shared>>) offsets(%dma_start3A_228 : memref<64xi32, #tpu.memory_space<vmem>>) semaphore(%arg17 : memref<!tpu.dma_semaphore, #tpu.memory_space<semaphore_mem>>) {add = true}
      %dma_wait3A_232 = arith.constant 0 : i32
      %dma_wait3A_233 = arith.constant 28 : i32
      %dma_wait3A_234 = arith.constant 0 : i32
      %dma_wait3A_235 = arith.constant 0 : i32
      %dma_wait3A_236 = tpu.memref_slice %arg8[%dma_wait3A_232, %dma_wait3A_234, %dma_wait3A_235] : memref<4x64x128xf32, #tpu.memory_space<vmem>> -> memref<1x64x128xf32, #tpu.memory_space<vmem>>
      %dma_wait3A_237 = tpu.memref_squeeze %dma_wait3A_236 : memref<1x64x128xf32, #tpu.memory_space<vmem>> -> memref<64x128xf32, #tpu.memory_space<vmem>>
      %dma_wait3A_238 = arith.constant 0 : i32
      %dma_wait3A_239 = tpu.memref_slice %arg7[%dma_wait3A_233, %dma_wait3A_238] : memref<32x64xi32, #tpu.memory_space<vmem>> -> memref<1x64xi32, #tpu.memory_space<vmem>>
      %dma_wait3A_240 = tpu.memref_squeeze %dma_wait3A_239 : memref<1x64xi32, #tpu.memory_space<vmem>> -> memref<64xi32, #tpu.memory_space<vmem>>
      %dma_wait3A_241 = arith.constant 0 : i32
      %dma_wait3A_242 = arith.constant 0 : i32
      %dma_wait3A_243 = tpu.memref_slice %arg9[%dma_wait3A_241, %dma_wait3A_242] : memref<10240x128xf32, #tpu.memory_space<vmem_shared>> -> memref<10240x128xf32, #tpu.memory_space<vmem_shared>>
      tpu.wait_indirect_dma semaphore(%arg14 : memref<!tpu.dma_semaphore, #tpu.memory_space<semaphore_mem>>) src(%dma_wait3A_237 : memref<64x128xf32, #tpu.memory_space<vmem>>) dst(%dma_wait3A_243 : memref<10240x128xf32, #tpu.memory_space<vmem_shared>>)
      %dma_wait3A_244 = arith.constant 1 : i32
      %dma_wait3A_245 = arith.constant 29 : i32
      %dma_wait3A_246 = arith.constant 0 : i32
      %dma_wait3A_247 = arith.constant 0 : i32
      %dma_wait3A_248 = tpu.memref_slice %arg8[%dma_wait3A_244, %dma_wait3A_246, %dma_wait3A_247] : memref<4x64x128xf32, #tpu.memory_space<vmem>> -> memref<1x64x128xf32, #tpu.memory_space<vmem>>
      %dma_wait3A_249 = tpu.memref_squeeze %dma_wait3A_248 : memref<1x64x128xf32, #tpu.memory_space<vmem>> -> memref<64x128xf32, #tpu.memory_space<vmem>>
      %dma_wait3A_250 = arith.constant 0 : i32
      %dma_wait3A_251 = tpu.memref_slice %arg7[%dma_wait3A_245, %dma_wait3A_250] : memref<32x64xi32, #tpu.memory_space<vmem>> -> memref<1x64xi32, #tpu.memory_space<vmem>>
      %dma_wait3A_252 = tpu.memref_squeeze %dma_wait3A_251 : memref<1x64xi32, #tpu.memory_space<vmem>> -> memref<64xi32, #tpu.memory_space<vmem>>
      %dma_wait3A_253 = arith.constant 0 : i32
      %dma_wait3A_254 = arith.constant 0 : i32
      %dma_wait3A_255 = tpu.memref_slice %arg9[%dma_wait3A_253, %dma_wait3A_254] : memref<10240x128xf32, #tpu.memory_space<vmem_shared>> -> memref<10240x128xf32, #tpu.memory_space<vmem_shared>>
      tpu.wait_indirect_dma semaphore(%arg15 : memref<!tpu.dma_semaphore, #tpu.memory_space<semaphore_mem>>) src(%dma_wait3A_249 : memref<64x128xf32, #tpu.memory_space<vmem>>) dst(%dma_wait3A_255 : memref<10240x128xf32, #tpu.memory_space<vmem_shared>>)
      %dma_wait3A_256 = arith.constant 2 : i32
      %dma_wait3A_257 = arith.constant 30 : i32
      %dma_wait3A_258 = arith.constant 0 : i32
      %dma_wait3A_259 = arith.constant 0 : i32
      %dma_wait3A_260 = tpu.memref_slice %arg8[%dma_wait3A_256, %dma_wait3A_258, %dma_wait3A_259] : memref<4x64x128xf32, #tpu.memory_space<vmem>> -> memref<1x64x128xf32, #tpu.memory_space<vmem>>
      %dma_wait3A_261 = tpu.memref_squeeze %dma_wait3A_260 : memref<1x64x128xf32, #tpu.memory_space<vmem>> -> memref<64x128xf32, #tpu.memory_space<vmem>>
      %dma_wait3A_262 = arith.constant 0 : i32
      %dma_wait3A_263 = tpu.memref_slice %arg7[%dma_wait3A_257, %dma_wait3A_262] : memref<32x64xi32, #tpu.memory_space<vmem>> -> memref<1x64xi32, #tpu.memory_space<vmem>>
      %dma_wait3A_264 = tpu.memref_squeeze %dma_wait3A_263 : memref<1x64xi32, #tpu.memory_space<vmem>> -> memref<64xi32, #tpu.memory_space<vmem>>
      %dma_wait3A_265 = arith.constant 0 : i32
      %dma_wait3A_266 = arith.constant 0 : i32
      %dma_wait3A_267 = tpu.memref_slice %arg9[%dma_wait3A_265, %dma_wait3A_266] : memref<10240x128xf32, #tpu.memory_space<vmem_shared>> -> memref<10240x128xf32, #tpu.memory_space<vmem_shared>>
      tpu.wait_indirect_dma semaphore(%arg16 : memref<!tpu.dma_semaphore, #tpu.memory_space<semaphore_mem>>) src(%dma_wait3A_261 : memref<64x128xf32, #tpu.memory_space<vmem>>) dst(%dma_wait3A_267 : memref<10240x128xf32, #tpu.memory_space<vmem_shared>>)
      %dma_wait3A_268 = arith.constant 3 : i32
      %dma_wait3A_269 = arith.constant 31 : i32
      %dma_wait3A_270 = arith.constant 0 : i32
      %dma_wait3A_271 = arith.constant 0 : i32
      %dma_wait3A_272 = tpu.memref_slice %arg8[%dma_wait3A_268, %dma_wait3A_270, %dma_wait3A_271] : memref<4x64x128xf32, #tpu.memory_space<vmem>> -> memref<1x64x128xf32, #tpu.memory_space<vmem>>
      %dma_wait3A_273 = tpu.memref_squeeze %dma_wait3A_272 : memref<1x64x128xf32, #tpu.memory_space<vmem>> -> memref<64x128xf32, #tpu.memory_space<vmem>>
      %dma_wait3A_274 = arith.constant 0 : i32
      %dma_wait3A_275 = tpu.memref_slice %arg7[%dma_wait3A_269, %dma_wait3A_274] : memref<32x64xi32, #tpu.memory_space<vmem>> -> memref<1x64xi32, #tpu.memory_space<vmem>>
      %dma_wait3A_276 = tpu.memref_squeeze %dma_wait3A_275 : memref<1x64xi32, #tpu.memory_space<vmem>> -> memref<64xi32, #tpu.memory_space<vmem>>
      %dma_wait3A_277 = arith.constant 0 : i32
      %dma_wait3A_278 = arith.constant 0 : i32
      %dma_wait3A_279 = tpu.memref_slice %arg9[%dma_wait3A_277, %dma_wait3A_278] : memref<10240x128xf32, #tpu.memory_space<vmem_shared>> -> memref<10240x128xf32, #tpu.memory_space<vmem_shared>>
      tpu.wait_indirect_dma semaphore(%arg17 : memref<!tpu.dma_semaphore, #tpu.memory_space<semaphore_mem>>) src(%dma_wait3A_273 : memref<64x128xf32, #tpu.memory_space<vmem>>) dst(%dma_wait3A_279 : memref<10240x128xf32, #tpu.memory_space<vmem_shared>>)
    }
    %while3A_72 = arith.constant 1 : i32
    scf.for %while3A_78 = %while3A_70 to %while3A_66 step %while3A_72  : i32 {
      %mul3A_79 = arith.muli %while3A_78, %while3A : i32
      %add3A_80 = arith.addi %while3A_63, %mul3A_79 : i32
      %mul3A_81 = arith.constant 32 : i32
      %mul3A_82 = arith.muli %add3A_80, %mul3A_81 : i32
      "tpu.region"() ({
        %run_scoped3A_280 = tpu.sem_alloc : memref<!tpu.dma_semaphore, #tpu.memory_space<semaphore_mem>>
        %dma_start3A_281 = arith.constant 0 : i32
        %dma_start3A_282 = tpu.memref_slice %arg3[%add3A, %mul3A_82, %dma_start3A_281] : memref<32x288x64xi32, #tpu.memory_space<hbm>> -> memref<1x32x64xi32, #tpu.memory_space<hbm>>
        %dma_start3A_283 = tpu.memref_squeeze %dma_start3A_282 : memref<1x32x64xi32, #tpu.memory_space<hbm>> -> memref<32x64xi32, #tpu.memory_space<hbm>>
        %dma_start3A_284 = arith.constant 0 : i32
        %dma_start3A_285 = tpu.memref_slice %arg3[%add3A, %mul3A_82, %dma_start3A_284] : memref<32x288x64xi32, #tpu.memory_space<hbm>> -> memref<1x32x64xi32, #tpu.memory_space<hbm>>
        %dma_start3A_286 = tpu.memref_squeeze %dma_start3A_285 : memref<1x32x64xi32, #tpu.memory_space<hbm>> -> memref<32x64xi32, #tpu.memory_space<hbm>>
        tpu.enqueue_dma source(%dma_start3A_286 : memref<32x64xi32, #tpu.memory_space<hbm>>) target(%arg6 : memref<32x64xi32, #tpu.memory_space<vmem>>) target_semaphore(%run_scoped3A_280 : memref<!tpu.dma_semaphore, #tpu.memory_space<semaphore_mem>>)
        %dma_wait3A_287 = arith.constant 0 : i32
        %dma_wait3A_288 = tpu.memref_slice %arg3[%add3A, %mul3A_82, %dma_wait3A_287] : memref<32x288x64xi32, #tpu.memory_space<hbm>> -> memref<1x32x64xi32, #tpu.memory_space<hbm>>
        %dma_wait3A_289 = tpu.memref_squeeze %dma_wait3A_288 : memref<1x32x64xi32, #tpu.memory_space<hbm>> -> memref<32x64xi32, #tpu.memory_space<hbm>>
        %dma_wait3A_290 = arith.constant 0 : i32
        %dma_wait3A_291 = tpu.memref_slice %arg3[%add3A, %mul3A_82, %dma_wait3A_290] : memref<32x288x64xi32, #tpu.memory_space<hbm>> -> memref<1x32x64xi32, #tpu.memory_space<hbm>>
        %dma_wait3A_292 = tpu.memref_squeeze %dma_wait3A_291 : memref<1x32x64xi32, #tpu.memory_space<hbm>> -> memref<32x64xi32, #tpu.memory_space<hbm>>
        tpu.wait_dma2 semaphore(%run_scoped3A_280 : memref<!tpu.dma_semaphore, #tpu.memory_space<semaphore_mem>>) src(%dma_wait3A_292 : memref<32x64xi32, #tpu.memory_space<hbm>>) dst(%arg6 : memref<32x64xi32, #tpu.memory_space<vmem>>)
        tpu.yield
      }) : () -> ()
      %mul3A_83 = arith.constant 32 : i32
      %mul3A_84 = arith.muli %add3A_80, %mul3A_83 : i32
      "tpu.region"() ({
        %run_scoped3A_280 = tpu.sem_alloc : memref<!tpu.dma_semaphore, #tpu.memory_space<semaphore_mem>>
        %dma_start3A_281 = arith.constant 0 : i32
        %dma_start3A_282 = tpu.memref_slice %arg4[%add3A, %mul3A_84, %dma_start3A_281] : memref<32x288x64xi32, #tpu.memory_space<hbm>> -> memref<1x32x64xi32, #tpu.memory_space<hbm>>
        %dma_start3A_283 = tpu.memref_squeeze %dma_start3A_282 : memref<1x32x64xi32, #tpu.memory_space<hbm>> -> memref<32x64xi32, #tpu.memory_space<hbm>>
        %dma_start3A_284 = arith.constant 0 : i32
        %dma_start3A_285 = tpu.memref_slice %arg4[%add3A, %mul3A_84, %dma_start3A_284] : memref<32x288x64xi32, #tpu.memory_space<hbm>> -> memref<1x32x64xi32, #tpu.memory_space<hbm>>
        %dma_start3A_286 = tpu.memref_squeeze %dma_start3A_285 : memref<1x32x64xi32, #tpu.memory_space<hbm>> -> memref<32x64xi32, #tpu.memory_space<hbm>>
        tpu.enqueue_dma source(%dma_start3A_286 : memref<32x64xi32, #tpu.memory_space<hbm>>) target(%arg7 : memref<32x64xi32, #tpu.memory_space<vmem>>) target_semaphore(%run_scoped3A_280 : memref<!tpu.dma_semaphore, #tpu.memory_space<semaphore_mem>>)
        %dma_wait3A_287 = arith.constant 0 : i32
        %dma_wait3A_288 = tpu.memref_slice %arg4[%add3A, %mul3A_84, %dma_wait3A_287] : memref<32x288x64xi32, #tpu.memory_space<hbm>> -> memref<1x32x64xi32, #tpu.memory_space<hbm>>
        %dma_wait3A_289 = tpu.memref_squeeze %dma_wait3A_288 : memref<1x32x64xi32, #tpu.memory_space<hbm>> -> memref<32x64xi32, #tpu.memory_space<hbm>>
        %dma_wait3A_290 = arith.constant 0 : i32
        %dma_wait3A_291 = tpu.memref_slice %arg4[%add3A, %mul3A_84, %dma_wait3A_290] : memref<32x288x64xi32, #tpu.memory_space<hbm>> -> memref<1x32x64xi32, #tpu.memory_space<hbm>>
        %dma_wait3A_292 = tpu.memref_squeeze %dma_wait3A_291 : memref<1x32x64xi32, #tpu.memory_space<hbm>> -> memref<32x64xi32, #tpu.memory_space<hbm>>
        tpu.wait_dma2 semaphore(%run_scoped3A_280 : memref<!tpu.dma_semaphore, #tpu.memory_space<semaphore_mem>>) src(%dma_wait3A_292 : memref<32x64xi32, #tpu.memory_space<hbm>>) dst(%arg7 : memref<32x64xi32, #tpu.memory_space<vmem>>)
        tpu.yield
      }) : () -> ()
      %dma_start3A = arith.constant 0 : i32
      %dma_start3A_85 = arith.constant 0 : i32
      %dma_start3A_86 = arith.constant 0 : i32
      %dma_start3A_87 = arith.constant 0 : i32
      %dma_start3A_88 = tpu.memref_slice %arg8[%dma_start3A_85, %dma_start3A_86, %dma_start3A_87] : memref<4x64x128xf32, #tpu.memory_space<vmem>> -> memref<1x64x128xf32, #tpu.memory_space<vmem>>
      %dma_start3A_89 = tpu.memref_squeeze %dma_start3A_88 : memref<1x64x128xf32, #tpu.memory_space<vmem>> -> memref<64x128xf32, #tpu.memory_space<vmem>>
      %dma_start3A_90 = arith.constant 0 : i32
      %dma_start3A_91 = tpu.memref_slice %arg6[%dma_start3A, %dma_start3A_90] : memref<32x64xi32, #tpu.memory_space<vmem>> -> memref<1x64xi32, #tpu.memory_space<vmem>>
      %dma_start3A_92 = tpu.memref_squeeze %dma_start3A_91 : memref<1x64xi32, #tpu.memory_space<vmem>> -> memref<64xi32, #tpu.memory_space<vmem>>
      %dma_start3A_93 = arith.constant 0 : i32
      %dma_start3A_94 = arith.constant 0 : i32
      %dma_start3A_95 = tpu.memref_slice %arg2[%dma_start3A_93, %dma_start3A_94] : memref<10000x128xf32, #tpu.memory_space<hbm>> -> memref<10000x128xf32, #tpu.memory_space<hbm>>
      tpu.enqueue_indirect_dma source(%dma_start3A_95 : memref<10000x128xf32, #tpu.memory_space<hbm>>) target(%dma_start3A_89 : memref<64x128xf32, #tpu.memory_space<vmem>>) offsets(%dma_start3A_92 : memref<64xi32, #tpu.memory_space<vmem>>) semaphore(%arg10 : memref<!tpu.dma_semaphore, #tpu.memory_space<semaphore_mem>>)
      %dma_start3A_96 = arith.constant 1 : i32
      %dma_start3A_97 = arith.constant 1 : i32
      %dma_start3A_98 = arith.constant 0 : i32
      %dma_start3A_99 = arith.constant 0 : i32
      %dma_start3A_100 = tpu.memref_slice %arg8[%dma_start3A_97, %dma_start3A_98, %dma_start3A_99] : memref<4x64x128xf32, #tpu.memory_space<vmem>> -> memref<1x64x128xf32, #tpu.memory_space<vmem>>
      %dma_start3A_101 = tpu.memref_squeeze %dma_start3A_100 : memref<1x64x128xf32, #tpu.memory_space<vmem>> -> memref<64x128xf32, #tpu.memory_space<vmem>>
      %dma_start3A_102 = arith.constant 0 : i32
      %dma_start3A_103 = tpu.memref_slice %arg6[%dma_start3A_96, %dma_start3A_102] : memref<32x64xi32, #tpu.memory_space<vmem>> -> memref<1x64xi32, #tpu.memory_space<vmem>>
      %dma_start3A_104 = tpu.memref_squeeze %dma_start3A_103 : memref<1x64xi32, #tpu.memory_space<vmem>> -> memref<64xi32, #tpu.memory_space<vmem>>
      %dma_start3A_105 = arith.constant 0 : i32
      %dma_start3A_106 = arith.constant 0 : i32
      %dma_start3A_107 = tpu.memref_slice %arg2[%dma_start3A_105, %dma_start3A_106] : memref<10000x128xf32, #tpu.memory_space<hbm>> -> memref<10000x128xf32, #tpu.memory_space<hbm>>
      tpu.enqueue_indirect_dma source(%dma_start3A_107 : memref<10000x128xf32, #tpu.memory_space<hbm>>) target(%dma_start3A_101 : memref<64x128xf32, #tpu.memory_space<vmem>>) offsets(%dma_start3A_104 : memref<64xi32, #tpu.memory_space<vmem>>) semaphore(%arg11 : memref<!tpu.dma_semaphore, #tpu.memory_space<semaphore_mem>>)
      %dma_start3A_108 = arith.constant 2 : i32
      %dma_start3A_109 = arith.constant 2 : i32
      %dma_start3A_110 = arith.constant 0 : i32
      %dma_start3A_111 = arith.constant 0 : i32
      %dma_start3A_112 = tpu.memref_slice %arg8[%dma_start3A_109, %dma_start3A_110, %dma_start3A_111] : memref<4x64x128xf32, #tpu.memory_space<vmem>> -> memref<1x64x128xf32, #tpu.memory_space<vmem>>
      %dma_start3A_113 = tpu.memref_squeeze %dma_start3A_112 : memref<1x64x128xf32, #tpu.memory_space<vmem>> -> memref<64x128xf32, #tpu.memory_space<vmem>>
      %dma_start3A_114 = arith.constant 0 : i32
      %dma_start3A_115 = tpu.memref_slice %arg6[%dma_start3A_108, %dma_start3A_114] : memref<32x64xi32, #tpu.memory_space<vmem>> -> memref<1x64xi32, #tpu.memory_space<vmem>>
      %dma_start3A_116 = tpu.memref_squeeze %dma_start3A_115 : memref<1x64xi32, #tpu.memory_space<vmem>> -> memref<64xi32, #tpu.memory_space<vmem>>
      %dma_start3A_117 = arith.constant 0 : i32
      %dma_start3A_118 = arith.constant 0 : i32
      %dma_start3A_119 = tpu.memref_slice %arg2[%dma_start3A_117, %dma_start3A_118] : memref<10000x128xf32, #tpu.memory_space<hbm>> -> memref<10000x128xf32, #tpu.memory_space<hbm>>
      tpu.enqueue_indirect_dma source(%dma_start3A_119 : memref<10000x128xf32, #tpu.memory_space<hbm>>) target(%dma_start3A_113 : memref<64x128xf32, #tpu.memory_space<vmem>>) offsets(%dma_start3A_116 : memref<64xi32, #tpu.memory_space<vmem>>) semaphore(%arg12 : memref<!tpu.dma_semaphore, #tpu.memory_space<semaphore_mem>>)
      %dma_start3A_120 = arith.constant 3 : i32
      %dma_start3A_121 = arith.constant 3 : i32
      %dma_start3A_122 = arith.constant 0 : i32
      %dma_start3A_123 = arith.constant 0 : i32
      %dma_start3A_124 = tpu.memref_slice %arg8[%dma_start3A_121, %dma_start3A_122, %dma_start3A_123] : memref<4x64x128xf32, #tpu.memory_space<vmem>> -> memref<1x64x128xf32, #tpu.memory_space<vmem>>
      %dma_start3A_125 = tpu.memref_squeeze %dma_start3A_124 : memref<1x64x128xf32, #tpu.memory_space<vmem>> -> memref<64x128xf32, #tpu.memory_space<vmem>>
      %dma_start3A_126 = arith.constant 0 : i32
      %dma_start3A_127 = tpu.memref_slice %arg6[%dma_start3A_120, %dma_start3A_126] : memref<32x64xi32, #tpu.memory_space<vmem>> -> memref<1x64xi32, #tpu.memory_space<vmem>>
      %dma_start3A_128 = tpu.memref_squeeze %dma_start3A_127 : memref<1x64xi32, #tpu.memory_space<vmem>> -> memref<64xi32, #tpu.memory_space<vmem>>
      %dma_start3A_129 = arith.constant 0 : i32
      %dma_start3A_130 = arith.constant 0 : i32
      %dma_start3A_131 = tpu.memref_slice %arg2[%dma_start3A_129, %dma_start3A_130] : memref<10000x128xf32, #tpu.memory_space<hbm>> -> memref<10000x128xf32, #tpu.memory_space<hbm>>
      tpu.enqueue_indirect_dma source(%dma_start3A_131 : memref<10000x128xf32, #tpu.memory_space<hbm>>) target(%dma_start3A_125 : memref<64x128xf32, #tpu.memory_space<vmem>>) offsets(%dma_start3A_128 : memref<64xi32, #tpu.memory_space<vmem>>) semaphore(%arg13 : memref<!tpu.dma_semaphore, #tpu.memory_space<semaphore_mem>>)
      %scan3A_132 = arith.constant 0 : i32
      %scan3A_133 = arith.constant 7 : i32
      %scan3A_134 = arith.addi %scan3A_132, %scan3A_133 : i32
      %scan3A_135 = arith.constant 1 : i32
      scf.for %scan3A_280 = %scan3A_132 to %scan3A_134 step %scan3A_135  : i32 {
        %mul3A_281 = arith.constant 4 : i32
        %mul3A_282 = arith.muli %scan3A_280, %mul3A_281 : i32
        %add3A_283 = arith.constant 0 : i32
        %add3A_284 = arith.addi %add3A_283, %mul3A_282 : i32
        %add3A_285 = arith.constant 0 : i32
        %add3A_286 = arith.addi %add3A_284, %add3A_285 : i32
        %dma_wait3A_287 = arith.constant 0 : i32
        %dma_wait3A_288 = arith.constant 0 : i32
        %dma_wait3A_289 = arith.constant 0 : i32
        %dma_wait3A_290 = tpu.memref_slice %arg8[%dma_wait3A_287, %dma_wait3A_288, %dma_wait3A_289] : memref<4x64x128xf32, #tpu.memory_space<vmem>> -> memref<1x64x128xf32, #tpu.memory_space<vmem>>
        %dma_wait3A_291 = tpu.memref_squeeze %dma_wait3A_290 : memref<1x64x128xf32, #tpu.memory_space<vmem>> -> memref<64x128xf32, #tpu.memory_space<vmem>>
        %dma_wait3A_292 = arith.constant 0 : i32
        %dma_wait3A_293 = tpu.memref_slice %arg6[%add3A_286, %dma_wait3A_292] : memref<32x64xi32, #tpu.memory_space<vmem>> -> memref<1x64xi32, #tpu.memory_space<vmem>>
        %dma_wait3A_294 = tpu.memref_squeeze %dma_wait3A_293 : memref<1x64xi32, #tpu.memory_space<vmem>> -> memref<64xi32, #tpu.memory_space<vmem>>
        %dma_wait3A_295 = arith.constant 0 : i32
        %dma_wait3A_296 = arith.constant 0 : i32
        %dma_wait3A_297 = tpu.memref_slice %arg2[%dma_wait3A_295, %dma_wait3A_296] : memref<10000x128xf32, #tpu.memory_space<hbm>> -> memref<10000x128xf32, #tpu.memory_space<hbm>>
        tpu.wait_indirect_dma semaphore(%arg10 : memref<!tpu.dma_semaphore, #tpu.memory_space<semaphore_mem>>) src(%dma_wait3A_297 : memref<10000x128xf32, #tpu.memory_space<hbm>>) dst(%dma_wait3A_291 : memref<64x128xf32, #tpu.memory_space<vmem>>)
        %add3A_298 = arith.constant 0 : i32
        %add3A_299 = arith.addi %add3A_284, %add3A_298 : i32
        %dma_start3A_300 = arith.constant 0 : i32
        %dma_start3A_301 = arith.constant 0 : i32
        %dma_start3A_302 = arith.constant 0 : i32
        %dma_start3A_303 = tpu.memref_slice %arg8[%dma_start3A_300, %dma_start3A_301, %dma_start3A_302] : memref<4x64x128xf32, #tpu.memory_space<vmem>> -> memref<1x64x128xf32, #tpu.memory_space<vmem>>
        %dma_start3A_304 = tpu.memref_squeeze %dma_start3A_303 : memref<1x64x128xf32, #tpu.memory_space<vmem>> -> memref<64x128xf32, #tpu.memory_space<vmem>>
        %dma_start3A_305 = arith.constant 0 : i32
        %dma_start3A_306 = tpu.memref_slice %arg7[%add3A_299, %dma_start3A_305] : memref<32x64xi32, #tpu.memory_space<vmem>> -> memref<1x64xi32, #tpu.memory_space<vmem>>
        %dma_start3A_307 = tpu.memref_squeeze %dma_start3A_306 : memref<1x64xi32, #tpu.memory_space<vmem>> -> memref<64xi32, #tpu.memory_space<vmem>>
        %dma_start3A_308 = arith.constant 0 : i32
        %dma_start3A_309 = arith.constant 0 : i32
        %dma_start3A_310 = tpu.memref_slice %arg9[%dma_start3A_308, %dma_start3A_309] : memref<10240x128xf32, #tpu.memory_space<vmem_shared>> -> memref<10240x128xf32, #tpu.memory_space<vmem_shared>>
        tpu.enqueue_indirect_dma source(%dma_start3A_304 : memref<64x128xf32, #tpu.memory_space<vmem>>) target(%dma_start3A_310 : memref<10240x128xf32, #tpu.memory_space<vmem_shared>>) offsets(%dma_start3A_307 : memref<64xi32, #tpu.memory_space<vmem>>) semaphore(%arg14 : memref<!tpu.dma_semaphore, #tpu.memory_space<semaphore_mem>>) {add = true}
        %add3A_311 = arith.constant 1 : i32
        %add3A_312 = arith.addi %add3A_284, %add3A_311 : i32
        %dma_wait3A_313 = arith.constant 1 : i32
        %dma_wait3A_314 = arith.constant 0 : i32
        %dma_wait3A_315 = arith.constant 0 : i32
        %dma_wait3A_316 = tpu.memref_slice %arg8[%dma_wait3A_313, %dma_wait3A_314, %dma_wait3A_315] : memref<4x64x128xf32, #tpu.memory_space<vmem>> -> memref<1x64x128xf32, #tpu.memory_space<vmem>>
        %dma_wait3A_317 = tpu.memref_squeeze %dma_wait3A_316 : memref<1x64x128xf32, #tpu.memory_space<vmem>> -> memref<64x128xf32, #tpu.memory_space<vmem>>
        %dma_wait3A_318 = arith.constant 0 : i32
        %dma_wait3A_319 = tpu.memref_slice %arg6[%add3A_312, %dma_wait3A_318] : memref<32x64xi32, #tpu.memory_space<vmem>> -> memref<1x64xi32, #tpu.memory_space<vmem>>
        %dma_wait3A_320 = tpu.memref_squeeze %dma_wait3A_319 : memref<1x64xi32, #tpu.memory_space<vmem>> -> memref<64xi32, #tpu.memory_space<vmem>>
        %dma_wait3A_321 = arith.constant 0 : i32
        %dma_wait3A_322 = arith.constant 0 : i32
        %dma_wait3A_323 = tpu.memref_slice %arg2[%dma_wait3A_321, %dma_wait3A_322] : memref<10000x128xf32, #tpu.memory_space<hbm>> -> memref<10000x128xf32, #tpu.memory_space<hbm>>
        tpu.wait_indirect_dma semaphore(%arg11 : memref<!tpu.dma_semaphore, #tpu.memory_space<semaphore_mem>>) src(%dma_wait3A_323 : memref<10000x128xf32, #tpu.memory_space<hbm>>) dst(%dma_wait3A_317 : memref<64x128xf32, #tpu.memory_space<vmem>>)
        %add3A_324 = arith.constant 1 : i32
        %add3A_325 = arith.addi %add3A_284, %add3A_324 : i32
        %dma_start3A_326 = arith.constant 1 : i32
        %dma_start3A_327 = arith.constant 0 : i32
        %dma_start3A_328 = arith.constant 0 : i32
        %dma_start3A_329 = tpu.memref_slice %arg8[%dma_start3A_326, %dma_start3A_327, %dma_start3A_328] : memref<4x64x128xf32, #tpu.memory_space<vmem>> -> memref<1x64x128xf32, #tpu.memory_space<vmem>>
        %dma_start3A_330 = tpu.memref_squeeze %dma_start3A_329 : memref<1x64x128xf32, #tpu.memory_space<vmem>> -> memref<64x128xf32, #tpu.memory_space<vmem>>
        %dma_start3A_331 = arith.constant 0 : i32
        %dma_start3A_332 = tpu.memref_slice %arg7[%add3A_325, %dma_start3A_331] : memref<32x64xi32, #tpu.memory_space<vmem>> -> memref<1x64xi32, #tpu.memory_space<vmem>>
        %dma_start3A_333 = tpu.memref_squeeze %dma_start3A_332 : memref<1x64xi32, #tpu.memory_space<vmem>> -> memref<64xi32, #tpu.memory_space<vmem>>
        %dma_start3A_334 = arith.constant 0 : i32
        %dma_start3A_335 = arith.constant 0 : i32
        %dma_start3A_336 = tpu.memref_slice %arg9[%dma_start3A_334, %dma_start3A_335] : memref<10240x128xf32, #tpu.memory_space<vmem_shared>> -> memref<10240x128xf32, #tpu.memory_space<vmem_shared>>
        tpu.enqueue_indirect_dma source(%dma_start3A_330 : memref<64x128xf32, #tpu.memory_space<vmem>>) target(%dma_start3A_336 : memref<10240x128xf32, #tpu.memory_space<vmem_shared>>) offsets(%dma_start3A_333 : memref<64xi32, #tpu.memory_space<vmem>>) semaphore(%arg15 : memref<!tpu.dma_semaphore, #tpu.memory_space<semaphore_mem>>) {add = true}
        %add3A_337 = arith.constant 2 : i32
        %add3A_338 = arith.addi %add3A_284, %add3A_337 : i32
        %dma_wait3A_339 = arith.constant 2 : i32
        %dma_wait3A_340 = arith.constant 0 : i32
        %dma_wait3A_341 = arith.constant 0 : i32
        %dma_wait3A_342 = tpu.memref_slice %arg8[%dma_wait3A_339, %dma_wait3A_340, %dma_wait3A_341] : memref<4x64x128xf32, #tpu.memory_space<vmem>> -> memref<1x64x128xf32, #tpu.memory_space<vmem>>
        %dma_wait3A_343 = tpu.memref_squeeze %dma_wait3A_342 : memref<1x64x128xf32, #tpu.memory_space<vmem>> -> memref<64x128xf32, #tpu.memory_space<vmem>>
        %dma_wait3A_344 = arith.constant 0 : i32
        %dma_wait3A_345 = tpu.memref_slice %arg6[%add3A_338, %dma_wait3A_344] : memref<32x64xi32, #tpu.memory_space<vmem>> -> memref<1x64xi32, #tpu.memory_space<vmem>>
        %dma_wait3A_346 = tpu.memref_squeeze %dma_wait3A_345 : memref<1x64xi32, #tpu.memory_space<vmem>> -> memref<64xi32, #tpu.memory_space<vmem>>
        %dma_wait3A_347 = arith.constant 0 : i32
        %dma_wait3A_348 = arith.constant 0 : i32
        %dma_wait3A_349 = tpu.memref_slice %arg2[%dma_wait3A_347, %dma_wait3A_348] : memref<10000x128xf32, #tpu.memory_space<hbm>> -> memref<10000x128xf32, #tpu.memory_space<hbm>>
        tpu.wait_indirect_dma semaphore(%arg12 : memref<!tpu.dma_semaphore, #tpu.memory_space<semaphore_mem>>) src(%dma_wait3A_349 : memref<10000x128xf32, #tpu.memory_space<hbm>>) dst(%dma_wait3A_343 : memref<64x128xf32, #tpu.memory_space<vmem>>)
        %add3A_350 = arith.constant 2 : i32
        %add3A_351 = arith.addi %add3A_284, %add3A_350 : i32
        %dma_start3A_352 = arith.constant 2 : i32
        %dma_start3A_353 = arith.constant 0 : i32
        %dma_start3A_354 = arith.constant 0 : i32
        %dma_start3A_355 = tpu.memref_slice %arg8[%dma_start3A_352, %dma_start3A_353, %dma_start3A_354] : memref<4x64x128xf32, #tpu.memory_space<vmem>> -> memref<1x64x128xf32, #tpu.memory_space<vmem>>
        %dma_start3A_356 = tpu.memref_squeeze %dma_start3A_355 : memref<1x64x128xf32, #tpu.memory_space<vmem>> -> memref<64x128xf32, #tpu.memory_space<vmem>>
        %dma_start3A_357 = arith.constant 0 : i32
        %dma_start3A_358 = tpu.memref_slice %arg7[%add3A_351, %dma_start3A_357] : memref<32x64xi32, #tpu.memory_space<vmem>> -> memref<1x64xi32, #tpu.memory_space<vmem>>
        %dma_start3A_359 = tpu.memref_squeeze %dma_start3A_358 : memref<1x64xi32, #tpu.memory_space<vmem>> -> memref<64xi32, #tpu.memory_space<vmem>>
        %dma_start3A_360 = arith.constant 0 : i32
        %dma_start3A_361 = arith.constant 0 : i32
        %dma_start3A_362 = tpu.memref_slice %arg9[%dma_start3A_360, %dma_start3A_361] : memref<10240x128xf32, #tpu.memory_space<vmem_shared>> -> memref<10240x128xf32, #tpu.memory_space<vmem_shared>>
        tpu.enqueue_indirect_dma source(%dma_start3A_356 : memref<64x128xf32, #tpu.memory_space<vmem>>) target(%dma_start3A_362 : memref<10240x128xf32, #tpu.memory_space<vmem_shared>>) offsets(%dma_start3A_359 : memref<64xi32, #tpu.memory_space<vmem>>) semaphore(%arg16 : memref<!tpu.dma_semaphore, #tpu.memory_space<semaphore_mem>>) {add = true}
        %add3A_363 = arith.constant 3 : i32
        %add3A_364 = arith.addi %add3A_284, %add3A_363 : i32
        %dma_wait3A_365 = arith.constant 3 : i32
        %dma_wait3A_366 = arith.constant 0 : i32
        %dma_wait3A_367 = arith.constant 0 : i32
        %dma_wait3A_368 = tpu.memref_slice %arg8[%dma_wait3A_365, %dma_wait3A_366, %dma_wait3A_367] : memref<4x64x128xf32, #tpu.memory_space<vmem>> -> memref<1x64x128xf32, #tpu.memory_space<vmem>>
        %dma_wait3A_369 = tpu.memref_squeeze %dma_wait3A_368 : memref<1x64x128xf32, #tpu.memory_space<vmem>> -> memref<64x128xf32, #tpu.memory_space<vmem>>
        %dma_wait3A_370 = arith.constant 0 : i32
        %dma_wait3A_371 = tpu.memref_slice %arg6[%add3A_364, %dma_wait3A_370] : memref<32x64xi32, #tpu.memory_space<vmem>> -> memref<1x64xi32, #tpu.memory_space<vmem>>
        %dma_wait3A_372 = tpu.memref_squeeze %dma_wait3A_371 : memref<1x64xi32, #tpu.memory_space<vmem>> -> memref<64xi32, #tpu.memory_space<vmem>>
        %dma_wait3A_373 = arith.constant 0 : i32
        %dma_wait3A_374 = arith.constant 0 : i32
        %dma_wait3A_375 = tpu.memref_slice %arg2[%dma_wait3A_373, %dma_wait3A_374] : memref<10000x128xf32, #tpu.memory_space<hbm>> -> memref<10000x128xf32, #tpu.memory_space<hbm>>
        tpu.wait_indirect_dma semaphore(%arg13 : memref<!tpu.dma_semaphore, #tpu.memory_space<semaphore_mem>>) src(%dma_wait3A_375 : memref<10000x128xf32, #tpu.memory_space<hbm>>) dst(%dma_wait3A_369 : memref<64x128xf32, #tpu.memory_space<vmem>>)
        %add3A_376 = arith.constant 3 : i32
        %add3A_377 = arith.addi %add3A_284, %add3A_376 : i32
        %dma_start3A_378 = arith.constant 3 : i32
        %dma_start3A_379 = arith.constant 0 : i32
        %dma_start3A_380 = arith.constant 0 : i32
        %dma_start3A_381 = tpu.memref_slice %arg8[%dma_start3A_378, %dma_start3A_379, %dma_start3A_380] : memref<4x64x128xf32, #tpu.memory_space<vmem>> -> memref<1x64x128xf32, #tpu.memory_space<vmem>>
        %dma_start3A_382 = tpu.memref_squeeze %dma_start3A_381 : memref<1x64x128xf32, #tpu.memory_space<vmem>> -> memref<64x128xf32, #tpu.memory_space<vmem>>
        %dma_start3A_383 = arith.constant 0 : i32
        %dma_start3A_384 = tpu.memref_slice %arg7[%add3A_377, %dma_start3A_383] : memref<32x64xi32, #tpu.memory_space<vmem>> -> memref<1x64xi32, #tpu.memory_space<vmem>>
        %dma_start3A_385 = tpu.memref_squeeze %dma_start3A_384 : memref<1x64xi32, #tpu.memory_space<vmem>> -> memref<64xi32, #tpu.memory_space<vmem>>
        %dma_start3A_386 = arith.constant 0 : i32
        %dma_start3A_387 = arith.constant 0 : i32
        %dma_start3A_388 = tpu.memref_slice %arg9[%dma_start3A_386, %dma_start3A_387] : memref<10240x128xf32, #tpu.memory_space<vmem_shared>> -> memref<10240x128xf32, #tpu.memory_space<vmem_shared>>
        tpu.enqueue_indirect_dma source(%dma_start3A_382 : memref<64x128xf32, #tpu.memory_space<vmem>>) target(%dma_start3A_388 : memref<10240x128xf32, #tpu.memory_space<vmem_shared>>) offsets(%dma_start3A_385 : memref<64xi32, #tpu.memory_space<vmem>>) semaphore(%arg17 : memref<!tpu.dma_semaphore, #tpu.memory_space<semaphore_mem>>) {add = true}
        %add3A_389 = arith.constant 0 : i32
        %add3A_390 = arith.addi %add3A_284, %add3A_389 : i32
        %dma_wait3A_391 = arith.constant 0 : i32
        %dma_wait3A_392 = arith.constant 0 : i32
        %dma_wait3A_393 = arith.constant 0 : i32
        %dma_wait3A_394 = tpu.memref_slice %arg8[%dma_wait3A_391, %dma_wait3A_392, %dma_wait3A_393] : memref<4x64x128xf32, #tpu.memory_space<vmem>> -> memref<1x64x128xf32, #tpu.memory_space<vmem>>
        %dma_wait3A_395 = tpu.memref_squeeze %dma_wait3A_394 : memref<1x64x128xf32, #tpu.memory_space<vmem>> -> memref<64x128xf32, #tpu.memory_space<vmem>>
        %dma_wait3A_396 = arith.constant 0 : i32
        %dma_wait3A_397 = tpu.memref_slice %arg7[%add3A_390, %dma_wait3A_396] : memref<32x64xi32, #tpu.memory_space<vmem>> -> memref<1x64xi32, #tpu.memory_space<vmem>>
        %dma_wait3A_398 = tpu.memref_squeeze %dma_wait3A_397 : memref<1x64xi32, #tpu.memory_space<vmem>> -> memref<64xi32, #tpu.memory_space<vmem>>
        %dma_wait3A_399 = arith.constant 0 : i32
        %dma_wait3A_400 = arith.constant 0 : i32
        %dma_wait3A_401 = tpu.memref_slice %arg9[%dma_wait3A_399, %dma_wait3A_400] : memref<10240x128xf32, #tpu.memory_space<vmem_shared>> -> memref<10240x128xf32, #tpu.memory_space<vmem_shared>>
        tpu.wait_indirect_dma semaphore(%arg14 : memref<!tpu.dma_semaphore, #tpu.memory_space<semaphore_mem>>) src(%dma_wait3A_395 : memref<64x128xf32, #tpu.memory_space<vmem>>) dst(%dma_wait3A_401 : memref<10240x128xf32, #tpu.memory_space<vmem_shared>>)
        %add3A_402 = arith.constant 0 : i32
        %add3A_403 = arith.addi %add3A_284, %add3A_402 : i32
        %add3A_404 = arith.constant 4 : i32
        %add3A_405 = arith.addi %add3A_403, %add3A_404 : i32
        %dma_start3A_406 = arith.constant 0 : i32
        %dma_start3A_407 = arith.constant 0 : i32
        %dma_start3A_408 = arith.constant 0 : i32
        %dma_start3A_409 = tpu.memref_slice %arg8[%dma_start3A_406, %dma_start3A_407, %dma_start3A_408] : memref<4x64x128xf32, #tpu.memory_space<vmem>> -> memref<1x64x128xf32, #tpu.memory_space<vmem>>
        %dma_start3A_410 = tpu.memref_squeeze %dma_start3A_409 : memref<1x64x128xf32, #tpu.memory_space<vmem>> -> memref<64x128xf32, #tpu.memory_space<vmem>>
        %dma_start3A_411 = arith.constant 0 : i32
        %dma_start3A_412 = tpu.memref_slice %arg6[%add3A_405, %dma_start3A_411] : memref<32x64xi32, #tpu.memory_space<vmem>> -> memref<1x64xi32, #tpu.memory_space<vmem>>
        %dma_start3A_413 = tpu.memref_squeeze %dma_start3A_412 : memref<1x64xi32, #tpu.memory_space<vmem>> -> memref<64xi32, #tpu.memory_space<vmem>>
        %dma_start3A_414 = arith.constant 0 : i32
        %dma_start3A_415 = arith.constant 0 : i32
        %dma_start3A_416 = tpu.memref_slice %arg2[%dma_start3A_414, %dma_start3A_415] : memref<10000x128xf32, #tpu.memory_space<hbm>> -> memref<10000x128xf32, #tpu.memory_space<hbm>>
        tpu.enqueue_indirect_dma source(%dma_start3A_416 : memref<10000x128xf32, #tpu.memory_space<hbm>>) target(%dma_start3A_410 : memref<64x128xf32, #tpu.memory_space<vmem>>) offsets(%dma_start3A_413 : memref<64xi32, #tpu.memory_space<vmem>>) semaphore(%arg10 : memref<!tpu.dma_semaphore, #tpu.memory_space<semaphore_mem>>)
        %add3A_417 = arith.constant 1 : i32
        %add3A_418 = arith.addi %add3A_284, %add3A_417 : i32
        %dma_wait3A_419 = arith.constant 1 : i32
        %dma_wait3A_420 = arith.constant 0 : i32
        %dma_wait3A_421 = arith.constant 0 : i32
        %dma_wait3A_422 = tpu.memref_slice %arg8[%dma_wait3A_419, %dma_wait3A_420, %dma_wait3A_421] : memref<4x64x128xf32, #tpu.memory_space<vmem>> -> memref<1x64x128xf32, #tpu.memory_space<vmem>>
        %dma_wait3A_423 = tpu.memref_squeeze %dma_wait3A_422 : memref<1x64x128xf32, #tpu.memory_space<vmem>> -> memref<64x128xf32, #tpu.memory_space<vmem>>
        %dma_wait3A_424 = arith.constant 0 : i32
        %dma_wait3A_425 = tpu.memref_slice %arg7[%add3A_418, %dma_wait3A_424] : memref<32x64xi32, #tpu.memory_space<vmem>> -> memref<1x64xi32, #tpu.memory_space<vmem>>
        %dma_wait3A_426 = tpu.memref_squeeze %dma_wait3A_425 : memref<1x64xi32, #tpu.memory_space<vmem>> -> memref<64xi32, #tpu.memory_space<vmem>>
        %dma_wait3A_427 = arith.constant 0 : i32
        %dma_wait3A_428 = arith.constant 0 : i32
        %dma_wait3A_429 = tpu.memref_slice %arg9[%dma_wait3A_427, %dma_wait3A_428] : memref<10240x128xf32, #tpu.memory_space<vmem_shared>> -> memref<10240x128xf32, #tpu.memory_space<vmem_shared>>
        tpu.wait_indirect_dma semaphore(%arg15 : memref<!tpu.dma_semaphore, #tpu.memory_space<semaphore_mem>>) src(%dma_wait3A_423 : memref<64x128xf32, #tpu.memory_space<vmem>>) dst(%dma_wait3A_429 : memref<10240x128xf32, #tpu.memory_space<vmem_shared>>)
        %add3A_430 = arith.constant 1 : i32
        %add3A_431 = arith.addi %add3A_284, %add3A_430 : i32
        %add3A_432 = arith.constant 4 : i32
        %add3A_433 = arith.addi %add3A_431, %add3A_432 : i32
        %dma_start3A_434 = arith.constant 1 : i32
        %dma_start3A_435 = arith.constant 0 : i32
        %dma_start3A_436 = arith.constant 0 : i32
        %dma_start3A_437 = tpu.memref_slice %arg8[%dma_start3A_434, %dma_start3A_435, %dma_start3A_436] : memref<4x64x128xf32, #tpu.memory_space<vmem>> -> memref<1x64x128xf32, #tpu.memory_space<vmem>>
        %dma_start3A_438 = tpu.memref_squeeze %dma_start3A_437 : memref<1x64x128xf32, #tpu.memory_space<vmem>> -> memref<64x128xf32, #tpu.memory_space<vmem>>
        %dma_start3A_439 = arith.constant 0 : i32
        %dma_start3A_440 = tpu.memref_slice %arg6[%add3A_433, %dma_start3A_439] : memref<32x64xi32, #tpu.memory_space<vmem>> -> memref<1x64xi32, #tpu.memory_space<vmem>>
        %dma_start3A_441 = tpu.memref_squeeze %dma_start3A_440 : memref<1x64xi32, #tpu.memory_space<vmem>> -> memref<64xi32, #tpu.memory_space<vmem>>
        %dma_start3A_442 = arith.constant 0 : i32
        %dma_start3A_443 = arith.constant 0 : i32
        %dma_start3A_444 = tpu.memref_slice %arg2[%dma_start3A_442, %dma_start3A_443] : memref<10000x128xf32, #tpu.memory_space<hbm>> -> memref<10000x128xf32, #tpu.memory_space<hbm>>
        tpu.enqueue_indirect_dma source(%dma_start3A_444 : memref<10000x128xf32, #tpu.memory_space<hbm>>) target(%dma_start3A_438 : memref<64x128xf32, #tpu.memory_space<vmem>>) offsets(%dma_start3A_441 : memref<64xi32, #tpu.memory_space<vmem>>) semaphore(%arg11 : memref<!tpu.dma_semaphore, #tpu.memory_space<semaphore_mem>>)
        %add3A_445 = arith.constant 2 : i32
        %add3A_446 = arith.addi %add3A_284, %add3A_445 : i32
        %dma_wait3A_447 = arith.constant 2 : i32
        %dma_wait3A_448 = arith.constant 0 : i32
        %dma_wait3A_449 = arith.constant 0 : i32
        %dma_wait3A_450 = tpu.memref_slice %arg8[%dma_wait3A_447, %dma_wait3A_448, %dma_wait3A_449] : memref<4x64x128xf32, #tpu.memory_space<vmem>> -> memref<1x64x128xf32, #tpu.memory_space<vmem>>
        %dma_wait3A_451 = tpu.memref_squeeze %dma_wait3A_450 : memref<1x64x128xf32, #tpu.memory_space<vmem>> -> memref<64x128xf32, #tpu.memory_space<vmem>>
        %dma_wait3A_452 = arith.constant 0 : i32
        %dma_wait3A_453 = tpu.memref_slice %arg7[%add3A_446, %dma_wait3A_452] : memref<32x64xi32, #tpu.memory_space<vmem>> -> memref<1x64xi32, #tpu.memory_space<vmem>>
        %dma_wait3A_454 = tpu.memref_squeeze %dma_wait3A_453 : memref<1x64xi32, #tpu.memory_space<vmem>> -> memref<64xi32, #tpu.memory_space<vmem>>
        %dma_wait3A_455 = arith.constant 0 : i32
        %dma_wait3A_456 = arith.constant 0 : i32
        %dma_wait3A_457 = tpu.memref_slice %arg9[%dma_wait3A_455, %dma_wait3A_456] : memref<10240x128xf32, #tpu.memory_space<vmem_shared>> -> memref<10240x128xf32, #tpu.memory_space<vmem_shared>>
        tpu.wait_indirect_dma semaphore(%arg16 : memref<!tpu.dma_semaphore, #tpu.memory_space<semaphore_mem>>) src(%dma_wait3A_451 : memref<64x128xf32, #tpu.memory_space<vmem>>) dst(%dma_wait3A_457 : memref<10240x128xf32, #tpu.memory_space<vmem_shared>>)
        %add3A_458 = arith.constant 2 : i32
        %add3A_459 = arith.addi %add3A_284, %add3A_458 : i32
        %add3A_460 = arith.constant 4 : i32
        %add3A_461 = arith.addi %add3A_459, %add3A_460 : i32
        %dma_start3A_462 = arith.constant 2 : i32
        %dma_start3A_463 = arith.constant 0 : i32
        %dma_start3A_464 = arith.constant 0 : i32
        %dma_start3A_465 = tpu.memref_slice %arg8[%dma_start3A_462, %dma_start3A_463, %dma_start3A_464] : memref<4x64x128xf32, #tpu.memory_space<vmem>> -> memref<1x64x128xf32, #tpu.memory_space<vmem>>
        %dma_start3A_466 = tpu.memref_squeeze %dma_start3A_465 : memref<1x64x128xf32, #tpu.memory_space<vmem>> -> memref<64x128xf32, #tpu.memory_space<vmem>>
        %dma_start3A_467 = arith.constant 0 : i32
        %dma_start3A_468 = tpu.memref_slice %arg6[%add3A_461, %dma_start3A_467] : memref<32x64xi32, #tpu.memory_space<vmem>> -> memref<1x64xi32, #tpu.memory_space<vmem>>
        %dma_start3A_469 = tpu.memref_squeeze %dma_start3A_468 : memref<1x64xi32, #tpu.memory_space<vmem>> -> memref<64xi32, #tpu.memory_space<vmem>>
        %dma_start3A_470 = arith.constant 0 : i32
        %dma_start3A_471 = arith.constant 0 : i32
        %dma_start3A_472 = tpu.memref_slice %arg2[%dma_start3A_470, %dma_start3A_471] : memref<10000x128xf32, #tpu.memory_space<hbm>> -> memref<10000x128xf32, #tpu.memory_space<hbm>>
        tpu.enqueue_indirect_dma source(%dma_start3A_472 : memref<10000x128xf32, #tpu.memory_space<hbm>>) target(%dma_start3A_466 : memref<64x128xf32, #tpu.memory_space<vmem>>) offsets(%dma_start3A_469 : memref<64xi32, #tpu.memory_space<vmem>>) semaphore(%arg12 : memref<!tpu.dma_semaphore, #tpu.memory_space<semaphore_mem>>)
        %add3A_473 = arith.constant 3 : i32
        %add3A_474 = arith.addi %add3A_284, %add3A_473 : i32
        %dma_wait3A_475 = arith.constant 3 : i32
        %dma_wait3A_476 = arith.constant 0 : i32
        %dma_wait3A_477 = arith.constant 0 : i32
        %dma_wait3A_478 = tpu.memref_slice %arg8[%dma_wait3A_475, %dma_wait3A_476, %dma_wait3A_477] : memref<4x64x128xf32, #tpu.memory_space<vmem>> -> memref<1x64x128xf32, #tpu.memory_space<vmem>>
        %dma_wait3A_479 = tpu.memref_squeeze %dma_wait3A_478 : memref<1x64x128xf32, #tpu.memory_space<vmem>> -> memref<64x128xf32, #tpu.memory_space<vmem>>
        %dma_wait3A_480 = arith.constant 0 : i32
        %dma_wait3A_481 = tpu.memref_slice %arg7[%add3A_474, %dma_wait3A_480] : memref<32x64xi32, #tpu.memory_space<vmem>> -> memref<1x64xi32, #tpu.memory_space<vmem>>
        %dma_wait3A_482 = tpu.memref_squeeze %dma_wait3A_481 : memref<1x64xi32, #tpu.memory_space<vmem>> -> memref<64xi32, #tpu.memory_space<vmem>>
        %dma_wait3A_483 = arith.constant 0 : i32
        %dma_wait3A_484 = arith.constant 0 : i32
        %dma_wait3A_485 = tpu.memref_slice %arg9[%dma_wait3A_483, %dma_wait3A_484] : memref<10240x128xf32, #tpu.memory_space<vmem_shared>> -> memref<10240x128xf32, #tpu.memory_space<vmem_shared>>
        tpu.wait_indirect_dma semaphore(%arg17 : memref<!tpu.dma_semaphore, #tpu.memory_space<semaphore_mem>>) src(%dma_wait3A_479 : memref<64x128xf32, #tpu.memory_space<vmem>>) dst(%dma_wait3A_485 : memref<10240x128xf32, #tpu.memory_space<vmem_shared>>)
        %add3A_486 = arith.constant 3 : i32
        %add3A_487 = arith.addi %add3A_284, %add3A_486 : i32
        %add3A_488 = arith.constant 4 : i32
        %add3A_489 = arith.addi %add3A_487, %add3A_488 : i32
        %dma_start3A_490 = arith.constant 3 : i32
        %dma_start3A_491 = arith.constant 0 : i32
        %dma_start3A_492 = arith.constant 0 : i32
        %dma_start3A_493 = tpu.memref_slice %arg8[%dma_start3A_490, %dma_start3A_491, %dma_start3A_492] : memref<4x64x128xf32, #tpu.memory_space<vmem>> -> memref<1x64x128xf32, #tpu.memory_space<vmem>>
        %dma_start3A_494 = tpu.memref_squeeze %dma_start3A_493 : memref<1x64x128xf32, #tpu.memory_space<vmem>> -> memref<64x128xf32, #tpu.memory_space<vmem>>
        %dma_start3A_495 = arith.constant 0 : i32
        %dma_start3A_496 = tpu.memref_slice %arg6[%add3A_489, %dma_start3A_495] : memref<32x64xi32, #tpu.memory_space<vmem>> -> memref<1x64xi32, #tpu.memory_space<vmem>>
        %dma_start3A_497 = tpu.memref_squeeze %dma_start3A_496 : memref<1x64xi32, #tpu.memory_space<vmem>> -> memref<64xi32, #tpu.memory_space<vmem>>
        %dma_start3A_498 = arith.constant 0 : i32
        %dma_start3A_499 = arith.constant 0 : i32
        %dma_start3A_500 = tpu.memref_slice %arg2[%dma_start3A_498, %dma_start3A_499] : memref<10000x128xf32, #tpu.memory_space<hbm>> -> memref<10000x128xf32, #tpu.memory_space<hbm>>
        tpu.enqueue_indirect_dma source(%dma_start3A_500 : memref<10000x128xf32, #tpu.memory_space<hbm>>) target(%dma_start3A_494 : memref<64x128xf32, #tpu.memory_space<vmem>>) offsets(%dma_start3A_497 : memref<64xi32, #tpu.memory_space<vmem>>) semaphore(%arg13 : memref<!tpu.dma_semaphore, #tpu.memory_space<semaphore_mem>>)
      }
      %scan3A_136 = arith.constant 7 : i32
      %dma_wait3A = arith.constant 28 : i32
      %dma_wait3A_137 = arith.constant 0 : i32
      %dma_wait3A_138 = arith.constant 0 : i32
      %dma_wait3A_139 = arith.constant 0 : i32
      %dma_wait3A_140 = tpu.memref_slice %arg8[%dma_wait3A_137, %dma_wait3A_138, %dma_wait3A_139] : memref<4x64x128xf32, #tpu.memory_space<vmem>> -> memref<1x64x128xf32, #tpu.memory_space<vmem>>
      %dma_wait3A_141 = tpu.memref_squeeze %dma_wait3A_140 : memref<1x64x128xf32, #tpu.memory_space<vmem>> -> memref<64x128xf32, #tpu.memory_space<vmem>>
      %dma_wait3A_142 = arith.constant 0 : i32
      %dma_wait3A_143 = tpu.memref_slice %arg6[%dma_wait3A, %dma_wait3A_142] : memref<32x64xi32, #tpu.memory_space<vmem>> -> memref<1x64xi32, #tpu.memory_space<vmem>>
      %dma_wait3A_144 = tpu.memref_squeeze %dma_wait3A_143 : memref<1x64xi32, #tpu.memory_space<vmem>> -> memref<64xi32, #tpu.memory_space<vmem>>
      %dma_wait3A_145 = arith.constant 0 : i32
      %dma_wait3A_146 = arith.constant 0 : i32
      %dma_wait3A_147 = tpu.memref_slice %arg2[%dma_wait3A_145, %dma_wait3A_146] : memref<10000x128xf32, #tpu.memory_space<hbm>> -> memref<10000x128xf32, #tpu.memory_space<hbm>>
      tpu.wait_indirect_dma semaphore(%arg10 : memref<!tpu.dma_semaphore, #tpu.memory_space<semaphore_mem>>) src(%dma_wait3A_147 : memref<10000x128xf32, #tpu.memory_space<hbm>>) dst(%dma_wait3A_141 : memref<64x128xf32, #tpu.memory_space<vmem>>)
      %dma_start3A_148 = arith.constant 0 : i32
      %dma_start3A_149 = arith.constant 28 : i32
      %dma_start3A_150 = arith.constant 0 : i32
      %dma_start3A_151 = arith.constant 0 : i32
      %dma_start3A_152 = tpu.memref_slice %arg8[%dma_start3A_148, %dma_start3A_150, %dma_start3A_151] : memref<4x64x128xf32, #tpu.memory_space<vmem>> -> memref<1x64x128xf32, #tpu.memory_space<vmem>>
      %dma_start3A_153 = tpu.memref_squeeze %dma_start3A_152 : memref<1x64x128xf32, #tpu.memory_space<vmem>> -> memref<64x128xf32, #tpu.memory_space<vmem>>
      %dma_start3A_154 = arith.constant 0 : i32
      %dma_start3A_155 = tpu.memref_slice %arg7[%dma_start3A_149, %dma_start3A_154] : memref<32x64xi32, #tpu.memory_space<vmem>> -> memref<1x64xi32, #tpu.memory_space<vmem>>
      %dma_start3A_156 = tpu.memref_squeeze %dma_start3A_155 : memref<1x64xi32, #tpu.memory_space<vmem>> -> memref<64xi32, #tpu.memory_space<vmem>>
      %dma_start3A_157 = arith.constant 0 : i32
      %dma_start3A_158 = arith.constant 0 : i32
      %dma_start3A_159 = tpu.memref_slice %arg9[%dma_start3A_157, %dma_start3A_158] : memref<10240x128xf32, #tpu.memory_space<vmem_shared>> -> memref<10240x128xf32, #tpu.memory_space<vmem_shared>>
      tpu.enqueue_indirect_dma source(%dma_start3A_153 : memref<64x128xf32, #tpu.memory_space<vmem>>) target(%dma_start3A_159 : memref<10240x128xf32, #tpu.memory_space<vmem_shared>>) offsets(%dma_start3A_156 : memref<64xi32, #tpu.memory_space<vmem>>) semaphore(%arg14 : memref<!tpu.dma_semaphore, #tpu.memory_space<semaphore_mem>>) {add = true}
      %dma_wait3A_160 = arith.constant 29 : i32
      %dma_wait3A_161 = arith.constant 1 : i32
      %dma_wait3A_162 = arith.constant 0 : i32
      %dma_wait3A_163 = arith.constant 0 : i32
      %dma_wait3A_164 = tpu.memref_slice %arg8[%dma_wait3A_161, %dma_wait3A_162, %dma_wait3A_163] : memref<4x64x128xf32, #tpu.memory_space<vmem>> -> memref<1x64x128xf32, #tpu.memory_space<vmem>>
      %dma_wait3A_165 = tpu.memref_squeeze %dma_wait3A_164 : memref<1x64x128xf32, #tpu.memory_space<vmem>> -> memref<64x128xf32, #tpu.memory_space<vmem>>
      %dma_wait3A_166 = arith.constant 0 : i32
      %dma_wait3A_167 = tpu.memref_slice %arg6[%dma_wait3A_160, %dma_wait3A_166] : memref<32x64xi32, #tpu.memory_space<vmem>> -> memref<1x64xi32, #tpu.memory_space<vmem>>
      %dma_wait3A_168 = tpu.memref_squeeze %dma_wait3A_167 : memref<1x64xi32, #tpu.memory_space<vmem>> -> memref<64xi32, #tpu.memory_space<vmem>>
      %dma_wait3A_169 = arith.constant 0 : i32
      %dma_wait3A_170 = arith.constant 0 : i32
      %dma_wait3A_171 = tpu.memref_slice %arg2[%dma_wait3A_169, %dma_wait3A_170] : memref<10000x128xf32, #tpu.memory_space<hbm>> -> memref<10000x128xf32, #tpu.memory_space<hbm>>
      tpu.wait_indirect_dma semaphore(%arg11 : memref<!tpu.dma_semaphore, #tpu.memory_space<semaphore_mem>>) src(%dma_wait3A_171 : memref<10000x128xf32, #tpu.memory_space<hbm>>) dst(%dma_wait3A_165 : memref<64x128xf32, #tpu.memory_space<vmem>>)
      %dma_start3A_172 = arith.constant 1 : i32
      %dma_start3A_173 = arith.constant 29 : i32
      %dma_start3A_174 = arith.constant 0 : i32
      %dma_start3A_175 = arith.constant 0 : i32
      %dma_start3A_176 = tpu.memref_slice %arg8[%dma_start3A_172, %dma_start3A_174, %dma_start3A_175] : memref<4x64x128xf32, #tpu.memory_space<vmem>> -> memref<1x64x128xf32, #tpu.memory_space<vmem>>
      %dma_start3A_177 = tpu.memref_squeeze %dma_start3A_176 : memref<1x64x128xf32, #tpu.memory_space<vmem>> -> memref<64x128xf32, #tpu.memory_space<vmem>>
      %dma_start3A_178 = arith.constant 0 : i32
      %dma_start3A_179 = tpu.memref_slice %arg7[%dma_start3A_173, %dma_start3A_178] : memref<32x64xi32, #tpu.memory_space<vmem>> -> memref<1x64xi32, #tpu.memory_space<vmem>>
      %dma_start3A_180 = tpu.memref_squeeze %dma_start3A_179 : memref<1x64xi32, #tpu.memory_space<vmem>> -> memref<64xi32, #tpu.memory_space<vmem>>
      %dma_start3A_181 = arith.constant 0 : i32
      %dma_start3A_182 = arith.constant 0 : i32
      %dma_start3A_183 = tpu.memref_slice %arg9[%dma_start3A_181, %dma_start3A_182] : memref<10240x128xf32, #tpu.memory_space<vmem_shared>> -> memref<10240x128xf32, #tpu.memory_space<vmem_shared>>
      tpu.enqueue_indirect_dma source(%dma_start3A_177 : memref<64x128xf32, #tpu.memory_space<vmem>>) target(%dma_start3A_183 : memref<10240x128xf32, #tpu.memory_space<vmem_shared>>) offsets(%dma_start3A_180 : memref<64xi32, #tpu.memory_space<vmem>>) semaphore(%arg15 : memref<!tpu.dma_semaphore, #tpu.memory_space<semaphore_mem>>) {add = true}
      %dma_wait3A_184 = arith.constant 30 : i32
      %dma_wait3A_185 = arith.constant 2 : i32
      %dma_wait3A_186 = arith.constant 0 : i32
      %dma_wait3A_187 = arith.constant 0 : i32
      %dma_wait3A_188 = tpu.memref_slice %arg8[%dma_wait3A_185, %dma_wait3A_186, %dma_wait3A_187] : memref<4x64x128xf32, #tpu.memory_space<vmem>> -> memref<1x64x128xf32, #tpu.memory_space<vmem>>
      %dma_wait3A_189 = tpu.memref_squeeze %dma_wait3A_188 : memref<1x64x128xf32, #tpu.memory_space<vmem>> -> memref<64x128xf32, #tpu.memory_space<vmem>>
      %dma_wait3A_190 = arith.constant 0 : i32
      %dma_wait3A_191 = tpu.memref_slice %arg6[%dma_wait3A_184, %dma_wait3A_190] : memref<32x64xi32, #tpu.memory_space<vmem>> -> memref<1x64xi32, #tpu.memory_space<vmem>>
      %dma_wait3A_192 = tpu.memref_squeeze %dma_wait3A_191 : memref<1x64xi32, #tpu.memory_space<vmem>> -> memref<64xi32, #tpu.memory_space<vmem>>
      %dma_wait3A_193 = arith.constant 0 : i32
      %dma_wait3A_194 = arith.constant 0 : i32
      %dma_wait3A_195 = tpu.memref_slice %arg2[%dma_wait3A_193, %dma_wait3A_194] : memref<10000x128xf32, #tpu.memory_space<hbm>> -> memref<10000x128xf32, #tpu.memory_space<hbm>>
      tpu.wait_indirect_dma semaphore(%arg12 : memref<!tpu.dma_semaphore, #tpu.memory_space<semaphore_mem>>) src(%dma_wait3A_195 : memref<10000x128xf32, #tpu.memory_space<hbm>>) dst(%dma_wait3A_189 : memref<64x128xf32, #tpu.memory_space<vmem>>)
      %dma_start3A_196 = arith.constant 2 : i32
      %dma_start3A_197 = arith.constant 30 : i32
      %dma_start3A_198 = arith.constant 0 : i32
      %dma_start3A_199 = arith.constant 0 : i32
      %dma_start3A_200 = tpu.memref_slice %arg8[%dma_start3A_196, %dma_start3A_198, %dma_start3A_199] : memref<4x64x128xf32, #tpu.memory_space<vmem>> -> memref<1x64x128xf32, #tpu.memory_space<vmem>>
      %dma_start3A_201 = tpu.memref_squeeze %dma_start3A_200 : memref<1x64x128xf32, #tpu.memory_space<vmem>> -> memref<64x128xf32, #tpu.memory_space<vmem>>
      %dma_start3A_202 = arith.constant 0 : i32
      %dma_start3A_203 = tpu.memref_slice %arg7[%dma_start3A_197, %dma_start3A_202] : memref<32x64xi32, #tpu.memory_space<vmem>> -> memref<1x64xi32, #tpu.memory_space<vmem>>
      %dma_start3A_204 = tpu.memref_squeeze %dma_start3A_203 : memref<1x64xi32, #tpu.memory_space<vmem>> -> memref<64xi32, #tpu.memory_space<vmem>>
      %dma_start3A_205 = arith.constant 0 : i32
      %dma_start3A_206 = arith.constant 0 : i32
      %dma_start3A_207 = tpu.memref_slice %arg9[%dma_start3A_205, %dma_start3A_206] : memref<10240x128xf32, #tpu.memory_space<vmem_shared>> -> memref<10240x128xf32, #tpu.memory_space<vmem_shared>>
      tpu.enqueue_indirect_dma source(%dma_start3A_201 : memref<64x128xf32, #tpu.memory_space<vmem>>) target(%dma_start3A_207 : memref<10240x128xf32, #tpu.memory_space<vmem_shared>>) offsets(%dma_start3A_204 : memref<64xi32, #tpu.memory_space<vmem>>) semaphore(%arg16 : memref<!tpu.dma_semaphore, #tpu.memory_space<semaphore_mem>>) {add = true}
      %dma_wait3A_208 = arith.constant 31 : i32
      %dma_wait3A_209 = arith.constant 3 : i32
      %dma_wait3A_210 = arith.constant 0 : i32
      %dma_wait3A_211 = arith.constant 0 : i32
      %dma_wait3A_212 = tpu.memref_slice %arg8[%dma_wait3A_209, %dma_wait3A_210, %dma_wait3A_211] : memref<4x64x128xf32, #tpu.memory_space<vmem>> -> memref<1x64x128xf32, #tpu.memory_space<vmem>>
      %dma_wait3A_213 = tpu.memref_squeeze %dma_wait3A_212 : memref<1x64x128xf32, #tpu.memory_space<vmem>> -> memref<64x128xf32, #tpu.memory_space<vmem>>
      %dma_wait3A_214 = arith.constant 0 : i32
      %dma_wait3A_215 = tpu.memref_slice %arg6[%dma_wait3A_208, %dma_wait3A_214] : memref<32x64xi32, #tpu.memory_space<vmem>> -> memref<1x64xi32, #tpu.memory_space<vmem>>
      %dma_wait3A_216 = tpu.memref_squeeze %dma_wait3A_215 : memref<1x64xi32, #tpu.memory_space<vmem>> -> memref<64xi32, #tpu.memory_space<vmem>>
      %dma_wait3A_217 = arith.constant 0 : i32
      %dma_wait3A_218 = arith.constant 0 : i32
      %dma_wait3A_219 = tpu.memref_slice %arg2[%dma_wait3A_217, %dma_wait3A_218] : memref<10000x128xf32, #tpu.memory_space<hbm>> -> memref<10000x128xf32, #tpu.memory_space<hbm>>
      tpu.wait_indirect_dma semaphore(%arg13 : memref<!tpu.dma_semaphore, #tpu.memory_space<semaphore_mem>>) src(%dma_wait3A_219 : memref<10000x128xf32, #tpu.memory_space<hbm>>) dst(%dma_wait3A_213 : memref<64x128xf32, #tpu.memory_space<vmem>>)
      %dma_start3A_220 = arith.constant 3 : i32
      %dma_start3A_221 = arith.constant 31 : i32
      %dma_start3A_222 = arith.constant 0 : i32
      %dma_start3A_223 = arith.constant 0 : i32
      %dma_start3A_224 = tpu.memref_slice %arg8[%dma_start3A_220, %dma_start3A_222, %dma_start3A_223] : memref<4x64x128xf32, #tpu.memory_space<vmem>> -> memref<1x64x128xf32, #tpu.memory_space<vmem>>
      %dma_start3A_225 = tpu.memref_squeeze %dma_start3A_224 : memref<1x64x128xf32, #tpu.memory_space<vmem>> -> memref<64x128xf32, #tpu.memory_space<vmem>>
      %dma_start3A_226 = arith.constant 0 : i32
      %dma_start3A_227 = tpu.memref_slice %arg7[%dma_start3A_221, %dma_start3A_226] : memref<32x64xi32, #tpu.memory_space<vmem>> -> memref<1x64xi32, #tpu.memory_space<vmem>>
      %dma_start3A_228 = tpu.memref_squeeze %dma_start3A_227 : memref<1x64xi32, #tpu.memory_space<vmem>> -> memref<64xi32, #tpu.memory_space<vmem>>
      %dma_start3A_229 = arith.constant 0 : i32
      %dma_start3A_230 = arith.constant 0 : i32
      %dma_start3A_231 = tpu.memref_slice %arg9[%dma_start3A_229, %dma_start3A_230] : memref<10240x128xf32, #tpu.memory_space<vmem_shared>> -> memref<10240x128xf32, #tpu.memory_space<vmem_shared>>
      tpu.enqueue_indirect_dma source(%dma_start3A_225 : memref<64x128xf32, #tpu.memory_space<vmem>>) target(%dma_start3A_231 : memref<10240x128xf32, #tpu.memory_space<vmem_shared>>) offsets(%dma_start3A_228 : memref<64xi32, #tpu.memory_space<vmem>>) semaphore(%arg17 : memref<!tpu.dma_semaphore, #tpu.memory_space<semaphore_mem>>) {add = true}
      %dma_wait3A_232 = arith.constant 0 : i32
      %dma_wait3A_233 = arith.constant 28 : i32
      %dma_wait3A_234 = arith.constant 0 : i32
      %dma_wait3A_235 = arith.constant 0 : i32
      %dma_wait3A_236 = tpu.memref_slice %arg8[%dma_wait3A_232, %dma_wait3A_234, %dma_wait3A_235] : memref<4x64x128xf32, #tpu.memory_space<vmem>> -> memref<1x64x128xf32, #tpu.memory_space<vmem>>
      %dma_wait3A_237 = tpu.memref_squeeze %dma_wait3A_236 : memref<1x64x128xf32, #tpu.memory_space<vmem>> -> memref<64x128xf32, #tpu.memory_space<vmem>>
      %dma_wait3A_238 = arith.constant 0 : i32
      %dma_wait3A_239 = tpu.memref_slice %arg7[%dma_wait3A_233, %dma_wait3A_238] : memref<32x64xi32, #tpu.memory_space<vmem>> -> memref<1x64xi32, #tpu.memory_space<vmem>>
      %dma_wait3A_240 = tpu.memref_squeeze %dma_wait3A_239 : memref<1x64xi32, #tpu.memory_space<vmem>> -> memref<64xi32, #tpu.memory_space<vmem>>
      %dma_wait3A_241 = arith.constant 0 : i32
      %dma_wait3A_242 = arith.constant 0 : i32
      %dma_wait3A_243 = tpu.memref_slice %arg9[%dma_wait3A_241, %dma_wait3A_242] : memref<10240x128xf32, #tpu.memory_space<vmem_shared>> -> memref<10240x128xf32, #tpu.memory_space<vmem_shared>>
      tpu.wait_indirect_dma semaphore(%arg14 : memref<!tpu.dma_semaphore, #tpu.memory_space<semaphore_mem>>) src(%dma_wait3A_237 : memref<64x128xf32, #tpu.memory_space<vmem>>) dst(%dma_wait3A_243 : memref<10240x128xf32, #tpu.memory_space<vmem_shared>>)
      %dma_wait3A_244 = arith.constant 1 : i32
      %dma_wait3A_245 = arith.constant 29 : i32
      %dma_wait3A_246 = arith.constant 0 : i32
      %dma_wait3A_247 = arith.constant 0 : i32
      %dma_wait3A_248 = tpu.memref_slice %arg8[%dma_wait3A_244, %dma_wait3A_246, %dma_wait3A_247] : memref<4x64x128xf32, #tpu.memory_space<vmem>> -> memref<1x64x128xf32, #tpu.memory_space<vmem>>
      %dma_wait3A_249 = tpu.memref_squeeze %dma_wait3A_248 : memref<1x64x128xf32, #tpu.memory_space<vmem>> -> memref<64x128xf32, #tpu.memory_space<vmem>>
      %dma_wait3A_250 = arith.constant 0 : i32
      %dma_wait3A_251 = tpu.memref_slice %arg7[%dma_wait3A_245, %dma_wait3A_250] : memref<32x64xi32, #tpu.memory_space<vmem>> -> memref<1x64xi32, #tpu.memory_space<vmem>>
      %dma_wait3A_252 = tpu.memref_squeeze %dma_wait3A_251 : memref<1x64xi32, #tpu.memory_space<vmem>> -> memref<64xi32, #tpu.memory_space<vmem>>
      %dma_wait3A_253 = arith.constant 0 : i32
      %dma_wait3A_254 = arith.constant 0 : i32
      %dma_wait3A_255 = tpu.memref_slice %arg9[%dma_wait3A_253, %dma_wait3A_254] : memref<10240x128xf32, #tpu.memory_space<vmem_shared>> -> memref<10240x128xf32, #tpu.memory_space<vmem_shared>>
      tpu.wait_indirect_dma semaphore(%arg15 : memref<!tpu.dma_semaphore, #tpu.memory_space<semaphore_mem>>) src(%dma_wait3A_249 : memref<64x128xf32, #tpu.memory_space<vmem>>) dst(%dma_wait3A_255 : memref<10240x128xf32, #tpu.memory_space<vmem_shared>>)
      %dma_wait3A_256 = arith.constant 2 : i32
      %dma_wait3A_257 = arith.constant 30 : i32
      %dma_wait3A_258 = arith.constant 0 : i32
      %dma_wait3A_259 = arith.constant 0 : i32
      %dma_wait3A_260 = tpu.memref_slice %arg8[%dma_wait3A_256, %dma_wait3A_258, %dma_wait3A_259] : memref<4x64x128xf32, #tpu.memory_space<vmem>> -> memref<1x64x128xf32, #tpu.memory_space<vmem>>
      %dma_wait3A_261 = tpu.memref_squeeze %dma_wait3A_260 : memref<1x64x128xf32, #tpu.memory_space<vmem>> -> memref<64x128xf32, #tpu.memory_space<vmem>>
      %dma_wait3A_262 = arith.constant 0 : i32
      %dma_wait3A_263 = tpu.memref_slice %arg7[%dma_wait3A_257, %dma_wait3A_262] : memref<32x64xi32, #tpu.memory_space<vmem>> -> memref<1x64xi32, #tpu.memory_space<vmem>>
      %dma_wait3A_264 = tpu.memref_squeeze %dma_wait3A_263 : memref<1x64xi32, #tpu.memory_space<vmem>> -> memref<64xi32, #tpu.memory_space<vmem>>
      %dma_wait3A_265 = arith.constant 0 : i32
      %dma_wait3A_266 = arith.constant 0 : i32
      %dma_wait3A_267 = tpu.memref_slice %arg9[%dma_wait3A_265, %dma_wait3A_266] : memref<10240x128xf32, #tpu.memory_space<vmem_shared>> -> memref<10240x128xf32, #tpu.memory_space<vmem_shared>>
      tpu.wait_indirect_dma semaphore(%arg16 : memref<!tpu.dma_semaphore, #tpu.memory_space<semaphore_mem>>) src(%dma_wait3A_261 : memref<64x128xf32, #tpu.memory_space<vmem>>) dst(%dma_wait3A_267 : memref<10240x128xf32, #tpu.memory_space<vmem_shared>>)
      %dma_wait3A_268 = arith.constant 3 : i32
      %dma_wait3A_269 = arith.constant 31 : i32
      %dma_wait3A_270 = arith.constant 0 : i32
      %dma_wait3A_271 = arith.constant 0 : i32
      %dma_wait3A_272 = tpu.memref_slice %arg8[%dma_wait3A_268, %dma_wait3A_270, %dma_wait3A_271] : memref<4x64x128xf32, #tpu.memory_space<vmem>> -> memref<1x64x128xf32, #tpu.memory_space<vmem>>
      %dma_wait3A_273 = tpu.memref_squeeze %dma_wait3A_272 : memref<1x64x128xf32, #tpu.memory_space<vmem>> -> memref<64x128xf32, #tpu.memory_space<vmem>>
      %dma_wait3A_274 = arith.constant 0 : i32
      %dma_wait3A_275 = tpu.memref_slice %arg7[%dma_wait3A_269, %dma_wait3A_274] : memref<32x64xi32, #tpu.memory_space<vmem>> -> memref<1x64xi32, #tpu.memory_space<vmem>>
      %dma_wait3A_276 = tpu.memref_squeeze %dma_wait3A_275 : memref<1x64xi32, #tpu.memory_space<vmem>> -> memref<64xi32, #tpu.memory_space<vmem>>
      %dma_wait3A_277 = arith.constant 0 : i32
      %dma_wait3A_278 = arith.constant 0 : i32
      %dma_wait3A_279 = tpu.memref_slice %arg9[%dma_wait3A_277, %dma_wait3A_278] : memref<10240x128xf32, #tpu.memory_space<vmem_shared>> -> memref<10240x128xf32, #tpu.memory_space<vmem_shared>>
      tpu.wait_indirect_dma semaphore(%arg17 : memref<!tpu.dma_semaphore, #tpu.memory_space<semaphore_mem>>) src(%dma_wait3A_273 : memref<64x128xf32, #tpu.memory_space<vmem>>) dst(%dma_wait3A_279 : memref<10240x128xf32, #tpu.memory_space<vmem_shared>>)
    }
    %barrier3A_73 = arith.constant 0 : index
    tpu.barrier barrier_id(%barrier3A_73)
    %mul3A_74 = arith.constant 640 : i32
    %mul3A_75 = arith.muli %arg1, %mul3A_74 : i32
    %mul3A_76 = arith.constant 640 : i32
    %mul3A_77 = arith.muli %arg1, %mul3A_76 : i32
    "tpu.region"() ({
      %run_scoped3A_78 = tpu.sem_alloc : memref<!tpu.dma_semaphore, #tpu.memory_space<semaphore_mem>>
      %dma_start3A = arith.constant 0 : i32
      %dma_start3A_79 = tpu.memref_slice %arg5[%arg0, %mul3A_77, %dma_start3A] : memref<2x10240x128xf32, #tpu.memory_space<hbm>> -> memref<1x640x128xf32, #tpu.memory_space<hbm>>
      %dma_start3A_80 = tpu.memref_squeeze %dma_start3A_79 : memref<1x640x128xf32, #tpu.memory_space<hbm>> -> memref<640x128xf32, #tpu.memory_space<hbm>>
      %dma_start3A_81 = arith.constant 0 : i32
      %dma_start3A_82 = tpu.memref_slice %arg9[%mul3A_75, %dma_start3A_81] : memref<10240x128xf32, #tpu.memory_space<vmem_shared>> -> memref<640x128xf32, #tpu.memory_space<vmem_shared>>
      tpu.enqueue_dma source(%dma_start3A_82 : memref<640x128xf32, #tpu.memory_space<vmem_shared>>) target(%dma_start3A_80 : memref<640x128xf32, #tpu.memory_space<hbm>>) target_semaphore(%run_scoped3A_78 : memref<!tpu.dma_semaphore, #tpu.memory_space<semaphore_mem>>)
      %dma_wait3A = arith.constant 0 : i32
      %dma_wait3A_83 = tpu.memref_slice %arg5[%arg0, %mul3A_77, %dma_wait3A] : memref<2x10240x128xf32, #tpu.memory_space<hbm>> -> memref<1x640x128xf32, #tpu.memory_space<hbm>>
      %dma_wait3A_84 = tpu.memref_squeeze %dma_wait3A_83 : memref<1x640x128xf32, #tpu.memory_space<hbm>> -> memref<640x128xf32, #tpu.memory_space<hbm>>
      %dma_wait3A_85 = arith.constant 0 : i32
      %dma_wait3A_86 = tpu.memref_slice %arg9[%mul3A_75, %dma_wait3A_85] : memref<10240x128xf32, #tpu.memory_space<vmem_shared>> -> memref<640x128xf32, #tpu.memory_space<vmem_shared>>
      tpu.wait_dma2 semaphore(%run_scoped3A_78 : memref<!tpu.dma_semaphore, #tpu.memory_space<semaphore_mem>>) src(%dma_wait3A_86 : memref<640x128xf32, #tpu.memory_space<vmem_shared>>) dst(%dma_wait3A_84 : memref<640x128xf32, #tpu.memory_space<hbm>>)
      tpu.yield
    }) : () -> ()
    return
  }
}

#map = affine_map<(d0, d1) -> (0, 0)>
#map1 = affine_map<(d0, d1) -> (0, 0, 0)>
module attributes {stable_mosaic.version = 14 : i64} {
  func.func @_segsum_body(%arg0: i32, %arg1: i32, %arg2: memref<10000x128xf32, #tpu.memory_space<hbm>>, %arg3: memref<32x288x64xi32, #tpu.memory_space<hbm>>, %arg4: memref<32x288x64xi32, #tpu.memory_space<hbm>>, %arg5: memref<2x10240x128xf32, #tpu.memory_space<hbm>>, %arg6: memref<32x64xi32, #tpu.memory_space<vmem>>, %arg7: memref<32x64xi32, #tpu.memory_space<vmem>>, %arg8: memref<4x64x128xf32, #tpu.memory_space<vmem>>, %arg9: memref<10240x128xf32, #tpu.memory_space<vmem_shared>>, %arg10: memref<!tpu.dma_semaphore, #tpu.memory_space<semaphore_mem>>, %arg11: memref<!tpu.dma_semaphore, #tpu.memory_space<semaphore_mem>>, %arg12: memref<!tpu.dma_semaphore, #tpu.memory_space<semaphore_mem>>, %arg13: memref<!tpu.dma_semaphore, #tpu.memory_space<semaphore_mem>>, %arg14: memref<!tpu.dma_semaphore, #tpu.memory_space<semaphore_mem>>, %arg15: memref<!tpu.dma_semaphore, #tpu.memory_space<semaphore_mem>>, %arg16: memref<!tpu.dma_semaphore, #tpu.memory_space<semaphore_mem>>, %arg17: memref<!tpu.dma_semaphore, #tpu.memory_space<semaphore_mem>>) attributes {dimension_semantics = [#tpu.dimension_semantics<core_parallel>, #tpu.dimension_semantics<subcore_parallel>], iteration_bounds = array<i64: 2, 16>, scalar_prefetch = 0 : i64, scratch_operands = 12 : i64, tpu.core_type = #tpu.core_type<sc_vector_subcore>, window_params = [{transform_indices = #map}, {transform_indices = #map1}, {transform_indices = #map1}, {transform_indices = #map1}]} {
    %mul3A = arith.constant 16 : i32
    %mul3A_0 = arith.muli %arg0, %mul3A : i32
    %add3A = arith.addi %mul3A_0, %arg1 : i32
    %scan3A = arith.constant 0 : i32
    %scan3A_1 = arith.constant 0 : i32
    %scan3A_2 = arith.constant 512 : i32
    %scan3A_3 = arith.addi %scan3A_1, %scan3A_2 : i32
    %scan3A_4 = arith.constant 1 : i32
    scf.for %scan3A_78 = %scan3A_1 to %scan3A_3 step %scan3A_4  : i32 {
      %jit3A_79 = arith.constant 8 : i32
      %div3A_80 = arith.divsi %scan3A_78, %jit3A_79 : i32
      %sign3A = arith.constant 0 : i32
      %sign3A_81 = arith.cmpi sgt, %scan3A_78, %sign3A : i32
      %sign3A_82 = arith.extui %sign3A_81 : i1 to i32
      %sign3A_83 = arith.constant 0 : i32
      %sign3A_84 = arith.cmpi slt, %scan3A_78, %sign3A_83 : i32
      %sign3A_85 = arith.extui %sign3A_84 : i1 to i32
      %sign3A_86 = arith.subi %sign3A_82, %sign3A_85 : i32
      %sign3A_87 = arith.constant 0 : i32
      %sign3A_88 = arith.cmpi sgt, %jit3A_79, %sign3A_87 : i32
      %sign3A_89 = arith.extui %sign3A_88 : i1 to i32
      %sign3A_90 = arith.constant 0 : i32
      %sign3A_91 = arith.cmpi slt, %jit3A_79, %sign3A_90 : i32
      %sign3A_92 = arith.extui %sign3A_91 : i1 to i32
      %sign3A_93 = arith.subi %sign3A_89, %sign3A_92 : i32
      %ne3A = arith.cmpi ne, %sign3A_86, %sign3A_93 : i32
      %rem3A = arith.remsi %scan3A_78, %jit3A_79 : i32
      %ne3A_94 = arith.constant 0 : i32
      %ne3A_95 = arith.cmpi ne, %rem3A, %ne3A_94 : i32
      %and3A = arith.andi %ne3A, %ne3A_95 : i1
      %sub3A_96 = arith.constant 1 : i32
      %sub3A_97 = arith.subi %div3A_80, %sub3A_96 : i32
      %select_n3A_98 = arith.select %and3A, %sub3A_97, %div3A_80 : i32
      %jit3A_99 = arith.constant 8 : i32
      %eq3A_100 = arith.constant 0 : i32
      %eq3A_101 = arith.cmpi eq, %jit3A_99, %eq3A_100 : i32
      %jit3A_102 = arith.constant 1 : i32
      %select_n3A_103 = arith.select %eq3A_101, %jit3A_102, %jit3A_99 : i32
      %rem3A_104 = arith.remsi %scan3A_78, %select_n3A_103 : i32
      %ne3A_105 = arith.constant 0 : i32
      %ne3A_106 = arith.cmpi ne, %rem3A_104, %ne3A_105 : i32
      %lt3A = arith.constant 0 : i32
      %lt3A_107 = arith.cmpi slt, %rem3A_104, %lt3A : i32
      %lt3A_108 = arith.constant 0 : i32
      %lt3A_109 = arith.cmpi slt, %select_n3A_103, %lt3A_108 : i32
      %ne3A_110 = arith.xori %lt3A_107, %lt3A_109 : i1
      %and3A_111 = arith.andi %ne3A_110, %ne3A_106 : i1
      %add3A_112 = arith.addi %rem3A_104, %select_n3A_103 : i32
      %select_n3A_113 = arith.select %and3A_111, %add3A_112, %rem3A_104 : i32
      %broadcast_in_dim3A = arith.constant 0.000000e+00 : f32
      %broadcast_in_dim3A_114 = vector.broadcast %broadcast_in_dim3A : f32 to vector<16xf32>
      %mul3A_115 = arith.constant 16 : i32
      %mul3A_116 = arith.muli %select_n3A_113, %mul3A_115 : i32
      %swap3A = arith.constant 0 : i32
      %swap3A_117 = arith.index_cast %swap3A : i32 to index
      %swap3A_118 = arith.index_cast %select_n3A_98 : i32 to index
      %swap3A_119 = arith.index_cast %mul3A_116 : i32 to index
      %swap3A_120 = tpu.vector_load %arg8[%swap3A_117, %swap3A_118, %swap3A_119] {strides = array<i32>} : memref<4x64x128xf32, #tpu.memory_space<vmem>>, vector<1x1x16xf32>,
      %swap3A_121 = vector.shape_cast %swap3A_120 : vector<1x1x16xf32> to vector<16xf32>
      %swap3A_122 = vector.shape_cast %broadcast_in_dim3A_114 : vector<16xf32> to vector<1x1x16xf32>
      tpu.vector_store %arg8[%swap3A_117, %swap3A_118, %swap3A_119], %swap3A_122 {strides = array<i32>} : memref<4x64x128xf32, #tpu.memory_space<vmem>>, vector<1x1x16xf32>,
    }
    %scan3A_5 = arith.constant 512 : i32
    %mul3A_6 = arith.constant 640 : i32
    %mul3A_7 = arith.muli %arg1, %mul3A_6 : i32
    %add3A_8 = arith.constant 0 : i32
    %add3A_9 = arith.addi %mul3A_7, %add3A_8 : i32
    %run_scoped3A = arith.constant 0 : i32
    "tpu.region"() ({
      %run_scoped3A_78 = tpu.sem_alloc : memref<!tpu.dma_semaphore, #tpu.memory_space<semaphore_mem>>
      %dma_start3A = arith.constant 0 : i32
      %dma_start3A_79 = arith.constant 0 : i32
      %dma_start3A_80 = tpu.memref_slice %arg8[%run_scoped3A, %dma_start3A, %dma_start3A_79] : memref<4x64x128xf32, #tpu.memory_space<vmem>> -> memref<1x64x128xf32, #tpu.memory_space<vmem>>
      %dma_start3A_81 = tpu.memref_squeeze %dma_start3A_80 : memref<1x64x128xf32, #tpu.memory_space<vmem>> -> memref<64x128xf32, #tpu.memory_space<vmem>>
      %dma_start3A_82 = arith.constant 0 : i32
      %dma_start3A_83 = tpu.memref_slice %arg9[%add3A_9, %dma_start3A_82] : memref<10240x128xf32, #tpu.memory_space<vmem_shared>> -> memref<64x128xf32, #tpu.memory_space<vmem_shared>>
      %dma_start3A_84 = arith.constant 0 : i32
      %dma_start3A_85 = tpu.memref_slice %arg9[%add3A_9, %dma_start3A_84] : memref<10240x128xf32, #tpu.memory_space<vmem_shared>> -> memref<64x128xf32, #tpu.memory_space<vmem_shared>>
      %dma_start3A_86 = arith.constant 0 : i32
      %dma_start3A_87 = arith.constant 0 : i32
      %dma_start3A_88 = tpu.memref_slice %arg8[%run_scoped3A, %dma_start3A_86, %dma_start3A_87] : memref<4x64x128xf32, #tpu.memory_space<vmem>> -> memref<1x64x128xf32, #tpu.memory_space<vmem>>
      %dma_start3A_89 = tpu.memref_squeeze %dma_start3A_88 : memref<1x64x128xf32, #tpu.memory_space<vmem>> -> memref<64x128xf32, #tpu.memory_space<vmem>>
      tpu.enqueue_dma source(%dma_start3A_89 : memref<64x128xf32, #tpu.memory_space<vmem>>) target(%dma_start3A_85 : memref<64x128xf32, #tpu.memory_space<vmem_shared>>) target_semaphore(%run_scoped3A_78 : memref<!tpu.dma_semaphore, #tpu.memory_space<semaphore_mem>>)
      %dma_wait3A = arith.constant 0 : i32
      %dma_wait3A_90 = arith.constant 0 : i32
      %dma_wait3A_91 = tpu.memref_slice %arg8[%run_scoped3A, %dma_wait3A, %dma_wait3A_90] : memref<4x64x128xf32, #tpu.memory_space<vmem>> -> memref<1x64x128xf32, #tpu.memory_space<vmem>>
      %dma_wait3A_92 = tpu.memref_squeeze %dma_wait3A_91 : memref<1x64x128xf32, #tpu.memory_space<vmem>> -> memref<64x128xf32, #tpu.memory_space<vmem>>
      %dma_wait3A_93 = arith.constant 0 : i32
      %dma_wait3A_94 = tpu.memref_slice %arg9[%add3A_9, %dma_wait3A_93] : memref<10240x128xf32, #tpu.memory_space<vmem_shared>> -> memref<64x128xf32, #tpu.memory_space<vmem_shared>>
      %dma_wait3A_95 = arith.constant 0 : i32
      %dma_wait3A_96 = tpu.memref_slice %arg9[%add3A_9, %dma_wait3A_95] : memref<10240x128xf32, #tpu.memory_space<vmem_shared>> -> memref<64x128xf32, #tpu.memory_space<vmem_shared>>
      %dma_wait3A_97 = arith.constant 0 : i32
      %dma_wait3A_98 = arith.constant 0 : i32
      %dma_wait3A_99 = tpu.memref_slice %arg8[%run_scoped3A, %dma_wait3A_97, %dma_wait3A_98] : memref<4x64x128xf32, #tpu.memory_space<vmem>> -> memref<1x64x128xf32, #tpu.memory_space<vmem>>
      %dma_wait3A_100 = tpu.memref_squeeze %dma_wait3A_99 : memref<1x64x128xf32, #tpu.memory_space<vmem>> -> memref<64x128xf32, #tpu.memory_space<vmem>>
      tpu.wait_dma2 semaphore(%run_scoped3A_78 : memref<!tpu.dma_semaphore, #tpu.memory_space<semaphore_mem>>) src(%dma_wait3A_100 : memref<64x128xf32, #tpu.memory_space<vmem>>) dst(%dma_wait3A_96 : memref<64x128xf32, #tpu.memory_space<vmem_shared>>)
      tpu.yield
    }) : () -> ()
    %mul3A_10 = arith.constant 640 : i32
    %mul3A_11 = arith.muli %arg1, %mul3A_10 : i32
    %add3A_12 = arith.constant 64 : i32
    %add3A_13 = arith.addi %mul3A_11, %add3A_12 : i32
    %run_scoped3A_14 = arith.constant 0 : i32
    "tpu.region"() ({
      %run_scoped3A_78 = tpu.sem_alloc : memref<!tpu.dma_semaphore, #tpu.memory_space<semaphore_mem>>
      %dma_start3A = arith.constant 0 : i32
      %dma_start3A_79 = arith.constant 0 : i32
      %dma_start3A_80 = tpu.memref_slice %arg8[%run_scoped3A_14, %dma_start3A, %dma_start3A_79] : memref<4x64x128xf32, #tpu.memory_space<vmem>> -> memref<1x64x128xf32, #tpu.memory_space<vmem>>
      %dma_start3A_81 = tpu.memref_squeeze %dma_start3A_80 : memref<1x64x128xf32, #tpu.memory_space<vmem>> -> memref<64x128xf32, #tpu.memory_space<vmem>>
      %dma_start3A_82 = arith.constant 0 : i32
      %dma_start3A_83 = tpu.memref_slice %arg9[%add3A_13, %dma_start3A_82] : memref<10240x128xf32, #tpu.memory_space<vmem_shared>> -> memref<64x128xf32, #tpu.memory_space<vmem_shared>>
      %dma_start3A_84 = arith.constant 0 : i32
      %dma_start3A_85 = tpu.memref_slice %arg9[%add3A_13, %dma_start3A_84] : memref<10240x128xf32, #tpu.memory_space<vmem_shared>> -> memref<64x128xf32, #tpu.memory_space<vmem_shared>>
      %dma_start3A_86 = arith.constant 0 : i32
      %dma_start3A_87 = arith.constant 0 : i32
      %dma_start3A_88 = tpu.memref_slice %arg8[%run_scoped3A_14, %dma_start3A_86, %dma_start3A_87] : memref<4x64x128xf32, #tpu.memory_space<vmem>> -> memref<1x64x128xf32, #tpu.memory_space<vmem>>
      %dma_start3A_89 = tpu.memref_squeeze %dma_start3A_88 : memref<1x64x128xf32, #tpu.memory_space<vmem>> -> memref<64x128xf32, #tpu.memory_space<vmem>>
      tpu.enqueue_dma source(%dma_start3A_89 : memref<64x128xf32, #tpu.memory_space<vmem>>) target(%dma_start3A_85 : memref<64x128xf32, #tpu.memory_space<vmem_shared>>) target_semaphore(%run_scoped3A_78 : memref<!tpu.dma_semaphore, #tpu.memory_space<semaphore_mem>>)
      %dma_wait3A = arith.constant 0 : i32
      %dma_wait3A_90 = arith.constant 0 : i32
      %dma_wait3A_91 = tpu.memref_slice %arg8[%run_scoped3A_14, %dma_wait3A, %dma_wait3A_90] : memref<4x64x128xf32, #tpu.memory_space<vmem>> -> memref<1x64x128xf32, #tpu.memory_space<vmem>>
      %dma_wait3A_92 = tpu.memref_squeeze %dma_wait3A_91 : memref<1x64x128xf32, #tpu.memory_space<vmem>> -> memref<64x128xf32, #tpu.memory_space<vmem>>
      %dma_wait3A_93 = arith.constant 0 : i32
      %dma_wait3A_94 = tpu.memref_slice %arg9[%add3A_13, %dma_wait3A_93] : memref<10240x128xf32, #tpu.memory_space<vmem_shared>> -> memref<64x128xf32, #tpu.memory_space<vmem_shared>>
      %dma_wait3A_95 = arith.constant 0 : i32
      %dma_wait3A_96 = tpu.memref_slice %arg9[%add3A_13, %dma_wait3A_95] : memref<10240x128xf32, #tpu.memory_space<vmem_shared>> -> memref<64x128xf32, #tpu.memory_space<vmem_shared>>
      %dma_wait3A_97 = arith.constant 0 : i32
      %dma_wait3A_98 = arith.constant 0 : i32
      %dma_wait3A_99 = tpu.memref_slice %arg8[%run_scoped3A_14, %dma_wait3A_97, %dma_wait3A_98] : memref<4x64x128xf32, #tpu.memory_space<vmem>> -> memref<1x64x128xf32, #tpu.memory_space<vmem>>
      %dma_wait3A_100 = tpu.memref_squeeze %dma_wait3A_99 : memref<1x64x128xf32, #tpu.memory_space<vmem>> -> memref<64x128xf32, #tpu.memory_space<vmem>>
      tpu.wait_dma2 semaphore(%run_scoped3A_78 : memref<!tpu.dma_semaphore, #tpu.memory_space<semaphore_mem>>) src(%dma_wait3A_100 : memref<64x128xf32, #tpu.memory_space<vmem>>) dst(%dma_wait3A_96 : memref<64x128xf32, #tpu.memory_space<vmem_shared>>)
      tpu.yield
    }) : () -> ()
    %mul3A_15 = arith.constant 640 : i32
    %mul3A_16 = arith.muli %arg1, %mul3A_15 : i32
    %add3A_17 = arith.constant 128 : i32
    %add3A_18 = arith.addi %mul3A_16, %add3A_17 : i32
    %run_scoped3A_19 = arith.constant 0 : i32
    "tpu.region"() ({
      %run_scoped3A_78 = tpu.sem_alloc : memref<!tpu.dma_semaphore, #tpu.memory_space<semaphore_mem>>
      %dma_start3A = arith.constant 0 : i32
      %dma_start3A_79 = arith.constant 0 : i32
      %dma_start3A_80 = tpu.memref_slice %arg8[%run_scoped3A_19, %dma_start3A, %dma_start3A_79] : memref<4x64x128xf32, #tpu.memory_space<vmem>> -> memref<1x64x128xf32, #tpu.memory_space<vmem>>
      %dma_start3A_81 = tpu.memref_squeeze %dma_start3A_80 : memref<1x64x128xf32, #tpu.memory_space<vmem>> -> memref<64x128xf32, #tpu.memory_space<vmem>>
      %dma_start3A_82 = arith.constant 0 : i32
      %dma_start3A_83 = tpu.memref_slice %arg9[%add3A_18, %dma_start3A_82] : memref<10240x128xf32, #tpu.memory_space<vmem_shared>> -> memref<64x128xf32, #tpu.memory_space<vmem_shared>>
      %dma_start3A_84 = arith.constant 0 : i32
      %dma_start3A_85 = tpu.memref_slice %arg9[%add3A_18, %dma_start3A_84] : memref<10240x128xf32, #tpu.memory_space<vmem_shared>> -> memref<64x128xf32, #tpu.memory_space<vmem_shared>>
      %dma_start3A_86 = arith.constant 0 : i32
      %dma_start3A_87 = arith.constant 0 : i32
      %dma_start3A_88 = tpu.memref_slice %arg8[%run_scoped3A_19, %dma_start3A_86, %dma_start3A_87] : memref<4x64x128xf32, #tpu.memory_space<vmem>> -> memref<1x64x128xf32, #tpu.memory_space<vmem>>
      %dma_start3A_89 = tpu.memref_squeeze %dma_start3A_88 : memref<1x64x128xf32, #tpu.memory_space<vmem>> -> memref<64x128xf32, #tpu.memory_space<vmem>>
      tpu.enqueue_dma source(%dma_start3A_89 : memref<64x128xf32, #tpu.memory_space<vmem>>) target(%dma_start3A_85 : memref<64x128xf32, #tpu.memory_space<vmem_shared>>) target_semaphore(%run_scoped3A_78 : memref<!tpu.dma_semaphore, #tpu.memory_space<semaphore_mem>>)
      %dma_wait3A = arith.constant 0 : i32
      %dma_wait3A_90 = arith.constant 0 : i32
      %dma_wait3A_91 = tpu.memref_slice %arg8[%run_scoped3A_19, %dma_wait3A, %dma_wait3A_90] : memref<4x64x128xf32, #tpu.memory_space<vmem>> -> memref<1x64x128xf32, #tpu.memory_space<vmem>>
      %dma_wait3A_92 = tpu.memref_squeeze %dma_wait3A_91 : memref<1x64x128xf32, #tpu.memory_space<vmem>> -> memref<64x128xf32, #tpu.memory_space<vmem>>
      %dma_wait3A_93 = arith.constant 0 : i32
      %dma_wait3A_94 = tpu.memref_slice %arg9[%add3A_18, %dma_wait3A_93] : memref<10240x128xf32, #tpu.memory_space<vmem_shared>> -> memref<64x128xf32, #tpu.memory_space<vmem_shared>>
      %dma_wait3A_95 = arith.constant 0 : i32
      %dma_wait3A_96 = tpu.memref_slice %arg9[%add3A_18, %dma_wait3A_95] : memref<10240x128xf32, #tpu.memory_space<vmem_shared>> -> memref<64x128xf32, #tpu.memory_space<vmem_shared>>
      %dma_wait3A_97 = arith.constant 0 : i32
      %dma_wait3A_98 = arith.constant 0 : i32
      %dma_wait3A_99 = tpu.memref_slice %arg8[%run_scoped3A_19, %dma_wait3A_97, %dma_wait3A_98] : memref<4x64x128xf32, #tpu.memory_space<vmem>> -> memref<1x64x128xf32, #tpu.memory_space<vmem>>
      %dma_wait3A_100 = tpu.memref_squeeze %dma_wait3A_99 : memref<1x64x128xf32, #tpu.memory_space<vmem>> -> memref<64x128xf32, #tpu.memory_space<vmem>>
      tpu.wait_dma2 semaphore(%run_scoped3A_78 : memref<!tpu.dma_semaphore, #tpu.memory_space<semaphore_mem>>) src(%dma_wait3A_100 : memref<64x128xf32, #tpu.memory_space<vmem>>) dst(%dma_wait3A_96 : memref<64x128xf32, #tpu.memory_space<vmem_shared>>)
      tpu.yield
    }) : () -> ()
    %mul3A_20 = arith.constant 640 : i32
    %mul3A_21 = arith.muli %arg1, %mul3A_20 : i32
    %add3A_22 = arith.constant 192 : i32
    %add3A_23 = arith.addi %mul3A_21, %add3A_22 : i32
    %run_scoped3A_24 = arith.constant 0 : i32
    "tpu.region"() ({
      %run_scoped3A_78 = tpu.sem_alloc : memref<!tpu.dma_semaphore, #tpu.memory_space<semaphore_mem>>
      %dma_start3A = arith.constant 0 : i32
      %dma_start3A_79 = arith.constant 0 : i32
      %dma_start3A_80 = tpu.memref_slice %arg8[%run_scoped3A_24, %dma_start3A, %dma_start3A_79] : memref<4x64x128xf32, #tpu.memory_space<vmem>> -> memref<1x64x128xf32, #tpu.memory_space<vmem>>
      %dma_start3A_81 = tpu.memref_squeeze %dma_start3A_80 : memref<1x64x128xf32, #tpu.memory_space<vmem>> -> memref<64x128xf32, #tpu.memory_space<vmem>>
      %dma_start3A_82 = arith.constant 0 : i32
      %dma_start3A_83 = tpu.memref_slice %arg9[%add3A_23, %dma_start3A_82] : memref<10240x128xf32, #tpu.memory_space<vmem_shared>> -> memref<64x128xf32, #tpu.memory_space<vmem_shared>>
      %dma_start3A_84 = arith.constant 0 : i32
      %dma_start3A_85 = tpu.memref_slice %arg9[%add3A_23, %dma_start3A_84] : memref<10240x128xf32, #tpu.memory_space<vmem_shared>> -> memref<64x128xf32, #tpu.memory_space<vmem_shared>>
      %dma_start3A_86 = arith.constant 0 : i32
      %dma_start3A_87 = arith.constant 0 : i32
      %dma_start3A_88 = tpu.memref_slice %arg8[%run_scoped3A_24, %dma_start3A_86, %dma_start3A_87] : memref<4x64x128xf32, #tpu.memory_space<vmem>> -> memref<1x64x128xf32, #tpu.memory_space<vmem>>
      %dma_start3A_89 = tpu.memref_squeeze %dma_start3A_88 : memref<1x64x128xf32, #tpu.memory_space<vmem>> -> memref<64x128xf32, #tpu.memory_space<vmem>>
      tpu.enqueue_dma source(%dma_start3A_89 : memref<64x128xf32, #tpu.memory_space<vmem>>) target(%dma_start3A_85 : memref<64x128xf32, #tpu.memory_space<vmem_shared>>) target_semaphore(%run_scoped3A_78 : memref<!tpu.dma_semaphore, #tpu.memory_space<semaphore_mem>>)
      %dma_wait3A = arith.constant 0 : i32
      %dma_wait3A_90 = arith.constant 0 : i32
      %dma_wait3A_91 = tpu.memref_slice %arg8[%run_scoped3A_24, %dma_wait3A, %dma_wait3A_90] : memref<4x64x128xf32, #tpu.memory_space<vmem>> -> memref<1x64x128xf32, #tpu.memory_space<vmem>>
      %dma_wait3A_92 = tpu.memref_squeeze %dma_wait3A_91 : memref<1x64x128xf32, #tpu.memory_space<vmem>> -> memref<64x128xf32, #tpu.memory_space<vmem>>
      %dma_wait3A_93 = arith.constant 0 : i32
      %dma_wait3A_94 = tpu.memref_slice %arg9[%add3A_23, %dma_wait3A_93] : memref<10240x128xf32, #tpu.memory_space<vmem_shared>> -> memref<64x128xf32, #tpu.memory_space<vmem_shared>>
      %dma_wait3A_95 = arith.constant 0 : i32
      %dma_wait3A_96 = tpu.memref_slice %arg9[%add3A_23, %dma_wait3A_95] : memref<10240x128xf32, #tpu.memory_space<vmem_shared>> -> memref<64x128xf32, #tpu.memory_space<vmem_shared>>
      %dma_wait3A_97 = arith.constant 0 : i32
      %dma_wait3A_98 = arith.constant 0 : i32
      %dma_wait3A_99 = tpu.memref_slice %arg8[%run_scoped3A_24, %dma_wait3A_97, %dma_wait3A_98] : memref<4x64x128xf32, #tpu.memory_space<vmem>> -> memref<1x64x128xf32, #tpu.memory_space<vmem>>
      %dma_wait3A_100 = tpu.memref_squeeze %dma_wait3A_99 : memref<1x64x128xf32, #tpu.memory_space<vmem>> -> memref<64x128xf32, #tpu.memory_space<vmem>>
      tpu.wait_dma2 semaphore(%run_scoped3A_78 : memref<!tpu.dma_semaphore, #tpu.memory_space<semaphore_mem>>) src(%dma_wait3A_100 : memref<64x128xf32, #tpu.memory_space<vmem>>) dst(%dma_wait3A_96 : memref<64x128xf32, #tpu.memory_space<vmem_shared>>)
      tpu.yield
    }) : () -> ()
    %mul3A_25 = arith.constant 640 : i32
    %mul3A_26 = arith.muli %arg1, %mul3A_25 : i32
    %add3A_27 = arith.constant 256 : i32
    %add3A_28 = arith.addi %mul3A_26, %add3A_27 : i32
    %run_scoped3A_29 = arith.constant 0 : i32
    "tpu.region"() ({
      %run_scoped3A_78 = tpu.sem_alloc : memref<!tpu.dma_semaphore, #tpu.memory_space<semaphore_mem>>
      %dma_start3A = arith.constant 0 : i32
      %dma_start3A_79 = arith.constant 0 : i32
      %dma_start3A_80 = tpu.memref_slice %arg8[%run_scoped3A_29, %dma_start3A, %dma_start3A_79] : memref<4x64x128xf32, #tpu.memory_space<vmem>> -> memref<1x64x128xf32, #tpu.memory_space<vmem>>
      %dma_start3A_81 = tpu.memref_squeeze %dma_start3A_80 : memref<1x64x128xf32, #tpu.memory_space<vmem>> -> memref<64x128xf32, #tpu.memory_space<vmem>>
      %dma_start3A_82 = arith.constant 0 : i32
      %dma_start3A_83 = tpu.memref_slice %arg9[%add3A_28, %dma_start3A_82] : memref<10240x128xf32, #tpu.memory_space<vmem_shared>> -> memref<64x128xf32, #tpu.memory_space<vmem_shared>>
      %dma_start3A_84 = arith.constant 0 : i32
      %dma_start3A_85 = tpu.memref_slice %arg9[%add3A_28, %dma_start3A_84] : memref<10240x128xf32, #tpu.memory_space<vmem_shared>> -> memref<64x128xf32, #tpu.memory_space<vmem_shared>>
      %dma_start3A_86 = arith.constant 0 : i32
      %dma_start3A_87 = arith.constant 0 : i32
      %dma_start3A_88 = tpu.memref_slice %arg8[%run_scoped3A_29, %dma_start3A_86, %dma_start3A_87] : memref<4x64x128xf32, #tpu.memory_space<vmem>> -> memref<1x64x128xf32, #tpu.memory_space<vmem>>
      %dma_start3A_89 = tpu.memref_squeeze %dma_start3A_88 : memref<1x64x128xf32, #tpu.memory_space<vmem>> -> memref<64x128xf32, #tpu.memory_space<vmem>>
      tpu.enqueue_dma source(%dma_start3A_89 : memref<64x128xf32, #tpu.memory_space<vmem>>) target(%dma_start3A_85 : memref<64x128xf32, #tpu.memory_space<vmem_shared>>) target_semaphore(%run_scoped3A_78 : memref<!tpu.dma_semaphore, #tpu.memory_space<semaphore_mem>>)
      %dma_wait3A = arith.constant 0 : i32
      %dma_wait3A_90 = arith.constant 0 : i32
      %dma_wait3A_91 = tpu.memref_slice %arg8[%run_scoped3A_29, %dma_wait3A, %dma_wait3A_90] : memref<4x64x128xf32, #tpu.memory_space<vmem>> -> memref<1x64x128xf32, #tpu.memory_space<vmem>>
      %dma_wait3A_92 = tpu.memref_squeeze %dma_wait3A_91 : memref<1x64x128xf32, #tpu.memory_space<vmem>> -> memref<64x128xf32, #tpu.memory_space<vmem>>
      %dma_wait3A_93 = arith.constant 0 : i32
      %dma_wait3A_94 = tpu.memref_slice %arg9[%add3A_28, %dma_wait3A_93] : memref<10240x128xf32, #tpu.memory_space<vmem_shared>> -> memref<64x128xf32, #tpu.memory_space<vmem_shared>>
      %dma_wait3A_95 = arith.constant 0 : i32
      %dma_wait3A_96 = tpu.memref_slice %arg9[%add3A_28, %dma_wait3A_95] : memref<10240x128xf32, #tpu.memory_space<vmem_shared>> -> memref<64x128xf32, #tpu.memory_space<vmem_shared>>
      %dma_wait3A_97 = arith.constant 0 : i32
      %dma_wait3A_98 = arith.constant 0 : i32
      %dma_wait3A_99 = tpu.memref_slice %arg8[%run_scoped3A_29, %dma_wait3A_97, %dma_wait3A_98] : memref<4x64x128xf32, #tpu.memory_space<vmem>> -> memref<1x64x128xf32, #tpu.memory_space<vmem>>
      %dma_wait3A_100 = tpu.memref_squeeze %dma_wait3A_99 : memref<1x64x128xf32, #tpu.memory_space<vmem>> -> memref<64x128xf32, #tpu.memory_space<vmem>>
      tpu.wait_dma2 semaphore(%run_scoped3A_78 : memref<!tpu.dma_semaphore, #tpu.memory_space<semaphore_mem>>) src(%dma_wait3A_100 : memref<64x128xf32, #tpu.memory_space<vmem>>) dst(%dma_wait3A_96 : memref<64x128xf32, #tpu.memory_space<vmem_shared>>)
      tpu.yield
    }) : () -> ()
    %mul3A_30 = arith.constant 640 : i32
    %mul3A_31 = arith.muli %arg1, %mul3A_30 : i32
    %add3A_32 = arith.constant 320 : i32
    %add3A_33 = arith.addi %mul3A_31, %add3A_32 : i32
    %run_scoped3A_34 = arith.constant 0 : i32
    "tpu.region"() ({
      %run_scoped3A_78 = tpu.sem_alloc : memref<!tpu.dma_semaphore, #tpu.memory_space<semaphore_mem>>
      %dma_start3A = arith.constant 0 : i32
      %dma_start3A_79 = arith.constant 0 : i32
      %dma_start3A_80 = tpu.memref_slice %arg8[%run_scoped3A_34, %dma_start3A, %dma_start3A_79] : memref<4x64x128xf32, #tpu.memory_space<vmem>> -> memref<1x64x128xf32, #tpu.memory_space<vmem>>
      %dma_start3A_81 = tpu.memref_squeeze %dma_start3A_80 : memref<1x64x128xf32, #tpu.memory_space<vmem>> -> memref<64x128xf32, #tpu.memory_space<vmem>>
      %dma_start3A_82 = arith.constant 0 : i32
      %dma_start3A_83 = tpu.memref_slice %arg9[%add3A_33, %dma_start3A_82] : memref<10240x128xf32, #tpu.memory_space<vmem_shared>> -> memref<64x128xf32, #tpu.memory_space<vmem_shared>>
      %dma_start3A_84 = arith.constant 0 : i32
      %dma_start3A_85 = tpu.memref_slice %arg9[%add3A_33, %dma_start3A_84] : memref<10240x128xf32, #tpu.memory_space<vmem_shared>> -> memref<64x128xf32, #tpu.memory_space<vmem_shared>>
      %dma_start3A_86 = arith.constant 0 : i32
      %dma_start3A_87 = arith.constant 0 : i32
      %dma_start3A_88 = tpu.memref_slice %arg8[%run_scoped3A_34, %dma_start3A_86, %dma_start3A_87] : memref<4x64x128xf32, #tpu.memory_space<vmem>> -> memref<1x64x128xf32, #tpu.memory_space<vmem>>
      %dma_start3A_89 = tpu.memref_squeeze %dma_start3A_88 : memref<1x64x128xf32, #tpu.memory_space<vmem>> -> memref<64x128xf32, #tpu.memory_space<vmem>>
      tpu.enqueue_dma source(%dma_start3A_89 : memref<64x128xf32, #tpu.memory_space<vmem>>) target(%dma_start3A_85 : memref<64x128xf32, #tpu.memory_space<vmem_shared>>) target_semaphore(%run_scoped3A_78 : memref<!tpu.dma_semaphore, #tpu.memory_space<semaphore_mem>>)
      %dma_wait3A = arith.constant 0 : i32
      %dma_wait3A_90 = arith.constant 0 : i32
      %dma_wait3A_91 = tpu.memref_slice %arg8[%run_scoped3A_34, %dma_wait3A, %dma_wait3A_90] : memref<4x64x128xf32, #tpu.memory_space<vmem>> -> memref<1x64x128xf32, #tpu.memory_space<vmem>>
      %dma_wait3A_92 = tpu.memref_squeeze %dma_wait3A_91 : memref<1x64x128xf32, #tpu.memory_space<vmem>> -> memref<64x128xf32, #tpu.memory_space<vmem>>
      %dma_wait3A_93 = arith.constant 0 : i32
      %dma_wait3A_94 = tpu.memref_slice %arg9[%add3A_33, %dma_wait3A_93] : memref<10240x128xf32, #tpu.memory_space<vmem_shared>> -> memref<64x128xf32, #tpu.memory_space<vmem_shared>>
      %dma_wait3A_95 = arith.constant 0 : i32
      %dma_wait3A_96 = tpu.memref_slice %arg9[%add3A_33, %dma_wait3A_95] : memref<10240x128xf32, #tpu.memory_space<vmem_shared>> -> memref<64x128xf32, #tpu.memory_space<vmem_shared>>
      %dma_wait3A_97 = arith.constant 0 : i32
      %dma_wait3A_98 = arith.constant 0 : i32
      %dma_wait3A_99 = tpu.memref_slice %arg8[%run_scoped3A_34, %dma_wait3A_97, %dma_wait3A_98] : memref<4x64x128xf32, #tpu.memory_space<vmem>> -> memref<1x64x128xf32, #tpu.memory_space<vmem>>
      %dma_wait3A_100 = tpu.memref_squeeze %dma_wait3A_99 : memref<1x64x128xf32, #tpu.memory_space<vmem>> -> memref<64x128xf32, #tpu.memory_space<vmem>>
      tpu.wait_dma2 semaphore(%run_scoped3A_78 : memref<!tpu.dma_semaphore, #tpu.memory_space<semaphore_mem>>) src(%dma_wait3A_100 : memref<64x128xf32, #tpu.memory_space<vmem>>) dst(%dma_wait3A_96 : memref<64x128xf32, #tpu.memory_space<vmem_shared>>)
      tpu.yield
    }) : () -> ()
    %mul3A_35 = arith.constant 640 : i32
    %mul3A_36 = arith.muli %arg1, %mul3A_35 : i32
    %add3A_37 = arith.constant 384 : i32
    %add3A_38 = arith.addi %mul3A_36, %add3A_37 : i32
    %run_scoped3A_39 = arith.constant 0 : i32
    "tpu.region"() ({
      %run_scoped3A_78 = tpu.sem_alloc : memref<!tpu.dma_semaphore, #tpu.memory_space<semaphore_mem>>
      %dma_start3A = arith.constant 0 : i32
      %dma_start3A_79 = arith.constant 0 : i32
      %dma_start3A_80 = tpu.memref_slice %arg8[%run_scoped3A_39, %dma_start3A, %dma_start3A_79] : memref<4x64x128xf32, #tpu.memory_space<vmem>> -> memref<1x64x128xf32, #tpu.memory_space<vmem>>
      %dma_start3A_81 = tpu.memref_squeeze %dma_start3A_80 : memref<1x64x128xf32, #tpu.memory_space<vmem>> -> memref<64x128xf32, #tpu.memory_space<vmem>>
      %dma_start3A_82 = arith.constant 0 : i32
      %dma_start3A_83 = tpu.memref_slice %arg9[%add3A_38, %dma_start3A_82] : memref<10240x128xf32, #tpu.memory_space<vmem_shared>> -> memref<64x128xf32, #tpu.memory_space<vmem_shared>>
      %dma_start3A_84 = arith.constant 0 : i32
      %dma_start3A_85 = tpu.memref_slice %arg9[%add3A_38, %dma_start3A_84] : memref<10240x128xf32, #tpu.memory_space<vmem_shared>> -> memref<64x128xf32, #tpu.memory_space<vmem_shared>>
      %dma_start3A_86 = arith.constant 0 : i32
      %dma_start3A_87 = arith.constant 0 : i32
      %dma_start3A_88 = tpu.memref_slice %arg8[%run_scoped3A_39, %dma_start3A_86, %dma_start3A_87] : memref<4x64x128xf32, #tpu.memory_space<vmem>> -> memref<1x64x128xf32, #tpu.memory_space<vmem>>
      %dma_start3A_89 = tpu.memref_squeeze %dma_start3A_88 : memref<1x64x128xf32, #tpu.memory_space<vmem>> -> memref<64x128xf32, #tpu.memory_space<vmem>>
      tpu.enqueue_dma source(%dma_start3A_89 : memref<64x128xf32, #tpu.memory_space<vmem>>) target(%dma_start3A_85 : memref<64x128xf32, #tpu.memory_space<vmem_shared>>) target_semaphore(%run_scoped3A_78 : memref<!tpu.dma_semaphore, #tpu.memory_space<semaphore_mem>>)
      %dma_wait3A = arith.constant 0 : i32
      %dma_wait3A_90 = arith.constant 0 : i32
      %dma_wait3A_91 = tpu.memref_slice %arg8[%run_scoped3A_39, %dma_wait3A, %dma_wait3A_90] : memref<4x64x128xf32, #tpu.memory_space<vmem>> -> memref<1x64x128xf32, #tpu.memory_space<vmem>>
      %dma_wait3A_92 = tpu.memref_squeeze %dma_wait3A_91 : memref<1x64x128xf32, #tpu.memory_space<vmem>> -> memref<64x128xf32, #tpu.memory_space<vmem>>
      %dma_wait3A_93 = arith.constant 0 : i32
      %dma_wait3A_94 = tpu.memref_slice %arg9[%add3A_38, %dma_wait3A_93] : memref<10240x128xf32, #tpu.memory_space<vmem_shared>> -> memref<64x128xf32, #tpu.memory_space<vmem_shared>>
      %dma_wait3A_95 = arith.constant 0 : i32
      %dma_wait3A_96 = tpu.memref_slice %arg9[%add3A_38, %dma_wait3A_95] : memref<10240x128xf32, #tpu.memory_space<vmem_shared>> -> memref<64x128xf32, #tpu.memory_space<vmem_shared>>
      %dma_wait3A_97 = arith.constant 0 : i32
      %dma_wait3A_98 = arith.constant 0 : i32
      %dma_wait3A_99 = tpu.memref_slice %arg8[%run_scoped3A_39, %dma_wait3A_97, %dma_wait3A_98] : memref<4x64x128xf32, #tpu.memory_space<vmem>> -> memref<1x64x128xf32, #tpu.memory_space<vmem>>
      %dma_wait3A_100 = tpu.memref_squeeze %dma_wait3A_99 : memref<1x64x128xf32, #tpu.memory_space<vmem>> -> memref<64x128xf32, #tpu.memory_space<vmem>>
      tpu.wait_dma2 semaphore(%run_scoped3A_78 : memref<!tpu.dma_semaphore, #tpu.memory_space<semaphore_mem>>) src(%dma_wait3A_100 : memref<64x128xf32, #tpu.memory_space<vmem>>) dst(%dma_wait3A_96 : memref<64x128xf32, #tpu.memory_space<vmem_shared>>)
      tpu.yield
    }) : () -> ()
    %mul3A_40 = arith.constant 640 : i32
    %mul3A_41 = arith.muli %arg1, %mul3A_40 : i32
    %add3A_42 = arith.constant 448 : i32
    %add3A_43 = arith.addi %mul3A_41, %add3A_42 : i32
    %run_scoped3A_44 = arith.constant 0 : i32
    "tpu.region"() ({
      %run_scoped3A_78 = tpu.sem_alloc : memref<!tpu.dma_semaphore, #tpu.memory_space<semaphore_mem>>
      %dma_start3A = arith.constant 0 : i32
      %dma_start3A_79 = arith.constant 0 : i32
      %dma_start3A_80 = tpu.memref_slice %arg8[%run_scoped3A_44, %dma_start3A, %dma_start3A_79] : memref<4x64x128xf32, #tpu.memory_space<vmem>> -> memref<1x64x128xf32, #tpu.memory_space<vmem>>
      %dma_start3A_81 = tpu.memref_squeeze %dma_start3A_80 : memref<1x64x128xf32, #tpu.memory_space<vmem>> -> memref<64x128xf32, #tpu.memory_space<vmem>>
      %dma_start3A_82 = arith.constant 0 : i32
      %dma_start3A_83 = tpu.memref_slice %arg9[%add3A_43, %dma_start3A_82] : memref<10240x128xf32, #tpu.memory_space<vmem_shared>> -> memref<64x128xf32, #tpu.memory_space<vmem_shared>>
      %dma_start3A_84 = arith.constant 0 : i32
      %dma_start3A_85 = tpu.memref_slice %arg9[%add3A_43, %dma_start3A_84] : memref<10240x128xf32, #tpu.memory_space<vmem_shared>> -> memref<64x128xf32, #tpu.memory_space<vmem_shared>>
      %dma_start3A_86 = arith.constant 0 : i32
      %dma_start3A_87 = arith.constant 0 : i32
      %dma_start3A_88 = tpu.memref_slice %arg8[%run_scoped3A_44, %dma_start3A_86, %dma_start3A_87] : memref<4x64x128xf32, #tpu.memory_space<vmem>> -> memref<1x64x128xf32, #tpu.memory_space<vmem>>
      %dma_start3A_89 = tpu.memref_squeeze %dma_start3A_88 : memref<1x64x128xf32, #tpu.memory_space<vmem>> -> memref<64x128xf32, #tpu.memory_space<vmem>>
      tpu.enqueue_dma source(%dma_start3A_89 : memref<64x128xf32, #tpu.memory_space<vmem>>) target(%dma_start3A_85 : memref<64x128xf32, #tpu.memory_space<vmem_shared>>) target_semaphore(%run_scoped3A_78 : memref<!tpu.dma_semaphore, #tpu.memory_space<semaphore_mem>>)
      %dma_wait3A = arith.constant 0 : i32
      %dma_wait3A_90 = arith.constant 0 : i32
      %dma_wait3A_91 = tpu.memref_slice %arg8[%run_scoped3A_44, %dma_wait3A, %dma_wait3A_90] : memref<4x64x128xf32, #tpu.memory_space<vmem>> -> memref<1x64x128xf32, #tpu.memory_space<vmem>>
      %dma_wait3A_92 = tpu.memref_squeeze %dma_wait3A_91 : memref<1x64x128xf32, #tpu.memory_space<vmem>> -> memref<64x128xf32, #tpu.memory_space<vmem>>
      %dma_wait3A_93 = arith.constant 0 : i32
      %dma_wait3A_94 = tpu.memref_slice %arg9[%add3A_43, %dma_wait3A_93] : memref<10240x128xf32, #tpu.memory_space<vmem_shared>> -> memref<64x128xf32, #tpu.memory_space<vmem_shared>>
      %dma_wait3A_95 = arith.constant 0 : i32
      %dma_wait3A_96 = tpu.memref_slice %arg9[%add3A_43, %dma_wait3A_95] : memref<10240x128xf32, #tpu.memory_space<vmem_shared>> -> memref<64x128xf32, #tpu.memory_space<vmem_shared>>
      %dma_wait3A_97 = arith.constant 0 : i32
      %dma_wait3A_98 = arith.constant 0 : i32
      %dma_wait3A_99 = tpu.memref_slice %arg8[%run_scoped3A_44, %dma_wait3A_97, %dma_wait3A_98] : memref<4x64x128xf32, #tpu.memory_space<vmem>> -> memref<1x64x128xf32, #tpu.memory_space<vmem>>
      %dma_wait3A_100 = tpu.memref_squeeze %dma_wait3A_99 : memref<1x64x128xf32, #tpu.memory_space<vmem>> -> memref<64x128xf32, #tpu.memory_space<vmem>>
      tpu.wait_dma2 semaphore(%run_scoped3A_78 : memref<!tpu.dma_semaphore, #tpu.memory_space<semaphore_mem>>) src(%dma_wait3A_100 : memref<64x128xf32, #tpu.memory_space<vmem>>) dst(%dma_wait3A_96 : memref<64x128xf32, #tpu.memory_space<vmem_shared>>)
      tpu.yield
    }) : () -> ()
    %mul3A_45 = arith.constant 640 : i32
    %mul3A_46 = arith.muli %arg1, %mul3A_45 : i32
    %add3A_47 = arith.constant 512 : i32
    %add3A_48 = arith.addi %mul3A_46, %add3A_47 : i32
    %run_scoped3A_49 = arith.constant 0 : i32
    "tpu.region"() ({
      %run_scoped3A_78 = tpu.sem_alloc : memref<!tpu.dma_semaphore, #tpu.memory_space<semaphore_mem>>
      %dma_start3A = arith.constant 0 : i32
      %dma_start3A_79 = arith.constant 0 : i32
      %dma_start3A_80 = tpu.memref_slice %arg8[%run_scoped3A_49, %dma_start3A, %dma_start3A_79] : memref<4x64x128xf32, #tpu.memory_space<vmem>> -> memref<1x64x128xf32, #tpu.memory_space<vmem>>
      %dma_start3A_81 = tpu.memref_squeeze %dma_start3A_80 : memref<1x64x128xf32, #tpu.memory_space<vmem>> -> memref<64x128xf32, #tpu.memory_space<vmem>>
      %dma_start3A_82 = arith.constant 0 : i32
      %dma_start3A_83 = tpu.memref_slice %arg9[%add3A_48, %dma_start3A_82] : memref<10240x128xf32, #tpu.memory_space<vmem_shared>> -> memref<64x128xf32, #tpu.memory_space<vmem_shared>>
      %dma_start3A_84 = arith.constant 0 : i32
      %dma_start3A_85 = tpu.memref_slice %arg9[%add3A_48, %dma_start3A_84] : memref<10240x128xf32, #tpu.memory_space<vmem_shared>> -> memref<64x128xf32, #tpu.memory_space<vmem_shared>>
      %dma_start3A_86 = arith.constant 0 : i32
      %dma_start3A_87 = arith.constant 0 : i32
      %dma_start3A_88 = tpu.memref_slice %arg8[%run_scoped3A_49, %dma_start3A_86, %dma_start3A_87] : memref<4x64x128xf32, #tpu.memory_space<vmem>> -> memref<1x64x128xf32, #tpu.memory_space<vmem>>
      %dma_start3A_89 = tpu.memref_squeeze %dma_start3A_88 : memref<1x64x128xf32, #tpu.memory_space<vmem>> -> memref<64x128xf32, #tpu.memory_space<vmem>>
      tpu.enqueue_dma source(%dma_start3A_89 : memref<64x128xf32, #tpu.memory_space<vmem>>) target(%dma_start3A_85 : memref<64x128xf32, #tpu.memory_space<vmem_shared>>) target_semaphore(%run_scoped3A_78 : memref<!tpu.dma_semaphore, #tpu.memory_space<semaphore_mem>>)
      %dma_wait3A = arith.constant 0 : i32
      %dma_wait3A_90 = arith.constant 0 : i32
      %dma_wait3A_91 = tpu.memref_slice %arg8[%run_scoped3A_49, %dma_wait3A, %dma_wait3A_90] : memref<4x64x128xf32, #tpu.memory_space<vmem>> -> memref<1x64x128xf32, #tpu.memory_space<vmem>>
      %dma_wait3A_92 = tpu.memref_squeeze %dma_wait3A_91 : memref<1x64x128xf32, #tpu.memory_space<vmem>> -> memref<64x128xf32, #tpu.memory_space<vmem>>
      %dma_wait3A_93 = arith.constant 0 : i32
      %dma_wait3A_94 = tpu.memref_slice %arg9[%add3A_48, %dma_wait3A_93] : memref<10240x128xf32, #tpu.memory_space<vmem_shared>> -> memref<64x128xf32, #tpu.memory_space<vmem_shared>>
      %dma_wait3A_95 = arith.constant 0 : i32
      %dma_wait3A_96 = tpu.memref_slice %arg9[%add3A_48, %dma_wait3A_95] : memref<10240x128xf32, #tpu.memory_space<vmem_shared>> -> memref<64x128xf32, #tpu.memory_space<vmem_shared>>
      %dma_wait3A_97 = arith.constant 0 : i32
      %dma_wait3A_98 = arith.constant 0 : i32
      %dma_wait3A_99 = tpu.memref_slice %arg8[%run_scoped3A_49, %dma_wait3A_97, %dma_wait3A_98] : memref<4x64x128xf32, #tpu.memory_space<vmem>> -> memref<1x64x128xf32, #tpu.memory_space<vmem>>
      %dma_wait3A_100 = tpu.memref_squeeze %dma_wait3A_99 : memref<1x64x128xf32, #tpu.memory_space<vmem>> -> memref<64x128xf32, #tpu.memory_space<vmem>>
      tpu.wait_dma2 semaphore(%run_scoped3A_78 : memref<!tpu.dma_semaphore, #tpu.memory_space<semaphore_mem>>) src(%dma_wait3A_100 : memref<64x128xf32, #tpu.memory_space<vmem>>) dst(%dma_wait3A_96 : memref<64x128xf32, #tpu.memory_space<vmem_shared>>)
      tpu.yield
    }) : () -> ()
    %mul3A_50 = arith.constant 640 : i32
    %mul3A_51 = arith.muli %arg1, %mul3A_50 : i32
    %add3A_52 = arith.constant 576 : i32
    %add3A_53 = arith.addi %mul3A_51, %add3A_52 : i32
    %run_scoped3A_54 = arith.constant 0 : i32
    "tpu.region"() ({
      %run_scoped3A_78 = tpu.sem_alloc : memref<!tpu.dma_semaphore, #tpu.memory_space<semaphore_mem>>
      %dma_start3A = arith.constant 0 : i32
      %dma_start3A_79 = arith.constant 0 : i32
      %dma_start3A_80 = tpu.memref_slice %arg8[%run_scoped3A_54, %dma_start3A, %dma_start3A_79] : memref<4x64x128xf32, #tpu.memory_space<vmem>> -> memref<1x64x128xf32, #tpu.memory_space<vmem>>
      %dma_start3A_81 = tpu.memref_squeeze %dma_start3A_80 : memref<1x64x128xf32, #tpu.memory_space<vmem>> -> memref<64x128xf32, #tpu.memory_space<vmem>>
      %dma_start3A_82 = arith.constant 0 : i32
      %dma_start3A_83 = tpu.memref_slice %arg9[%add3A_53, %dma_start3A_82] : memref<10240x128xf32, #tpu.memory_space<vmem_shared>> -> memref<64x128xf32, #tpu.memory_space<vmem_shared>>
      %dma_start3A_84 = arith.constant 0 : i32
      %dma_start3A_85 = tpu.memref_slice %arg9[%add3A_53, %dma_start3A_84] : memref<10240x128xf32, #tpu.memory_space<vmem_shared>> -> memref<64x128xf32, #tpu.memory_space<vmem_shared>>
      %dma_start3A_86 = arith.constant 0 : i32
      %dma_start3A_87 = arith.constant 0 : i32
      %dma_start3A_88 = tpu.memref_slice %arg8[%run_scoped3A_54, %dma_start3A_86, %dma_start3A_87] : memref<4x64x128xf32, #tpu.memory_space<vmem>> -> memref<1x64x128xf32, #tpu.memory_space<vmem>>
      %dma_start3A_89 = tpu.memref_squeeze %dma_start3A_88 : memref<1x64x128xf32, #tpu.memory_space<vmem>> -> memref<64x128xf32, #tpu.memory_space<vmem>>
      tpu.enqueue_dma source(%dma_start3A_89 : memref<64x128xf32, #tpu.memory_space<vmem>>) target(%dma_start3A_85 : memref<64x128xf32, #tpu.memory_space<vmem_shared>>) target_semaphore(%run_scoped3A_78 : memref<!tpu.dma_semaphore, #tpu.memory_space<semaphore_mem>>)
      %dma_wait3A = arith.constant 0 : i32
      %dma_wait3A_90 = arith.constant 0 : i32
      %dma_wait3A_91 = tpu.memref_slice %arg8[%run_scoped3A_54, %dma_wait3A, %dma_wait3A_90] : memref<4x64x128xf32, #tpu.memory_space<vmem>> -> memref<1x64x128xf32, #tpu.memory_space<vmem>>
      %dma_wait3A_92 = tpu.memref_squeeze %dma_wait3A_91 : memref<1x64x128xf32, #tpu.memory_space<vmem>> -> memref<64x128xf32, #tpu.memory_space<vmem>>
      %dma_wait3A_93 = arith.constant 0 : i32
      %dma_wait3A_94 = tpu.memref_slice %arg9[%add3A_53, %dma_wait3A_93] : memref<10240x128xf32, #tpu.memory_space<vmem_shared>> -> memref<64x128xf32, #tpu.memory_space<vmem_shared>>
      %dma_wait3A_95 = arith.constant 0 : i32
      %dma_wait3A_96 = tpu.memref_slice %arg9[%add3A_53, %dma_wait3A_95] : memref<10240x128xf32, #tpu.memory_space<vmem_shared>> -> memref<64x128xf32, #tpu.memory_space<vmem_shared>>
      %dma_wait3A_97 = arith.constant 0 : i32
      %dma_wait3A_98 = arith.constant 0 : i32
      %dma_wait3A_99 = tpu.memref_slice %arg8[%run_scoped3A_54, %dma_wait3A_97, %dma_wait3A_98] : memref<4x64x128xf32, #tpu.memory_space<vmem>> -> memref<1x64x128xf32, #tpu.memory_space<vmem>>
      %dma_wait3A_100 = tpu.memref_squeeze %dma_wait3A_99 : memref<1x64x128xf32, #tpu.memory_space<vmem>> -> memref<64x128xf32, #tpu.memory_space<vmem>>
      tpu.wait_dma2 semaphore(%run_scoped3A_78 : memref<!tpu.dma_semaphore, #tpu.memory_space<semaphore_mem>>) src(%dma_wait3A_100 : memref<64x128xf32, #tpu.memory_space<vmem>>) dst(%dma_wait3A_96 : memref<64x128xf32, #tpu.memory_space<vmem_shared>>)
      tpu.yield
    }) : () -> ()
    %barrier3A = arith.constant 0 : index
    tpu.barrier barrier_id(%barrier3A)
    %eq3A = arith.constant 0 : i32
    %eq3A_55 = arith.cmpi eq, %arg0, %eq3A : i32
    %jit3A = arith.constant 9 : i32
    %jit3A_56 = arith.constant 1 : i32
    %select_n3A = arith.select %eq3A_55, %jit3A, %jit3A_56 : i32
    %sub3A = arith.constant 0 : i32
    %sub3A_57 = arith.subi %select_n3A, %sub3A : i32
    %sub3A_58 = arith.constant 1 : i32
    %sub3A_59 = arith.constant 1 : i32
    %sub3A_60 = arith.subi %sub3A_58, %sub3A_59 : i32
    %add3A_61 = arith.addi %sub3A_57, %sub3A_60 : i32
    %div3A = arith.constant 1 : i32
    %div3A_62 = arith.divsi %add3A_61, %div3A : i32
    %while3A = arith.constant 1 : i32
    %while3A_63 = arith.constant 0 : i32
    %while3A_64 = arith.constant 0 : i32
    %while3A_65 = arith.subi %div3A_62, %while3A_64 : i32
    %while3A_66 = arith.addi %while3A_64, %while3A_65 : i32
    %while3A_67 = arith.constant 1 : i32
    %while3A_68 = arith.divsi %while3A_65, %while3A_67 : i32
    %while3A_69 = arith.muli %while3A_68, %while3A_67 : i32
    %while3A_70 = arith.addi %while3A_64, %while3A_69 : i32
    %while3A_71 = arith.constant 1 : i32
    scf.for %while3A_78 = %while3A_64 to %while3A_70 step %while3A_71  : i32 {
      %mul3A_79 = arith.muli %while3A_78, %while3A : i32
      %add3A_80 = arith.addi %while3A_63, %mul3A_79 : i32
      %mul3A_81 = arith.constant 32 : i32
      %mul3A_82 = arith.muli %add3A_80, %mul3A_81 : i32
      "tpu.region"() ({
        %run_scoped3A_280 = tpu.sem_alloc : memref<!tpu.dma_semaphore, #tpu.memory_space<semaphore_mem>>
        %dma_start3A_281 = arith.constant 0 : i32
        %dma_start3A_282 = tpu.memref_slice %arg3[%add3A, %mul3A_82, %dma_start3A_281] : memref<32x288x64xi32, #tpu.memory_space<hbm>> -> memref<1x32x64xi32, #tpu.memory_space<hbm>>
        %dma_start3A_283 = tpu.memref_squeeze %dma_start3A_282 : memref<1x32x64xi32, #tpu.memory_space<hbm>> -> memref<32x64xi32, #tpu.memory_space<hbm>>
        %dma_start3A_284 = arith.constant 0 : i32
        %dma_start3A_285 = tpu.memref_slice %arg3[%add3A, %mul3A_82, %dma_start3A_284] : memref<32x288x64xi32, #tpu.memory_space<hbm>> -> memref<1x32x64xi32, #tpu.memory_space<hbm>>
        %dma_start3A_286 = tpu.memref_squeeze %dma_start3A_285 : memref<1x32x64xi32, #tpu.memory_space<hbm>> -> memref<32x64xi32, #tpu.memory_space<hbm>>
        tpu.enqueue_dma source(%dma_start3A_286 : memref<32x64xi32, #tpu.memory_space<hbm>>) target(%arg6 : memref<32x64xi32, #tpu.memory_space<vmem>>) target_semaphore(%run_scoped3A_280 : memref<!tpu.dma_semaphore, #tpu.memory_space<semaphore_mem>>)
        %dma_wait3A_287 = arith.constant 0 : i32
        %dma_wait3A_288 = tpu.memref_slice %arg3[%add3A, %mul3A_82, %dma_wait3A_287] : memref<32x288x64xi32, #tpu.memory_space<hbm>> -> memref<1x32x64xi32, #tpu.memory_space<hbm>>
        %dma_wait3A_289 = tpu.memref_squeeze %dma_wait3A_288 : memref<1x32x64xi32, #tpu.memory_space<hbm>> -> memref<32x64xi32, #tpu.memory_space<hbm>>
        %dma_wait3A_290 = arith.constant 0 : i32
        %dma_wait3A_291 = tpu.memref_slice %arg3[%add3A, %mul3A_82, %dma_wait3A_290] : memref<32x288x64xi32, #tpu.memory_space<hbm>> -> memref<1x32x64xi32, #tpu.memory_space<hbm>>
        %dma_wait3A_292 = tpu.memref_squeeze %dma_wait3A_291 : memref<1x32x64xi32, #tpu.memory_space<hbm>> -> memref<32x64xi32, #tpu.memory_space<hbm>>
        tpu.wait_dma2 semaphore(%run_scoped3A_280 : memref<!tpu.dma_semaphore, #tpu.memory_space<semaphore_mem>>) src(%dma_wait3A_292 : memref<32x64xi32, #tpu.memory_space<hbm>>) dst(%arg6 : memref<32x64xi32, #tpu.memory_space<vmem>>)
        tpu.yield
      }) : () -> ()
      %mul3A_83 = arith.constant 32 : i32
      %mul3A_84 = arith.muli %add3A_80, %mul3A_83 : i32
      "tpu.region"() ({
        %run_scoped3A_280 = tpu.sem_alloc : memref<!tpu.dma_semaphore, #tpu.memory_space<semaphore_mem>>
        %dma_start3A_281 = arith.constant 0 : i32
        %dma_start3A_282 = tpu.memref_slice %arg4[%add3A, %mul3A_84, %dma_start3A_281] : memref<32x288x64xi32, #tpu.memory_space<hbm>> -> memref<1x32x64xi32, #tpu.memory_space<hbm>>
        %dma_start3A_283 = tpu.memref_squeeze %dma_start3A_282 : memref<1x32x64xi32, #tpu.memory_space<hbm>> -> memref<32x64xi32, #tpu.memory_space<hbm>>
        %dma_start3A_284 = arith.constant 0 : i32
        %dma_start3A_285 = tpu.memref_slice %arg4[%add3A, %mul3A_84, %dma_start3A_284] : memref<32x288x64xi32, #tpu.memory_space<hbm>> -> memref<1x32x64xi32, #tpu.memory_space<hbm>>
        %dma_start3A_286 = tpu.memref_squeeze %dma_start3A_285 : memref<1x32x64xi32, #tpu.memory_space<hbm>> -> memref<32x64xi32, #tpu.memory_space<hbm>>
        tpu.enqueue_dma source(%dma_start3A_286 : memref<32x64xi32, #tpu.memory_space<hbm>>) target(%arg7 : memref<32x64xi32, #tpu.memory_space<vmem>>) target_semaphore(%run_scoped3A_280 : memref<!tpu.dma_semaphore, #tpu.memory_space<semaphore_mem>>)
        %dma_wait3A_287 = arith.constant 0 : i32
        %dma_wait3A_288 = tpu.memref_slice %arg4[%add3A, %mul3A_84, %dma_wait3A_287] : memref<32x288x64xi32, #tpu.memory_space<hbm>> -> memref<1x32x64xi32, #tpu.memory_space<hbm>>
        %dma_wait3A_289 = tpu.memref_squeeze %dma_wait3A_288 : memref<1x32x64xi32, #tpu.memory_space<hbm>> -> memref<32x64xi32, #tpu.memory_space<hbm>>
        %dma_wait3A_290 = arith.constant 0 : i32
        %dma_wait3A_291 = tpu.memref_slice %arg4[%add3A, %mul3A_84, %dma_wait3A_290] : memref<32x288x64xi32, #tpu.memory_space<hbm>> -> memref<1x32x64xi32, #tpu.memory_space<hbm>>
        %dma_wait3A_292 = tpu.memref_squeeze %dma_wait3A_291 : memref<1x32x64xi32, #tpu.memory_space<hbm>> -> memref<32x64xi32, #tpu.memory_space<hbm>>
        tpu.wait_dma2 semaphore(%run_scoped3A_280 : memref<!tpu.dma_semaphore, #tpu.memory_space<semaphore_mem>>) src(%dma_wait3A_292 : memref<32x64xi32, #tpu.memory_space<hbm>>) dst(%arg7 : memref<32x64xi32, #tpu.memory_space<vmem>>)
        tpu.yield
      }) : () -> ()
      %dma_start3A = arith.constant 0 : i32
      %dma_start3A_85 = arith.constant 0 : i32
      %dma_start3A_86 = arith.constant 0 : i32
      %dma_start3A_87 = arith.constant 0 : i32
      %dma_start3A_88 = tpu.memref_slice %arg8[%dma_start3A_85, %dma_start3A_86, %dma_start3A_87] : memref<4x64x128xf32, #tpu.memory_space<vmem>> -> memref<1x64x128xf32, #tpu.memory_space<vmem>>
      %dma_start3A_89 = tpu.memref_squeeze %dma_start3A_88 : memref<1x64x128xf32, #tpu.memory_space<vmem>> -> memref<64x128xf32, #tpu.memory_space<vmem>>
      %dma_start3A_90 = arith.constant 0 : i32
      %dma_start3A_91 = tpu.memref_slice %arg6[%dma_start3A, %dma_start3A_90] : memref<32x64xi32, #tpu.memory_space<vmem>> -> memref<1x64xi32, #tpu.memory_space<vmem>>
      %dma_start3A_92 = tpu.memref_squeeze %dma_start3A_91 : memref<1x64xi32, #tpu.memory_space<vmem>> -> memref<64xi32, #tpu.memory_space<vmem>>
      %dma_start3A_93 = arith.constant 0 : i32
      %dma_start3A_94 = arith.constant 0 : i32
      %dma_start3A_95 = tpu.memref_slice %arg2[%dma_start3A_93, %dma_start3A_94] : memref<10000x128xf32, #tpu.memory_space<hbm>> -> memref<10000x128xf32, #tpu.memory_space<hbm>>
      tpu.enqueue_indirect_dma source(%dma_start3A_95 : memref<10000x128xf32, #tpu.memory_space<hbm>>) target(%dma_start3A_89 : memref<64x128xf32, #tpu.memory_space<vmem>>) offsets(%dma_start3A_92 : memref<64xi32, #tpu.memory_space<vmem>>) semaphore(%arg10 : memref<!tpu.dma_semaphore, #tpu.memory_space<semaphore_mem>>)
      %dma_start3A_96 = arith.constant 1 : i32
      %dma_start3A_97 = arith.constant 1 : i32
      %dma_start3A_98 = arith.constant 0 : i32
      %dma_start3A_99 = arith.constant 0 : i32
      %dma_start3A_100 = tpu.memref_slice %arg8[%dma_start3A_97, %dma_start3A_98, %dma_start3A_99] : memref<4x64x128xf32, #tpu.memory_space<vmem>> -> memref<1x64x128xf32, #tpu.memory_space<vmem>>
      %dma_start3A_101 = tpu.memref_squeeze %dma_start3A_100 : memref<1x64x128xf32, #tpu.memory_space<vmem>> -> memref<64x128xf32, #tpu.memory_space<vmem>>
      %dma_start3A_102 = arith.constant 0 : i32
      %dma_start3A_103 = tpu.memref_slice %arg6[%dma_start3A_96, %dma_start3A_102] : memref<32x64xi32, #tpu.memory_space<vmem>> -> memref<1x64xi32, #tpu.memory_space<vmem>>
      %dma_start3A_104 = tpu.memref_squeeze %dma_start3A_103 : memref<1x64xi32, #tpu.memory_space<vmem>> -> memref<64xi32, #tpu.memory_space<vmem>>
      %dma_start3A_105 = arith.constant 0 : i32
      %dma_start3A_106 = arith.constant 0 : i32
      %dma_start3A_107 = tpu.memref_slice %arg2[%dma_start3A_105, %dma_start3A_106] : memref<10000x128xf32, #tpu.memory_space<hbm>> -> memref<10000x128xf32, #tpu.memory_space<hbm>>
      tpu.enqueue_indirect_dma source(%dma_start3A_107 : memref<10000x128xf32, #tpu.memory_space<hbm>>) target(%dma_start3A_101 : memref<64x128xf32, #tpu.memory_space<vmem>>) offsets(%dma_start3A_104 : memref<64xi32, #tpu.memory_space<vmem>>) semaphore(%arg11 : memref<!tpu.dma_semaphore, #tpu.memory_space<semaphore_mem>>)
      %dma_start3A_108 = arith.constant 2 : i32
      %dma_start3A_109 = arith.constant 2 : i32
      %dma_start3A_110 = arith.constant 0 : i32
      %dma_start3A_111 = arith.constant 0 : i32
      %dma_start3A_112 = tpu.memref_slice %arg8[%dma_start3A_109, %dma_start3A_110, %dma_start3A_111] : memref<4x64x128xf32, #tpu.memory_space<vmem>> -> memref<1x64x128xf32, #tpu.memory_space<vmem>>
      %dma_start3A_113 = tpu.memref_squeeze %dma_start3A_112 : memref<1x64x128xf32, #tpu.memory_space<vmem>> -> memref<64x128xf32, #tpu.memory_space<vmem>>
      %dma_start3A_114 = arith.constant 0 : i32
      %dma_start3A_115 = tpu.memref_slice %arg6[%dma_start3A_108, %dma_start3A_114] : memref<32x64xi32, #tpu.memory_space<vmem>> -> memref<1x64xi32, #tpu.memory_space<vmem>>
      %dma_start3A_116 = tpu.memref_squeeze %dma_start3A_115 : memref<1x64xi32, #tpu.memory_space<vmem>> -> memref<64xi32, #tpu.memory_space<vmem>>
      %dma_start3A_117 = arith.constant 0 : i32
      %dma_start3A_118 = arith.constant 0 : i32
      %dma_start3A_119 = tpu.memref_slice %arg2[%dma_start3A_117, %dma_start3A_118] : memref<10000x128xf32, #tpu.memory_space<hbm>> -> memref<10000x128xf32, #tpu.memory_space<hbm>>
      tpu.enqueue_indirect_dma source(%dma_start3A_119 : memref<10000x128xf32, #tpu.memory_space<hbm>>) target(%dma_start3A_113 : memref<64x128xf32, #tpu.memory_space<vmem>>) offsets(%dma_start3A_116 : memref<64xi32, #tpu.memory_space<vmem>>) semaphore(%arg12 : memref<!tpu.dma_semaphore, #tpu.memory_space<semaphore_mem>>)
      %dma_start3A_120 = arith.constant 3 : i32
      %dma_start3A_121 = arith.constant 3 : i32
      %dma_start3A_122 = arith.constant 0 : i32
      %dma_start3A_123 = arith.constant 0 : i32
      %dma_start3A_124 = tpu.memref_slice %arg8[%dma_start3A_121, %dma_start3A_122, %dma_start3A_123] : memref<4x64x128xf32, #tpu.memory_space<vmem>> -> memref<1x64x128xf32, #tpu.memory_space<vmem>>
      %dma_start3A_125 = tpu.memref_squeeze %dma_start3A_124 : memref<1x64x128xf32, #tpu.memory_space<vmem>> -> memref<64x128xf32, #tpu.memory_space<vmem>>
      %dma_start3A_126 = arith.constant 0 : i32
      %dma_start3A_127 = tpu.memref_slice %arg6[%dma_start3A_120, %dma_start3A_126] : memref<32x64xi32, #tpu.memory_space<vmem>> -> memref<1x64xi32, #tpu.memory_space<vmem>>
      %dma_start3A_128 = tpu.memref_squeeze %dma_start3A_127 : memref<1x64xi32, #tpu.memory_space<vmem>> -> memref<64xi32, #tpu.memory_space<vmem>>
      %dma_start3A_129 = arith.constant 0 : i32
      %dma_start3A_130 = arith.constant 0 : i32
      %dma_start3A_131 = tpu.memref_slice %arg2[%dma_start3A_129, %dma_start3A_130] : memref<10000x128xf32, #tpu.memory_space<hbm>> -> memref<10000x128xf32, #tpu.memory_space<hbm>>
      tpu.enqueue_indirect_dma source(%dma_start3A_131 : memref<10000x128xf32, #tpu.memory_space<hbm>>) target(%dma_start3A_125 : memref<64x128xf32, #tpu.memory_space<vmem>>) offsets(%dma_start3A_128 : memref<64xi32, #tpu.memory_space<vmem>>) semaphore(%arg13 : memref<!tpu.dma_semaphore, #tpu.memory_space<semaphore_mem>>)
      %scan3A_132 = arith.constant 0 : i32
      %scan3A_133 = arith.constant 7 : i32
      %scan3A_134 = arith.addi %scan3A_132, %scan3A_133 : i32
      %scan3A_135 = arith.constant 1 : i32
      scf.for %scan3A_280 = %scan3A_132 to %scan3A_134 step %scan3A_135  : i32 {
        %mul3A_281 = arith.constant 4 : i32
        %mul3A_282 = arith.muli %scan3A_280, %mul3A_281 : i32
        %add3A_283 = arith.constant 0 : i32
        %add3A_284 = arith.addi %add3A_283, %mul3A_282 : i32
        %add3A_285 = arith.constant 0 : i32
        %add3A_286 = arith.addi %add3A_284, %add3A_285 : i32
        %dma_wait3A_287 = arith.constant 0 : i32
        %dma_wait3A_288 = arith.constant 0 : i32
        %dma_wait3A_289 = arith.constant 0 : i32
        %dma_wait3A_290 = tpu.memref_slice %arg8[%dma_wait3A_287, %dma_wait3A_288, %dma_wait3A_289] : memref<4x64x128xf32, #tpu.memory_space<vmem>> -> memref<1x64x128xf32, #tpu.memory_space<vmem>>
        %dma_wait3A_291 = tpu.memref_squeeze %dma_wait3A_290 : memref<1x64x128xf32, #tpu.memory_space<vmem>> -> memref<64x128xf32, #tpu.memory_space<vmem>>
        %dma_wait3A_292 = arith.constant 0 : i32
        %dma_wait3A_293 = tpu.memref_slice %arg6[%add3A_286, %dma_wait3A_292] : memref<32x64xi32, #tpu.memory_space<vmem>> -> memref<1x64xi32, #tpu.memory_space<vmem>>
        %dma_wait3A_294 = tpu.memref_squeeze %dma_wait3A_293 : memref<1x64xi32, #tpu.memory_space<vmem>> -> memref<64xi32, #tpu.memory_space<vmem>>
        %dma_wait3A_295 = arith.constant 0 : i32
        %dma_wait3A_296 = arith.constant 0 : i32
        %dma_wait3A_297 = tpu.memref_slice %arg2[%dma_wait3A_295, %dma_wait3A_296] : memref<10000x128xf32, #tpu.memory_space<hbm>> -> memref<10000x128xf32, #tpu.memory_space<hbm>>
        tpu.wait_indirect_dma semaphore(%arg10 : memref<!tpu.dma_semaphore, #tpu.memory_space<semaphore_mem>>) src(%dma_wait3A_297 : memref<10000x128xf32, #tpu.memory_space<hbm>>) dst(%dma_wait3A_291 : memref<64x128xf32, #tpu.memory_space<vmem>>)
        %add3A_298 = arith.constant 0 : i32
        %add3A_299 = arith.addi %add3A_284, %add3A_298 : i32
        %dma_start3A_300 = arith.constant 0 : i32
        %dma_start3A_301 = arith.constant 0 : i32
        %dma_start3A_302 = arith.constant 0 : i32
        %dma_start3A_303 = tpu.memref_slice %arg8[%dma_start3A_300, %dma_start3A_301, %dma_start3A_302] : memref<4x64x128xf32, #tpu.memory_space<vmem>> -> memref<1x64x128xf32, #tpu.memory_space<vmem>>
        %dma_start3A_304 = tpu.memref_squeeze %dma_start3A_303 : memref<1x64x128xf32, #tpu.memory_space<vmem>> -> memref<64x128xf32, #tpu.memory_space<vmem>>
        %dma_start3A_305 = arith.constant 0 : i32
        %dma_start3A_306 = tpu.memref_slice %arg7[%add3A_299, %dma_start3A_305] : memref<32x64xi32, #tpu.memory_space<vmem>> -> memref<1x64xi32, #tpu.memory_space<vmem>>
        %dma_start3A_307 = tpu.memref_squeeze %dma_start3A_306 : memref<1x64xi32, #tpu.memory_space<vmem>> -> memref<64xi32, #tpu.memory_space<vmem>>
        %dma_start3A_308 = arith.constant 0 : i32
        %dma_start3A_309 = arith.constant 0 : i32
        %dma_start3A_310 = tpu.memref_slice %arg9[%dma_start3A_308, %dma_start3A_309] : memref<10240x128xf32, #tpu.memory_space<vmem_shared>> -> memref<10240x128xf32, #tpu.memory_space<vmem_shared>>
        tpu.enqueue_indirect_dma source(%dma_start3A_304 : memref<64x128xf32, #tpu.memory_space<vmem>>) target(%dma_start3A_310 : memref<10240x128xf32, #tpu.memory_space<vmem_shared>>) offsets(%dma_start3A_307 : memref<64xi32, #tpu.memory_space<vmem>>) semaphore(%arg14 : memref<!tpu.dma_semaphore, #tpu.memory_space<semaphore_mem>>) {add = true}
        %add3A_311 = arith.constant 1 : i32
        %add3A_312 = arith.addi %add3A_284, %add3A_311 : i32
        %dma_wait3A_313 = arith.constant 1 : i32
        %dma_wait3A_314 = arith.constant 0 : i32
        %dma_wait3A_315 = arith.constant 0 : i32
        %dma_wait3A_316 = tpu.memref_slice %arg8[%dma_wait3A_313, %dma_wait3A_314, %dma_wait3A_315] : memref<4x64x128xf32, #tpu.memory_space<vmem>> -> memref<1x64x128xf32, #tpu.memory_space<vmem>>
        %dma_wait3A_317 = tpu.memref_squeeze %dma_wait3A_316 : memref<1x64x128xf32, #tpu.memory_space<vmem>> -> memref<64x128xf32, #tpu.memory_space<vmem>>
        %dma_wait3A_318 = arith.constant 0 : i32
        %dma_wait3A_319 = tpu.memref_slice %arg6[%add3A_312, %dma_wait3A_318] : memref<32x64xi32, #tpu.memory_space<vmem>> -> memref<1x64xi32, #tpu.memory_space<vmem>>
        %dma_wait3A_320 = tpu.memref_squeeze %dma_wait3A_319 : memref<1x64xi32, #tpu.memory_space<vmem>> -> memref<64xi32, #tpu.memory_space<vmem>>
        %dma_wait3A_321 = arith.constant 0 : i32
        %dma_wait3A_322 = arith.constant 0 : i32
        %dma_wait3A_323 = tpu.memref_slice %arg2[%dma_wait3A_321, %dma_wait3A_322] : memref<10000x128xf32, #tpu.memory_space<hbm>> -> memref<10000x128xf32, #tpu.memory_space<hbm>>
        tpu.wait_indirect_dma semaphore(%arg11 : memref<!tpu.dma_semaphore, #tpu.memory_space<semaphore_mem>>) src(%dma_wait3A_323 : memref<10000x128xf32, #tpu.memory_space<hbm>>) dst(%dma_wait3A_317 : memref<64x128xf32, #tpu.memory_space<vmem>>)
        %add3A_324 = arith.constant 1 : i32
        %add3A_325 = arith.addi %add3A_284, %add3A_324 : i32
        %dma_start3A_326 = arith.constant 1 : i32
        %dma_start3A_327 = arith.constant 0 : i32
        %dma_start3A_328 = arith.constant 0 : i32
        %dma_start3A_329 = tpu.memref_slice %arg8[%dma_start3A_326, %dma_start3A_327, %dma_start3A_328] : memref<4x64x128xf32, #tpu.memory_space<vmem>> -> memref<1x64x128xf32, #tpu.memory_space<vmem>>
        %dma_start3A_330 = tpu.memref_squeeze %dma_start3A_329 : memref<1x64x128xf32, #tpu.memory_space<vmem>> -> memref<64x128xf32, #tpu.memory_space<vmem>>
        %dma_start3A_331 = arith.constant 0 : i32
        %dma_start3A_332 = tpu.memref_slice %arg7[%add3A_325, %dma_start3A_331] : memref<32x64xi32, #tpu.memory_space<vmem>> -> memref<1x64xi32, #tpu.memory_space<vmem>>
        %dma_start3A_333 = tpu.memref_squeeze %dma_start3A_332 : memref<1x64xi32, #tpu.memory_space<vmem>> -> memref<64xi32, #tpu.memory_space<vmem>>
        %dma_start3A_334 = arith.constant 0 : i32
        %dma_start3A_335 = arith.constant 0 : i32
        %dma_start3A_336 = tpu.memref_slice %arg9[%dma_start3A_334, %dma_start3A_335] : memref<10240x128xf32, #tpu.memory_space<vmem_shared>> -> memref<10240x128xf32, #tpu.memory_space<vmem_shared>>
        tpu.enqueue_indirect_dma source(%dma_start3A_330 : memref<64x128xf32, #tpu.memory_space<vmem>>) target(%dma_start3A_336 : memref<10240x128xf32, #tpu.memory_space<vmem_shared>>) offsets(%dma_start3A_333 : memref<64xi32, #tpu.memory_space<vmem>>) semaphore(%arg15 : memref<!tpu.dma_semaphore, #tpu.memory_space<semaphore_mem>>) {add = true}
        %add3A_337 = arith.constant 2 : i32
        %add3A_338 = arith.addi %add3A_284, %add3A_337 : i32
        %dma_wait3A_339 = arith.constant 2 : i32
        %dma_wait3A_340 = arith.constant 0 : i32
        %dma_wait3A_341 = arith.constant 0 : i32
        %dma_wait3A_342 = tpu.memref_slice %arg8[%dma_wait3A_339, %dma_wait3A_340, %dma_wait3A_341] : memref<4x64x128xf32, #tpu.memory_space<vmem>> -> memref<1x64x128xf32, #tpu.memory_space<vmem>>
        %dma_wait3A_343 = tpu.memref_squeeze %dma_wait3A_342 : memref<1x64x128xf32, #tpu.memory_space<vmem>> -> memref<64x128xf32, #tpu.memory_space<vmem>>
        %dma_wait3A_344 = arith.constant 0 : i32
        %dma_wait3A_345 = tpu.memref_slice %arg6[%add3A_338, %dma_wait3A_344] : memref<32x64xi32, #tpu.memory_space<vmem>> -> memref<1x64xi32, #tpu.memory_space<vmem>>
        %dma_wait3A_346 = tpu.memref_squeeze %dma_wait3A_345 : memref<1x64xi32, #tpu.memory_space<vmem>> -> memref<64xi32, #tpu.memory_space<vmem>>
        %dma_wait3A_347 = arith.constant 0 : i32
        %dma_wait3A_348 = arith.constant 0 : i32
        %dma_wait3A_349 = tpu.memref_slice %arg2[%dma_wait3A_347, %dma_wait3A_348] : memref<10000x128xf32, #tpu.memory_space<hbm>> -> memref<10000x128xf32, #tpu.memory_space<hbm>>
        tpu.wait_indirect_dma semaphore(%arg12 : memref<!tpu.dma_semaphore, #tpu.memory_space<semaphore_mem>>) src(%dma_wait3A_349 : memref<10000x128xf32, #tpu.memory_space<hbm>>) dst(%dma_wait3A_343 : memref<64x128xf32, #tpu.memory_space<vmem>>)
        %add3A_350 = arith.constant 2 : i32
        %add3A_351 = arith.addi %add3A_284, %add3A_350 : i32
        %dma_start3A_352 = arith.constant 2 : i32
        %dma_start3A_353 = arith.constant 0 : i32
        %dma_start3A_354 = arith.constant 0 : i32
        %dma_start3A_355 = tpu.memref_slice %arg8[%dma_start3A_352, %dma_start3A_353, %dma_start3A_354] : memref<4x64x128xf32, #tpu.memory_space<vmem>> -> memref<1x64x128xf32, #tpu.memory_space<vmem>>
        %dma_start3A_356 = tpu.memref_squeeze %dma_start3A_355 : memref<1x64x128xf32, #tpu.memory_space<vmem>> -> memref<64x128xf32, #tpu.memory_space<vmem>>
        %dma_start3A_357 = arith.constant 0 : i32
        %dma_start3A_358 = tpu.memref_slice %arg7[%add3A_351, %dma_start3A_357] : memref<32x64xi32, #tpu.memory_space<vmem>> -> memref<1x64xi32, #tpu.memory_space<vmem>>
        %dma_start3A_359 = tpu.memref_squeeze %dma_start3A_358 : memref<1x64xi32, #tpu.memory_space<vmem>> -> memref<64xi32, #tpu.memory_space<vmem>>
        %dma_start3A_360 = arith.constant 0 : i32
        %dma_start3A_361 = arith.constant 0 : i32
        %dma_start3A_362 = tpu.memref_slice %arg9[%dma_start3A_360, %dma_start3A_361] : memref<10240x128xf32, #tpu.memory_space<vmem_shared>> -> memref<10240x128xf32, #tpu.memory_space<vmem_shared>>
        tpu.enqueue_indirect_dma source(%dma_start3A_356 : memref<64x128xf32, #tpu.memory_space<vmem>>) target(%dma_start3A_362 : memref<10240x128xf32, #tpu.memory_space<vmem_shared>>) offsets(%dma_start3A_359 : memref<64xi32, #tpu.memory_space<vmem>>) semaphore(%arg16 : memref<!tpu.dma_semaphore, #tpu.memory_space<semaphore_mem>>) {add = true}
        %add3A_363 = arith.constant 3 : i32
        %add3A_364 = arith.addi %add3A_284, %add3A_363 : i32
        %dma_wait3A_365 = arith.constant 3 : i32
        %dma_wait3A_366 = arith.constant 0 : i32
        %dma_wait3A_367 = arith.constant 0 : i32
        %dma_wait3A_368 = tpu.memref_slice %arg8[%dma_wait3A_365, %dma_wait3A_366, %dma_wait3A_367] : memref<4x64x128xf32, #tpu.memory_space<vmem>> -> memref<1x64x128xf32, #tpu.memory_space<vmem>>
        %dma_wait3A_369 = tpu.memref_squeeze %dma_wait3A_368 : memref<1x64x128xf32, #tpu.memory_space<vmem>> -> memref<64x128xf32, #tpu.memory_space<vmem>>
        %dma_wait3A_370 = arith.constant 0 : i32
        %dma_wait3A_371 = tpu.memref_slice %arg6[%add3A_364, %dma_wait3A_370] : memref<32x64xi32, #tpu.memory_space<vmem>> -> memref<1x64xi32, #tpu.memory_space<vmem>>
        %dma_wait3A_372 = tpu.memref_squeeze %dma_wait3A_371 : memref<1x64xi32, #tpu.memory_space<vmem>> -> memref<64xi32, #tpu.memory_space<vmem>>
        %dma_wait3A_373 = arith.constant 0 : i32
        %dma_wait3A_374 = arith.constant 0 : i32
        %dma_wait3A_375 = tpu.memref_slice %arg2[%dma_wait3A_373, %dma_wait3A_374] : memref<10000x128xf32, #tpu.memory_space<hbm>> -> memref<10000x128xf32, #tpu.memory_space<hbm>>
        tpu.wait_indirect_dma semaphore(%arg13 : memref<!tpu.dma_semaphore, #tpu.memory_space<semaphore_mem>>) src(%dma_wait3A_375 : memref<10000x128xf32, #tpu.memory_space<hbm>>) dst(%dma_wait3A_369 : memref<64x128xf32, #tpu.memory_space<vmem>>)
        %add3A_376 = arith.constant 3 : i32
        %add3A_377 = arith.addi %add3A_284, %add3A_376 : i32
        %dma_start3A_378 = arith.constant 3 : i32
        %dma_start3A_379 = arith.constant 0 : i32
        %dma_start3A_380 = arith.constant 0 : i32
        %dma_start3A_381 = tpu.memref_slice %arg8[%dma_start3A_378, %dma_start3A_379, %dma_start3A_380] : memref<4x64x128xf32, #tpu.memory_space<vmem>> -> memref<1x64x128xf32, #tpu.memory_space<vmem>>
        %dma_start3A_382 = tpu.memref_squeeze %dma_start3A_381 : memref<1x64x128xf32, #tpu.memory_space<vmem>> -> memref<64x128xf32, #tpu.memory_space<vmem>>
        %dma_start3A_383 = arith.constant 0 : i32
        %dma_start3A_384 = tpu.memref_slice %arg7[%add3A_377, %dma_start3A_383] : memref<32x64xi32, #tpu.memory_space<vmem>> -> memref<1x64xi32, #tpu.memory_space<vmem>>
        %dma_start3A_385 = tpu.memref_squeeze %dma_start3A_384 : memref<1x64xi32, #tpu.memory_space<vmem>> -> memref<64xi32, #tpu.memory_space<vmem>>
        %dma_start3A_386 = arith.constant 0 : i32
        %dma_start3A_387 = arith.constant 0 : i32
        %dma_start3A_388 = tpu.memref_slice %arg9[%dma_start3A_386, %dma_start3A_387] : memref<10240x128xf32, #tpu.memory_space<vmem_shared>> -> memref<10240x128xf32, #tpu.memory_space<vmem_shared>>
        tpu.enqueue_indirect_dma source(%dma_start3A_382 : memref<64x128xf32, #tpu.memory_space<vmem>>) target(%dma_start3A_388 : memref<10240x128xf32, #tpu.memory_space<vmem_shared>>) offsets(%dma_start3A_385 : memref<64xi32, #tpu.memory_space<vmem>>) semaphore(%arg17 : memref<!tpu.dma_semaphore, #tpu.memory_space<semaphore_mem>>) {add = true}
        %add3A_389 = arith.constant 0 : i32
        %add3A_390 = arith.addi %add3A_284, %add3A_389 : i32
        %dma_wait3A_391 = arith.constant 0 : i32
        %dma_wait3A_392 = arith.constant 0 : i32
        %dma_wait3A_393 = arith.constant 0 : i32
        %dma_wait3A_394 = tpu.memref_slice %arg8[%dma_wait3A_391, %dma_wait3A_392, %dma_wait3A_393] : memref<4x64x128xf32, #tpu.memory_space<vmem>> -> memref<1x64x128xf32, #tpu.memory_space<vmem>>
        %dma_wait3A_395 = tpu.memref_squeeze %dma_wait3A_394 : memref<1x64x128xf32, #tpu.memory_space<vmem>> -> memref<64x128xf32, #tpu.memory_space<vmem>>
        %dma_wait3A_396 = arith.constant 0 : i32
        %dma_wait3A_397 = tpu.memref_slice %arg7[%add3A_390, %dma_wait3A_396] : memref<32x64xi32, #tpu.memory_space<vmem>> -> memref<1x64xi32, #tpu.memory_space<vmem>>
        %dma_wait3A_398 = tpu.memref_squeeze %dma_wait3A_397 : memref<1x64xi32, #tpu.memory_space<vmem>> -> memref<64xi32, #tpu.memory_space<vmem>>
        %dma_wait3A_399 = arith.constant 0 : i32
        %dma_wait3A_400 = arith.constant 0 : i32
        %dma_wait3A_401 = tpu.memref_slice %arg9[%dma_wait3A_399, %dma_wait3A_400] : memref<10240x128xf32, #tpu.memory_space<vmem_shared>> -> memref<10240x128xf32, #tpu.memory_space<vmem_shared>>
        tpu.wait_indirect_dma semaphore(%arg14 : memref<!tpu.dma_semaphore, #tpu.memory_space<semaphore_mem>>) src(%dma_wait3A_395 : memref<64x128xf32, #tpu.memory_space<vmem>>) dst(%dma_wait3A_401 : memref<10240x128xf32, #tpu.memory_space<vmem_shared>>)
        %add3A_402 = arith.constant 0 : i32
        %add3A_403 = arith.addi %add3A_284, %add3A_402 : i32
        %add3A_404 = arith.constant 4 : i32
        %add3A_405 = arith.addi %add3A_403, %add3A_404 : i32
        %dma_start3A_406 = arith.constant 0 : i32
        %dma_start3A_407 = arith.constant 0 : i32
        %dma_start3A_408 = arith.constant 0 : i32
        %dma_start3A_409 = tpu.memref_slice %arg8[%dma_start3A_406, %dma_start3A_407, %dma_start3A_408] : memref<4x64x128xf32, #tpu.memory_space<vmem>> -> memref<1x64x128xf32, #tpu.memory_space<vmem>>
        %dma_start3A_410 = tpu.memref_squeeze %dma_start3A_409 : memref<1x64x128xf32, #tpu.memory_space<vmem>> -> memref<64x128xf32, #tpu.memory_space<vmem>>
        %dma_start3A_411 = arith.constant 0 : i32
        %dma_start3A_412 = tpu.memref_slice %arg6[%add3A_405, %dma_start3A_411] : memref<32x64xi32, #tpu.memory_space<vmem>> -> memref<1x64xi32, #tpu.memory_space<vmem>>
        %dma_start3A_413 = tpu.memref_squeeze %dma_start3A_412 : memref<1x64xi32, #tpu.memory_space<vmem>> -> memref<64xi32, #tpu.memory_space<vmem>>
        %dma_start3A_414 = arith.constant 0 : i32
        %dma_start3A_415 = arith.constant 0 : i32
        %dma_start3A_416 = tpu.memref_slice %arg2[%dma_start3A_414, %dma_start3A_415] : memref<10000x128xf32, #tpu.memory_space<hbm>> -> memref<10000x128xf32, #tpu.memory_space<hbm>>
        tpu.enqueue_indirect_dma source(%dma_start3A_416 : memref<10000x128xf32, #tpu.memory_space<hbm>>) target(%dma_start3A_410 : memref<64x128xf32, #tpu.memory_space<vmem>>) offsets(%dma_start3A_413 : memref<64xi32, #tpu.memory_space<vmem>>) semaphore(%arg10 : memref<!tpu.dma_semaphore, #tpu.memory_space<semaphore_mem>>)
        %add3A_417 = arith.constant 1 : i32
        %add3A_418 = arith.addi %add3A_284, %add3A_417 : i32
        %dma_wait3A_419 = arith.constant 1 : i32
        %dma_wait3A_420 = arith.constant 0 : i32
        %dma_wait3A_421 = arith.constant 0 : i32
        %dma_wait3A_422 = tpu.memref_slice %arg8[%dma_wait3A_419, %dma_wait3A_420, %dma_wait3A_421] : memref<4x64x128xf32, #tpu.memory_space<vmem>> -> memref<1x64x128xf32, #tpu.memory_space<vmem>>
        %dma_wait3A_423 = tpu.memref_squeeze %dma_wait3A_422 : memref<1x64x128xf32, #tpu.memory_space<vmem>> -> memref<64x128xf32, #tpu.memory_space<vmem>>
        %dma_wait3A_424 = arith.constant 0 : i32
        %dma_wait3A_425 = tpu.memref_slice %arg7[%add3A_418, %dma_wait3A_424] : memref<32x64xi32, #tpu.memory_space<vmem>> -> memref<1x64xi32, #tpu.memory_space<vmem>>
        %dma_wait3A_426 = tpu.memref_squeeze %dma_wait3A_425 : memref<1x64xi32, #tpu.memory_space<vmem>> -> memref<64xi32, #tpu.memory_space<vmem>>
        %dma_wait3A_427 = arith.constant 0 : i32
        %dma_wait3A_428 = arith.constant 0 : i32
        %dma_wait3A_429 = tpu.memref_slice %arg9[%dma_wait3A_427, %dma_wait3A_428] : memref<10240x128xf32, #tpu.memory_space<vmem_shared>> -> memref<10240x128xf32, #tpu.memory_space<vmem_shared>>
        tpu.wait_indirect_dma semaphore(%arg15 : memref<!tpu.dma_semaphore, #tpu.memory_space<semaphore_mem>>) src(%dma_wait3A_423 : memref<64x128xf32, #tpu.memory_space<vmem>>) dst(%dma_wait3A_429 : memref<10240x128xf32, #tpu.memory_space<vmem_shared>>)
        %add3A_430 = arith.constant 1 : i32
        %add3A_431 = arith.addi %add3A_284, %add3A_430 : i32
        %add3A_432 = arith.constant 4 : i32
        %add3A_433 = arith.addi %add3A_431, %add3A_432 : i32
        %dma_start3A_434 = arith.constant 1 : i32
        %dma_start3A_435 = arith.constant 0 : i32
        %dma_start3A_436 = arith.constant 0 : i32
        %dma_start3A_437 = tpu.memref_slice %arg8[%dma_start3A_434, %dma_start3A_435, %dma_start3A_436] : memref<4x64x128xf32, #tpu.memory_space<vmem>> -> memref<1x64x128xf32, #tpu.memory_space<vmem>>
        %dma_start3A_438 = tpu.memref_squeeze %dma_start3A_437 : memref<1x64x128xf32, #tpu.memory_space<vmem>> -> memref<64x128xf32, #tpu.memory_space<vmem>>
        %dma_start3A_439 = arith.constant 0 : i32
        %dma_start3A_440 = tpu.memref_slice %arg6[%add3A_433, %dma_start3A_439] : memref<32x64xi32, #tpu.memory_space<vmem>> -> memref<1x64xi32, #tpu.memory_space<vmem>>
        %dma_start3A_441 = tpu.memref_squeeze %dma_start3A_440 : memref<1x64xi32, #tpu.memory_space<vmem>> -> memref<64xi32, #tpu.memory_space<vmem>>
        %dma_start3A_442 = arith.constant 0 : i32
        %dma_start3A_443 = arith.constant 0 : i32
        %dma_start3A_444 = tpu.memref_slice %arg2[%dma_start3A_442, %dma_start3A_443] : memref<10000x128xf32, #tpu.memory_space<hbm>> -> memref<10000x128xf32, #tpu.memory_space<hbm>>
        tpu.enqueue_indirect_dma source(%dma_start3A_444 : memref<10000x128xf32, #tpu.memory_space<hbm>>) target(%dma_start3A_438 : memref<64x128xf32, #tpu.memory_space<vmem>>) offsets(%dma_start3A_441 : memref<64xi32, #tpu.memory_space<vmem>>) semaphore(%arg11 : memref<!tpu.dma_semaphore, #tpu.memory_space<semaphore_mem>>)
        %add3A_445 = arith.constant 2 : i32
        %add3A_446 = arith.addi %add3A_284, %add3A_445 : i32
        %dma_wait3A_447 = arith.constant 2 : i32
        %dma_wait3A_448 = arith.constant 0 : i32
        %dma_wait3A_449 = arith.constant 0 : i32
        %dma_wait3A_450 = tpu.memref_slice %arg8[%dma_wait3A_447, %dma_wait3A_448, %dma_wait3A_449] : memref<4x64x128xf32, #tpu.memory_space<vmem>> -> memref<1x64x128xf32, #tpu.memory_space<vmem>>
        %dma_wait3A_451 = tpu.memref_squeeze %dma_wait3A_450 : memref<1x64x128xf32, #tpu.memory_space<vmem>> -> memref<64x128xf32, #tpu.memory_space<vmem>>
        %dma_wait3A_452 = arith.constant 0 : i32
        %dma_wait3A_453 = tpu.memref_slice %arg7[%add3A_446, %dma_wait3A_452] : memref<32x64xi32, #tpu.memory_space<vmem>> -> memref<1x64xi32, #tpu.memory_space<vmem>>
        %dma_wait3A_454 = tpu.memref_squeeze %dma_wait3A_453 : memref<1x64xi32, #tpu.memory_space<vmem>> -> memref<64xi32, #tpu.memory_space<vmem>>
        %dma_wait3A_455 = arith.constant 0 : i32
        %dma_wait3A_456 = arith.constant 0 : i32
        %dma_wait3A_457 = tpu.memref_slice %arg9[%dma_wait3A_455, %dma_wait3A_456] : memref<10240x128xf32, #tpu.memory_space<vmem_shared>> -> memref<10240x128xf32, #tpu.memory_space<vmem_shared>>
        tpu.wait_indirect_dma semaphore(%arg16 : memref<!tpu.dma_semaphore, #tpu.memory_space<semaphore_mem>>) src(%dma_wait3A_451 : memref<64x128xf32, #tpu.memory_space<vmem>>) dst(%dma_wait3A_457 : memref<10240x128xf32, #tpu.memory_space<vmem_shared>>)
        %add3A_458 = arith.constant 2 : i32
        %add3A_459 = arith.addi %add3A_284, %add3A_458 : i32
        %add3A_460 = arith.constant 4 : i32
        %add3A_461 = arith.addi %add3A_459, %add3A_460 : i32
        %dma_start3A_462 = arith.constant 2 : i32
        %dma_start3A_463 = arith.constant 0 : i32
        %dma_start3A_464 = arith.constant 0 : i32
        %dma_start3A_465 = tpu.memref_slice %arg8[%dma_start3A_462, %dma_start3A_463, %dma_start3A_464] : memref<4x64x128xf32, #tpu.memory_space<vmem>> -> memref<1x64x128xf32, #tpu.memory_space<vmem>>
        %dma_start3A_466 = tpu.memref_squeeze %dma_start3A_465 : memref<1x64x128xf32, #tpu.memory_space<vmem>> -> memref<64x128xf32, #tpu.memory_space<vmem>>
        %dma_start3A_467 = arith.constant 0 : i32
        %dma_start3A_468 = tpu.memref_slice %arg6[%add3A_461, %dma_start3A_467] : memref<32x64xi32, #tpu.memory_space<vmem>> -> memref<1x64xi32, #tpu.memory_space<vmem>>
        %dma_start3A_469 = tpu.memref_squeeze %dma_start3A_468 : memref<1x64xi32, #tpu.memory_space<vmem>> -> memref<64xi32, #tpu.memory_space<vmem>>
        %dma_start3A_470 = arith.constant 0 : i32
        %dma_start3A_471 = arith.constant 0 : i32
        %dma_start3A_472 = tpu.memref_slice %arg2[%dma_start3A_470, %dma_start3A_471] : memref<10000x128xf32, #tpu.memory_space<hbm>> -> memref<10000x128xf32, #tpu.memory_space<hbm>>
        tpu.enqueue_indirect_dma source(%dma_start3A_472 : memref<10000x128xf32, #tpu.memory_space<hbm>>) target(%dma_start3A_466 : memref<64x128xf32, #tpu.memory_space<vmem>>) offsets(%dma_start3A_469 : memref<64xi32, #tpu.memory_space<vmem>>) semaphore(%arg12 : memref<!tpu.dma_semaphore, #tpu.memory_space<semaphore_mem>>)
        %add3A_473 = arith.constant 3 : i32
        %add3A_474 = arith.addi %add3A_284, %add3A_473 : i32
        %dma_wait3A_475 = arith.constant 3 : i32
        %dma_wait3A_476 = arith.constant 0 : i32
        %dma_wait3A_477 = arith.constant 0 : i32
        %dma_wait3A_478 = tpu.memref_slice %arg8[%dma_wait3A_475, %dma_wait3A_476, %dma_wait3A_477] : memref<4x64x128xf32, #tpu.memory_space<vmem>> -> memref<1x64x128xf32, #tpu.memory_space<vmem>>
        %dma_wait3A_479 = tpu.memref_squeeze %dma_wait3A_478 : memref<1x64x128xf32, #tpu.memory_space<vmem>> -> memref<64x128xf32, #tpu.memory_space<vmem>>
        %dma_wait3A_480 = arith.constant 0 : i32
        %dma_wait3A_481 = tpu.memref_slice %arg7[%add3A_474, %dma_wait3A_480] : memref<32x64xi32, #tpu.memory_space<vmem>> -> memref<1x64xi32, #tpu.memory_space<vmem>>
        %dma_wait3A_482 = tpu.memref_squeeze %dma_wait3A_481 : memref<1x64xi32, #tpu.memory_space<vmem>> -> memref<64xi32, #tpu.memory_space<vmem>>
        %dma_wait3A_483 = arith.constant 0 : i32
        %dma_wait3A_484 = arith.constant 0 : i32
        %dma_wait3A_485 = tpu.memref_slice %arg9[%dma_wait3A_483, %dma_wait3A_484] : memref<10240x128xf32, #tpu.memory_space<vmem_shared>> -> memref<10240x128xf32, #tpu.memory_space<vmem_shared>>
        tpu.wait_indirect_dma semaphore(%arg17 : memref<!tpu.dma_semaphore, #tpu.memory_space<semaphore_mem>>) src(%dma_wait3A_479 : memref<64x128xf32, #tpu.memory_space<vmem>>) dst(%dma_wait3A_485 : memref<10240x128xf32, #tpu.memory_space<vmem_shared>>)
        %add3A_486 = arith.constant 3 : i32
        %add3A_487 = arith.addi %add3A_284, %add3A_486 : i32
        %add3A_488 = arith.constant 4 : i32
        %add3A_489 = arith.addi %add3A_487, %add3A_488 : i32
        %dma_start3A_490 = arith.constant 3 : i32
        %dma_start3A_491 = arith.constant 0 : i32
        %dma_start3A_492 = arith.constant 0 : i32
        %dma_start3A_493 = tpu.memref_slice %arg8[%dma_start3A_490, %dma_start3A_491, %dma_start3A_492] : memref<4x64x128xf32, #tpu.memory_space<vmem>> -> memref<1x64x128xf32, #tpu.memory_space<vmem>>
        %dma_start3A_494 = tpu.memref_squeeze %dma_start3A_493 : memref<1x64x128xf32, #tpu.memory_space<vmem>> -> memref<64x128xf32, #tpu.memory_space<vmem>>
        %dma_start3A_495 = arith.constant 0 : i32
        %dma_start3A_496 = tpu.memref_slice %arg6[%add3A_489, %dma_start3A_495] : memref<32x64xi32, #tpu.memory_space<vmem>> -> memref<1x64xi32, #tpu.memory_space<vmem>>
        %dma_start3A_497 = tpu.memref_squeeze %dma_start3A_496 : memref<1x64xi32, #tpu.memory_space<vmem>> -> memref<64xi32, #tpu.memory_space<vmem>>
        %dma_start3A_498 = arith.constant 0 : i32
        %dma_start3A_499 = arith.constant 0 : i32
        %dma_start3A_500 = tpu.memref_slice %arg2[%dma_start3A_498, %dma_start3A_499] : memref<10000x128xf32, #tpu.memory_space<hbm>> -> memref<10000x128xf32, #tpu.memory_space<hbm>>
        tpu.enqueue_indirect_dma source(%dma_start3A_500 : memref<10000x128xf32, #tpu.memory_space<hbm>>) target(%dma_start3A_494 : memref<64x128xf32, #tpu.memory_space<vmem>>) offsets(%dma_start3A_497 : memref<64xi32, #tpu.memory_space<vmem>>) semaphore(%arg13 : memref<!tpu.dma_semaphore, #tpu.memory_space<semaphore_mem>>)
      }
      %scan3A_136 = arith.constant 7 : i32
      %dma_wait3A = arith.constant 28 : i32
      %dma_wait3A_137 = arith.constant 0 : i32
      %dma_wait3A_138 = arith.constant 0 : i32
      %dma_wait3A_139 = arith.constant 0 : i32
      %dma_wait3A_140 = tpu.memref_slice %arg8[%dma_wait3A_137, %dma_wait3A_138, %dma_wait3A_139] : memref<4x64x128xf32, #tpu.memory_space<vmem>> -> memref<1x64x128xf32, #tpu.memory_space<vmem>>
      %dma_wait3A_141 = tpu.memref_squeeze %dma_wait3A_140 : memref<1x64x128xf32, #tpu.memory_space<vmem>> -> memref<64x128xf32, #tpu.memory_space<vmem>>
      %dma_wait3A_142 = arith.constant 0 : i32
      %dma_wait3A_143 = tpu.memref_slice %arg6[%dma_wait3A, %dma_wait3A_142] : memref<32x64xi32, #tpu.memory_space<vmem>> -> memref<1x64xi32, #tpu.memory_space<vmem>>
      %dma_wait3A_144 = tpu.memref_squeeze %dma_wait3A_143 : memref<1x64xi32, #tpu.memory_space<vmem>> -> memref<64xi32, #tpu.memory_space<vmem>>
      %dma_wait3A_145 = arith.constant 0 : i32
      %dma_wait3A_146 = arith.constant 0 : i32
      %dma_wait3A_147 = tpu.memref_slice %arg2[%dma_wait3A_145, %dma_wait3A_146] : memref<10000x128xf32, #tpu.memory_space<hbm>> -> memref<10000x128xf32, #tpu.memory_space<hbm>>
      tpu.wait_indirect_dma semaphore(%arg10 : memref<!tpu.dma_semaphore, #tpu.memory_space<semaphore_mem>>) src(%dma_wait3A_147 : memref<10000x128xf32, #tpu.memory_space<hbm>>) dst(%dma_wait3A_141 : memref<64x128xf32, #tpu.memory_space<vmem>>)
      %dma_start3A_148 = arith.constant 0 : i32
      %dma_start3A_149 = arith.constant 28 : i32
      %dma_start3A_150 = arith.constant 0 : i32
      %dma_start3A_151 = arith.constant 0 : i32
      %dma_start3A_152 = tpu.memref_slice %arg8[%dma_start3A_148, %dma_start3A_150, %dma_start3A_151] : memref<4x64x128xf32, #tpu.memory_space<vmem>> -> memref<1x64x128xf32, #tpu.memory_space<vmem>>
      %dma_start3A_153 = tpu.memref_squeeze %dma_start3A_152 : memref<1x64x128xf32, #tpu.memory_space<vmem>> -> memref<64x128xf32, #tpu.memory_space<vmem>>
      %dma_start3A_154 = arith.constant 0 : i32
      %dma_start3A_155 = tpu.memref_slice %arg7[%dma_start3A_149, %dma_start3A_154] : memref<32x64xi32, #tpu.memory_space<vmem>> -> memref<1x64xi32, #tpu.memory_space<vmem>>
      %dma_start3A_156 = tpu.memref_squeeze %dma_start3A_155 : memref<1x64xi32, #tpu.memory_space<vmem>> -> memref<64xi32, #tpu.memory_space<vmem>>
      %dma_start3A_157 = arith.constant 0 : i32
      %dma_start3A_158 = arith.constant 0 : i32
      %dma_start3A_159 = tpu.memref_slice %arg9[%dma_start3A_157, %dma_start3A_158] : memref<10240x128xf32, #tpu.memory_space<vmem_shared>> -> memref<10240x128xf32, #tpu.memory_space<vmem_shared>>
      tpu.enqueue_indirect_dma source(%dma_start3A_153 : memref<64x128xf32, #tpu.memory_space<vmem>>) target(%dma_start3A_159 : memref<10240x128xf32, #tpu.memory_space<vmem_shared>>) offsets(%dma_start3A_156 : memref<64xi32, #tpu.memory_space<vmem>>) semaphore(%arg14 : memref<!tpu.dma_semaphore, #tpu.memory_space<semaphore_mem>>) {add = true}
      %dma_wait3A_160 = arith.constant 29 : i32
      %dma_wait3A_161 = arith.constant 1 : i32
      %dma_wait3A_162 = arith.constant 0 : i32
      %dma_wait3A_163 = arith.constant 0 : i32
      %dma_wait3A_164 = tpu.memref_slice %arg8[%dma_wait3A_161, %dma_wait3A_162, %dma_wait3A_163] : memref<4x64x128xf32, #tpu.memory_space<vmem>> -> memref<1x64x128xf32, #tpu.memory_space<vmem>>
      %dma_wait3A_165 = tpu.memref_squeeze %dma_wait3A_164 : memref<1x64x128xf32, #tpu.memory_space<vmem>> -> memref<64x128xf32, #tpu.memory_space<vmem>>
      %dma_wait3A_166 = arith.constant 0 : i32
      %dma_wait3A_167 = tpu.memref_slice %arg6[%dma_wait3A_160, %dma_wait3A_166] : memref<32x64xi32, #tpu.memory_space<vmem>> -> memref<1x64xi32, #tpu.memory_space<vmem>>
      %dma_wait3A_168 = tpu.memref_squeeze %dma_wait3A_167 : memref<1x64xi32, #tpu.memory_space<vmem>> -> memref<64xi32, #tpu.memory_space<vmem>>
      %dma_wait3A_169 = arith.constant 0 : i32
      %dma_wait3A_170 = arith.constant 0 : i32
      %dma_wait3A_171 = tpu.memref_slice %arg2[%dma_wait3A_169, %dma_wait3A_170] : memref<10000x128xf32, #tpu.memory_space<hbm>> -> memref<10000x128xf32, #tpu.memory_space<hbm>>
      tpu.wait_indirect_dma semaphore(%arg11 : memref<!tpu.dma_semaphore, #tpu.memory_space<semaphore_mem>>) src(%dma_wait3A_171 : memref<10000x128xf32, #tpu.memory_space<hbm>>) dst(%dma_wait3A_165 : memref<64x128xf32, #tpu.memory_space<vmem>>)
      %dma_start3A_172 = arith.constant 1 : i32
      %dma_start3A_173 = arith.constant 29 : i32
      %dma_start3A_174 = arith.constant 0 : i32
      %dma_start3A_175 = arith.constant 0 : i32
      %dma_start3A_176 = tpu.memref_slice %arg8[%dma_start3A_172, %dma_start3A_174, %dma_start3A_175] : memref<4x64x128xf32, #tpu.memory_space<vmem>> -> memref<1x64x128xf32, #tpu.memory_space<vmem>>
      %dma_start3A_177 = tpu.memref_squeeze %dma_start3A_176 : memref<1x64x128xf32, #tpu.memory_space<vmem>> -> memref<64x128xf32, #tpu.memory_space<vmem>>
      %dma_start3A_178 = arith.constant 0 : i32
      %dma_start3A_179 = tpu.memref_slice %arg7[%dma_start3A_173, %dma_start3A_178] : memref<32x64xi32, #tpu.memory_space<vmem>> -> memref<1x64xi32, #tpu.memory_space<vmem>>
      %dma_start3A_180 = tpu.memref_squeeze %dma_start3A_179 : memref<1x64xi32, #tpu.memory_space<vmem>> -> memref<64xi32, #tpu.memory_space<vmem>>
      %dma_start3A_181 = arith.constant 0 : i32
      %dma_start3A_182 = arith.constant 0 : i32
      %dma_start3A_183 = tpu.memref_slice %arg9[%dma_start3A_181, %dma_start3A_182] : memref<10240x128xf32, #tpu.memory_space<vmem_shared>> -> memref<10240x128xf32, #tpu.memory_space<vmem_shared>>
      tpu.enqueue_indirect_dma source(%dma_start3A_177 : memref<64x128xf32, #tpu.memory_space<vmem>>) target(%dma_start3A_183 : memref<10240x128xf32, #tpu.memory_space<vmem_shared>>) offsets(%dma_start3A_180 : memref<64xi32, #tpu.memory_space<vmem>>) semaphore(%arg15 : memref<!tpu.dma_semaphore, #tpu.memory_space<semaphore_mem>>) {add = true}
      %dma_wait3A_184 = arith.constant 30 : i32
      %dma_wait3A_185 = arith.constant 2 : i32
      %dma_wait3A_186 = arith.constant 0 : i32
      %dma_wait3A_187 = arith.constant 0 : i32
      %dma_wait3A_188 = tpu.memref_slice %arg8[%dma_wait3A_185, %dma_wait3A_186, %dma_wait3A_187] : memref<4x64x128xf32, #tpu.memory_space<vmem>> -> memref<1x64x128xf32, #tpu.memory_space<vmem>>
      %dma_wait3A_189 = tpu.memref_squeeze %dma_wait3A_188 : memref<1x64x128xf32, #tpu.memory_space<vmem>> -> memref<64x128xf32, #tpu.memory_space<vmem>>
      %dma_wait3A_190 = arith.constant 0 : i32
      %dma_wait3A_191 = tpu.memref_slice %arg6[%dma_wait3A_184, %dma_wait3A_190] : memref<32x64xi32, #tpu.memory_space<vmem>> -> memref<1x64xi32, #tpu.memory_space<vmem>>
      %dma_wait3A_192 = tpu.memref_squeeze %dma_wait3A_191 : memref<1x64xi32, #tpu.memory_space<vmem>> -> memref<64xi32, #tpu.memory_space<vmem>>
      %dma_wait3A_193 = arith.constant 0 : i32
      %dma_wait3A_194 = arith.constant 0 : i32
      %dma_wait3A_195 = tpu.memref_slice %arg2[%dma_wait3A_193, %dma_wait3A_194] : memref<10000x128xf32, #tpu.memory_space<hbm>> -> memref<10000x128xf32, #tpu.memory_space<hbm>>
      tpu.wait_indirect_dma semaphore(%arg12 : memref<!tpu.dma_semaphore, #tpu.memory_space<semaphore_mem>>) src(%dma_wait3A_195 : memref<10000x128xf32, #tpu.memory_space<hbm>>) dst(%dma_wait3A_189 : memref<64x128xf32, #tpu.memory_space<vmem>>)
      %dma_start3A_196 = arith.constant 2 : i32
      %dma_start3A_197 = arith.constant 30 : i32
      %dma_start3A_198 = arith.constant 0 : i32
      %dma_start3A_199 = arith.constant 0 : i32
      %dma_start3A_200 = tpu.memref_slice %arg8[%dma_start3A_196, %dma_start3A_198, %dma_start3A_199] : memref<4x64x128xf32, #tpu.memory_space<vmem>> -> memref<1x64x128xf32, #tpu.memory_space<vmem>>
      %dma_start3A_201 = tpu.memref_squeeze %dma_start3A_200 : memref<1x64x128xf32, #tpu.memory_space<vmem>> -> memref<64x128xf32, #tpu.memory_space<vmem>>
      %dma_start3A_202 = arith.constant 0 : i32
      %dma_start3A_203 = tpu.memref_slice %arg7[%dma_start3A_197, %dma_start3A_202] : memref<32x64xi32, #tpu.memory_space<vmem>> -> memref<1x64xi32, #tpu.memory_space<vmem>>
      %dma_start3A_204 = tpu.memref_squeeze %dma_start3A_203 : memref<1x64xi32, #tpu.memory_space<vmem>> -> memref<64xi32, #tpu.memory_space<vmem>>
      %dma_start3A_205 = arith.constant 0 : i32
      %dma_start3A_206 = arith.constant 0 : i32
      %dma_start3A_207 = tpu.memref_slice %arg9[%dma_start3A_205, %dma_start3A_206] : memref<10240x128xf32, #tpu.memory_space<vmem_shared>> -> memref<10240x128xf32, #tpu.memory_space<vmem_shared>>
      tpu.enqueue_indirect_dma source(%dma_start3A_201 : memref<64x128xf32, #tpu.memory_space<vmem>>) target(%dma_start3A_207 : memref<10240x128xf32, #tpu.memory_space<vmem_shared>>) offsets(%dma_start3A_204 : memref<64xi32, #tpu.memory_space<vmem>>) semaphore(%arg16 : memref<!tpu.dma_semaphore, #tpu.memory_space<semaphore_mem>>) {add = true}
      %dma_wait3A_208 = arith.constant 31 : i32
      %dma_wait3A_209 = arith.constant 3 : i32
      %dma_wait3A_210 = arith.constant 0 : i32
      %dma_wait3A_211 = arith.constant 0 : i32
      %dma_wait3A_212 = tpu.memref_slice %arg8[%dma_wait3A_209, %dma_wait3A_210, %dma_wait3A_211] : memref<4x64x128xf32, #tpu.memory_space<vmem>> -> memref<1x64x128xf32, #tpu.memory_space<vmem>>
      %dma_wait3A_213 = tpu.memref_squeeze %dma_wait3A_212 : memref<1x64x128xf32, #tpu.memory_space<vmem>> -> memref<64x128xf32, #tpu.memory_space<vmem>>
      %dma_wait3A_214 = arith.constant 0 : i32
      %dma_wait3A_215 = tpu.memref_slice %arg6[%dma_wait3A_208, %dma_wait3A_214] : memref<32x64xi32, #tpu.memory_space<vmem>> -> memref<1x64xi32, #tpu.memory_space<vmem>>
      %dma_wait3A_216 = tpu.memref_squeeze %dma_wait3A_215 : memref<1x64xi32, #tpu.memory_space<vmem>> -> memref<64xi32, #tpu.memory_space<vmem>>
      %dma_wait3A_217 = arith.constant 0 : i32
      %dma_wait3A_218 = arith.constant 0 : i32
      %dma_wait3A_219 = tpu.memref_slice %arg2[%dma_wait3A_217, %dma_wait3A_218] : memref<10000x128xf32, #tpu.memory_space<hbm>> -> memref<10000x128xf32, #tpu.memory_space<hbm>>
      tpu.wait_indirect_dma semaphore(%arg13 : memref<!tpu.dma_semaphore, #tpu.memory_space<semaphore_mem>>) src(%dma_wait3A_219 : memref<10000x128xf32, #tpu.memory_space<hbm>>) dst(%dma_wait3A_213 : memref<64x128xf32, #tpu.memory_space<vmem>>)
      %dma_start3A_220 = arith.constant 3 : i32
      %dma_start3A_221 = arith.constant 31 : i32
      %dma_start3A_222 = arith.constant 0 : i32
      %dma_start3A_223 = arith.constant 0 : i32
      %dma_start3A_224 = tpu.memref_slice %arg8[%dma_start3A_220, %dma_start3A_222, %dma_start3A_223] : memref<4x64x128xf32, #tpu.memory_space<vmem>> -> memref<1x64x128xf32, #tpu.memory_space<vmem>>
      %dma_start3A_225 = tpu.memref_squeeze %dma_start3A_224 : memref<1x64x128xf32, #tpu.memory_space<vmem>> -> memref<64x128xf32, #tpu.memory_space<vmem>>
      %dma_start3A_226 = arith.constant 0 : i32
      %dma_start3A_227 = tpu.memref_slice %arg7[%dma_start3A_221, %dma_start3A_226] : memref<32x64xi32, #tpu.memory_space<vmem>> -> memref<1x64xi32, #tpu.memory_space<vmem>>
      %dma_start3A_228 = tpu.memref_squeeze %dma_start3A_227 : memref<1x64xi32, #tpu.memory_space<vmem>> -> memref<64xi32, #tpu.memory_space<vmem>>
      %dma_start3A_229 = arith.constant 0 : i32
      %dma_start3A_230 = arith.constant 0 : i32
      %dma_start3A_231 = tpu.memref_slice %arg9[%dma_start3A_229, %dma_start3A_230] : memref<10240x128xf32, #tpu.memory_space<vmem_shared>> -> memref<10240x128xf32, #tpu.memory_space<vmem_shared>>
      tpu.enqueue_indirect_dma source(%dma_start3A_225 : memref<64x128xf32, #tpu.memory_space<vmem>>) target(%dma_start3A_231 : memref<10240x128xf32, #tpu.memory_space<vmem_shared>>) offsets(%dma_start3A_228 : memref<64xi32, #tpu.memory_space<vmem>>) semaphore(%arg17 : memref<!tpu.dma_semaphore, #tpu.memory_space<semaphore_mem>>) {add = true}
      %dma_wait3A_232 = arith.constant 0 : i32
      %dma_wait3A_233 = arith.constant 28 : i32
      %dma_wait3A_234 = arith.constant 0 : i32
      %dma_wait3A_235 = arith.constant 0 : i32
      %dma_wait3A_236 = tpu.memref_slice %arg8[%dma_wait3A_232, %dma_wait3A_234, %dma_wait3A_235] : memref<4x64x128xf32, #tpu.memory_space<vmem>> -> memref<1x64x128xf32, #tpu.memory_space<vmem>>
      %dma_wait3A_237 = tpu.memref_squeeze %dma_wait3A_236 : memref<1x64x128xf32, #tpu.memory_space<vmem>> -> memref<64x128xf32, #tpu.memory_space<vmem>>
      %dma_wait3A_238 = arith.constant 0 : i32
      %dma_wait3A_239 = tpu.memref_slice %arg7[%dma_wait3A_233, %dma_wait3A_238] : memref<32x64xi32, #tpu.memory_space<vmem>> -> memref<1x64xi32, #tpu.memory_space<vmem>>
      %dma_wait3A_240 = tpu.memref_squeeze %dma_wait3A_239 : memref<1x64xi32, #tpu.memory_space<vmem>> -> memref<64xi32, #tpu.memory_space<vmem>>
      %dma_wait3A_241 = arith.constant 0 : i32
      %dma_wait3A_242 = arith.constant 0 : i32
      %dma_wait3A_243 = tpu.memref_slice %arg9[%dma_wait3A_241, %dma_wait3A_242] : memref<10240x128xf32, #tpu.memory_space<vmem_shared>> -> memref<10240x128xf32, #tpu.memory_space<vmem_shared>>
      tpu.wait_indirect_dma semaphore(%arg14 : memref<!tpu.dma_semaphore, #tpu.memory_space<semaphore_mem>>) src(%dma_wait3A_237 : memref<64x128xf32, #tpu.memory_space<vmem>>) dst(%dma_wait3A_243 : memref<10240x128xf32, #tpu.memory_space<vmem_shared>>)
      %dma_wait3A_244 = arith.constant 1 : i32
      %dma_wait3A_245 = arith.constant 29 : i32
      %dma_wait3A_246 = arith.constant 0 : i32
      %dma_wait3A_247 = arith.constant 0 : i32
      %dma_wait3A_248 = tpu.memref_slice %arg8[%dma_wait3A_244, %dma_wait3A_246, %dma_wait3A_247] : memref<4x64x128xf32, #tpu.memory_space<vmem>> -> memref<1x64x128xf32, #tpu.memory_space<vmem>>
      %dma_wait3A_249 = tpu.memref_squeeze %dma_wait3A_248 : memref<1x64x128xf32, #tpu.memory_space<vmem>> -> memref<64x128xf32, #tpu.memory_space<vmem>>
      %dma_wait3A_250 = arith.constant 0 : i32
      %dma_wait3A_251 = tpu.memref_slice %arg7[%dma_wait3A_245, %dma_wait3A_250] : memref<32x64xi32, #tpu.memory_space<vmem>> -> memref<1x64xi32, #tpu.memory_space<vmem>>
      %dma_wait3A_252 = tpu.memref_squeeze %dma_wait3A_251 : memref<1x64xi32, #tpu.memory_space<vmem>> -> memref<64xi32, #tpu.memory_space<vmem>>
      %dma_wait3A_253 = arith.constant 0 : i32
      %dma_wait3A_254 = arith.constant 0 : i32
      %dma_wait3A_255 = tpu.memref_slice %arg9[%dma_wait3A_253, %dma_wait3A_254] : memref<10240x128xf32, #tpu.memory_space<vmem_shared>> -> memref<10240x128xf32, #tpu.memory_space<vmem_shared>>
      tpu.wait_indirect_dma semaphore(%arg15 : memref<!tpu.dma_semaphore, #tpu.memory_space<semaphore_mem>>) src(%dma_wait3A_249 : memref<64x128xf32, #tpu.memory_space<vmem>>) dst(%dma_wait3A_255 : memref<10240x128xf32, #tpu.memory_space<vmem_shared>>)
      %dma_wait3A_256 = arith.constant 2 : i32
      %dma_wait3A_257 = arith.constant 30 : i32
      %dma_wait3A_258 = arith.constant 0 : i32
      %dma_wait3A_259 = arith.constant 0 : i32
      %dma_wait3A_260 = tpu.memref_slice %arg8[%dma_wait3A_256, %dma_wait3A_258, %dma_wait3A_259] : memref<4x64x128xf32, #tpu.memory_space<vmem>> -> memref<1x64x128xf32, #tpu.memory_space<vmem>>
      %dma_wait3A_261 = tpu.memref_squeeze %dma_wait3A_260 : memref<1x64x128xf32, #tpu.memory_space<vmem>> -> memref<64x128xf32, #tpu.memory_space<vmem>>
      %dma_wait3A_262 = arith.constant 0 : i32
      %dma_wait3A_263 = tpu.memref_slice %arg7[%dma_wait3A_257, %dma_wait3A_262] : memref<32x64xi32, #tpu.memory_space<vmem>> -> memref<1x64xi32, #tpu.memory_space<vmem>>
      %dma_wait3A_264 = tpu.memref_squeeze %dma_wait3A_263 : memref<1x64xi32, #tpu.memory_space<vmem>> -> memref<64xi32, #tpu.memory_space<vmem>>
      %dma_wait3A_265 = arith.constant 0 : i32
      %dma_wait3A_266 = arith.constant 0 : i32
      %dma_wait3A_267 = tpu.memref_slice %arg9[%dma_wait3A_265, %dma_wait3A_266] : memref<10240x128xf32, #tpu.memory_space<vmem_shared>> -> memref<10240x128xf32, #tpu.memory_space<vmem_shared>>
      tpu.wait_indirect_dma semaphore(%arg16 : memref<!tpu.dma_semaphore, #tpu.memory_space<semaphore_mem>>) src(%dma_wait3A_261 : memref<64x128xf32, #tpu.memory_space<vmem>>) dst(%dma_wait3A_267 : memref<10240x128xf32, #tpu.memory_space<vmem_shared>>)
      %dma_wait3A_268 = arith.constant 3 : i32
      %dma_wait3A_269 = arith.constant 31 : i32
      %dma_wait3A_270 = arith.constant 0 : i32
      %dma_wait3A_271 = arith.constant 0 : i32
      %dma_wait3A_272 = tpu.memref_slice %arg8[%dma_wait3A_268, %dma_wait3A_270, %dma_wait3A_271] : memref<4x64x128xf32, #tpu.memory_space<vmem>> -> memref<1x64x128xf32, #tpu.memory_space<vmem>>
      %dma_wait3A_273 = tpu.memref_squeeze %dma_wait3A_272 : memref<1x64x128xf32, #tpu.memory_space<vmem>> -> memref<64x128xf32, #tpu.memory_space<vmem>>
      %dma_wait3A_274 = arith.constant 0 : i32
      %dma_wait3A_275 = tpu.memref_slice %arg7[%dma_wait3A_269, %dma_wait3A_274] : memref<32x64xi32, #tpu.memory_space<vmem>> -> memref<1x64xi32, #tpu.memory_space<vmem>>
      %dma_wait3A_276 = tpu.memref_squeeze %dma_wait3A_275 : memref<1x64xi32, #tpu.memory_space<vmem>> -> memref<64xi32, #tpu.memory_space<vmem>>
      %dma_wait3A_277 = arith.constant 0 : i32
      %dma_wait3A_278 = arith.constant 0 : i32
      %dma_wait3A_279 = tpu.memref_slice %arg9[%dma_wait3A_277, %dma_wait3A_278] : memref<10240x128xf32, #tpu.memory_space<vmem_shared>> -> memref<10240x128xf32, #tpu.memory_space<vmem_shared>>
      tpu.wait_indirect_dma semaphore(%arg17 : memref<!tpu.dma_semaphore, #tpu.memory_space<semaphore_mem>>) src(%dma_wait3A_273 : memref<64x128xf32, #tpu.memory_space<vmem>>) dst(%dma_wait3A_279 : memref<10240x128xf32, #tpu.memory_space<vmem_shared>>)
    }
    %while3A_72 = arith.constant 1 : i32
    scf.for %while3A_78 = %while3A_70 to %while3A_66 step %while3A_72  : i32 {
      %mul3A_79 = arith.muli %while3A_78, %while3A : i32
      %add3A_80 = arith.addi %while3A_63, %mul3A_79 : i32
      %mul3A_81 = arith.constant 32 : i32
      %mul3A_82 = arith.muli %add3A_80, %mul3A_81 : i32
      "tpu.region"() ({
        %run_scoped3A_280 = tpu.sem_alloc : memref<!tpu.dma_semaphore, #tpu.memory_space<semaphore_mem>>
        %dma_start3A_281 = arith.constant 0 : i32
        %dma_start3A_282 = tpu.memref_slice %arg3[%add3A, %mul3A_82, %dma_start3A_281] : memref<32x288x64xi32, #tpu.memory_space<hbm>> -> memref<1x32x64xi32, #tpu.memory_space<hbm>>
        %dma_start3A_283 = tpu.memref_squeeze %dma_start3A_282 : memref<1x32x64xi32, #tpu.memory_space<hbm>> -> memref<32x64xi32, #tpu.memory_space<hbm>>
        %dma_start3A_284 = arith.constant 0 : i32
        %dma_start3A_285 = tpu.memref_slice %arg3[%add3A, %mul3A_82, %dma_start3A_284] : memref<32x288x64xi32, #tpu.memory_space<hbm>> -> memref<1x32x64xi32, #tpu.memory_space<hbm>>
        %dma_start3A_286 = tpu.memref_squeeze %dma_start3A_285 : memref<1x32x64xi32, #tpu.memory_space<hbm>> -> memref<32x64xi32, #tpu.memory_space<hbm>>
        tpu.enqueue_dma source(%dma_start3A_286 : memref<32x64xi32, #tpu.memory_space<hbm>>) target(%arg6 : memref<32x64xi32, #tpu.memory_space<vmem>>) target_semaphore(%run_scoped3A_280 : memref<!tpu.dma_semaphore, #tpu.memory_space<semaphore_mem>>)
        %dma_wait3A_287 = arith.constant 0 : i32
        %dma_wait3A_288 = tpu.memref_slice %arg3[%add3A, %mul3A_82, %dma_wait3A_287] : memref<32x288x64xi32, #tpu.memory_space<hbm>> -> memref<1x32x64xi32, #tpu.memory_space<hbm>>
        %dma_wait3A_289 = tpu.memref_squeeze %dma_wait3A_288 : memref<1x32x64xi32, #tpu.memory_space<hbm>> -> memref<32x64xi32, #tpu.memory_space<hbm>>
        %dma_wait3A_290 = arith.constant 0 : i32
        %dma_wait3A_291 = tpu.memref_slice %arg3[%add3A, %mul3A_82, %dma_wait3A_290] : memref<32x288x64xi32, #tpu.memory_space<hbm>> -> memref<1x32x64xi32, #tpu.memory_space<hbm>>
        %dma_wait3A_292 = tpu.memref_squeeze %dma_wait3A_291 : memref<1x32x64xi32, #tpu.memory_space<hbm>> -> memref<32x64xi32, #tpu.memory_space<hbm>>
        tpu.wait_dma2 semaphore(%run_scoped3A_280 : memref<!tpu.dma_semaphore, #tpu.memory_space<semaphore_mem>>) src(%dma_wait3A_292 : memref<32x64xi32, #tpu.memory_space<hbm>>) dst(%arg6 : memref<32x64xi32, #tpu.memory_space<vmem>>)
        tpu.yield
      }) : () -> ()
      %mul3A_83 = arith.constant 32 : i32
      %mul3A_84 = arith.muli %add3A_80, %mul3A_83 : i32
      "tpu.region"() ({
        %run_scoped3A_280 = tpu.sem_alloc : memref<!tpu.dma_semaphore, #tpu.memory_space<semaphore_mem>>
        %dma_start3A_281 = arith.constant 0 : i32
        %dma_start3A_282 = tpu.memref_slice %arg4[%add3A, %mul3A_84, %dma_start3A_281] : memref<32x288x64xi32, #tpu.memory_space<hbm>> -> memref<1x32x64xi32, #tpu.memory_space<hbm>>
        %dma_start3A_283 = tpu.memref_squeeze %dma_start3A_282 : memref<1x32x64xi32, #tpu.memory_space<hbm>> -> memref<32x64xi32, #tpu.memory_space<hbm>>
        %dma_start3A_284 = arith.constant 0 : i32
        %dma_start3A_285 = tpu.memref_slice %arg4[%add3A, %mul3A_84, %dma_start3A_284] : memref<32x288x64xi32, #tpu.memory_space<hbm>> -> memref<1x32x64xi32, #tpu.memory_space<hbm>>
        %dma_start3A_286 = tpu.memref_squeeze %dma_start3A_285 : memref<1x32x64xi32, #tpu.memory_space<hbm>> -> memref<32x64xi32, #tpu.memory_space<hbm>>
        tpu.enqueue_dma source(%dma_start3A_286 : memref<32x64xi32, #tpu.memory_space<hbm>>) target(%arg7 : memref<32x64xi32, #tpu.memory_space<vmem>>) target_semaphore(%run_scoped3A_280 : memref<!tpu.dma_semaphore, #tpu.memory_space<semaphore_mem>>)
        %dma_wait3A_287 = arith.constant 0 : i32
        %dma_wait3A_288 = tpu.memref_slice %arg4[%add3A, %mul3A_84, %dma_wait3A_287] : memref<32x288x64xi32, #tpu.memory_space<hbm>> -> memref<1x32x64xi32, #tpu.memory_space<hbm>>
        %dma_wait3A_289 = tpu.memref_squeeze %dma_wait3A_288 : memref<1x32x64xi32, #tpu.memory_space<hbm>> -> memref<32x64xi32, #tpu.memory_space<hbm>>
        %dma_wait3A_290 = arith.constant 0 : i32
        %dma_wait3A_291 = tpu.memref_slice %arg4[%add3A, %mul3A_84, %dma_wait3A_290] : memref<32x288x64xi32, #tpu.memory_space<hbm>> -> memref<1x32x64xi32, #tpu.memory_space<hbm>>
        %dma_wait3A_292 = tpu.memref_squeeze %dma_wait3A_291 : memref<1x32x64xi32, #tpu.memory_space<hbm>> -> memref<32x64xi32, #tpu.memory_space<hbm>>
        tpu.wait_dma2 semaphore(%run_scoped3A_280 : memref<!tpu.dma_semaphore, #tpu.memory_space<semaphore_mem>>) src(%dma_wait3A_292 : memref<32x64xi32, #tpu.memory_space<hbm>>) dst(%arg7 : memref<32x64xi32, #tpu.memory_space<vmem>>)
        tpu.yield
      }) : () -> ()
      %dma_start3A = arith.constant 0 : i32
      %dma_start3A_85 = arith.constant 0 : i32
      %dma_start3A_86 = arith.constant 0 : i32
      %dma_start3A_87 = arith.constant 0 : i32
      %dma_start3A_88 = tpu.memref_slice %arg8[%dma_start3A_85, %dma_start3A_86, %dma_start3A_87] : memref<4x64x128xf32, #tpu.memory_space<vmem>> -> memref<1x64x128xf32, #tpu.memory_space<vmem>>
      %dma_start3A_89 = tpu.memref_squeeze %dma_start3A_88 : memref<1x64x128xf32, #tpu.memory_space<vmem>> -> memref<64x128xf32, #tpu.memory_space<vmem>>
      %dma_start3A_90 = arith.constant 0 : i32
      %dma_start3A_91 = tpu.memref_slice %arg6[%dma_start3A, %dma_start3A_90] : memref<32x64xi32, #tpu.memory_space<vmem>> -> memref<1x64xi32, #tpu.memory_space<vmem>>
      %dma_start3A_92 = tpu.memref_squeeze %dma_start3A_91 : memref<1x64xi32, #tpu.memory_space<vmem>> -> memref<64xi32, #tpu.memory_space<vmem>>
      %dma_start3A_93 = arith.constant 0 : i32
      %dma_start3A_94 = arith.constant 0 : i32
      %dma_start3A_95 = tpu.memref_slice %arg2[%dma_start3A_93, %dma_start3A_94] : memref<10000x128xf32, #tpu.memory_space<hbm>> -> memref<10000x128xf32, #tpu.memory_space<hbm>>
      tpu.enqueue_indirect_dma source(%dma_start3A_95 : memref<10000x128xf32, #tpu.memory_space<hbm>>) target(%dma_start3A_89 : memref<64x128xf32, #tpu.memory_space<vmem>>) offsets(%dma_start3A_92 : memref<64xi32, #tpu.memory_space<vmem>>) semaphore(%arg10 : memref<!tpu.dma_semaphore, #tpu.memory_space<semaphore_mem>>)
      %dma_start3A_96 = arith.constant 1 : i32
      %dma_start3A_97 = arith.constant 1 : i32
      %dma_start3A_98 = arith.constant 0 : i32
      %dma_start3A_99 = arith.constant 0 : i32
      %dma_start3A_100 = tpu.memref_slice %arg8[%dma_start3A_97, %dma_start3A_98, %dma_start3A_99] : memref<4x64x128xf32, #tpu.memory_space<vmem>> -> memref<1x64x128xf32, #tpu.memory_space<vmem>>
      %dma_start3A_101 = tpu.memref_squeeze %dma_start3A_100 : memref<1x64x128xf32, #tpu.memory_space<vmem>> -> memref<64x128xf32, #tpu.memory_space<vmem>>
      %dma_start3A_102 = arith.constant 0 : i32
      %dma_start3A_103 = tpu.memref_slice %arg6[%dma_start3A_96, %dma_start3A_102] : memref<32x64xi32, #tpu.memory_space<vmem>> -> memref<1x64xi32, #tpu.memory_space<vmem>>
      %dma_start3A_104 = tpu.memref_squeeze %dma_start3A_103 : memref<1x64xi32, #tpu.memory_space<vmem>> -> memref<64xi32, #tpu.memory_space<vmem>>
      %dma_start3A_105 = arith.constant 0 : i32
      %dma_start3A_106 = arith.constant 0 : i32
      %dma_start3A_107 = tpu.memref_slice %arg2[%dma_start3A_105, %dma_start3A_106] : memref<10000x128xf32, #tpu.memory_space<hbm>> -> memref<10000x128xf32, #tpu.memory_space<hbm>>
      tpu.enqueue_indirect_dma source(%dma_start3A_107 : memref<10000x128xf32, #tpu.memory_space<hbm>>) target(%dma_start3A_101 : memref<64x128xf32, #tpu.memory_space<vmem>>) offsets(%dma_start3A_104 : memref<64xi32, #tpu.memory_space<vmem>>) semaphore(%arg11 : memref<!tpu.dma_semaphore, #tpu.memory_space<semaphore_mem>>)
      %dma_start3A_108 = arith.constant 2 : i32
      %dma_start3A_109 = arith.constant 2 : i32
      %dma_start3A_110 = arith.constant 0 : i32
      %dma_start3A_111 = arith.constant 0 : i32
      %dma_start3A_112 = tpu.memref_slice %arg8[%dma_start3A_109, %dma_start3A_110, %dma_start3A_111] : memref<4x64x128xf32, #tpu.memory_space<vmem>> -> memref<1x64x128xf32, #tpu.memory_space<vmem>>
      %dma_start3A_113 = tpu.memref_squeeze %dma_start3A_112 : memref<1x64x128xf32, #tpu.memory_space<vmem>> -> memref<64x128xf32, #tpu.memory_space<vmem>>
      %dma_start3A_114 = arith.constant 0 : i32
      %dma_start3A_115 = tpu.memref_slice %arg6[%dma_start3A_108, %dma_start3A_114] : memref<32x64xi32, #tpu.memory_space<vmem>> -> memref<1x64xi32, #tpu.memory_space<vmem>>
      %dma_start3A_116 = tpu.memref_squeeze %dma_start3A_115 : memref<1x64xi32, #tpu.memory_space<vmem>> -> memref<64xi32, #tpu.memory_space<vmem>>
      %dma_start3A_117 = arith.constant 0 : i32
      %dma_start3A_118 = arith.constant 0 : i32
      %dma_start3A_119 = tpu.memref_slice %arg2[%dma_start3A_117, %dma_start3A_118] : memref<10000x128xf32, #tpu.memory_space<hbm>> -> memref<10000x128xf32, #tpu.memory_space<hbm>>
      tpu.enqueue_indirect_dma source(%dma_start3A_119 : memref<10000x128xf32, #tpu.memory_space<hbm>>) target(%dma_start3A_113 : memref<64x128xf32, #tpu.memory_space<vmem>>) offsets(%dma_start3A_116 : memref<64xi32, #tpu.memory_space<vmem>>) semaphore(%arg12 : memref<!tpu.dma_semaphore, #tpu.memory_space<semaphore_mem>>)
      %dma_start3A_120 = arith.constant 3 : i32
      %dma_start3A_121 = arith.constant 3 : i32
      %dma_start3A_122 = arith.constant 0 : i32
      %dma_start3A_123 = arith.constant 0 : i32
      %dma_start3A_124 = tpu.memref_slice %arg8[%dma_start3A_121, %dma_start3A_122, %dma_start3A_123] : memref<4x64x128xf32, #tpu.memory_space<vmem>> -> memref<1x64x128xf32, #tpu.memory_space<vmem>>
      %dma_start3A_125 = tpu.memref_squeeze %dma_start3A_124 : memref<1x64x128xf32, #tpu.memory_space<vmem>> -> memref<64x128xf32, #tpu.memory_space<vmem>>
      %dma_start3A_126 = arith.constant 0 : i32
      %dma_start3A_127 = tpu.memref_slice %arg6[%dma_start3A_120, %dma_start3A_126] : memref<32x64xi32, #tpu.memory_space<vmem>> -> memref<1x64xi32, #tpu.memory_space<vmem>>
      %dma_start3A_128 = tpu.memref_squeeze %dma_start3A_127 : memref<1x64xi32, #tpu.memory_space<vmem>> -> memref<64xi32, #tpu.memory_space<vmem>>
      %dma_start3A_129 = arith.constant 0 : i32
      %dma_start3A_130 = arith.constant 0 : i32
      %dma_start3A_131 = tpu.memref_slice %arg2[%dma_start3A_129, %dma_start3A_130] : memref<10000x128xf32, #tpu.memory_space<hbm>> -> memref<10000x128xf32, #tpu.memory_space<hbm>>
      tpu.enqueue_indirect_dma source(%dma_start3A_131 : memref<10000x128xf32, #tpu.memory_space<hbm>>) target(%dma_start3A_125 : memref<64x128xf32, #tpu.memory_space<vmem>>) offsets(%dma_start3A_128 : memref<64xi32, #tpu.memory_space<vmem>>) semaphore(%arg13 : memref<!tpu.dma_semaphore, #tpu.memory_space<semaphore_mem>>)
      %scan3A_132 = arith.constant 0 : i32
      %scan3A_133 = arith.constant 7 : i32
      %scan3A_134 = arith.addi %scan3A_132, %scan3A_133 : i32
      %scan3A_135 = arith.constant 1 : i32
      scf.for %scan3A_280 = %scan3A_132 to %scan3A_134 step %scan3A_135  : i32 {
        %mul3A_281 = arith.constant 4 : i32
        %mul3A_282 = arith.muli %scan3A_280, %mul3A_281 : i32
        %add3A_283 = arith.constant 0 : i32
        %add3A_284 = arith.addi %add3A_283, %mul3A_282 : i32
        %add3A_285 = arith.constant 0 : i32
        %add3A_286 = arith.addi %add3A_284, %add3A_285 : i32
        %dma_wait3A_287 = arith.constant 0 : i32
        %dma_wait3A_288 = arith.constant 0 : i32
        %dma_wait3A_289 = arith.constant 0 : i32
        %dma_wait3A_290 = tpu.memref_slice %arg8[%dma_wait3A_287, %dma_wait3A_288, %dma_wait3A_289] : memref<4x64x128xf32, #tpu.memory_space<vmem>> -> memref<1x64x128xf32, #tpu.memory_space<vmem>>
        %dma_wait3A_291 = tpu.memref_squeeze %dma_wait3A_290 : memref<1x64x128xf32, #tpu.memory_space<vmem>> -> memref<64x128xf32, #tpu.memory_space<vmem>>
        %dma_wait3A_292 = arith.constant 0 : i32
        %dma_wait3A_293 = tpu.memref_slice %arg6[%add3A_286, %dma_wait3A_292] : memref<32x64xi32, #tpu.memory_space<vmem>> -> memref<1x64xi32, #tpu.memory_space<vmem>>
        %dma_wait3A_294 = tpu.memref_squeeze %dma_wait3A_293 : memref<1x64xi32, #tpu.memory_space<vmem>> -> memref<64xi32, #tpu.memory_space<vmem>>
        %dma_wait3A_295 = arith.constant 0 : i32
        %dma_wait3A_296 = arith.constant 0 : i32
        %dma_wait3A_297 = tpu.memref_slice %arg2[%dma_wait3A_295, %dma_wait3A_296] : memref<10000x128xf32, #tpu.memory_space<hbm>> -> memref<10000x128xf32, #tpu.memory_space<hbm>>
        tpu.wait_indirect_dma semaphore(%arg10 : memref<!tpu.dma_semaphore, #tpu.memory_space<semaphore_mem>>) src(%dma_wait3A_297 : memref<10000x128xf32, #tpu.memory_space<hbm>>) dst(%dma_wait3A_291 : memref<64x128xf32, #tpu.memory_space<vmem>>)
        %add3A_298 = arith.constant 0 : i32
        %add3A_299 = arith.addi %add3A_284, %add3A_298 : i32
        %dma_start3A_300 = arith.constant 0 : i32
        %dma_start3A_301 = arith.constant 0 : i32
        %dma_start3A_302 = arith.constant 0 : i32
        %dma_start3A_303 = tpu.memref_slice %arg8[%dma_start3A_300, %dma_start3A_301, %dma_start3A_302] : memref<4x64x128xf32, #tpu.memory_space<vmem>> -> memref<1x64x128xf32, #tpu.memory_space<vmem>>
        %dma_start3A_304 = tpu.memref_squeeze %dma_start3A_303 : memref<1x64x128xf32, #tpu.memory_space<vmem>> -> memref<64x128xf32, #tpu.memory_space<vmem>>
        %dma_start3A_305 = arith.constant 0 : i32
        %dma_start3A_306 = tpu.memref_slice %arg7[%add3A_299, %dma_start3A_305] : memref<32x64xi32, #tpu.memory_space<vmem>> -> memref<1x64xi32, #tpu.memory_space<vmem>>
        %dma_start3A_307 = tpu.memref_squeeze %dma_start3A_306 : memref<1x64xi32, #tpu.memory_space<vmem>> -> memref<64xi32, #tpu.memory_space<vmem>>
        %dma_start3A_308 = arith.constant 0 : i32
        %dma_start3A_309 = arith.constant 0 : i32
        %dma_start3A_310 = tpu.memref_slice %arg9[%dma_start3A_308, %dma_start3A_309] : memref<10240x128xf32, #tpu.memory_space<vmem_shared>> -> memref<10240x128xf32, #tpu.memory_space<vmem_shared>>
        tpu.enqueue_indirect_dma source(%dma_start3A_304 : memref<64x128xf32, #tpu.memory_space<vmem>>) target(%dma_start3A_310 : memref<10240x128xf32, #tpu.memory_space<vmem_shared>>) offsets(%dma_start3A_307 : memref<64xi32, #tpu.memory_space<vmem>>) semaphore(%arg14 : memref<!tpu.dma_semaphore, #tpu.memory_space<semaphore_mem>>) {add = true}
        %add3A_311 = arith.constant 1 : i32
        %add3A_312 = arith.addi %add3A_284, %add3A_311 : i32
        %dma_wait3A_313 = arith.constant 1 : i32
        %dma_wait3A_314 = arith.constant 0 : i32
        %dma_wait3A_315 = arith.constant 0 : i32
        %dma_wait3A_316 = tpu.memref_slice %arg8[%dma_wait3A_313, %dma_wait3A_314, %dma_wait3A_315] : memref<4x64x128xf32, #tpu.memory_space<vmem>> -> memref<1x64x128xf32, #tpu.memory_space<vmem>>
        %dma_wait3A_317 = tpu.memref_squeeze %dma_wait3A_316 : memref<1x64x128xf32, #tpu.memory_space<vmem>> -> memref<64x128xf32, #tpu.memory_space<vmem>>
        %dma_wait3A_318 = arith.constant 0 : i32
        %dma_wait3A_319 = tpu.memref_slice %arg6[%add3A_312, %dma_wait3A_318] : memref<32x64xi32, #tpu.memory_space<vmem>> -> memref<1x64xi32, #tpu.memory_space<vmem>>
        %dma_wait3A_320 = tpu.memref_squeeze %dma_wait3A_319 : memref<1x64xi32, #tpu.memory_space<vmem>> -> memref<64xi32, #tpu.memory_space<vmem>>
        %dma_wait3A_321 = arith.constant 0 : i32
        %dma_wait3A_322 = arith.constant 0 : i32
        %dma_wait3A_323 = tpu.memref_slice %arg2[%dma_wait3A_321, %dma_wait3A_322] : memref<10000x128xf32, #tpu.memory_space<hbm>> -> memref<10000x128xf32, #tpu.memory_space<hbm>>
        tpu.wait_indirect_dma semaphore(%arg11 : memref<!tpu.dma_semaphore, #tpu.memory_space<semaphore_mem>>) src(%dma_wait3A_323 : memref<10000x128xf32, #tpu.memory_space<hbm>>) dst(%dma_wait3A_317 : memref<64x128xf32, #tpu.memory_space<vmem>>)
        %add3A_324 = arith.constant 1 : i32
        %add3A_325 = arith.addi %add3A_284, %add3A_324 : i32
        %dma_start3A_326 = arith.constant 1 : i32
        %dma_start3A_327 = arith.constant 0 : i32
        %dma_start3A_328 = arith.constant 0 : i32
        %dma_start3A_329 = tpu.memref_slice %arg8[%dma_start3A_326, %dma_start3A_327, %dma_start3A_328] : memref<4x64x128xf32, #tpu.memory_space<vmem>> -> memref<1x64x128xf32, #tpu.memory_space<vmem>>
        %dma_start3A_330 = tpu.memref_squeeze %dma_start3A_329 : memref<1x64x128xf32, #tpu.memory_space<vmem>> -> memref<64x128xf32, #tpu.memory_space<vmem>>
        %dma_start3A_331 = arith.constant 0 : i32
        %dma_start3A_332 = tpu.memref_slice %arg7[%add3A_325, %dma_start3A_331] : memref<32x64xi32, #tpu.memory_space<vmem>> -> memref<1x64xi32, #tpu.memory_space<vmem>>
        %dma_start3A_333 = tpu.memref_squeeze %dma_start3A_332 : memref<1x64xi32, #tpu.memory_space<vmem>> -> memref<64xi32, #tpu.memory_space<vmem>>
        %dma_start3A_334 = arith.constant 0 : i32
        %dma_start3A_335 = arith.constant 0 : i32
        %dma_start3A_336 = tpu.memref_slice %arg9[%dma_start3A_334, %dma_start3A_335] : memref<10240x128xf32, #tpu.memory_space<vmem_shared>> -> memref<10240x128xf32, #tpu.memory_space<vmem_shared>>
        tpu.enqueue_indirect_dma source(%dma_start3A_330 : memref<64x128xf32, #tpu.memory_space<vmem>>) target(%dma_start3A_336 : memref<10240x128xf32, #tpu.memory_space<vmem_shared>>) offsets(%dma_start3A_333 : memref<64xi32, #tpu.memory_space<vmem>>) semaphore(%arg15 : memref<!tpu.dma_semaphore, #tpu.memory_space<semaphore_mem>>) {add = true}
        %add3A_337 = arith.constant 2 : i32
        %add3A_338 = arith.addi %add3A_284, %add3A_337 : i32
        %dma_wait3A_339 = arith.constant 2 : i32
        %dma_wait3A_340 = arith.constant 0 : i32
        %dma_wait3A_341 = arith.constant 0 : i32
        %dma_wait3A_342 = tpu.memref_slice %arg8[%dma_wait3A_339, %dma_wait3A_340, %dma_wait3A_341] : memref<4x64x128xf32, #tpu.memory_space<vmem>> -> memref<1x64x128xf32, #tpu.memory_space<vmem>>
        %dma_wait3A_343 = tpu.memref_squeeze %dma_wait3A_342 : memref<1x64x128xf32, #tpu.memory_space<vmem>> -> memref<64x128xf32, #tpu.memory_space<vmem>>
        %dma_wait3A_344 = arith.constant 0 : i32
        %dma_wait3A_345 = tpu.memref_slice %arg6[%add3A_338, %dma_wait3A_344] : memref<32x64xi32, #tpu.memory_space<vmem>> -> memref<1x64xi32, #tpu.memory_space<vmem>>
        %dma_wait3A_346 = tpu.memref_squeeze %dma_wait3A_345 : memref<1x64xi32, #tpu.memory_space<vmem>> -> memref<64xi32, #tpu.memory_space<vmem>>
        %dma_wait3A_347 = arith.constant 0 : i32
        %dma_wait3A_348 = arith.constant 0 : i32
        %dma_wait3A_349 = tpu.memref_slice %arg2[%dma_wait3A_347, %dma_wait3A_348] : memref<10000x128xf32, #tpu.memory_space<hbm>> -> memref<10000x128xf32, #tpu.memory_space<hbm>>
        tpu.wait_indirect_dma semaphore(%arg12 : memref<!tpu.dma_semaphore, #tpu.memory_space<semaphore_mem>>) src(%dma_wait3A_349 : memref<10000x128xf32, #tpu.memory_space<hbm>>) dst(%dma_wait3A_343 : memref<64x128xf32, #tpu.memory_space<vmem>>)
        %add3A_350 = arith.constant 2 : i32
        %add3A_351 = arith.addi %add3A_284, %add3A_350 : i32
        %dma_start3A_352 = arith.constant 2 : i32
        %dma_start3A_353 = arith.constant 0 : i32
        %dma_start3A_354 = arith.constant 0 : i32
        %dma_start3A_355 = tpu.memref_slice %arg8[%dma_start3A_352, %dma_start3A_353, %dma_start3A_354] : memref<4x64x128xf32, #tpu.memory_space<vmem>> -> memref<1x64x128xf32, #tpu.memory_space<vmem>>
        %dma_start3A_356 = tpu.memref_squeeze %dma_start3A_355 : memref<1x64x128xf32, #tpu.memory_space<vmem>> -> memref<64x128xf32, #tpu.memory_space<vmem>>
        %dma_start3A_357 = arith.constant 0 : i32
        %dma_start3A_358 = tpu.memref_slice %arg7[%add3A_351, %dma_start3A_357] : memref<32x64xi32, #tpu.memory_space<vmem>> -> memref<1x64xi32, #tpu.memory_space<vmem>>
        %dma_start3A_359 = tpu.memref_squeeze %dma_start3A_358 : memref<1x64xi32, #tpu.memory_space<vmem>> -> memref<64xi32, #tpu.memory_space<vmem>>
        %dma_start3A_360 = arith.constant 0 : i32
        %dma_start3A_361 = arith.constant 0 : i32
        %dma_start3A_362 = tpu.memref_slice %arg9[%dma_start3A_360, %dma_start3A_361] : memref<10240x128xf32, #tpu.memory_space<vmem_shared>> -> memref<10240x128xf32, #tpu.memory_space<vmem_shared>>
        tpu.enqueue_indirect_dma source(%dma_start3A_356 : memref<64x128xf32, #tpu.memory_space<vmem>>) target(%dma_start3A_362 : memref<10240x128xf32, #tpu.memory_space<vmem_shared>>) offsets(%dma_start3A_359 : memref<64xi32, #tpu.memory_space<vmem>>) semaphore(%arg16 : memref<!tpu.dma_semaphore, #tpu.memory_space<semaphore_mem>>) {add = true}
        %add3A_363 = arith.constant 3 : i32
        %add3A_364 = arith.addi %add3A_284, %add3A_363 : i32
        %dma_wait3A_365 = arith.constant 3 : i32
        %dma_wait3A_366 = arith.constant 0 : i32
        %dma_wait3A_367 = arith.constant 0 : i32
        %dma_wait3A_368 = tpu.memref_slice %arg8[%dma_wait3A_365, %dma_wait3A_366, %dma_wait3A_367] : memref<4x64x128xf32, #tpu.memory_space<vmem>> -> memref<1x64x128xf32, #tpu.memory_space<vmem>>
        %dma_wait3A_369 = tpu.memref_squeeze %dma_wait3A_368 : memref<1x64x128xf32, #tpu.memory_space<vmem>> -> memref<64x128xf32, #tpu.memory_space<vmem>>
        %dma_wait3A_370 = arith.constant 0 : i32
        %dma_wait3A_371 = tpu.memref_slice %arg6[%add3A_364, %dma_wait3A_370] : memref<32x64xi32, #tpu.memory_space<vmem>> -> memref<1x64xi32, #tpu.memory_space<vmem>>
        %dma_wait3A_372 = tpu.memref_squeeze %dma_wait3A_371 : memref<1x64xi32, #tpu.memory_space<vmem>> -> memref<64xi32, #tpu.memory_space<vmem>>
        %dma_wait3A_373 = arith.constant 0 : i32
        %dma_wait3A_374 = arith.constant 0 : i32
        %dma_wait3A_375 = tpu.memref_slice %arg2[%dma_wait3A_373, %dma_wait3A_374] : memref<10000x128xf32, #tpu.memory_space<hbm>> -> memref<10000x128xf32, #tpu.memory_space<hbm>>
        tpu.wait_indirect_dma semaphore(%arg13 : memref<!tpu.dma_semaphore, #tpu.memory_space<semaphore_mem>>) src(%dma_wait3A_375 : memref<10000x128xf32, #tpu.memory_space<hbm>>) dst(%dma_wait3A_369 : memref<64x128xf32, #tpu.memory_space<vmem>>)
        %add3A_376 = arith.constant 3 : i32
        %add3A_377 = arith.addi %add3A_284, %add3A_376 : i32
        %dma_start3A_378 = arith.constant 3 : i32
        %dma_start3A_379 = arith.constant 0 : i32
        %dma_start3A_380 = arith.constant 0 : i32
        %dma_start3A_381 = tpu.memref_slice %arg8[%dma_start3A_378, %dma_start3A_379, %dma_start3A_380] : memref<4x64x128xf32, #tpu.memory_space<vmem>> -> memref<1x64x128xf32, #tpu.memory_space<vmem>>
        %dma_start3A_382 = tpu.memref_squeeze %dma_start3A_381 : memref<1x64x128xf32, #tpu.memory_space<vmem>> -> memref<64x128xf32, #tpu.memory_space<vmem>>
        %dma_start3A_383 = arith.constant 0 : i32
        %dma_start3A_384 = tpu.memref_slice %arg7[%add3A_377, %dma_start3A_383] : memref<32x64xi32, #tpu.memory_space<vmem>> -> memref<1x64xi32, #tpu.memory_space<vmem>>
        %dma_start3A_385 = tpu.memref_squeeze %dma_start3A_384 : memref<1x64xi32, #tpu.memory_space<vmem>> -> memref<64xi32, #tpu.memory_space<vmem>>
        %dma_start3A_386 = arith.constant 0 : i32
        %dma_start3A_387 = arith.constant 0 : i32
        %dma_start3A_388 = tpu.memref_slice %arg9[%dma_start3A_386, %dma_start3A_387] : memref<10240x128xf32, #tpu.memory_space<vmem_shared>> -> memref<10240x128xf32, #tpu.memory_space<vmem_shared>>
        tpu.enqueue_indirect_dma source(%dma_start3A_382 : memref<64x128xf32, #tpu.memory_space<vmem>>) target(%dma_start3A_388 : memref<10240x128xf32, #tpu.memory_space<vmem_shared>>) offsets(%dma_start3A_385 : memref<64xi32, #tpu.memory_space<vmem>>) semaphore(%arg17 : memref<!tpu.dma_semaphore, #tpu.memory_space<semaphore_mem>>) {add = true}
        %add3A_389 = arith.constant 0 : i32
        %add3A_390 = arith.addi %add3A_284, %add3A_389 : i32
        %dma_wait3A_391 = arith.constant 0 : i32
        %dma_wait3A_392 = arith.constant 0 : i32
        %dma_wait3A_393 = arith.constant 0 : i32
        %dma_wait3A_394 = tpu.memref_slice %arg8[%dma_wait3A_391, %dma_wait3A_392, %dma_wait3A_393] : memref<4x64x128xf32, #tpu.memory_space<vmem>> -> memref<1x64x128xf32, #tpu.memory_space<vmem>>
        %dma_wait3A_395 = tpu.memref_squeeze %dma_wait3A_394 : memref<1x64x128xf32, #tpu.memory_space<vmem>> -> memref<64x128xf32, #tpu.memory_space<vmem>>
        %dma_wait3A_396 = arith.constant 0 : i32
        %dma_wait3A_397 = tpu.memref_slice %arg7[%add3A_390, %dma_wait3A_396] : memref<32x64xi32, #tpu.memory_space<vmem>> -> memref<1x64xi32, #tpu.memory_space<vmem>>
        %dma_wait3A_398 = tpu.memref_squeeze %dma_wait3A_397 : memref<1x64xi32, #tpu.memory_space<vmem>> -> memref<64xi32, #tpu.memory_space<vmem>>
        %dma_wait3A_399 = arith.constant 0 : i32
        %dma_wait3A_400 = arith.constant 0 : i32
        %dma_wait3A_401 = tpu.memref_slice %arg9[%dma_wait3A_399, %dma_wait3A_400] : memref<10240x128xf32, #tpu.memory_space<vmem_shared>> -> memref<10240x128xf32, #tpu.memory_space<vmem_shared>>
        tpu.wait_indirect_dma semaphore(%arg14 : memref<!tpu.dma_semaphore, #tpu.memory_space<semaphore_mem>>) src(%dma_wait3A_395 : memref<64x128xf32, #tpu.memory_space<vmem>>) dst(%dma_wait3A_401 : memref<10240x128xf32, #tpu.memory_space<vmem_shared>>)
        %add3A_402 = arith.constant 0 : i32
        %add3A_403 = arith.addi %add3A_284, %add3A_402 : i32
        %add3A_404 = arith.constant 4 : i32
        %add3A_405 = arith.addi %add3A_403, %add3A_404 : i32
        %dma_start3A_406 = arith.constant 0 : i32
        %dma_start3A_407 = arith.constant 0 : i32
        %dma_start3A_408 = arith.constant 0 : i32
        %dma_start3A_409 = tpu.memref_slice %arg8[%dma_start3A_406, %dma_start3A_407, %dma_start3A_408] : memref<4x64x128xf32, #tpu.memory_space<vmem>> -> memref<1x64x128xf32, #tpu.memory_space<vmem>>
        %dma_start3A_410 = tpu.memref_squeeze %dma_start3A_409 : memref<1x64x128xf32, #tpu.memory_space<vmem>> -> memref<64x128xf32, #tpu.memory_space<vmem>>
        %dma_start3A_411 = arith.constant 0 : i32
        %dma_start3A_412 = tpu.memref_slice %arg6[%add3A_405, %dma_start3A_411] : memref<32x64xi32, #tpu.memory_space<vmem>> -> memref<1x64xi32, #tpu.memory_space<vmem>>
        %dma_start3A_413 = tpu.memref_squeeze %dma_start3A_412 : memref<1x64xi32, #tpu.memory_space<vmem>> -> memref<64xi32, #tpu.memory_space<vmem>>
        %dma_start3A_414 = arith.constant 0 : i32
        %dma_start3A_415 = arith.constant 0 : i32
        %dma_start3A_416 = tpu.memref_slice %arg2[%dma_start3A_414, %dma_start3A_415] : memref<10000x128xf32, #tpu.memory_space<hbm>> -> memref<10000x128xf32, #tpu.memory_space<hbm>>
        tpu.enqueue_indirect_dma source(%dma_start3A_416 : memref<10000x128xf32, #tpu.memory_space<hbm>>) target(%dma_start3A_410 : memref<64x128xf32, #tpu.memory_space<vmem>>) offsets(%dma_start3A_413 : memref<64xi32, #tpu.memory_space<vmem>>) semaphore(%arg10 : memref<!tpu.dma_semaphore, #tpu.memory_space<semaphore_mem>>)
        %add3A_417 = arith.constant 1 : i32
        %add3A_418 = arith.addi %add3A_284, %add3A_417 : i32
        %dma_wait3A_419 = arith.constant 1 : i32
        %dma_wait3A_420 = arith.constant 0 : i32
        %dma_wait3A_421 = arith.constant 0 : i32
        %dma_wait3A_422 = tpu.memref_slice %arg8[%dma_wait3A_419, %dma_wait3A_420, %dma_wait3A_421] : memref<4x64x128xf32, #tpu.memory_space<vmem>> -> memref<1x64x128xf32, #tpu.memory_space<vmem>>
        %dma_wait3A_423 = tpu.memref_squeeze %dma_wait3A_422 : memref<1x64x128xf32, #tpu.memory_space<vmem>> -> memref<64x128xf32, #tpu.memory_space<vmem>>
        %dma_wait3A_424 = arith.constant 0 : i32
        %dma_wait3A_425 = tpu.memref_slice %arg7[%add3A_418, %dma_wait3A_424] : memref<32x64xi32, #tpu.memory_space<vmem>> -> memref<1x64xi32, #tpu.memory_space<vmem>>
        %dma_wait3A_426 = tpu.memref_squeeze %dma_wait3A_425 : memref<1x64xi32, #tpu.memory_space<vmem>> -> memref<64xi32, #tpu.memory_space<vmem>>
        %dma_wait3A_427 = arith.constant 0 : i32
        %dma_wait3A_428 = arith.constant 0 : i32
        %dma_wait3A_429 = tpu.memref_slice %arg9[%dma_wait3A_427, %dma_wait3A_428] : memref<10240x128xf32, #tpu.memory_space<vmem_shared>> -> memref<10240x128xf32, #tpu.memory_space<vmem_shared>>
        tpu.wait_indirect_dma semaphore(%arg15 : memref<!tpu.dma_semaphore, #tpu.memory_space<semaphore_mem>>) src(%dma_wait3A_423 : memref<64x128xf32, #tpu.memory_space<vmem>>) dst(%dma_wait3A_429 : memref<10240x128xf32, #tpu.memory_space<vmem_shared>>)
        %add3A_430 = arith.constant 1 : i32
        %add3A_431 = arith.addi %add3A_284, %add3A_430 : i32
        %add3A_432 = arith.constant 4 : i32
        %add3A_433 = arith.addi %add3A_431, %add3A_432 : i32
        %dma_start3A_434 = arith.constant 1 : i32
        %dma_start3A_435 = arith.constant 0 : i32
        %dma_start3A_436 = arith.constant 0 : i32
        %dma_start3A_437 = tpu.memref_slice %arg8[%dma_start3A_434, %dma_start3A_435, %dma_start3A_436] : memref<4x64x128xf32, #tpu.memory_space<vmem>> -> memref<1x64x128xf32, #tpu.memory_space<vmem>>
        %dma_start3A_438 = tpu.memref_squeeze %dma_start3A_437 : memref<1x64x128xf32, #tpu.memory_space<vmem>> -> memref<64x128xf32, #tpu.memory_space<vmem>>
        %dma_start3A_439 = arith.constant 0 : i32
        %dma_start3A_440 = tpu.memref_slice %arg6[%add3A_433, %dma_start3A_439] : memref<32x64xi32, #tpu.memory_space<vmem>> -> memref<1x64xi32, #tpu.memory_space<vmem>>
        %dma_start3A_441 = tpu.memref_squeeze %dma_start3A_440 : memref<1x64xi32, #tpu.memory_space<vmem>> -> memref<64xi32, #tpu.memory_space<vmem>>
        %dma_start3A_442 = arith.constant 0 : i32
        %dma_start3A_443 = arith.constant 0 : i32
        %dma_start3A_444 = tpu.memref_slice %arg2[%dma_start3A_442, %dma_start3A_443] : memref<10000x128xf32, #tpu.memory_space<hbm>> -> memref<10000x128xf32, #tpu.memory_space<hbm>>
        tpu.enqueue_indirect_dma source(%dma_start3A_444 : memref<10000x128xf32, #tpu.memory_space<hbm>>) target(%dma_start3A_438 : memref<64x128xf32, #tpu.memory_space<vmem>>) offsets(%dma_start3A_441 : memref<64xi32, #tpu.memory_space<vmem>>) semaphore(%arg11 : memref<!tpu.dma_semaphore, #tpu.memory_space<semaphore_mem>>)
        %add3A_445 = arith.constant 2 : i32
        %add3A_446 = arith.addi %add3A_284, %add3A_445 : i32
        %dma_wait3A_447 = arith.constant 2 : i32
        %dma_wait3A_448 = arith.constant 0 : i32
        %dma_wait3A_449 = arith.constant 0 : i32
        %dma_wait3A_450 = tpu.memref_slice %arg8[%dma_wait3A_447, %dma_wait3A_448, %dma_wait3A_449] : memref<4x64x128xf32, #tpu.memory_space<vmem>> -> memref<1x64x128xf32, #tpu.memory_space<vmem>>
        %dma_wait3A_451 = tpu.memref_squeeze %dma_wait3A_450 : memref<1x64x128xf32, #tpu.memory_space<vmem>> -> memref<64x128xf32, #tpu.memory_space<vmem>>
        %dma_wait3A_452 = arith.constant 0 : i32
        %dma_wait3A_453 = tpu.memref_slice %arg7[%add3A_446, %dma_wait3A_452] : memref<32x64xi32, #tpu.memory_space<vmem>> -> memref<1x64xi32, #tpu.memory_space<vmem>>
        %dma_wait3A_454 = tpu.memref_squeeze %dma_wait3A_453 : memref<1x64xi32, #tpu.memory_space<vmem>> -> memref<64xi32, #tpu.memory_space<vmem>>
        %dma_wait3A_455 = arith.constant 0 : i32
        %dma_wait3A_456 = arith.constant 0 : i32
        %dma_wait3A_457 = tpu.memref_slice %arg9[%dma_wait3A_455, %dma_wait3A_456] : memref<10240x128xf32, #tpu.memory_space<vmem_shared>> -> memref<10240x128xf32, #tpu.memory_space<vmem_shared>>
        tpu.wait_indirect_dma semaphore(%arg16 : memref<!tpu.dma_semaphore, #tpu.memory_space<semaphore_mem>>) src(%dma_wait3A_451 : memref<64x128xf32, #tpu.memory_space<vmem>>) dst(%dma_wait3A_457 : memref<10240x128xf32, #tpu.memory_space<vmem_shared>>)
        %add3A_458 = arith.constant 2 : i32
        %add3A_459 = arith.addi %add3A_284, %add3A_458 : i32
        %add3A_460 = arith.constant 4 : i32
        %add3A_461 = arith.addi %add3A_459, %add3A_460 : i32
        %dma_start3A_462 = arith.constant 2 : i32
        %dma_start3A_463 = arith.constant 0 : i32
        %dma_start3A_464 = arith.constant 0 : i32
        %dma_start3A_465 = tpu.memref_slice %arg8[%dma_start3A_462, %dma_start3A_463, %dma_start3A_464] : memref<4x64x128xf32, #tpu.memory_space<vmem>> -> memref<1x64x128xf32, #tpu.memory_space<vmem>>
        %dma_start3A_466 = tpu.memref_squeeze %dma_start3A_465 : memref<1x64x128xf32, #tpu.memory_space<vmem>> -> memref<64x128xf32, #tpu.memory_space<vmem>>
        %dma_start3A_467 = arith.constant 0 : i32
        %dma_start3A_468 = tpu.memref_slice %arg6[%add3A_461, %dma_start3A_467] : memref<32x64xi32, #tpu.memory_space<vmem>> -> memref<1x64xi32, #tpu.memory_space<vmem>>
        %dma_start3A_469 = tpu.memref_squeeze %dma_start3A_468 : memref<1x64xi32, #tpu.memory_space<vmem>> -> memref<64xi32, #tpu.memory_space<vmem>>
        %dma_start3A_470 = arith.constant 0 : i32
        %dma_start3A_471 = arith.constant 0 : i32
        %dma_start3A_472 = tpu.memref_slice %arg2[%dma_start3A_470, %dma_start3A_471] : memref<10000x128xf32, #tpu.memory_space<hbm>> -> memref<10000x128xf32, #tpu.memory_space<hbm>>
        tpu.enqueue_indirect_dma source(%dma_start3A_472 : memref<10000x128xf32, #tpu.memory_space<hbm>>) target(%dma_start3A_466 : memref<64x128xf32, #tpu.memory_space<vmem>>) offsets(%dma_start3A_469 : memref<64xi32, #tpu.memory_space<vmem>>) semaphore(%arg12 : memref<!tpu.dma_semaphore, #tpu.memory_space<semaphore_mem>>)
        %add3A_473 = arith.constant 3 : i32
        %add3A_474 = arith.addi %add3A_284, %add3A_473 : i32
        %dma_wait3A_475 = arith.constant 3 : i32
        %dma_wait3A_476 = arith.constant 0 : i32
        %dma_wait3A_477 = arith.constant 0 : i32
        %dma_wait3A_478 = tpu.memref_slice %arg8[%dma_wait3A_475, %dma_wait3A_476, %dma_wait3A_477] : memref<4x64x128xf32, #tpu.memory_space<vmem>> -> memref<1x64x128xf32, #tpu.memory_space<vmem>>
        %dma_wait3A_479 = tpu.memref_squeeze %dma_wait3A_478 : memref<1x64x128xf32, #tpu.memory_space<vmem>> -> memref<64x128xf32, #tpu.memory_space<vmem>>
        %dma_wait3A_480 = arith.constant 0 : i32
        %dma_wait3A_481 = tpu.memref_slice %arg7[%add3A_474, %dma_wait3A_480] : memref<32x64xi32, #tpu.memory_space<vmem>> -> memref<1x64xi32, #tpu.memory_space<vmem>>
        %dma_wait3A_482 = tpu.memref_squeeze %dma_wait3A_481 : memref<1x64xi32, #tpu.memory_space<vmem>> -> memref<64xi32, #tpu.memory_space<vmem>>
        %dma_wait3A_483 = arith.constant 0 : i32
        %dma_wait3A_484 = arith.constant 0 : i32
        %dma_wait3A_485 = tpu.memref_slice %arg9[%dma_wait3A_483, %dma_wait3A_484] : memref<10240x128xf32, #tpu.memory_space<vmem_shared>> -> memref<10240x128xf32, #tpu.memory_space<vmem_shared>>
        tpu.wait_indirect_dma semaphore(%arg17 : memref<!tpu.dma_semaphore, #tpu.memory_space<semaphore_mem>>) src(%dma_wait3A_479 : memref<64x128xf32, #tpu.memory_space<vmem>>) dst(%dma_wait3A_485 : memref<10240x128xf32, #tpu.memory_space<vmem_shared>>)
        %add3A_486 = arith.constant 3 : i32
        %add3A_487 = arith.addi %add3A_284, %add3A_486 : i32
        %add3A_488 = arith.constant 4 : i32
        %add3A_489 = arith.addi %add3A_487, %add3A_488 : i32
        %dma_start3A_490 = arith.constant 3 : i32
        %dma_start3A_491 = arith.constant 0 : i32
        %dma_start3A_492 = arith.constant 0 : i32
        %dma_start3A_493 = tpu.memref_slice %arg8[%dma_start3A_490, %dma_start3A_491, %dma_start3A_492] : memref<4x64x128xf32, #tpu.memory_space<vmem>> -> memref<1x64x128xf32, #tpu.memory_space<vmem>>
        %dma_start3A_494 = tpu.memref_squeeze %dma_start3A_493 : memref<1x64x128xf32, #tpu.memory_space<vmem>> -> memref<64x128xf32, #tpu.memory_space<vmem>>
        %dma_start3A_495 = arith.constant 0 : i32
        %dma_start3A_496 = tpu.memref_slice %arg6[%add3A_489, %dma_start3A_495] : memref<32x64xi32, #tpu.memory_space<vmem>> -> memref<1x64xi32, #tpu.memory_space<vmem>>
        %dma_start3A_497 = tpu.memref_squeeze %dma_start3A_496 : memref<1x64xi32, #tpu.memory_space<vmem>> -> memref<64xi32, #tpu.memory_space<vmem>>
        %dma_start3A_498 = arith.constant 0 : i32
        %dma_start3A_499 = arith.constant 0 : i32
        %dma_start3A_500 = tpu.memref_slice %arg2[%dma_start3A_498, %dma_start3A_499] : memref<10000x128xf32, #tpu.memory_space<hbm>> -> memref<10000x128xf32, #tpu.memory_space<hbm>>
        tpu.enqueue_indirect_dma source(%dma_start3A_500 : memref<10000x128xf32, #tpu.memory_space<hbm>>) target(%dma_start3A_494 : memref<64x128xf32, #tpu.memory_space<vmem>>) offsets(%dma_start3A_497 : memref<64xi32, #tpu.memory_space<vmem>>) semaphore(%arg13 : memref<!tpu.dma_semaphore, #tpu.memory_space<semaphore_mem>>)
      }
      %scan3A_136 = arith.constant 7 : i32
      %dma_wait3A = arith.constant 28 : i32
      %dma_wait3A_137 = arith.constant 0 : i32
      %dma_wait3A_138 = arith.constant 0 : i32
      %dma_wait3A_139 = arith.constant 0 : i32
      %dma_wait3A_140 = tpu.memref_slice %arg8[%dma_wait3A_137, %dma_wait3A_138, %dma_wait3A_139] : memref<4x64x128xf32, #tpu.memory_space<vmem>> -> memref<1x64x128xf32, #tpu.memory_space<vmem>>
      %dma_wait3A_141 = tpu.memref_squeeze %dma_wait3A_140 : memref<1x64x128xf32, #tpu.memory_space<vmem>> -> memref<64x128xf32, #tpu.memory_space<vmem>>
      %dma_wait3A_142 = arith.constant 0 : i32
      %dma_wait3A_143 = tpu.memref_slice %arg6[%dma_wait3A, %dma_wait3A_142] : memref<32x64xi32, #tpu.memory_space<vmem>> -> memref<1x64xi32, #tpu.memory_space<vmem>>
      %dma_wait3A_144 = tpu.memref_squeeze %dma_wait3A_143 : memref<1x64xi32, #tpu.memory_space<vmem>> -> memref<64xi32, #tpu.memory_space<vmem>>
      %dma_wait3A_145 = arith.constant 0 : i32
      %dma_wait3A_146 = arith.constant 0 : i32
      %dma_wait3A_147 = tpu.memref_slice %arg2[%dma_wait3A_145, %dma_wait3A_146] : memref<10000x128xf32, #tpu.memory_space<hbm>> -> memref<10000x128xf32, #tpu.memory_space<hbm>>
      tpu.wait_indirect_dma semaphore(%arg10 : memref<!tpu.dma_semaphore, #tpu.memory_space<semaphore_mem>>) src(%dma_wait3A_147 : memref<10000x128xf32, #tpu.memory_space<hbm>>) dst(%dma_wait3A_141 : memref<64x128xf32, #tpu.memory_space<vmem>>)
      %dma_start3A_148 = arith.constant 0 : i32
      %dma_start3A_149 = arith.constant 28 : i32
      %dma_start3A_150 = arith.constant 0 : i32
      %dma_start3A_151 = arith.constant 0 : i32
      %dma_start3A_152 = tpu.memref_slice %arg8[%dma_start3A_148, %dma_start3A_150, %dma_start3A_151] : memref<4x64x128xf32, #tpu.memory_space<vmem>> -> memref<1x64x128xf32, #tpu.memory_space<vmem>>
      %dma_start3A_153 = tpu.memref_squeeze %dma_start3A_152 : memref<1x64x128xf32, #tpu.memory_space<vmem>> -> memref<64x128xf32, #tpu.memory_space<vmem>>
      %dma_start3A_154 = arith.constant 0 : i32
      %dma_start3A_155 = tpu.memref_slice %arg7[%dma_start3A_149, %dma_start3A_154] : memref<32x64xi32, #tpu.memory_space<vmem>> -> memref<1x64xi32, #tpu.memory_space<vmem>>
      %dma_start3A_156 = tpu.memref_squeeze %dma_start3A_155 : memref<1x64xi32, #tpu.memory_space<vmem>> -> memref<64xi32, #tpu.memory_space<vmem>>
      %dma_start3A_157 = arith.constant 0 : i32
      %dma_start3A_158 = arith.constant 0 : i32
      %dma_start3A_159 = tpu.memref_slice %arg9[%dma_start3A_157, %dma_start3A_158] : memref<10240x128xf32, #tpu.memory_space<vmem_shared>> -> memref<10240x128xf32, #tpu.memory_space<vmem_shared>>
      tpu.enqueue_indirect_dma source(%dma_start3A_153 : memref<64x128xf32, #tpu.memory_space<vmem>>) target(%dma_start3A_159 : memref<10240x128xf32, #tpu.memory_space<vmem_shared>>) offsets(%dma_start3A_156 : memref<64xi32, #tpu.memory_space<vmem>>) semaphore(%arg14 : memref<!tpu.dma_semaphore, #tpu.memory_space<semaphore_mem>>) {add = true}
      %dma_wait3A_160 = arith.constant 29 : i32
      %dma_wait3A_161 = arith.constant 1 : i32
      %dma_wait3A_162 = arith.constant 0 : i32
      %dma_wait3A_163 = arith.constant 0 : i32
      %dma_wait3A_164 = tpu.memref_slice %arg8[%dma_wait3A_161, %dma_wait3A_162, %dma_wait3A_163] : memref<4x64x128xf32, #tpu.memory_space<vmem>> -> memref<1x64x128xf32, #tpu.memory_space<vmem>>
      %dma_wait3A_165 = tpu.memref_squeeze %dma_wait3A_164 : memref<1x64x128xf32, #tpu.memory_space<vmem>> -> memref<64x128xf32, #tpu.memory_space<vmem>>
      %dma_wait3A_166 = arith.constant 0 : i32
      %dma_wait3A_167 = tpu.memref_slice %arg6[%dma_wait3A_160, %dma_wait3A_166] : memref<32x64xi32, #tpu.memory_space<vmem>> -> memref<1x64xi32, #tpu.memory_space<vmem>>
      %dma_wait3A_168 = tpu.memref_squeeze %dma_wait3A_167 : memref<1x64xi32, #tpu.memory_space<vmem>> -> memref<64xi32, #tpu.memory_space<vmem>>
      %dma_wait3A_169 = arith.constant 0 : i32
      %dma_wait3A_170 = arith.constant 0 : i32
      %dma_wait3A_171 = tpu.memref_slice %arg2[%dma_wait3A_169, %dma_wait3A_170] : memref<10000x128xf32, #tpu.memory_space<hbm>> -> memref<10000x128xf32, #tpu.memory_space<hbm>>
      tpu.wait_indirect_dma semaphore(%arg11 : memref<!tpu.dma_semaphore, #tpu.memory_space<semaphore_mem>>) src(%dma_wait3A_171 : memref<10000x128xf32, #tpu.memory_space<hbm>>) dst(%dma_wait3A_165 : memref<64x128xf32, #tpu.memory_space<vmem>>)
      %dma_start3A_172 = arith.constant 1 : i32
      %dma_start3A_173 = arith.constant 29 : i32
      %dma_start3A_174 = arith.constant 0 : i32
      %dma_start3A_175 = arith.constant 0 : i32
      %dma_start3A_176 = tpu.memref_slice %arg8[%dma_start3A_172, %dma_start3A_174, %dma_start3A_175] : memref<4x64x128xf32, #tpu.memory_space<vmem>> -> memref<1x64x128xf32, #tpu.memory_space<vmem>>
      %dma_start3A_177 = tpu.memref_squeeze %dma_start3A_176 : memref<1x64x128xf32, #tpu.memory_space<vmem>> -> memref<64x128xf32, #tpu.memory_space<vmem>>
      %dma_start3A_178 = arith.constant 0 : i32
      %dma_start3A_179 = tpu.memref_slice %arg7[%dma_start3A_173, %dma_start3A_178] : memref<32x64xi32, #tpu.memory_space<vmem>> -> memref<1x64xi32, #tpu.memory_space<vmem>>
      %dma_start3A_180 = tpu.memref_squeeze %dma_start3A_179 : memref<1x64xi32, #tpu.memory_space<vmem>> -> memref<64xi32, #tpu.memory_space<vmem>>
      %dma_start3A_181 = arith.constant 0 : i32
      %dma_start3A_182 = arith.constant 0 : i32
      %dma_start3A_183 = tpu.memref_slice %arg9[%dma_start3A_181, %dma_start3A_182] : memref<10240x128xf32, #tpu.memory_space<vmem_shared>> -> memref<10240x128xf32, #tpu.memory_space<vmem_shared>>
      tpu.enqueue_indirect_dma source(%dma_start3A_177 : memref<64x128xf32, #tpu.memory_space<vmem>>) target(%dma_start3A_183 : memref<10240x128xf32, #tpu.memory_space<vmem_shared>>) offsets(%dma_start3A_180 : memref<64xi32, #tpu.memory_space<vmem>>) semaphore(%arg15 : memref<!tpu.dma_semaphore, #tpu.memory_space<semaphore_mem>>) {add = true}
      %dma_wait3A_184 = arith.constant 30 : i32
      %dma_wait3A_185 = arith.constant 2 : i32
      %dma_wait3A_186 = arith.constant 0 : i32
      %dma_wait3A_187 = arith.constant 0 : i32
      %dma_wait3A_188 = tpu.memref_slice %arg8[%dma_wait3A_185, %dma_wait3A_186, %dma_wait3A_187] : memref<4x64x128xf32, #tpu.memory_space<vmem>> -> memref<1x64x128xf32, #tpu.memory_space<vmem>>
      %dma_wait3A_189 = tpu.memref_squeeze %dma_wait3A_188 : memref<1x64x128xf32, #tpu.memory_space<vmem>> -> memref<64x128xf32, #tpu.memory_space<vmem>>
      %dma_wait3A_190 = arith.constant 0 : i32
      %dma_wait3A_191 = tpu.memref_slice %arg6[%dma_wait3A_184, %dma_wait3A_190] : memref<32x64xi32, #tpu.memory_space<vmem>> -> memref<1x64xi32, #tpu.memory_space<vmem>>
      %dma_wait3A_192 = tpu.memref_squeeze %dma_wait3A_191 : memref<1x64xi32, #tpu.memory_space<vmem>> -> memref<64xi32, #tpu.memory_space<vmem>>
      %dma_wait3A_193 = arith.constant 0 : i32
      %dma_wait3A_194 = arith.constant 0 : i32
      %dma_wait3A_195 = tpu.memref_slice %arg2[%dma_wait3A_193, %dma_wait3A_194] : memref<10000x128xf32, #tpu.memory_space<hbm>> -> memref<10000x128xf32, #tpu.memory_space<hbm>>
      tpu.wait_indirect_dma semaphore(%arg12 : memref<!tpu.dma_semaphore, #tpu.memory_space<semaphore_mem>>) src(%dma_wait3A_195 : memref<10000x128xf32, #tpu.memory_space<hbm>>) dst(%dma_wait3A_189 : memref<64x128xf32, #tpu.memory_space<vmem>>)
      %dma_start3A_196 = arith.constant 2 : i32
      %dma_start3A_197 = arith.constant 30 : i32
      %dma_start3A_198 = arith.constant 0 : i32
      %dma_start3A_199 = arith.constant 0 : i32
      %dma_start3A_200 = tpu.memref_slice %arg8[%dma_start3A_196, %dma_start3A_198, %dma_start3A_199] : memref<4x64x128xf32, #tpu.memory_space<vmem>> -> memref<1x64x128xf32, #tpu.memory_space<vmem>>
      %dma_start3A_201 = tpu.memref_squeeze %dma_start3A_200 : memref<1x64x128xf32, #tpu.memory_space<vmem>> -> memref<64x128xf32, #tpu.memory_space<vmem>>
      %dma_start3A_202 = arith.constant 0 : i32
      %dma_start3A_203 = tpu.memref_slice %arg7[%dma_start3A_197, %dma_start3A_202] : memref<32x64xi32, #tpu.memory_space<vmem>> -> memref<1x64xi32, #tpu.memory_space<vmem>>
      %dma_start3A_204 = tpu.memref_squeeze %dma_start3A_203 : memref<1x64xi32, #tpu.memory_space<vmem>> -> memref<64xi32, #tpu.memory_space<vmem>>
      %dma_start3A_205 = arith.constant 0 : i32
      %dma_start3A_206 = arith.constant 0 : i32
      %dma_start3A_207 = tpu.memref_slice %arg9[%dma_start3A_205, %dma_start3A_206] : memref<10240x128xf32, #tpu.memory_space<vmem_shared>> -> memref<10240x128xf32, #tpu.memory_space<vmem_shared>>
      tpu.enqueue_indirect_dma source(%dma_start3A_201 : memref<64x128xf32, #tpu.memory_space<vmem>>) target(%dma_start3A_207 : memref<10240x128xf32, #tpu.memory_space<vmem_shared>>) offsets(%dma_start3A_204 : memref<64xi32, #tpu.memory_space<vmem>>) semaphore(%arg16 : memref<!tpu.dma_semaphore, #tpu.memory_space<semaphore_mem>>) {add = true}
      %dma_wait3A_208 = arith.constant 31 : i32
      %dma_wait3A_209 = arith.constant 3 : i32
      %dma_wait3A_210 = arith.constant 0 : i32
      %dma_wait3A_211 = arith.constant 0 : i32
      %dma_wait3A_212 = tpu.memref_slice %arg8[%dma_wait3A_209, %dma_wait3A_210, %dma_wait3A_211] : memref<4x64x128xf32, #tpu.memory_space<vmem>> -> memref<1x64x128xf32, #tpu.memory_space<vmem>>
      %dma_wait3A_213 = tpu.memref_squeeze %dma_wait3A_212 : memref<1x64x128xf32, #tpu.memory_space<vmem>> -> memref<64x128xf32, #tpu.memory_space<vmem>>
      %dma_wait3A_214 = arith.constant 0 : i32
      %dma_wait3A_215 = tpu.memref_slice %arg6[%dma_wait3A_208, %dma_wait3A_214] : memref<32x64xi32, #tpu.memory_space<vmem>> -> memref<1x64xi32, #tpu.memory_space<vmem>>
      %dma_wait3A_216 = tpu.memref_squeeze %dma_wait3A_215 : memref<1x64xi32, #tpu.memory_space<vmem>> -> memref<64xi32, #tpu.memory_space<vmem>>
      %dma_wait3A_217 = arith.constant 0 : i32
      %dma_wait3A_218 = arith.constant 0 : i32
      %dma_wait3A_219 = tpu.memref_slice %arg2[%dma_wait3A_217, %dma_wait3A_218] : memref<10000x128xf32, #tpu.memory_space<hbm>> -> memref<10000x128xf32, #tpu.memory_space<hbm>>
      tpu.wait_indirect_dma semaphore(%arg13 : memref<!tpu.dma_semaphore, #tpu.memory_space<semaphore_mem>>) src(%dma_wait3A_219 : memref<10000x128xf32, #tpu.memory_space<hbm>>) dst(%dma_wait3A_213 : memref<64x128xf32, #tpu.memory_space<vmem>>)
      %dma_start3A_220 = arith.constant 3 : i32
      %dma_start3A_221 = arith.constant 31 : i32
      %dma_start3A_222 = arith.constant 0 : i32
      %dma_start3A_223 = arith.constant 0 : i32
      %dma_start3A_224 = tpu.memref_slice %arg8[%dma_start3A_220, %dma_start3A_222, %dma_start3A_223] : memref<4x64x128xf32, #tpu.memory_space<vmem>> -> memref<1x64x128xf32, #tpu.memory_space<vmem>>
      %dma_start3A_225 = tpu.memref_squeeze %dma_start3A_224 : memref<1x64x128xf32, #tpu.memory_space<vmem>> -> memref<64x128xf32, #tpu.memory_space<vmem>>
      %dma_start3A_226 = arith.constant 0 : i32
      %dma_start3A_227 = tpu.memref_slice %arg7[%dma_start3A_221, %dma_start3A_226] : memref<32x64xi32, #tpu.memory_space<vmem>> -> memref<1x64xi32, #tpu.memory_space<vmem>>
      %dma_start3A_228 = tpu.memref_squeeze %dma_start3A_227 : memref<1x64xi32, #tpu.memory_space<vmem>> -> memref<64xi32, #tpu.memory_space<vmem>>
      %dma_start3A_229 = arith.constant 0 : i32
      %dma_start3A_230 = arith.constant 0 : i32
      %dma_start3A_231 = tpu.memref_slice %arg9[%dma_start3A_229, %dma_start3A_230] : memref<10240x128xf32, #tpu.memory_space<vmem_shared>> -> memref<10240x128xf32, #tpu.memory_space<vmem_shared>>
      tpu.enqueue_indirect_dma source(%dma_start3A_225 : memref<64x128xf32, #tpu.memory_space<vmem>>) target(%dma_start3A_231 : memref<10240x128xf32, #tpu.memory_space<vmem_shared>>) offsets(%dma_start3A_228 : memref<64xi32, #tpu.memory_space<vmem>>) semaphore(%arg17 : memref<!tpu.dma_semaphore, #tpu.memory_space<semaphore_mem>>) {add = true}
      %dma_wait3A_232 = arith.constant 0 : i32
      %dma_wait3A_233 = arith.constant 28 : i32
      %dma_wait3A_234 = arith.constant 0 : i32
      %dma_wait3A_235 = arith.constant 0 : i32
      %dma_wait3A_236 = tpu.memref_slice %arg8[%dma_wait3A_232, %dma_wait3A_234, %dma_wait3A_235] : memref<4x64x128xf32, #tpu.memory_space<vmem>> -> memref<1x64x128xf32, #tpu.memory_space<vmem>>
      %dma_wait3A_237 = tpu.memref_squeeze %dma_wait3A_236 : memref<1x64x128xf32, #tpu.memory_space<vmem>> -> memref<64x128xf32, #tpu.memory_space<vmem>>
      %dma_wait3A_238 = arith.constant 0 : i32
      %dma_wait3A_239 = tpu.memref_slice %arg7[%dma_wait3A_233, %dma_wait3A_238] : memref<32x64xi32, #tpu.memory_space<vmem>> -> memref<1x64xi32, #tpu.memory_space<vmem>>
      %dma_wait3A_240 = tpu.memref_squeeze %dma_wait3A_239 : memref<1x64xi32, #tpu.memory_space<vmem>> -> memref<64xi32, #tpu.memory_space<vmem>>
      %dma_wait3A_241 = arith.constant 0 : i32
      %dma_wait3A_242 = arith.constant 0 : i32
      %dma_wait3A_243 = tpu.memref_slice %arg9[%dma_wait3A_241, %dma_wait3A_242] : memref<10240x128xf32, #tpu.memory_space<vmem_shared>> -> memref<10240x128xf32, #tpu.memory_space<vmem_shared>>
      tpu.wait_indirect_dma semaphore(%arg14 : memref<!tpu.dma_semaphore, #tpu.memory_space<semaphore_mem>>) src(%dma_wait3A_237 : memref<64x128xf32, #tpu.memory_space<vmem>>) dst(%dma_wait3A_243 : memref<10240x128xf32, #tpu.memory_space<vmem_shared>>)
      %dma_wait3A_244 = arith.constant 1 : i32
      %dma_wait3A_245 = arith.constant 29 : i32
      %dma_wait3A_246 = arith.constant 0 : i32
      %dma_wait3A_247 = arith.constant 0 : i32
      %dma_wait3A_248 = tpu.memref_slice %arg8[%dma_wait3A_244, %dma_wait3A_246, %dma_wait3A_247] : memref<4x64x128xf32, #tpu.memory_space<vmem>> -> memref<1x64x128xf32, #tpu.memory_space<vmem>>
      %dma_wait3A_249 = tpu.memref_squeeze %dma_wait3A_248 : memref<1x64x128xf32, #tpu.memory_space<vmem>> -> memref<64x128xf32, #tpu.memory_space<vmem>>
      %dma_wait3A_250 = arith.constant 0 : i32
      %dma_wait3A_251 = tpu.memref_slice %arg7[%dma_wait3A_245, %dma_wait3A_250] : memref<32x64xi32, #tpu.memory_space<vmem>> -> memref<1x64xi32, #tpu.memory_space<vmem>>
      %dma_wait3A_252 = tpu.memref_squeeze %dma_wait3A_251 : memref<1x64xi32, #tpu.memory_space<vmem>> -> memref<64xi32, #tpu.memory_space<vmem>>
      %dma_wait3A_253 = arith.constant 0 : i32
      %dma_wait3A_254 = arith.constant 0 : i32
      %dma_wait3A_255 = tpu.memref_slice %arg9[%dma_wait3A_253, %dma_wait3A_254] : memref<10240x128xf32, #tpu.memory_space<vmem_shared>> -> memref<10240x128xf32, #tpu.memory_space<vmem_shared>>
      tpu.wait_indirect_dma semaphore(%arg15 : memref<!tpu.dma_semaphore, #tpu.memory_space<semaphore_mem>>) src(%dma_wait3A_249 : memref<64x128xf32, #tpu.memory_space<vmem>>) dst(%dma_wait3A_255 : memref<10240x128xf32, #tpu.memory_space<vmem_shared>>)
      %dma_wait3A_256 = arith.constant 2 : i32
      %dma_wait3A_257 = arith.constant 30 : i32
      %dma_wait3A_258 = arith.constant 0 : i32
      %dma_wait3A_259 = arith.constant 0 : i32
      %dma_wait3A_260 = tpu.memref_slice %arg8[%dma_wait3A_256, %dma_wait3A_258, %dma_wait3A_259] : memref<4x64x128xf32, #tpu.memory_space<vmem>> -> memref<1x64x128xf32, #tpu.memory_space<vmem>>
      %dma_wait3A_261 = tpu.memref_squeeze %dma_wait3A_260 : memref<1x64x128xf32, #tpu.memory_space<vmem>> -> memref<64x128xf32, #tpu.memory_space<vmem>>
      %dma_wait3A_262 = arith.constant 0 : i32
      %dma_wait3A_263 = tpu.memref_slice %arg7[%dma_wait3A_257, %dma_wait3A_262] : memref<32x64xi32, #tpu.memory_space<vmem>> -> memref<1x64xi32, #tpu.memory_space<vmem>>
      %dma_wait3A_264 = tpu.memref_squeeze %dma_wait3A_263 : memref<1x64xi32, #tpu.memory_space<vmem>> -> memref<64xi32, #tpu.memory_space<vmem>>
      %dma_wait3A_265 = arith.constant 0 : i32
      %dma_wait3A_266 = arith.constant 0 : i32
      %dma_wait3A_267 = tpu.memref_slice %arg9[%dma_wait3A_265, %dma_wait3A_266] : memref<10240x128xf32, #tpu.memory_space<vmem_shared>> -> memref<10240x128xf32, #tpu.memory_space<vmem_shared>>
      tpu.wait_indirect_dma semaphore(%arg16 : memref<!tpu.dma_semaphore, #tpu.memory_space<semaphore_mem>>) src(%dma_wait3A_261 : memref<64x128xf32, #tpu.memory_space<vmem>>) dst(%dma_wait3A_267 : memref<10240x128xf32, #tpu.memory_space<vmem_shared>>)
      %dma_wait3A_268 = arith.constant 3 : i32
      %dma_wait3A_269 = arith.constant 31 : i32
      %dma_wait3A_270 = arith.constant 0 : i32
      %dma_wait3A_271 = arith.constant 0 : i32
      %dma_wait3A_272 = tpu.memref_slice %arg8[%dma_wait3A_268, %dma_wait3A_270, %dma_wait3A_271] : memref<4x64x128xf32, #tpu.memory_space<vmem>> -> memref<1x64x128xf32, #tpu.memory_space<vmem>>
      %dma_wait3A_273 = tpu.memref_squeeze %dma_wait3A_272 : memref<1x64x128xf32, #tpu.memory_space<vmem>> -> memref<64x128xf32, #tpu.memory_space<vmem>>
      %dma_wait3A_274 = arith.constant 0 : i32
      %dma_wait3A_275 = tpu.memref_slice %arg7[%dma_wait3A_269, %dma_wait3A_274] : memref<32x64xi32, #tpu.memory_space<vmem>> -> memref<1x64xi32, #tpu.memory_space<vmem>>
      %dma_wait3A_276 = tpu.memref_squeeze %dma_wait3A_275 : memref<1x64xi32, #tpu.memory_space<vmem>> -> memref<64xi32, #tpu.memory_space<vmem>>
      %dma_wait3A_277 = arith.constant 0 : i32
      %dma_wait3A_278 = arith.constant 0 : i32
      %dma_wait3A_279 = tpu.memref_slice %arg9[%dma_wait3A_277, %dma_wait3A_278] : memref<10240x128xf32, #tpu.memory_space<vmem_shared>> -> memref<10240x128xf32, #tpu.memory_space<vmem_shared>>
      tpu.wait_indirect_dma semaphore(%arg17 : memref<!tpu.dma_semaphore, #tpu.memory_space<semaphore_mem>>) src(%dma_wait3A_273 : memref<64x128xf32, #tpu.memory_space<vmem>>) dst(%dma_wait3A_279 : memref<10240x128xf32, #tpu.memory_space<vmem_shared>>)
    }
    %barrier3A_73 = arith.constant 0 : index
    tpu.barrier barrier_id(%barrier3A_73)
    %mul3A_74 = arith.constant 640 : i32
    %mul3A_75 = arith.muli %arg1, %mul3A_74 : i32
    %mul3A_76 = arith.constant 640 : i32
    %mul3A_77 = arith.muli %arg1, %mul3A_76 : i32
    "tpu.region"() ({
      %run_scoped3A_78 = tpu.sem_alloc : memref<!tpu.dma_semaphore, #tpu.memory_space<semaphore_mem>>
      %dma_start3A = arith.constant 0 : i32
      %dma_start3A_79 = tpu.memref_slice %arg5[%arg0, %mul3A_77, %dma_start3A] : memref<2x10240x128xf32, #tpu.memory_space<hbm>> -> memref<1x640x128xf32, #tpu.memory_space<hbm>>
      %dma_start3A_80 = tpu.memref_squeeze %dma_start3A_79 : memref<1x640x128xf32, #tpu.memory_space<hbm>> -> memref<640x128xf32, #tpu.memory_space<hbm>>
      %dma_start3A_81 = arith.constant 0 : i32
      %dma_start3A_82 = tpu.memref_slice %arg9[%mul3A_75, %dma_start3A_81] : memref<10240x128xf32, #tpu.memory_space<vmem_shared>> -> memref<640x128xf32, #tpu.memory_space<vmem_shared>>
      tpu.enqueue_dma source(%dma_start3A_82 : memref<640x128xf32, #tpu.memory_space<vmem_shared>>) target(%dma_start3A_80 : memref<640x128xf32, #tpu.memory_space<hbm>>) target_semaphore(%run_scoped3A_78 : memref<!tpu.dma_semaphore, #tpu.memory_space<semaphore_mem>>)
      %dma_wait3A = arith.constant 0 : i32
      %dma_wait3A_83 = tpu.memref_slice %arg5[%arg0, %mul3A_77, %dma_wait3A] : memref<2x10240x128xf32, #tpu.memory_space<hbm>> -> memref<1x640x128xf32, #tpu.memory_space<hbm>>
      %dma_wait3A_84 = tpu.memref_squeeze %dma_wait3A_83 : memref<1x640x128xf32, #tpu.memory_space<hbm>> -> memref<640x128xf32, #tpu.memory_space<hbm>>
      %dma_wait3A_85 = arith.constant 0 : i32
      %dma_wait3A_86 = tpu.memref_slice %arg9[%mul3A_75, %dma_wait3A_85] : memref<10240x128xf32, #tpu.memory_space<vmem_shared>> -> memref<640x128xf32, #tpu.memory_space<vmem_shared>>
      tpu.wait_dma2 semaphore(%run_scoped3A_78 : memref<!tpu.dma_semaphore, #tpu.memory_space<semaphore_mem>>) src(%dma_wait3A_86 : memref<640x128xf32, #tpu.memory_space<vmem_shared>>) dst(%dma_wait3A_84 : memref<640x128xf32, #tpu.memory_space<hbm>>)
      tpu.yield
    }) : () -> ()
    return
  }
}

module attributes {stable_mosaic.version = 14 : i64} {
  func.func @_dense0_body(%arg0: memref<10000x128xf32, #tpu.memory_space<vmem>>, %arg1: memref<2x10240x128xf32, #tpu.memory_space<vmem>>, %arg2: memref<128x128xf32, #tpu.memory_space<vmem>>, %arg3: memref<1x128xf32, #tpu.memory_space<vmem>>, %arg4: memref<1x128xf32, #tpu.memory_space<vmem>>, %arg5: memref<1x128xf32, #tpu.memory_space<vmem>>, %arg6: memref<128x128xf32, #tpu.memory_space<vmem>>, %arg7: memref<1x128xf32, #tpu.memory_space<vmem>>, %arg8: memref<1x128xf32, #tpu.memory_space<vmem>>, %arg9: memref<1x128xf32, #tpu.memory_space<vmem>>, %arg10: memref<10000x128xf32, #tpu.memory_space<vmem>>) attributes {dimension_semantics = [], scalar_prefetch = 0 : i64, scratch_operands = 0 : i64, tpu.core_type = #tpu.core_type<tc>} {
    %get3A = arith.constant 0 : index
    %get3A_0 = arith.constant 0 : index
    %get3A_1 = vector.load %arg0[%get3A, %get3A_0] : memref<10000x128xf32, #tpu.memory_space<vmem>>, vector<10000x128xf32>
    %get3A_2 = arith.constant 0 : index
    %get3A_3 = arith.constant 0 : index
    %get3A_4 = arith.constant 0 : index
    %get3A_5 = vector.load %arg1[%get3A_2, %get3A_3, %get3A_4] : memref<2x10240x128xf32, #tpu.memory_space<vmem>>, vector<1x10000x128xf32>
    %get3A_6 = vector.shape_cast %get3A_5 : vector<1x10000x128xf32> to vector<10000x128xf32>
    %add3A = arith.addf %get3A_1, %get3A_6 : vector<10000x128xf32>
    %get3A_7 = arith.constant 1 : index
    %get3A_8 = arith.constant 0 : index
    %get3A_9 = arith.constant 0 : index
    %get3A_10 = vector.load %arg1[%get3A_7, %get3A_8, %get3A_9] : memref<2x10240x128xf32, #tpu.memory_space<vmem>>, vector<1x10000x128xf32>
    %get3A_11 = vector.shape_cast %get3A_10 : vector<1x10000x128xf32> to vector<10000x128xf32>
    %add3A_12 = arith.addf %add3A, %get3A_11 : vector<10000x128xf32>
    %get3A_13 = arith.constant 0 : index
    %get3A_14 = arith.constant 0 : index
    %get3A_15 = vector.load %arg2[%get3A_13, %get3A_14] : memref<128x128xf32, #tpu.memory_space<vmem>>, vector<128x128xf32>
    %dot_general3A = arith.constant dense<0.000000e+00> : vector<10000x128xf32>
    %dot_general3A_16 = tpu.matmul %add3A_12, %get3A_15, %dot_general3A {dimension_numbers = #tpu.dot_dimension_numbers<[1], [0], [0], [1], [0, 0, 1, 1], [], []>, transpose_lhs_hint = false} : vector<10000x128xf32>, vector<128x128xf32>, vector<10000x128xf32> -> vector<10000x128xf32>
    %get3A_17 = arith.constant 0 : index
    %get3A_18 = arith.constant 0 : index
    %get3A_19 = vector.load %arg3[%get3A_17, %get3A_18] : memref<1x128xf32, #tpu.memory_space<vmem>>, vector<1x128xf32>
    %add3A_20 = vector.broadcast %get3A_19 : vector<1x128xf32> to vector<10000x128xf32>
    %add3A_21 = arith.addf %dot_general3A_16, %add3A_20 : vector<10000x128xf32>
    %get3A_22 = arith.constant 0 : index
    %get3A_23 = arith.constant 0 : index
    %get3A_24 = vector.load %arg4[%get3A_22, %get3A_23] : memref<1x128xf32, #tpu.memory_space<vmem>>, vector<1x128xf32>
    %get3A_25 = arith.constant 0 : index
    %get3A_26 = arith.constant 0 : index
    %get3A_27 = vector.load %arg5[%get3A_25, %get3A_26] : memref<1x128xf32, #tpu.memory_space<vmem>>, vector<1x128xf32>
    %reduce_sum3A = arith.constant dense<0.000000e+00> : vector<128xf32>
    %reduce_sum3A_28 = vector.multi_reduction <add>, %add3A_21, %reduce_sum3A [0] : vector<10000x128xf32> to vector<128xf32>
    %div3A = arith.constant 1.000000e+04 : f32
    %div3A_29 = vector.broadcast %div3A : f32 to vector<128xf32>
    %div3A_30 = arith.divf %reduce_sum3A_28, %div3A_29 : vector<128xf32>
    %jit3A = arith.constant 0 : i32
    %reduce_sum3A_31 = arith.constant dense<0.000000e+00> : vector<128xf32>
    %reduce_sum3A_32 = vector.multi_reduction <add>, %add3A_21, %reduce_sum3A_31 [0] : vector<10000x128xf32> to vector<128xf32>
    %broadcast_in_dim3A = vector.shape_cast %reduce_sum3A_32 : vector<128xf32> to vector<1x128xf32>
    %div3A_33 = arith.constant 1.000000e+04 : f32
    %div3A_34 = vector.broadcast %div3A_33 : f32 to vector<1x128xf32>
    %div3A_35 = arith.divf %broadcast_in_dim3A, %div3A_34 : vector<1x128xf32>
    %sub3A = vector.broadcast %div3A_35 : vector<1x128xf32> to vector<10000x128xf32>
    %sub3A_36 = arith.subf %add3A_21, %sub3A : vector<10000x128xf32>
    %square3A = arith.mulf %sub3A_36, %sub3A_36 : vector<10000x128xf32>
    %convert_element_type3A = arith.sitofp %jit3A : i32 to f32
    %sub3A_37 = arith.constant 1.000000e+04 : f32
    %sub3A_38 = arith.subf %sub3A_37, %convert_element_type3A : f32
    %reduce_sum3A_39 = arith.constant dense<0.000000e+00> : vector<128xf32>
    %reduce_sum3A_40 = vector.multi_reduction <add>, %square3A, %reduce_sum3A_39 [0] : vector<10000x128xf32> to vector<128xf32>
    %div3A_41 = vector.broadcast %sub3A_38 : f32 to vector<128xf32>
    %div3A_42 = arith.divf %reduce_sum3A_40, %div3A_41 : vector<128xf32>
    %gt3A = arith.constant 0.000000e+00 : f32
    %gt3A_43 = arith.cmpf ogt, %sub3A_38, %gt3A : f32
    %jit3A_44 = arith.constant 0x7FC00000 : f32
    %broadcast_in_dim3A_45 = vector.broadcast %jit3A_44 : f32 to vector<128xf32>
    %select_n3A = arith.select %gt3A_43, %div3A_42, %broadcast_in_dim3A_45 : vector<128xf32>
    %broadcast_in_dim3A_46 = vector.shape_cast %div3A_30 : vector<128xf32> to vector<1x128xf32>
    %sub3A_47 = vector.broadcast %broadcast_in_dim3A_46 : vector<1x128xf32> to vector<10000x128xf32>
    %sub3A_48 = arith.subf %add3A_21, %sub3A_47 : vector<10000x128xf32>
    %mul3A = vector.broadcast %get3A_24 : vector<1x128xf32> to vector<10000x128xf32>
    %mul3A_49 = arith.mulf %mul3A, %sub3A_48 : vector<10000x128xf32>
    %add3A_50 = arith.constant 9.99999974E-6 : f32
    %add3A_51 = vector.broadcast %add3A_50 : f32 to vector<128xf32>
    %add3A_52 = arith.addf %select_n3A, %add3A_51 : vector<128xf32>
    %sqrt3A = math.sqrt %add3A_52 : vector<128xf32>
    %broadcast_in_dim3A_53 = vector.shape_cast %sqrt3A : vector<128xf32> to vector<1x128xf32>
    %div3A_54 = vector.broadcast %broadcast_in_dim3A_53 : vector<1x128xf32> to vector<10000x128xf32>
    %div3A_55 = arith.divf %mul3A_49, %div3A_54 : vector<10000x128xf32>
    %add3A_56 = vector.broadcast %get3A_27 : vector<1x128xf32> to vector<10000x128xf32>
    %add3A_57 = arith.addf %div3A_55, %add3A_56 : vector<10000x128xf32>
    %max3A = arith.constant 0.000000e+00 : f32
    %max3A_58 = vector.broadcast %max3A : f32 to vector<10000x128xf32>
    %max3A_59 = arith.maximumf %add3A_57, %max3A_58 : vector<10000x128xf32>
    %get3A_60 = arith.constant 0 : index
    %get3A_61 = arith.constant 0 : index
    %get3A_62 = vector.load %arg6[%get3A_60, %get3A_61] : memref<128x128xf32, #tpu.memory_space<vmem>>, vector<128x128xf32>
    %dot_general3A_63 = arith.constant dense<0.000000e+00> : vector<10000x128xf32>
    %dot_general3A_64 = tpu.matmul %max3A_59, %get3A_62, %dot_general3A_63 {dimension_numbers = #tpu.dot_dimension_numbers<[1], [0], [0], [1], [0, 0, 1, 1], [], []>, transpose_lhs_hint = false} : vector<10000x128xf32>, vector<128x128xf32>, vector<10000x128xf32> -> vector<10000x128xf32>
    %get3A_65 = arith.constant 0 : index
    %get3A_66 = arith.constant 0 : index
    %get3A_67 = vector.load %arg7[%get3A_65, %get3A_66] : memref<1x128xf32, #tpu.memory_space<vmem>>, vector<1x128xf32>
    %add3A_68 = vector.broadcast %get3A_67 : vector<1x128xf32> to vector<10000x128xf32>
    %add3A_69 = arith.addf %dot_general3A_64, %add3A_68 : vector<10000x128xf32>
    %get3A_70 = arith.constant 0 : index
    %get3A_71 = arith.constant 0 : index
    %get3A_72 = vector.load %arg8[%get3A_70, %get3A_71] : memref<1x128xf32, #tpu.memory_space<vmem>>, vector<1x128xf32>
    %get3A_73 = arith.constant 0 : index
    %get3A_74 = arith.constant 0 : index
    %get3A_75 = vector.load %arg9[%get3A_73, %get3A_74] : memref<1x128xf32, #tpu.memory_space<vmem>>, vector<1x128xf32>
    %reduce_sum3A_76 = arith.constant dense<0.000000e+00> : vector<128xf32>
    %reduce_sum3A_77 = vector.multi_reduction <add>, %add3A_69, %reduce_sum3A_76 [0] : vector<10000x128xf32> to vector<128xf32>
    %div3A_78 = arith.constant 1.000000e+04 : f32
    %div3A_79 = vector.broadcast %div3A_78 : f32 to vector<128xf32>
    %div3A_80 = arith.divf %reduce_sum3A_77, %div3A_79 : vector<128xf32>
    %jit3A_81 = arith.constant 0 : i32
    %reduce_sum3A_82 = arith.constant dense<0.000000e+00> : vector<128xf32>
    %reduce_sum3A_83 = vector.multi_reduction <add>, %add3A_69, %reduce_sum3A_82 [0] : vector<10000x128xf32> to vector<128xf32>
    %broadcast_in_dim3A_84 = vector.shape_cast %reduce_sum3A_83 : vector<128xf32> to vector<1x128xf32>
    %div3A_85 = arith.constant 1.000000e+04 : f32
    %div3A_86 = vector.broadcast %div3A_85 : f32 to vector<1x128xf32>
    %div3A_87 = arith.divf %broadcast_in_dim3A_84, %div3A_86 : vector<1x128xf32>
    %sub3A_88 = vector.broadcast %div3A_87 : vector<1x128xf32> to vector<10000x128xf32>
    %sub3A_89 = arith.subf %add3A_69, %sub3A_88 : vector<10000x128xf32>
    %square3A_90 = arith.mulf %sub3A_89, %sub3A_89 : vector<10000x128xf32>
    %convert_element_type3A_91 = arith.sitofp %jit3A_81 : i32 to f32
    %sub3A_92 = arith.constant 1.000000e+04 : f32
    %sub3A_93 = arith.subf %sub3A_92, %convert_element_type3A_91 : f32
    %reduce_sum3A_94 = arith.constant dense<0.000000e+00> : vector<128xf32>
    %reduce_sum3A_95 = vector.multi_reduction <add>, %square3A_90, %reduce_sum3A_94 [0] : vector<10000x128xf32> to vector<128xf32>
    %div3A_96 = vector.broadcast %sub3A_93 : f32 to vector<128xf32>
    %div3A_97 = arith.divf %reduce_sum3A_95, %div3A_96 : vector<128xf32>
    %gt3A_98 = arith.constant 0.000000e+00 : f32
    %gt3A_99 = arith.cmpf ogt, %sub3A_93, %gt3A_98 : f32
    %jit3A_100 = arith.constant 0x7FC00000 : f32
    %broadcast_in_dim3A_101 = vector.broadcast %jit3A_100 : f32 to vector<128xf32>
    %select_n3A_102 = arith.select %gt3A_99, %div3A_97, %broadcast_in_dim3A_101 : vector<128xf32>
    %broadcast_in_dim3A_103 = vector.shape_cast %div3A_80 : vector<128xf32> to vector<1x128xf32>
    %sub3A_104 = vector.broadcast %broadcast_in_dim3A_103 : vector<1x128xf32> to vector<10000x128xf32>
    %sub3A_105 = arith.subf %add3A_69, %sub3A_104 : vector<10000x128xf32>
    %mul3A_106 = vector.broadcast %get3A_72 : vector<1x128xf32> to vector<10000x128xf32>
    %mul3A_107 = arith.mulf %mul3A_106, %sub3A_105 : vector<10000x128xf32>
    %add3A_108 = arith.constant 9.99999974E-6 : f32
    %add3A_109 = vector.broadcast %add3A_108 : f32 to vector<128xf32>
    %add3A_110 = arith.addf %select_n3A_102, %add3A_109 : vector<128xf32>
    %sqrt3A_111 = math.sqrt %add3A_110 : vector<128xf32>
    %broadcast_in_dim3A_112 = vector.shape_cast %sqrt3A_111 : vector<128xf32> to vector<1x128xf32>
    %div3A_113 = vector.broadcast %broadcast_in_dim3A_112 : vector<1x128xf32> to vector<10000x128xf32>
    %div3A_114 = arith.divf %mul3A_107, %div3A_113 : vector<10000x128xf32>
    %add3A_115 = vector.broadcast %get3A_75 : vector<1x128xf32> to vector<10000x128xf32>
    %add3A_116 = arith.addf %div3A_114, %add3A_115 : vector<10000x128xf32>
    %max3A_117 = arith.constant 0.000000e+00 : f32
    %max3A_118 = vector.broadcast %max3A_117 : f32 to vector<10000x128xf32>
    %max3A_119 = arith.maximumf %add3A_116, %max3A_118 : vector<10000x128xf32>
    %swap3A = arith.constant 0 : index
    %swap3A_120 = arith.constant 0 : index
    %swap3A_121 = vector.load %arg10[%swap3A, %swap3A_120] : memref<10000x128xf32, #tpu.memory_space<vmem>>, vector<10000x128xf32>
    tpu.vector_store %arg10[%swap3A, %swap3A_120], %max3A_119 {strides = array<i32>} : memref<10000x128xf32, #tpu.memory_space<vmem>>, vector<10000x128xf32>,
    return
  }
}

module attributes {stable_mosaic.version = 14 : i64} {
  func.func @_dense1_body(%arg0: memref<64xi32, #tpu.memory_space<smem>>, %arg1: memref<10000x128xf32, #tpu.memory_space<vmem>>, %arg2: memref<2x10240x128xf32, #tpu.memory_space<vmem>>, %arg3: memref<128x128xf32, #tpu.memory_space<vmem>>, %arg4: memref<1x128xf32, #tpu.memory_space<vmem>>, %arg5: memref<1x128xf32, #tpu.memory_space<vmem>>, %arg6: memref<1x128xf32, #tpu.memory_space<vmem>>, %arg7: memref<128x128xf32, #tpu.memory_space<vmem>>, %arg8: memref<1x128xf32, #tpu.memory_space<vmem>>, %arg9: memref<1x128xf32, #tpu.memory_space<vmem>>, %arg10: memref<1x128xf32, #tpu.memory_space<vmem>>, %arg11: memref<10000x128xf32, #tpu.memory_space<vmem>>, %arg12: memref<64x128xf32, #tpu.memory_space<vmem>>) attributes {dimension_semantics = [], scalar_prefetch = 0 : i64, scratch_operands = 0 : i64, tpu.core_type = #tpu.core_type<tc>} {
    %get3A = arith.constant 0 : index
    %get3A_0 = arith.constant 0 : index
    %get3A_1 = vector.load %arg1[%get3A, %get3A_0] : memref<10000x128xf32, #tpu.memory_space<vmem>>, vector<10000x128xf32>
    %get3A_2 = arith.constant 0 : index
    %get3A_3 = arith.constant 0 : index
    %get3A_4 = arith.constant 0 : index
    %get3A_5 = vector.load %arg2[%get3A_2, %get3A_3, %get3A_4] : memref<2x10240x128xf32, #tpu.memory_space<vmem>>, vector<1x10000x128xf32>
    %get3A_6 = vector.shape_cast %get3A_5 : vector<1x10000x128xf32> to vector<10000x128xf32>
    %add3A = arith.addf %get3A_1, %get3A_6 : vector<10000x128xf32>
    %get3A_7 = arith.constant 1 : index
    %get3A_8 = arith.constant 0 : index
    %get3A_9 = arith.constant 0 : index
    %get3A_10 = vector.load %arg2[%get3A_7, %get3A_8, %get3A_9] : memref<2x10240x128xf32, #tpu.memory_space<vmem>>, vector<1x10000x128xf32>
    %get3A_11 = vector.shape_cast %get3A_10 : vector<1x10000x128xf32> to vector<10000x128xf32>
    %add3A_12 = arith.addf %add3A, %get3A_11 : vector<10000x128xf32>
    %get3A_13 = arith.constant 0 : index
    %get3A_14 = arith.constant 0 : index
    %get3A_15 = vector.load %arg3[%get3A_13, %get3A_14] : memref<128x128xf32, #tpu.memory_space<vmem>>, vector<128x128xf32>
    %dot_general3A = arith.constant dense<0.000000e+00> : vector<10000x128xf32>
    %dot_general3A_16 = tpu.matmul %add3A_12, %get3A_15, %dot_general3A {dimension_numbers = #tpu.dot_dimension_numbers<[1], [0], [0], [1], [0, 0, 1, 1], [], []>, transpose_lhs_hint = false} : vector<10000x128xf32>, vector<128x128xf32>, vector<10000x128xf32> -> vector<10000x128xf32>
    %get3A_17 = arith.constant 0 : index
    %get3A_18 = arith.constant 0 : index
    %get3A_19 = vector.load %arg4[%get3A_17, %get3A_18] : memref<1x128xf32, #tpu.memory_space<vmem>>, vector<1x128xf32>
    %add3A_20 = vector.broadcast %get3A_19 : vector<1x128xf32> to vector<10000x128xf32>
    %add3A_21 = arith.addf %dot_general3A_16, %add3A_20 : vector<10000x128xf32>
    %get3A_22 = arith.constant 0 : index
    %get3A_23 = arith.constant 0 : index
    %get3A_24 = vector.load %arg5[%get3A_22, %get3A_23] : memref<1x128xf32, #tpu.memory_space<vmem>>, vector<1x128xf32>
    %get3A_25 = arith.constant 0 : index
    %get3A_26 = arith.constant 0 : index
    %get3A_27 = vector.load %arg6[%get3A_25, %get3A_26] : memref<1x128xf32, #tpu.memory_space<vmem>>, vector<1x128xf32>
    %reduce_sum3A = arith.constant dense<0.000000e+00> : vector<128xf32>
    %reduce_sum3A_28 = vector.multi_reduction <add>, %add3A_21, %reduce_sum3A [0] : vector<10000x128xf32> to vector<128xf32>
    %div3A = arith.constant 1.000000e+04 : f32
    %div3A_29 = vector.broadcast %div3A : f32 to vector<128xf32>
    %div3A_30 = arith.divf %reduce_sum3A_28, %div3A_29 : vector<128xf32>
    %jit3A = arith.constant 0 : i32
    %reduce_sum3A_31 = arith.constant dense<0.000000e+00> : vector<128xf32>
    %reduce_sum3A_32 = vector.multi_reduction <add>, %add3A_21, %reduce_sum3A_31 [0] : vector<10000x128xf32> to vector<128xf32>
    %broadcast_in_dim3A = vector.shape_cast %reduce_sum3A_32 : vector<128xf32> to vector<1x128xf32>
    %div3A_33 = arith.constant 1.000000e+04 : f32
    %div3A_34 = vector.broadcast %div3A_33 : f32 to vector<1x128xf32>
    %div3A_35 = arith.divf %broadcast_in_dim3A, %div3A_34 : vector<1x128xf32>
    %sub3A = vector.broadcast %div3A_35 : vector<1x128xf32> to vector<10000x128xf32>
    %sub3A_36 = arith.subf %add3A_21, %sub3A : vector<10000x128xf32>
    %square3A = arith.mulf %sub3A_36, %sub3A_36 : vector<10000x128xf32>
    %convert_element_type3A = arith.sitofp %jit3A : i32 to f32
    %sub3A_37 = arith.constant 1.000000e+04 : f32
    %sub3A_38 = arith.subf %sub3A_37, %convert_element_type3A : f32
    %reduce_sum3A_39 = arith.constant dense<0.000000e+00> : vector<128xf32>
    %reduce_sum3A_40 = vector.multi_reduction <add>, %square3A, %reduce_sum3A_39 [0] : vector<10000x128xf32> to vector<128xf32>
    %div3A_41 = vector.broadcast %sub3A_38 : f32 to vector<128xf32>
    %div3A_42 = arith.divf %reduce_sum3A_40, %div3A_41 : vector<128xf32>
    %gt3A = arith.constant 0.000000e+00 : f32
    %gt3A_43 = arith.cmpf ogt, %sub3A_38, %gt3A : f32
    %jit3A_44 = arith.constant 0x7FC00000 : f32
    %broadcast_in_dim3A_45 = vector.broadcast %jit3A_44 : f32 to vector<128xf32>
    %select_n3A = arith.select %gt3A_43, %div3A_42, %broadcast_in_dim3A_45 : vector<128xf32>
    %broadcast_in_dim3A_46 = vector.shape_cast %div3A_30 : vector<128xf32> to vector<1x128xf32>
    %sub3A_47 = vector.broadcast %broadcast_in_dim3A_46 : vector<1x128xf32> to vector<10000x128xf32>
    %sub3A_48 = arith.subf %add3A_21, %sub3A_47 : vector<10000x128xf32>
    %mul3A = vector.broadcast %get3A_24 : vector<1x128xf32> to vector<10000x128xf32>
    %mul3A_49 = arith.mulf %mul3A, %sub3A_48 : vector<10000x128xf32>
    %add3A_50 = arith.constant 9.99999974E-6 : f32
    %add3A_51 = vector.broadcast %add3A_50 : f32 to vector<128xf32>
    %add3A_52 = arith.addf %select_n3A, %add3A_51 : vector<128xf32>
    %sqrt3A = math.sqrt %add3A_52 : vector<128xf32>
    %broadcast_in_dim3A_53 = vector.shape_cast %sqrt3A : vector<128xf32> to vector<1x128xf32>
    %div3A_54 = vector.broadcast %broadcast_in_dim3A_53 : vector<1x128xf32> to vector<10000x128xf32>
    %div3A_55 = arith.divf %mul3A_49, %div3A_54 : vector<10000x128xf32>
    %add3A_56 = vector.broadcast %get3A_27 : vector<1x128xf32> to vector<10000x128xf32>
    %add3A_57 = arith.addf %div3A_55, %add3A_56 : vector<10000x128xf32>
    %max3A = arith.constant 0.000000e+00 : f32
    %max3A_58 = vector.broadcast %max3A : f32 to vector<10000x128xf32>
    %max3A_59 = arith.maximumf %add3A_57, %max3A_58 : vector<10000x128xf32>
    %get3A_60 = arith.constant 0 : index
    %get3A_61 = arith.constant 0 : index
    %get3A_62 = vector.load %arg7[%get3A_60, %get3A_61] : memref<128x128xf32, #tpu.memory_space<vmem>>, vector<128x128xf32>
    %dot_general3A_63 = arith.constant dense<0.000000e+00> : vector<10000x128xf32>
    %dot_general3A_64 = tpu.matmul %max3A_59, %get3A_62, %dot_general3A_63 {dimension_numbers = #tpu.dot_dimension_numbers<[1], [0], [0], [1], [0, 0, 1, 1], [], []>, transpose_lhs_hint = false} : vector<10000x128xf32>, vector<128x128xf32>, vector<10000x128xf32> -> vector<10000x128xf32>
    %get3A_65 = arith.constant 0 : index
    %get3A_66 = arith.constant 0 : index
    %get3A_67 = vector.load %arg8[%get3A_65, %get3A_66] : memref<1x128xf32, #tpu.memory_space<vmem>>, vector<1x128xf32>
    %add3A_68 = vector.broadcast %get3A_67 : vector<1x128xf32> to vector<10000x128xf32>
    %add3A_69 = arith.addf %dot_general3A_64, %add3A_68 : vector<10000x128xf32>
    %get3A_70 = arith.constant 0 : index
    %get3A_71 = arith.constant 0 : index
    %get3A_72 = vector.load %arg9[%get3A_70, %get3A_71] : memref<1x128xf32, #tpu.memory_space<vmem>>, vector<1x128xf32>
    %get3A_73 = arith.constant 0 : index
    %get3A_74 = arith.constant 0 : index
    %get3A_75 = vector.load %arg10[%get3A_73, %get3A_74] : memref<1x128xf32, #tpu.memory_space<vmem>>, vector<1x128xf32>
    %reduce_sum3A_76 = arith.constant dense<0.000000e+00> : vector<128xf32>
    %reduce_sum3A_77 = vector.multi_reduction <add>, %add3A_69, %reduce_sum3A_76 [0] : vector<10000x128xf32> to vector<128xf32>
    %div3A_78 = arith.constant 1.000000e+04 : f32
    %div3A_79 = vector.broadcast %div3A_78 : f32 to vector<128xf32>
    %div3A_80 = arith.divf %reduce_sum3A_77, %div3A_79 : vector<128xf32>
    %jit3A_81 = arith.constant 0 : i32
    %reduce_sum3A_82 = arith.constant dense<0.000000e+00> : vector<128xf32>
    %reduce_sum3A_83 = vector.multi_reduction <add>, %add3A_69, %reduce_sum3A_82 [0] : vector<10000x128xf32> to vector<128xf32>
    %broadcast_in_dim3A_84 = vector.shape_cast %reduce_sum3A_83 : vector<128xf32> to vector<1x128xf32>
    %div3A_85 = arith.constant 1.000000e+04 : f32
    %div3A_86 = vector.broadcast %div3A_85 : f32 to vector<1x128xf32>
    %div3A_87 = arith.divf %broadcast_in_dim3A_84, %div3A_86 : vector<1x128xf32>
    %sub3A_88 = vector.broadcast %div3A_87 : vector<1x128xf32> to vector<10000x128xf32>
    %sub3A_89 = arith.subf %add3A_69, %sub3A_88 : vector<10000x128xf32>
    %square3A_90 = arith.mulf %sub3A_89, %sub3A_89 : vector<10000x128xf32>
    %convert_element_type3A_91 = arith.sitofp %jit3A_81 : i32 to f32
    %sub3A_92 = arith.constant 1.000000e+04 : f32
    %sub3A_93 = arith.subf %sub3A_92, %convert_element_type3A_91 : f32
    %reduce_sum3A_94 = arith.constant dense<0.000000e+00> : vector<128xf32>
    %reduce_sum3A_95 = vector.multi_reduction <add>, %square3A_90, %reduce_sum3A_94 [0] : vector<10000x128xf32> to vector<128xf32>
    %div3A_96 = vector.broadcast %sub3A_93 : f32 to vector<128xf32>
    %div3A_97 = arith.divf %reduce_sum3A_95, %div3A_96 : vector<128xf32>
    %gt3A_98 = arith.constant 0.000000e+00 : f32
    %gt3A_99 = arith.cmpf ogt, %sub3A_93, %gt3A_98 : f32
    %jit3A_100 = arith.constant 0x7FC00000 : f32
    %broadcast_in_dim3A_101 = vector.broadcast %jit3A_100 : f32 to vector<128xf32>
    %select_n3A_102 = arith.select %gt3A_99, %div3A_97, %broadcast_in_dim3A_101 : vector<128xf32>
    %broadcast_in_dim3A_103 = vector.shape_cast %div3A_80 : vector<128xf32> to vector<1x128xf32>
    %sub3A_104 = vector.broadcast %broadcast_in_dim3A_103 : vector<1x128xf32> to vector<10000x128xf32>
    %sub3A_105 = arith.subf %add3A_69, %sub3A_104 : vector<10000x128xf32>
    %mul3A_106 = vector.broadcast %get3A_72 : vector<1x128xf32> to vector<10000x128xf32>
    %mul3A_107 = arith.mulf %mul3A_106, %sub3A_105 : vector<10000x128xf32>
    %add3A_108 = arith.constant 9.99999974E-6 : f32
    %add3A_109 = vector.broadcast %add3A_108 : f32 to vector<128xf32>
    %add3A_110 = arith.addf %select_n3A_102, %add3A_109 : vector<128xf32>
    %sqrt3A_111 = math.sqrt %add3A_110 : vector<128xf32>
    %broadcast_in_dim3A_112 = vector.shape_cast %sqrt3A_111 : vector<128xf32> to vector<1x128xf32>
    %div3A_113 = vector.broadcast %broadcast_in_dim3A_112 : vector<1x128xf32> to vector<10000x128xf32>
    %div3A_114 = arith.divf %mul3A_107, %div3A_113 : vector<10000x128xf32>
    %add3A_115 = vector.broadcast %get3A_75 : vector<1x128xf32> to vector<10000x128xf32>
    %add3A_116 = arith.addf %div3A_114, %add3A_115 : vector<10000x128xf32>
    %swap3A = arith.constant 0 : index
    %swap3A_117 = arith.constant 0 : index
    %swap3A_118 = vector.load %arg11[%swap3A, %swap3A_117] : memref<10000x128xf32, #tpu.memory_space<vmem>>, vector<10000x128xf32>
    tpu.vector_store %arg11[%swap3A, %swap3A_117], %add3A_116 {strides = array<i32>} : memref<10000x128xf32, #tpu.memory_space<vmem>>, vector<10000x128xf32>,
    %scan3A = arith.constant 0 : i32
    %scan3A_119 = arith.constant 64 : i32
    %scan3A_120 = arith.addi %scan3A, %scan3A_119 : i32
    %scan3A_121 = arith.constant 1 : i32
    scf.for %scan3A_123 = %scan3A to %scan3A_120 step %scan3A_121  : i32 {
      %get3A_124 = arith.index_cast %scan3A_123 : i32 to index
      %get3A_125 = memref.load %arg0[%get3A_124] : memref<64xi32, #tpu.memory_space<smem>>
      %get3A_126 = arith.index_cast %get3A_125 : i32 to index
      %get3A_127 = arith.constant 0 : index
      %get3A_128 = vector.load %arg11[%get3A_126, %get3A_127] : memref<10000x128xf32, #tpu.memory_space<vmem>>, vector<1x128xf32>
      %swap3A_129 = arith.index_cast %scan3A_123 : i32 to index
      %swap3A_130 = arith.constant 0 : index
      %swap3A_131 = vector.load %arg12[%swap3A_129, %swap3A_130] : memref<64x128xf32, #tpu.memory_space<vmem>>, vector<1x128xf32>
      tpu.vector_store %arg12[%swap3A_129, %swap3A_130], %get3A_128 {strides = array<i32>} : memref<64x128xf32, #tpu.memory_space<vmem>>, vector<1x128xf32>,
    }
    %scan3A_122 = arith.constant 64 : i32
    return
  }
}

</mosaic_0001>

<sc_bundles>
// kernel: kernel.6.cloned.1.call-start
scs
__scs_entry_jumppad:
0x0: {  	(pc) =	sbr.rel $0x88, $3  }
0x1: {  	(tag) =	ssettag $0x0;
	lr =	simm.s32 $0x1  }
0x2: {  	[smem:$0x3F8E] =	sst lr;
	_ =	strace $0xD0000000  }
0x3: {  	_ = 	snop  }
0x4: {  	_ = 	snop  }
0x5: {  	_ = 	snop  }
0x6: {  	_ = 	snop  }
0x7: {  	_ = 	snop  }
__scs_overlays_trampoline_lowered:
0x8: {  	[smem:$0x3F9D] =	sst s0  }
0x9: {  	[smem:$0x3F9E] =	sst s1  }
0xa: {  	[smem:$0x3F9F] =	sst s2  }
0xb: {  	[smem:$0x3FA0] =	sst s3  }
0xc: {  	[smem:$0x3FA1] =	sst s4  }
0xd: {  	[smem:$0x3FA2] =	sst s5  }
0xe: {  	[smem:$0x3FA3] =	sst s6  }
0xf: {  	[smem:$0x3FA4] =	sst s7  }
0x10: {  	[smem:$0x3FA5] =	sst s8  }
0x11: {  	[smem:$0x3FA6] =	sst s9;
	s0 =	simm.s32 @!p0 $0x0  }
0x12: {  	s1 =	sld [smem:$0x3F8C];
	s0 =	simm.s32 @p0 $0x1  }
0x13: {  	[smem:$0x3FA7] =	sst s0;
	s0 =	simm.s32 @!p1 $0x0  }
0x14: {  	s2 =	sld [smem:$0x3F8B];
	s0 =	simm.s32 @p1 $0x1  }
0x15: {  	[smem:$0x3FA8] =	sst s0;
	s0 =	simm.s32 @!p2 $0x0  }
0x16: {  	s3 =	sld [smem:$0x3FDB];
	s0 =	simm.s32 @p2 $0x1  }
0x17: {  	s4 =	simm.s32 $0x1BF5;
	[smem:$0x3FAA] =	sst s0  }
0x18: {  	s0 =	sld [smem:$0x3F8D];
	_ =	swait.ge [sflag:s4], $0x0  }
0x19: {  	s7 =	sld [smem:$0x3F8E]  }
0x1a: {  	s8 =	sadd.s32 $0xFFFFE003, lr  }
0x1b: {  	s9 =	sadd.s32 $0xFFFFFEF7, lr;
	s5 =	simm.s32 $0xFFFFFFFF;
	p2 =	slt.u32 s8, $0xFFFFF086  }
0x1c: {  	p1 =	slt.u32 s9, $0xF7A;
	s5 =	simm.s32 @!p2 $0x0  }
0x1d: {  	s5 =	simm.s32 @p1 $0x1;
	p0 =	seq.s32 s7, s2  }
0x1e: {  	s7 =	smul.u32 @!p0 $0xF7A, s2;
	p2 =	seq.s32 @!p0 s5, $0x0  }
0x1f: {  	s9 =	smul.u32 $0xF7A, s1;
	s8 =	simm.s32 @!p0 $0x1BF5;
	p2 =	por !p2, p0  }
0x20: {  	[sflag:s8] =	ssyncset.s32 @!p0 $0xFFFFF086;
	s6 =	sadd.s32 @!p0 s3, s7;
	s7 =	simm.s32 @!p0 $0x108  }
0x21: {  	s3 =	sadd.s32 s3, s9;
	s6 =	sadd.s32 @!p0 $0x88, s6;
	s7 =	simm.s32 @p2 $0x1082  }
0x22: {  	[simem:s7], [sflag:s8] =	dma.local @!p0 [hbm:s6], $0xF7A  }
0x23: {  	s9 =	sor.u32 $0xD0000000, s2;
	s6 =	simm.s32 $0x108;
	_ =	swait.ge @!p0 [sflag:s8], $0x0  }
0x24: {  	s3 =	sadd.s32 $0x88, s3;
	s6 =	simm.s32 @!p1 $0x1082;
	[sflag:s4] =	ssyncset.s32 $0xFFFFF086  }
0x25: {  	[simem:s6], [sflag:s4] =	dma.local [hbm:s3], $0xF7A  }
0x26: {  	[smem:$0x3F8E] =	sst s1;
	(tag) =	ssettag s2;
	_ =	strace s9  }
0x27: {  	s1 =	sld [smem:$0x3F9E]  }
0x28: {  	s2 =	sld [smem:$0x3F9F]  }
0x29: {  	s4 =	sld [smem:$0x3FA1]  }
0x2a: {  	p0 =	seq.s32 s5, $0x0;
	s5 =	sld [smem:$0x3FA2]  }
0x2b: {  	s6 =	sld [smem:$0x3FA3]  }
0x2c: {  	s7 =	sld [smem:$0x3FA4]  }
0x2d: {  	s3 =	simm.s32 $0x108;
	s8 =	sld [smem:$0x3FA5]  }
0x2e: {  	s3 =	simm.s32 @!p0 $0x1082;
	s9 =	sld [smem:$0x3FA6]  }
0x2f: {  	lr =	sadd.s32 s0, s3;
	s0 =	sld [smem:$0x3F9D]  }
0x30: {  	s3 =	sld [smem:$0x3FA0]  }
0x31: {  	[smem:$0x3FA9] =	sst s10  }
0x32: {  	s10 =	sld [smem:$0x3FA7];
	_ =	sdelay $0x3  }
0x33: {  	p0 =	seq.s32 s10, $0x1;
	s10 =	sld [smem:$0x3FA9];
	_ =	sdelay $0x3  }
0x34: {  	[smem:$0x3FA9] =	sst s10  }
0x35: {  	s10 =	sld [smem:$0x3FA8];
	_ =	sdelay $0x3  }
0x36: {  	p1 =	seq.s32 s10, $0x1;
	s10 =	sld [smem:$0x3FA9];
	_ =	sdelay $0x3  }
0x37: {  	[smem:$0x3FA9] =	sst s10  }
0x38: {  	s10 =	sld [smem:$0x3FAA]  }
0x39: {  	_ = 	snop;
	(pc) =	sbr.ind lr, $3  }
0x3a: {  	_ = 	snop  }
0x3b: {  	_ = 	snop  }
0x3c: {  	p2 =	seq.s32 s10, $0x1;
	s10 =	sld [smem:$0x3FA9]  }
0x3d: {  	_ =	shalt  }
0x3e: {  	_ =	shalt  }
0x3f: {  	_ =	shalt  }
0x40: {  	_ =	shalt  }
0x41: {  	_ =	shalt  }
0x42: {  	_ =	shalt  }
0x43: {  	_ =	shalt  }
0x44: {  	_ =	shalt  }
0x45: {  	_ =	shalt  }
0x46: {  	_ =	shalt  }
0x47: {  	_ =	shalt  }
0x48: {  	_ =	shalt  }
0x49: {  	_ =	shalt  }
0x4a: {  	_ =	shalt  }
0x4b: {  	_ =	shalt  }
0x4c: {  	_ =	shalt  }
0x4d: {  	_ =	shalt  }
0x4e: {  	_ =	shalt  }
0x4f: {  	_ =	shalt  }
0x50: {  	_ =	shalt  }
0x51: {  	_ =	shalt  }
0x52: {  	_ =	shalt  }
0x53: {  	_ =	shalt  }
0x54: {  	_ =	shalt  }
0x55: {  	_ =	shalt  }
0x56: {  	_ =	shalt  }
0x57: {  	_ =	shalt  }
0x58: {  	_ =	shalt  }
0x59: {  	_ =	shalt  }
0x5a: {  	_ =	shalt  }
0x5b: {  	_ =	shalt  }
0x5c: {  	_ =	shalt  }
0x5d: {  	_ =	shalt  }
0x5e: {  	_ =	shalt  }
0x5f: {  	_ =	shalt  }
0x60: {  	_ =	shalt  }
0x61: {  	_ =	shalt  }
0x62: {  	_ =	shalt  }
0x63: {  	_ =	shalt  }
0x64: {  	_ =	shalt  }
0x65: {  	_ =	shalt  }
0x66: {  	_ =	shalt  }
0x67: {  	_ =	shalt  }
0x68: {  	_ =	shalt  }
0x69: {  	_ =	shalt  }
0x6a: {  	_ =	shalt  }
0x6b: {  	_ =	shalt  }
0x6c: {  	_ =	shalt  }
0x6d: {  	_ =	shalt  }
0x6e: {  	_ =	shalt  }
0x6f: {  	_ =	shalt  }
0x70: {  	_ =	shalt  }
0x71: {  	_ =	shalt  }
0x72: {  	_ =	shalt  }
0x73: {  	_ =	shalt  }
0x74: {  	_ =	shalt  }
0x75: {  	_ =	shalt  }
0x76: {  	_ =	shalt  }
0x77: {  	_ =	shalt  }
0x78: {  	_ =	shalt  }
0x79: {  	_ =	shalt  }
0x7a: {  	_ =	shalt  }
0x7b: {  	_ =	shalt  }
0x7c: {  	_ =	shalt  }
0x7d: {  	_ =	shalt  }
0x7e: {  	_ =	shalt  }
0x7f: {  	_ =	shalt  }
0x80: {  	_ =	shalt  }
0x81: {  	_ =	shalt  }
0x82: {  	_ =	shalt  }
0x83: {  	_ =	shalt  }
0x84: {  	_ =	shalt  }
0x85: {  	_ =	shalt  }
0x86: {  	_ =	shalt  }
0x87: {  	_ =	shalt  }
.Lfunc_end0:
.L_simem_size_0:
called_computation_lowered:
.L_overlay_start_0:
0x88: {  	s2 =	sld [smem:$0x3FD9]  }
0x89: {  	s3 =	sld [smem:$0x3FFE];
	_ =	sdelay $0x1  }
0x8a: {  	s1 =	srdreg.scid  }
0x8b: {  	s0 =	sand.u32 $0x1, s1  }
0x8c: {  	s17 =	sshll.u32 s0, $0xA;
	s2 =	sadd.s32 s3, s2  }
0x8d: {  	s2 =	sadd.s32 s2, s17  }
0x8e: {  	[smem:$0x3FB5] =	sst s2  }
0x8f: {  	_ = 	snop  }
0x90: {  	s2 =	sld [smem:$0x3FC9];
	(tm) =	ssettm $0x1  }
0x91: {  	s18 =	sld [smem:$0x3FFB];
	_ =	sdelay $0x3  }
0x92: {  	_ =	strace s18  }
0x93: {  	s3 =	sld [smem:$0x3FFC];
	_ =	sdelay $0x3  }
0x94: {  	_ =	strace s3  }
0x95: {  	s3 =	sld [smem:$0x3FFD];
	_ =	sdelay $0x3  }
0x96: {  	_ =	strace s3  }
0x97: {  	_ =	strace $0x8FFFFFFF  }
0x98: {  	s19 =	sld [smem:$0x3FDB];
	_ =	sdelay $0x1  }
0x99: {  	s4 =	simm.s32 $_scs_section_size  }
0x9a: {  	s5 =	simm.s32 $_size__tile_overlayer_lowered;
	s6 =	simm.s32 $_tile_overlayer_lowered  }
0x9b: {  	s22 =	simm.s32 $0x1BFF;
	s21 =	sshll.u32 s6, $0x1;
	s3 =	sadd.s32 s4, s19  }
0x9c: {  	s7 =	simm.s32 $0x0;
	s20 =	sshll.u32 s5, $0x1;
	s5 =	sadd.s32 s21, s3  }
0x9d: {  	[timem:s7], [sflag:s22] =	dma.local [hbm:s5], s20  }
0x9e: {  	_ =	swait.ge [sflag:s22], s20  }
0x9f: {  	s4 =	ssub.s32 $0x0, s20;
	[sflag:s22] =	ssyncset.done $0x0  }
0xa0: {  	[sflag:s22] =	ssyncadd.s32 s4;
	_ =	sdelay $0x1  }
0xa1: {  	s23 =	simm.s32 $0x1B8B  }
0xa2: {  	_ =	swait.ge [sflag:s23], $0x1  }
0xa3: {  	[sflag:s23] =	ssyncset.done $0x0  }
0xa4: {  	s25 =	simm.s32 $0x1B8E;
	s24 =	sld [smem:$0x3FFE];
	[sflag:s23] =	ssyncadd.s32 $0xFFFFFFFF  }
0xa5: {  	s26 =	simm.s32 $execute0_lowered;
	[smem:$0x3FD2] =	sst s25  }
0xa6: {  	s5 =	sshll.u32 s26, $0x1;
	_ =	strace $0x80000046;
	[dreg:$0x1] =	wrdreg $0xFFFFFFFF  }
0xa7: {  	s28 =	simm.s32 $_size_execute0_lowered;
	s3 =	sadd.s32 s3, s5;
	[dreg:$0x0] =	wrdreg $0x0  }
0xa8: {  	s5 =	sshll.u32 s28, $0x1;
	[dreg:$0x2] =	wrdreg s3  }
0xa9: {  	[dreg:$0x3] =	wrdreg s5  }
0xaa: {  	[dreg:$0x4] =	wrdreg $0xC0  }
0xab: {  	_ =	task [dreg:s7], $0x5FFFF  }
0xac: {  	[dreg:$0x1] =	wrdreg $0xFFFFFFFF  }
0xad: {  	[dreg:$0x0] =	wrdreg $0x60  }
0xae: {  	[dreg:$0x2] =	wrdreg s2  }
0xaf: {  	[dreg:$0x3] =	wrdreg s24  }
0xb0: {  	[dreg:$0x4] =	wrdreg $0xA0000  }
0xb1: {  	[dreg:$0x5] =	wrdreg $0x9  }
0xb2: {  	_ =	task.clear_ibuf [dreg:s7], $0x6FFFF;
	_ =	strace $0x90000046  }
0xb3: {  	s29 =	simm.s32 $0x9;
	_ =	strace $0x80000048  }
0xb4: {  	_ =	swait.ge [sflag:s29], $0x1  }
0xb5: {  	[sflag:s29] =	ssyncadd.s32 $0xFFFFFFFF  }
0xb6: {  	_ =	strace $0x90000048  }
0xb7: {  	_ =	sfence  }
0xb8: {  	s30 =	sld [smem:$0x0];
	_ =	sdelay $0x2  }
0xb9: {  	s31 =	sshll.u32 s1, $0xD;
	s1 =	sshrl.u32 s1, $0x2  }
0xba: {  	s3 =	sand.u32 $0x4000, s31;
	s1 =	sadd.s32 s1, s30  }
0xbb: {  	s0 =	sor.u32 s3, s0;
	s1 =	sshll.u32 s1, $0x11  }
0xbc: {  	s0 =	sor.u32 s1, s0  }
0xbd: {  	s0 =	sadd.s32 $0x8F2B, s0  }
0xbe: {  	[sflag:s0] =	ssyncadd.remote.s32 $0x1  }
0xbf: {  	_ =	sfence.sel $0xFFFF  }
0xc0: {  	[dreg:$0x0] =	wrdreg $0xFFFFFFFF;
	(pc) =	sbr.abs _section_cstart, $3  }
0xc1: {  	[dreg:$0x1] =	wrdreg $0xFFFFFFFF  }
0xc2: {  	_ =	task.clear_ibuf [dreg:s7], $0x2FFFF;
	_ =	strace $0x9FFFFFFF  }
0xc3: {  	(tm) =	ssettm $0x7FFFFFFF  }
tec
execute0_lowered:
.L_overlay_start_1:
0x0: {  	(tag) =	ssettag $0x1  }
0x1: {  	s0 =	rddreg [dreg:$0x0]  }
0x2: {  	s1 =	rddreg [dreg:$0x1];
	s2 =	srdreg.scid  }
0x3: {  	s3 =	rddreg [dreg:$0x2];
	s10 =	stileid.u32  }
0x4: {  	s6 =	simm.s32 $0x0;
	s28 =	simm.s32 $0x6000;
	s29 =	simm.s32 $0x180  }
0x5: {  	s30 =	simm.s32 $0x8000;
	s31 =	simm.s32 $0x1;
	s11 =	simm.s32 $0x8  }
0x6: {  	s12 =	simm.s32 $0x1E00;
	s13 =	simm.s32 $0x1E80;
	s5 =	smul.u32 $0x14000, s10  }
0x7: {  	s14 =	simm.s32 $0x1F00;
	s2 =	sand.u32 $0x1, s2;
	s7 =	smul.u32 $0x50000, s10  }
0x8: {  	[smem:$0x7FF] =	sst s6;
	s6 =	sadd.s32 $0x2C00, s1;
	s4 =	smul.u32 $0x140000, s2  }
0x9: {  	_ =	strace $0x80000047;
	s15 =	ssub.s32 $0x2, s2;
	s7 =	sshrl.u32 s7, $0x2  }
0xa: {  	s9 =	sshll.u32 s2, $0x4;
	p0 =	sne.s32 s2, $0x0;
	s22 =	sadd.s32 s7, s3  }
0xb: {  	s2 =	simm.s32 $0x3;
	s7 =	sadd.s32 $0x2000, s22;
	[dreg:$0x4] =	wrdreg s22  }
0xc: {  	s8 =	sshrl.u32 s15, $0x1;
	s17 =	sadd.s32 $0x4000, s22;
	[dreg:$0x5] =	wrdreg s7  }
0xd: {  	s16 =	sor.u32 s10, s9;
	s18 =	sadd.s32 $0x6000, s22;
	[dreg:$0x6] =	wrdreg s17  }
0xe: {  	s9 =	simm.s32 $0x6;
	s19 =	sadd.s32 $0x8000, s22;
	[dreg:$0x7] =	wrdreg s18  }
0xf: {  	s10 =	simm.s32 $0x7;
	s20 =	sadd.s32 $0xA000, s22;
	[dreg:$0x8] =	wrdreg s19  }
0x10: {  	s4 =	sadd.s32 s5, s4;
	s21 =	sadd.s32 $0xC000, s22;
	[dreg:$0x9] =	wrdreg s20  }
0x11: {  	s5 =	sadd.s32 $0x26C00, s1;
	s23 =	sadd.s32 $0xE000, s22;
	[dreg:$0xa] =	wrdreg s21  }
0x12: {  	s4 =	sshrl.u32 s4, $0x3;
	s24 =	sadd.s32 $0x10000, s22;
	[dreg:$0xb] =	wrdreg s23  }
0x13: {  	s25 =	sadd.s32 $0x12000, s22;
	s1 =	sadd.s32 s4, s1;
	[dreg:$0xc] =	wrdreg s24  }
0x14: {  	s4 =	ssub.s32 s15, s8;
	[dreg:$0xd] =	wrdreg s25;
	s17 =	smul.u32 $0x9000, s16  }
0x15: {  	s20 =	simm.s32 $0x2000;
	s21 =	simm.s32 $0x9;
	s23 =	simm.s32 $0x40  }
0x16: {  	s24 =	simm.s32 $0x80;
	s25 =	simm.s32 $0x4000;
	s8 =	simm.s32 $0x5  }
0x17: {  	s15 =	simm.s32 $0x1F80;
	s16 =	simm.s32 $0x0;
	s1 =	sadd.s32 $0x4AC00, s1  }
0x18: {  	s26 =	smax.u32 s4, $0x1;
	s4 =	simm.s32 $0x4;
	[dreg:$0xe] =	wrdreg s1  }
0x19: {  	v0 =	vimm.f32 $0.0e+00;
	[dreg:$0xf] =	wrdreg s26;
	s26 =	simm.s32 $0x100;
	s1 =	simm.s32 $0x2  }
.LBB2_1:
0x1a: {  	s19 =	simm.s32 $0x0  }
0x1b: {  	s7 =	sand.u32 $0x7E00, s19  }
0x1c: {  	[dreg:$0x10] =	wrdreg s16;
	s16 =	sand.u32 $0x70, s19;
	s18 =	sshrl.u32 s7, $0x2  }
0x1d: {  	s7 =	simm.s32 $0x40;
	s18 =	sor.u32 s16, s18;
	s16 =	simm.s32 $0x0  }
.LBB2_2:
0x1e: {  	p1 =	sne.s32 s7, $0x7FC0  }
0x1f: {  	[tilespmem:s18+$0x2000] =	vst v0;
	s16 =	sadd.s32 $0x10, s16;
	s18 =	smov.u32 s7;
	s7 =	sadd.s32 $0x40, s7  }
.Ltmp0:
0x20: {  	(pc) =	sbr.rel @p1 .LBB2_2-.Ltmp0, $4  }
0x21: {  	_ = 	snop  }
0x22: {  	s18 =	sand.u32 $0x7E00, s18  }
0x23: {  	s19 =	sand.u32 $0x70, s16;
	s18 =	sshrl.u32 s18, $0x2  }
0x24: {  	s18 =	sor.u32 s19, s18  }
0x25: {  	[tilespmem:s18+$0x2000] =	vst v0  }
0x26: {  	[spmem:s22] =	stream.linear.scatter [tilespmem:s20], [sflag:$0x9], $0x2000, $0x38;
	[tilespmem:$0x1E000] =	vst v63  }
0x27: {  	_ =	swait.ge [sflag:s21], $0x2000  }
0x28: {  	[sflag:s21] =	ssyncset.done $0x0  }
0x29: {  	s7 =	rddreg [dreg:$0x5];
	[sflag:s21] =	ssyncadd.s32 $0xFFFFE000  }
0x2a: {  	[spmem:s7] =	stream.linear.scatter [tilespmem:s20], [sflag:$0x9], $0x2000, $0x38;
	[tilespmem:$0x1E000] =	vst v63  }
0x2b: {  	_ =	swait.ge [sflag:s21], $0x2000  }
0x2c: {  	[sflag:s21] =	ssyncset.done $0x0  }
0x2d: {  	s16 =	rddreg [dreg:$0x6];
	[sflag:s21] =	ssyncadd.s32 $0xFFFFE000  }
0x2e: {  	[spmem:s16] =	stream.linear.scatter [tilespmem:s20], [sflag:$0x9], $0x2000, $0x38;
	[tilespmem:$0x1E000] =	vst v63  }
0x2f: {  	_ =	swait.ge [sflag:s21], $0x2000  }
0x30: {  	[sflag:s21] =	ssyncset.done $0x0  }
0x31: {  	s18 =	rddreg [dreg:$0x7];
	[sflag:s21] =	ssyncadd.s32 $0xFFFFE000  }
0x32: {  	[spmem:s18] =	stream.linear.scatter [tilespmem:s20], [sflag:$0x9], $0x2000, $0x38;
	[tilespmem:$0x1E000] =	vst v63  }
0x33: {  	_ =	swait.ge [sflag:s21], $0x2000  }
0x34: {  	[sflag:s21] =	ssyncset.done $0x0  }
0x35: {  	s19 =	rddreg [dreg:$0x8];
	[sflag:s21] =	ssyncadd.s32 $0xFFFFE000  }
0x36: {  	[spmem:s19] =	stream.linear.scatter [tilespmem:s20], [sflag:$0x9], $0x2000, $0x38;
	[tilespmem:$0x1E000] =	vst v63  }
0x37: {  	_ =	swait.ge [sflag:s21], $0x2000  }
0x38: {  	[sflag:s21] =	ssyncset.done $0x0  }
0x39: {  	s22 =	rddreg [dreg:$0x9];
	[sflag:s21] =	ssyncadd.s32 $0xFFFFE000  }
0x3a: {  	[spmem:s22] =	stream.linear.scatter [tilespmem:s20], [sflag:$0x9], $0x2000, $0x38;
	[tilespmem:$0x1E000] =	vst v63  }
0x3b: {  	_ =	swait.ge [sflag:s21], $0x2000  }
0x3c: {  	[sflag:s21] =	ssyncset.done $0x0  }
0x3d: {  	s16 =	rddreg [dreg:$0xa];
	[sflag:s21] =	ssyncadd.s32 $0xFFFFE000  }
0x3e: {  	[spmem:s16] =	stream.linear.scatter [tilespmem:s20], [sflag:$0x9], $0x2000, $0x38;
	[tilespmem:$0x1E000] =	vst v63  }
0x3f: {  	_ =	swait.ge [sflag:s21], $0x2000  }
0x40: {  	[sflag:s21] =	ssyncset.done $0x0  }
0x41: {  	s18 =	rddreg [dreg:$0xb];
	[sflag:s21] =	ssyncadd.s32 $0xFFFFE000  }
0x42: {  	[spmem:s18] =	stream.linear.scatter [tilespmem:s20], [sflag:$0x9], $0x2000, $0x38;
	[tilespmem:$0x1E000] =	vst v63  }
0x43: {  	_ =	swait.ge [sflag:s21], $0x2000  }
0x44: {  	[sflag:s21] =	ssyncset.done $0x0  }
0x45: {  	s19 =	rddreg [dreg:$0xc];
	[sflag:s21] =	ssyncadd.s32 $0xFFFFE000  }
0x46: {  	[spmem:s19] =	stream.linear.scatter [tilespmem:s20], [sflag:$0x9], $0x2000, $0x38;
	[tilespmem:$0x1E000] =	vst v63  }
0x47: {  	_ =	swait.ge [sflag:s21], $0x2000  }
0x48: {  	[sflag:s21] =	ssyncset.done $0x0  }
0x49: {  	s22 =	rddreg [dreg:$0xd];
	[sflag:s21] =	ssyncadd.s32 $0xFFFFE000  }
0x4a: {  	[spmem:s22] =	stream.linear.scatter [tilespmem:s20], [sflag:$0x9], $0x2000, $0x38;
	[tilespmem:$0x1E000] =	vst v63  }
0x4b: {  	_ =	swait.ge [sflag:s21], $0x2000  }
0x4c: {  	[sflag:s21] =	ssyncset.done $0x0  }
0x4d: {  	[sflag:s21] =	ssyncadd.s32 $0xFFFFE000  }
0x4e: {  	s18 =	simm.s32 $0x0;
	s19 =	simm.s32 $0x0;
	[bflag:$0x0] =	sbarrier.arrive $0xFFFF  }
.LBB2_4:
0x4f: {  	s7 =	sshll.u32 s19, $0xC  }
0x50: {  	s7 =	sadd.s32 s17, s7  }
0x51: {  	s7 =	sshrl.u32 s7, $0x3  }
0x52: {  	s16 =	sadd.s32 s5, s7  }
0x53: {  	[tilespmem:s18], [sflag:$0x9] =	stream.linear.gather [hbm4b:s16+s18], $0x1000, $0x38;
	[tilespmem:$0x1E000] =	vst v63  }
0x54: {  	_ =	swait.ge [sflag:s21], $0x1000  }
0x55: {  	[sflag:s21] =	ssyncset.done $0x0  }
0x56: {  	s22 =	simm.s32 $0x1000;
	s7 =	sadd.s32 s6, s7;
	[sflag:s21] =	ssyncadd.s32 $0xFFFFF000  }
0x57: {  	[tilespmem:s22], [sflag:$0x9] =	stream.linear.gather [hbm4b:s7+s18], $0x1000, $0x38;
	[tilespmem:$0x1E000] =	vst v63  }
0x58: {  	_ =	swait.ge [sflag:s21], $0x1000  }
0x59: {  	[sflag:s21] =	ssyncset.done $0x0  }
0x5a: {  	[sflag:s21] =	ssyncadd.s32 $0xFFFFF000  }
0x5b: {  	[tilespmem:s20], [sflag:$0x1] =	stream.indirect.gather [hbm4b:s0+s23], $0x80, s18, s23, $0xb8;
	[tilespmem:$0x1E000] =	vst v63  }
0x5c: {  	_ = 	snop  }
0x5d: {  	[tilespmem:s25], [sflag:$0x2] =	stream.indirect.gather [hbm4b:s0+s23], $0x80, s24, s23, $0xb8;
	[tilespmem:$0x1E000] =	vst v63  }
0x5e: {  	_ = 	snop  }
0x5f: {  	[tilespmem:s28], [sflag:$0x3] =	stream.indirect.gather [hbm4b:s0+s23], $0x80, s26, s23, $0xb8;
	[tilespmem:$0x1E000] =	vst v63  }
0x60: {  	_ = 	snop  }
0x61: {  	[tilespmem:s30], [sflag:$0x4] =	stream.indirect.gather [hbm4b:s0+s23], $0x80, s29, s23, $0xb8;
	[tilespmem:$0x1E000] =	vst v63  }
0x62: {  	_ =	swait.ge [sflag:s31], $0x2000  }
0x63: {  	[sflag:s31] =	ssyncset.done $0x0  }
0x64: {  	s22 =	simm.s32 $0x1000;
	[sflag:s31] =	ssyncadd.s32 $0xFFFFE000  }
0x65: {  	[spmem:s3] =	stream.indirect.scatter.add.f32 [tilespmem:s20], [sflag:$0x5], $0x80, s22, s23, $0xb8;
	[tilespmem:$0x1E000] =	vst v63  }
0x66: {  	_ =	swait.ge [sflag:s1], $0x2000  }
0x67: {  	[sflag:s1] =	ssyncset.done $0x0  }
0x68: {  	s16 =	simm.s32 $0x1080;
	[sflag:s1] =	ssyncadd.s32 $0xFFFFE000  }
0x69: {  	[spmem:s3] =	stream.indirect.scatter.add.f32 [tilespmem:s25], [sflag:$0x6], $0x80, s16, s23, $0xb8;
	[tilespmem:$0x1E000] =	vst v63  }
0x6a: {  	_ =	swait.ge [sflag:s2], $0x2000  }
0x6b: {  	[sflag:s2] =	ssyncset.done $0x0  }
0x6c: {  	s22 =	simm.s32 $0x1100;
	[sflag:s2] =	ssyncadd.s32 $0xFFFFE000  }
0x6d: {  	[spmem:s3] =	stream.indirect.scatter.add.f32 [tilespmem:s28], [sflag:$0x7], $0x80, s22, s23, $0xb8;
	[tilespmem:$0x1E000] =	vst v63  }
0x6e: {  	_ =	swait.ge [sflag:s4], $0x2000  }
0x6f: {  	[sflag:s4] =	ssyncset.done $0x0  }
0x70: {  	s16 =	simm.s32 $0x1180;
	[sflag:s4] =	ssyncadd.s32 $0xFFFFE000  }
0x71: {  	[spmem:s3] =	stream.indirect.scatter.add.f32 [tilespmem:s30], [sflag:$0x8], $0x80, s16, s23, $0xb8;
	[tilespmem:$0x1E000] =	vst v63  }
0x72: {  	_ =	swait.ge [sflag:s8], $0x2000  }
0x73: {  	[sflag:s8] =	ssyncset.done $0x0  }
0x74: {  	s22 =	simm.s32 $0x200;
	[sflag:s8] =	ssyncadd.s32 $0xFFFFE000  }
0x75: {  	[tilespmem:s20], [sflag:$0x1] =	stream.indirect.gather [hbm4b:s0+s23], $0x80, s22, s23, $0xb8;
	[tilespmem:$0x1E000] =	vst v63  }
0x76: {  	_ =	swait.ge [sflag:s9], $0x2000  }
0x77: {  	[sflag:s9] =	ssyncset.done $0x0  }
0x78: {  	s16 =	simm.s32 $0x280;
	[sflag:s9] =	ssyncadd.s32 $0xFFFFE000  }
0x79: {  	[tilespmem:s25], [sflag:$0x2] =	stream.indirect.gather [hbm4b:s0+s23], $0x80, s16, s23, $0xb8;
	[tilespmem:$0x1E000] =	vst v63  }
0x7a: {  	_ =	swait.ge [sflag:s10], $0x2000  }
0x7b: {  	[sflag:s10] =	ssyncset.done $0x0  }
0x7c: {  	s22 =	simm.s32 $0x300;
	[sflag:s10] =	ssyncadd.s32 $0xFFFFE000  }
0x7d: {  	[tilespmem:s28], [sflag:$0x3] =	stream.indirect.gather [hbm4b:s0+s23], $0x80, s22, s23, $0xb8;
	[tilespmem:$0x1E000] =	vst v63  }
0x7e: {  	_ =	swait.ge [sflag:s11], $0x2000  }
0x7f: {  	[sflag:s11] =	ssyncset.done $0x0  }
0x80: {  	s7 =	simm.s32 $0x800;
	s16 =	simm.s32 $0x380;
	[sflag:s11] =	ssyncadd.s32 $0xFFFFE000  }
.LBB2_5:
0x81: {  	[tilespmem:s30], [sflag:$0x4] =	stream.indirect.gather [hbm4b:s0+s23], $0x80, s16, s23, $0xb8;
	[tilespmem:$0x1E000] =	vst v63  }
0x82: {  	s16 =	smov.u32 s7  }
0x83: {  	p1 =	sne.s32 s7, $0x3000;
	s7 =	sadd.s32 $0x800, s7;
	_ =	swait.ge [sflag:s31], $0x2000  }
0x84: {  	s16 =	sshra.s32 s16, $0x2;
	[sflag:s31] =	ssyncset.done $0x0  }
0x85: {  	s22 =	sadd.s32 $0x1000, s16;
	[sflag:s31] =	ssyncadd.s32 $0xFFFFE000  }
0x86: {  	[spmem:s3] =	stream.indirect.scatter.add.f32 [tilespmem:s20], [sflag:$0x5], $0x80, s22, s23, $0xb8;
	[tilespmem:$0x1E000] =	vst v63  }
0x87: {  	_ =	swait.ge [sflag:s1], $0x2000  }
0x88: {  	[sflag:s1] =	ssyncset.done $0x0  }
0x89: {  	s22 =	sadd.s32 $0x1080, s16;
	[sflag:s1] =	ssyncadd.s32 $0xFFFFE000  }
0x8a: {  	[spmem:s3] =	stream.indirect.scatter.add.f32 [tilespmem:s25], [sflag:$0x6], $0x80, s22, s23, $0xb8;
	[tilespmem:$0x1E000] =	vst v63  }
0x8b: {  	_ =	swait.ge [sflag:s2], $0x2000  }
0x8c: {  	[sflag:s2] =	ssyncset.done $0x0  }
0x8d: {  	s22 =	sadd.s32 $0x1100, s16;
	[sflag:s2] =	ssyncadd.s32 $0xFFFFE000  }
0x8e: {  	[spmem:s3] =	stream.indirect.scatter.add.f32 [tilespmem:s28], [sflag:$0x7], $0x80, s22, s23, $0xb8;
	[tilespmem:$0x1E000] =	vst v63  }
0x8f: {  	_ =	swait.ge [sflag:s4], $0x2000  }
0x90: {  	[sflag:s4] =	ssyncset.done $0x0  }
0x91: {  	s22 =	sadd.s32 $0x1180, s16;
	[sflag:s4] =	ssyncadd.s32 $0xFFFFE000  }
0x92: {  	[spmem:s3] =	stream.indirect.scatter.add.f32 [tilespmem:s30], [sflag:$0x8], $0x80, s22, s23, $0xb8;
	[tilespmem:$0x1E000] =	vst v63  }
0x93: {  	_ =	swait.ge [sflag:s8], $0x2000  }
0x94: {  	[sflag:s8] =	ssyncset.done $0x0  }
0x95: {  	s22 =	sadd.s32 $0x200, s16;
	[sflag:s8] =	ssyncadd.s32 $0xFFFFE000  }
0x96: {  	[tilespmem:s20], [sflag:$0x1] =	stream.indirect.gather [hbm4b:s0+s23], $0x80, s22, s23, $0xb8;
	[tilespmem:$0x1E000] =	vst v63  }
0x97: {  	_ =	swait.ge [sflag:s9], $0x2000  }
0x98: {  	[sflag:s9] =	ssyncset.done $0x0  }
0x99: {  	s22 =	sadd.s32 $0x280, s16;
	[sflag:s9] =	ssyncadd.s32 $0xFFFFE000  }
0x9a: {  	[tilespmem:s25], [sflag:$0x2] =	stream.indirect.gather [hbm4b:s0+s23], $0x80, s22, s23, $0xb8;
	[tilespmem:$0x1E000] =	vst v63  }
0x9b: {  	_ =	swait.ge [sflag:s10], $0x2000  }
0x9c: {  	[sflag:s10] =	ssyncset.done $0x0  }
.Ltmp1:
0x9d: {  	s22 =	sadd.s32 $0x300, s16;
	[sflag:s10] =	ssyncadd.s32 $0xFFFFE000;
	(pc) =	sbr.rel @p1 .LBB2_5-.Ltmp1, $4  }
0x9e: {  	[tilespmem:s28], [sflag:$0x3] =	stream.indirect.gather [hbm4b:s0+s23], $0x80, s22, s23, $0xb8;
	[tilespmem:$0x1E000] =	vst v63  }
0x9f: {  	_ =	swait.ge [sflag:s11], $0x2000  }
0xa0: {  	[sflag:s11] =	ssyncset.done $0x0  }
0xa1: {  	s16 =	sadd.s32 $0x380, s16;
	[sflag:s11] =	ssyncadd.s32 $0xFFFFE000  }
0xa2: {  	[tilespmem:s30], [sflag:$0x4] =	stream.indirect.gather [hbm4b:s0+s23], $0x80, s16, s23, $0xb8;
	[tilespmem:$0x1E000] =	vst v63  }
0xa3: {  	_ =	swait.ge [sflag:s31], $0x2000  }
0xa4: {  	[sflag:s31] =	ssyncset.done $0x0  }
0xa5: {  	[sflag:s31] =	ssyncadd.s32 $0xFFFFE000  }
0xa6: {  	[spmem:s3] =	stream.indirect.scatter.add.f32 [tilespmem:s20], [sflag:$0x5], $0x80, s12, s23, $0xb8;
	[tilespmem:$0x1E000] =	vst v63  }
0xa7: {  	_ =	swait.ge [sflag:s1], $0x2000  }
0xa8: {  	[sflag:s1] =	ssyncset.done $0x0  }
0xa9: {  	[sflag:s1] =	ssyncadd.s32 $0xFFFFE000  }
0xaa: {  	[spmem:s3] =	stream.indirect.scatter.add.f32 [tilespmem:s25], [sflag:$0x6], $0x80, s13, s23, $0xb8;
	[tilespmem:$0x1E000] =	vst v63  }
0xab: {  	_ =	swait.ge [sflag:s2], $0x2000  }
0xac: {  	[sflag:s2] =	ssyncset.done $0x0  }
0xad: {  	[sflag:s2] =	ssyncadd.s32 $0xFFFFE000  }
0xae: {  	[spmem:s3] =	stream.indirect.scatter.add.f32 [tilespmem:s28], [sflag:$0x7], $0x80, s14, s23, $0xb8;
	[tilespmem:$0x1E000] =	vst v63  }
0xaf: {  	_ =	swait.ge [sflag:s4], $0x2000  }
0xb0: {  	[sflag:s4] =	ssyncset.done $0x0  }
0xb1: {  	[sflag:s4] =	ssyncadd.s32 $0xFFFFE000  }
0xb2: {  	[spmem:s3] =	stream.indirect.scatter.add.f32 [tilespmem:s30], [sflag:$0x8], $0x80, s15, s23, $0xb8;
	[tilespmem:$0x1E000] =	vst v63  }
0xb3: {  	_ =	swait.ge [sflag:s8], $0x2000  }
0xb4: {  	[sflag:s8] =	ssyncset.done $0x0  }
0xb5: {  	[sflag:s8] =	ssyncadd.s32 $0xFFFFE000  }
0xb6: {  	_ =	swait.ge [sflag:s9], $0x2000  }
0xb7: {  	[sflag:s9] =	ssyncset.done $0x0  }
0xb8: {  	p1 =	slt.u32 @!p0 s19, $0x8;
	[sflag:s9] =	ssyncadd.s32 $0xFFFFE000  }
0xb9: {  	p1 =	por p0, !p1;
	_ =	swait.ge [sflag:s10], $0x2000  }
.Ltmp2:
0xba: {  	[sflag:s10] =	ssyncset.done $0x0;
	(pc) =	sbr.rel @!p1 .LBB2_4-.Ltmp2, $4  }
0xbb: {  	[sflag:s10] =	ssyncadd.s32 $0xFFFFE000  }
0xbc: {  	_ =	swait.ge [sflag:s11], $0x2000  }
0xbd: {  	[sflag:s11] =	ssyncset.done $0x0  }
0xbe: {  	s19 =	sadd.s32 $0x1, s19;
	[sflag:s11] =	ssyncadd.s32 $0xFFFFE000  }
0xbf: {  	s7 =	stileid.u32;
	[bflag:$0x0] =	sbarrier.arrive $0xFFFF  }
0xc0: {  	s7 =	sshll.u32 s7, $0x6;
	s22 =	rddreg [dreg:$0x4]  }
0xc1: {  	s18 =	rddreg [dreg:$0xe];
	s7 =	sor.u32 $0x1C09, s7;
	s16 =	sshrl.u32 s22, $0x3  }
0xc2: {  	[hbm:s18], [sflag:s7] =	dma.local [spmem:s16], $0x2800  }
0xc3: {  	_ =	swait.ge [sflag:s21], $0x2800  }
0xc4: {  	s18 =	rddreg [dreg:$0x10]  }
0xc5: {  	s19 =	rddreg [dreg:$0xf];
	s16 =	sadd.s32 $0x1, s18  }
0xc6: {  	p1 =	sne.s32 s16, s19  }
.Ltmp3:
0xc7: {  	_ = 	snop;
	(pc) =	sbr.rel @p1 .LBB2_1-.Ltmp3, $3  }
0xc8: {  	_ =	sdelay $0x1  }
0xc9: {  	[sflag:s21] =	ssyncset.done $0x0  }
0xca: {  	[sflag:s21] =	ssyncadd.s32 $0xFFFFD800  }
0xcb: {  	_ =	sfence.sel $0x180000  }
0xcc: {  	[bflag:$0x0] =	sbarrier.arrive $0xFFFF  }
0xcd: {  	_ =	strace $0x90000047  }
0xce: {  	s0 =	stileid.u32;
	[bflag:$0x2] =	sbarrier.arrive $0xFFFF  }
0xcf: {  	p0 =	sne.s32 s0, $0x0;
	s0 =	rddreg [dreg:$0x3]  }
0xd0: {  	s0 =	sadd.s32 @!p0 $0x100000, s0  }
0xd1: {  	[sflag:s0] =	ssyncadd.tile.s32 @!p0 $0x1;
	_ =	shalt  }
.Lfunc_end2:
_tile_overlayer_lowered:
.L_overlay_start_2:
0xd2: {  	(tag) =	ssettag $0x2  }
0xd3: {  	s0 =	rddreg [dreg:$0x0];
	s2 =	stileid.u32  }
0xd4: {  	s1 =	rddreg [dreg:$0x1];
	p0 =	sne.s32 s2, $0x0  }
0xd5: {  	s3 =	rddreg [dreg:$0x2];
	[bflag:$0x3] =	sbarrier.arrive $0xFFFF;
	s2 =	simm.s32 @!p0 $0x1C09  }
0xd6: {  	[timem:s3], [sflag:s2] =	dma.local @!p0 [hbm:s0], s1  }
0xd7: {  	s0 =	simm.s32 @!p0 $0x9  }
0xd8: {  	_ =	swait.ge @!p0 [sflag:s0], s1  }
0xd9: {  	s1 =	ssub.s32 @!p0 $0x0, s1;
	[sflag:s0] =	ssyncset.done @!p0 $0x0  }
0xda: {  	[sflag:s0] =	ssyncadd.s32 @!p0 s1  }
0xdb: {  	[bflag:$0x3] =	sbarrier.arrive $0xFFFF  }
0xdc: {  	_ =	shalt  }

// kernel: kernel.9.cloned.1.call-start
scs
__scs_entry_jumppad:
0x0: {  	(pc) =	sbr.rel $0x88, $3  }
0x1: {  	(tag) =	ssettag $0x0;
	lr =	simm.s32 $0x1  }
0x2: {  	[smem:$0x3F8E] =	sst lr;
	_ =	strace $0xD0000000  }
0x3: {  	_ = 	snop  }
0x4: {  	_ = 	snop  }
0x5: {  	_ = 	snop  }
0x6: {  	_ = 	snop  }
0x7: {  	_ = 	snop  }
__scs_overlays_trampoline_lowered:
0x8: {  	[smem:$0x3F9D] =	sst s0  }
0x9: {  	[smem:$0x3F9E] =	sst s1  }
0xa: {  	[smem:$0x3F9F] =	sst s2  }
0xb: {  	[smem:$0x3FA0] =	sst s3  }
0xc: {  	[smem:$0x3FA1] =	sst s4  }
0xd: {  	[smem:$0x3FA2] =	sst s5  }
0xe: {  	[smem:$0x3FA3] =	sst s6  }
0xf: {  	[smem:$0x3FA4] =	sst s7  }
0x10: {  	[smem:$0x3FA5] =	sst s8  }
0x11: {  	[smem:$0x3FA6] =	sst s9;
	s0 =	simm.s32 @!p0 $0x0  }
0x12: {  	s1 =	sld [smem:$0x3F8C];
	s0 =	simm.s32 @p0 $0x1  }
0x13: {  	[smem:$0x3FA7] =	sst s0;
	s0 =	simm.s32 @!p1 $0x0  }
0x14: {  	s2 =	sld [smem:$0x3F8B];
	s0 =	simm.s32 @p1 $0x1  }
0x15: {  	[smem:$0x3FA8] =	sst s0;
	s0 =	simm.s32 @!p2 $0x0  }
0x16: {  	s3 =	sld [smem:$0x3FDB];
	s0 =	simm.s32 @p2 $0x1  }
0x17: {  	s4 =	simm.s32 $0x1BF5;
	[smem:$0x3FAA] =	sst s0  }
0x18: {  	s0 =	sld [smem:$0x3F8D];
	_ =	swait.ge [sflag:s4], $0x0  }
0x19: {  	s7 =	sld [smem:$0x3F8E]  }
0x1a: {  	s8 =	sadd.s32 $0xFFFFE003, lr  }
0x1b: {  	s9 =	sadd.s32 $0xFFFFFEF7, lr;
	s5 =	simm.s32 $0xFFFFFFFF;
	p2 =	slt.u32 s8, $0xFFFFF086  }
0x1c: {  	p1 =	slt.u32 s9, $0xF7A;
	s5 =	simm.s32 @!p2 $0x0  }
0x1d: {  	s5 =	simm.s32 @p1 $0x1;
	p0 =	seq.s32 s7, s2  }
0x1e: {  	s7 =	smul.u32 @!p0 $0xF7A, s2;
	p2 =	seq.s32 @!p0 s5, $0x0  }
0x1f: {  	s9 =	smul.u32 $0xF7A, s1;
	s8 =	simm.s32 @!p0 $0x1BF5;
	p2 =	por !p2, p0  }
0x20: {  	[sflag:s8] =	ssyncset.s32 @!p0 $0xFFFFF086;
	s6 =	sadd.s32 @!p0 s3, s7;
	s7 =	simm.s32 @!p0 $0x108  }
0x21: {  	s3 =	sadd.s32 s3, s9;
	s6 =	sadd.s32 @!p0 $0x88, s6;
	s7 =	simm.s32 @p2 $0x1082  }
0x22: {  	[simem:s7], [sflag:s8] =	dma.local @!p0 [hbm:s6], $0xF7A  }
0x23: {  	s9 =	sor.u32 $0xD0000000, s2;
	s6 =	simm.s32 $0x108;
	_ =	swait.ge @!p0 [sflag:s8], $0x0  }
0x24: {  	s3 =	sadd.s32 $0x88, s3;
	s6 =	simm.s32 @!p1 $0x1082;
	[sflag:s4] =	ssyncset.s32 $0xFFFFF086  }
0x25: {  	[simem:s6], [sflag:s4] =	dma.local [hbm:s3], $0xF7A  }
0x26: {  	[smem:$0x3F8E] =	sst s1;
	(tag) =	ssettag s2;
	_ =	strace s9  }
0x27: {  	s1 =	sld [smem:$0x3F9E]  }
0x28: {  	s2 =	sld [smem:$0x3F9F]  }
0x29: {  	s4 =	sld [smem:$0x3FA1]  }
0x2a: {  	p0 =	seq.s32 s5, $0x0;
	s5 =	sld [smem:$0x3FA2]  }
0x2b: {  	s6 =	sld [smem:$0x3FA3]  }
0x2c: {  	s7 =	sld [smem:$0x3FA4]  }
0x2d: {  	s3 =	simm.s32 $0x108;
	s8 =	sld [smem:$0x3FA5]  }
0x2e: {  	s3 =	simm.s32 @!p0 $0x1082;
	s9 =	sld [smem:$0x3FA6]  }
0x2f: {  	lr =	sadd.s32 s0, s3;
	s0 =	sld [smem:$0x3F9D]  }
0x30: {  	s3 =	sld [smem:$0x3FA0]  }
0x31: {  	[smem:$0x3FA9] =	sst s10  }
0x32: {  	s10 =	sld [smem:$0x3FA7];
	_ =	sdelay $0x3  }
0x33: {  	p0 =	seq.s32 s10, $0x1;
	s10 =	sld [smem:$0x3FA9];
	_ =	sdelay $0x3  }
0x34: {  	[smem:$0x3FA9] =	sst s10  }
0x35: {  	s10 =	sld [smem:$0x3FA8];
	_ =	sdelay $0x3  }
0x36: {  	p1 =	seq.s32 s10, $0x1;
	s10 =	sld [smem:$0x3FA9];
	_ =	sdelay $0x3  }
0x37: {  	[smem:$0x3FA9] =	sst s10  }
0x38: {  	s10 =	sld [smem:$0x3FAA]  }
0x39: {  	_ = 	snop;
	(pc) =	sbr.ind lr, $3  }
0x3a: {  	_ = 	snop  }
0x3b: {  	_ = 	snop  }
0x3c: {  	p2 =	seq.s32 s10, $0x1;
	s10 =	sld [smem:$0x3FA9]  }
0x3d: {  	_ =	shalt  }
0x3e: {  	_ =	shalt  }
0x3f: {  	_ =	shalt  }
0x40: {  	_ =	shalt  }
0x41: {  	_ =	shalt  }
0x42: {  	_ =	shalt  }
0x43: {  	_ =	shalt  }
0x44: {  	_ =	shalt  }
0x45: {  	_ =	shalt  }
0x46: {  	_ =	shalt  }
0x47: {  	_ =	shalt  }
0x48: {  	_ =	shalt  }
0x49: {  	_ =	shalt  }
0x4a: {  	_ =	shalt  }
0x4b: {  	_ =	shalt  }
0x4c: {  	_ =	shalt  }
0x4d: {  	_ =	shalt  }
0x4e: {  	_ =	shalt  }
0x4f: {  	_ =	shalt  }
0x50: {  	_ =	shalt  }
0x51: {  	_ =	shalt  }
0x52: {  	_ =	shalt  }
0x53: {  	_ =	shalt  }
0x54: {  	_ =	shalt  }
0x55: {  	_ =	shalt  }
0x56: {  	_ =	shalt  }
0x57: {  	_ =	shalt  }
0x58: {  	_ =	shalt  }
0x59: {  	_ =	shalt  }
0x5a: {  	_ =	shalt  }
0x5b: {  	_ =	shalt  }
0x5c: {  	_ =	shalt  }
0x5d: {  	_ =	shalt  }
0x5e: {  	_ =	shalt  }
0x5f: {  	_ =	shalt  }
0x60: {  	_ =	shalt  }
0x61: {  	_ =	shalt  }
0x62: {  	_ =	shalt  }
0x63: {  	_ =	shalt  }
0x64: {  	_ =	shalt  }
0x65: {  	_ =	shalt  }
0x66: {  	_ =	shalt  }
0x67: {  	_ =	shalt  }
0x68: {  	_ =	shalt  }
0x69: {  	_ =	shalt  }
0x6a: {  	_ =	shalt  }
0x6b: {  	_ =	shalt  }
0x6c: {  	_ =	shalt  }
0x6d: {  	_ =	shalt  }
0x6e: {  	_ =	shalt  }
0x6f: {  	_ =	shalt  }
0x70: {  	_ =	shalt  }
0x71: {  	_ =	shalt  }
0x72: {  	_ =	shalt  }
0x73: {  	_ =	shalt  }
0x74: {  	_ =	shalt  }
0x75: {  	_ =	shalt  }
0x76: {  	_ =	shalt  }
0x77: {  	_ =	shalt  }
0x78: {  	_ =	shalt  }
0x79: {  	_ =	shalt  }
0x7a: {  	_ =	shalt  }
0x7b: {  	_ =	shalt  }
0x7c: {  	_ =	shalt  }
0x7d: {  	_ =	shalt  }
0x7e: {  	_ =	shalt  }
0x7f: {  	_ =	shalt  }
0x80: {  	_ =	shalt  }
0x81: {  	_ =	shalt  }
0x82: {  	_ =	shalt  }
0x83: {  	_ =	shalt  }
0x84: {  	_ =	shalt  }
0x85: {  	_ =	shalt  }
0x86: {  	_ =	shalt  }
0x87: {  	_ =	shalt  }
.Lfunc_end0:
.L_simem_size_0:
called_computation.1_lowered:
.L_overlay_start_0:
0x88: {  	s2 =	sld [smem:$0x3FD9]  }
0x89: {  	s3 =	sld [smem:$0x3FFE];
	_ =	sdelay $0x1  }
0x8a: {  	s1 =	srdreg.scid  }
0x8b: {  	s0 =	sand.u32 $0x1, s1  }
0x8c: {  	s14 =	sshll.u32 s0, $0xA;
	s2 =	sadd.s32 s3, s2  }
0x8d: {  	s2 =	sadd.s32 s2, s14  }
0x8e: {  	[smem:$0x3FB5] =	sst s2  }
0x8f: {  	_ = 	snop  }
0x90: {  	s2 =	sld [smem:$0x3FD0];
	_ =	sdelay $0x2  }
0x91: {  	s15 =	simm.s32 $0xA;
	s4 =	simm.s32 $0x10  }
0x92: {  	[smem:s4], [sflag:s15] =	dma.local [hbm:s2], $0x1  }
0x93: {  	_ =	swait.eq [sflag:s15], $0x1  }
0x94: {  	[sflag:s15] =	ssyncset.done $0x0  }
0x95: {  	[sflag:s15] =	ssyncadd.s32 $0xFFFFFFFF  }
0x96: {  	s16 =	sld [smem:$0x10];
	(tm) =	ssettm $0x1  }
0x97: {  	s17 =	sld [smem:$0x3FFB];
	_ =	sdelay $0x3  }
0x98: {  	_ =	strace s17  }
0x99: {  	s3 =	sld [smem:$0x3FFC];
	_ =	sdelay $0x3  }
0x9a: {  	_ =	strace s3  }
0x9b: {  	s3 =	sld [smem:$0x3FFD];
	_ =	sdelay $0x3  }
0x9c: {  	_ =	strace s3  }
0x9d: {  	_ =	strace $0x8FFFFFFF  }
0x9e: {  	s18 =	sld [smem:$0x3FDB];
	_ =	sdelay $0x1  }
0x9f: {  	s19 =	simm.s32 $_scs_section_size  }
0xa0: {  	s5 =	simm.s32 $_size__tile_overlayer_lowered;
	s6 =	simm.s32 $_tile_overlayer_lowered  }
0xa1: {  	s22 =	simm.s32 $0x1BFF;
	s21 =	sshll.u32 s6, $0x1;
	s3 =	sadd.s32 s19, s18  }
0xa2: {  	s7 =	simm.s32 $0x0;
	s20 =	sshll.u32 s5, $0x1;
	s5 =	sadd.s32 s21, s3  }
0xa3: {  	[timem:s7], [sflag:s22] =	dma.local [hbm:s5], s20  }
0xa4: {  	_ =	swait.ge [sflag:s22], s20  }
0xa5: {  	s4 =	ssub.s32 $0x0, s20;
	[sflag:s22] =	ssyncset.done $0x0  }
0xa6: {  	[sflag:s22] =	ssyncadd.s32 s4;
	_ =	sdelay $0x1  }
0xa7: {  	s23 =	simm.s32 $0x1B8B  }
0xa8: {  	_ =	swait.ge [sflag:s23], $0x1  }
0xa9: {  	[sflag:s23] =	ssyncset.done $0x0  }
0xaa: {  	s25 =	simm.s32 $0x1B8E;
	s24 =	sld [smem:$0x3FFE];
	[sflag:s23] =	ssyncadd.s32 $0xFFFFFFFF  }
0xab: {  	s26 =	simm.s32 $execute0_lowered;
	[smem:$0x3FD2] =	sst s25  }
0xac: {  	s5 =	sshll.u32 s26, $0x1;
	_ =	strace $0x80000049;
	[dreg:$0x1] =	wrdreg $0xFFFFFFFF  }
0xad: {  	s28 =	simm.s32 $_size_execute0_lowered;
	s3 =	sadd.s32 s3, s5;
	[dreg:$0x0] =	wrdreg $0x0  }
0xae: {  	s5 =	sshll.u32 s28, $0x1;
	[dreg:$0x2] =	wrdreg s3  }
0xaf: {  	[dreg:$0x3] =	wrdreg s5  }
0xb0: {  	[dreg:$0x4] =	wrdreg $0xC0  }
0xb1: {  	_ =	task [dreg:s7], $0x5FFFF  }
0xb2: {  	[dreg:$0x1] =	wrdreg $0xFFFFFFFF  }
0xb3: {  	[dreg:$0x0] =	wrdreg $0x60  }
0xb4: {  	[dreg:$0x2] =	wrdreg s16  }
0xb5: {  	[dreg:$0x3] =	wrdreg s24  }
0xb6: {  	[dreg:$0x4] =	wrdreg $0xA0000  }
0xb7: {  	[dreg:$0x5] =	wrdreg $0x9  }
0xb8: {  	_ =	task.clear_ibuf [dreg:s7], $0x6FFFF;
	_ =	strace $0x90000049  }
0xb9: {  	s29 =	simm.s32 $0x9;
	_ =	strace $0x8000004B  }
0xba: {  	_ =	swait.ge [sflag:s29], $0x1  }
0xbb: {  	[sflag:s29] =	ssyncadd.s32 $0xFFFFFFFF  }
0xbc: {  	_ =	strace $0x9000004B  }
0xbd: {  	_ =	sfence  }
0xbe: {  	s30 =	sld [smem:$0x0];
	_ =	sdelay $0x2  }
0xbf: {  	s31 =	sshll.u32 s1, $0xD;
	s1 =	sshrl.u32 s1, $0x2  }
0xc0: {  	s3 =	sand.u32 $0x4000, s31;
	s1 =	sadd.s32 s1, s30  }
0xc1: {  	s0 =	sor.u32 s3, s0;
	s1 =	sshll.u32 s1, $0x11  }
0xc2: {  	s0 =	sor.u32 s1, s0  }
0xc3: {  	s0 =	sadd.s32 $0x8F2B, s0  }
0xc4: {  	[sflag:s0] =	ssyncadd.remote.s32 $0x1  }
0xc5: {  	_ =	sfence.sel $0xFFFF  }
0xc6: {  	[dreg:$0x0] =	wrdreg $0xFFFFFFFF;
	(pc) =	sbr.abs _section_cstart, $3  }
0xc7: {  	[dreg:$0x1] =	wrdreg $0xFFFFFFFF  }
0xc8: {  	_ =	task.clear_ibuf [dreg:s7], $0x2FFFF;
	_ =	strace $0x9FFFFFFF  }
0xc9: {  	(tm) =	ssettm $0x7FFFFFFF  }
tec
execute0_lowered:
.L_overlay_start_1:
0x0: {  	(tag) =	ssettag $0x1  }
0x1: {  	s0 =	rddreg [dreg:$0x0]  }
0x2: {  	s1 =	rddreg [dreg:$0x1];
	s2 =	srdreg.scid  }
0x3: {  	s3 =	rddreg [dreg:$0x2];
	s10 =	stileid.u32  }
0x4: {  	s6 =	simm.s32 $0x0;
	s28 =	simm.s32 $0x6000;
	s29 =	simm.s32 $0x180  }
0x5: {  	s30 =	simm.s32 $0x8000;
	s31 =	simm.s32 $0x1;
	s11 =	simm.s32 $0x8  }
0x6: {  	s12 =	simm.s32 $0x1E00;
	s13 =	simm.s32 $0x1E80;
	s5 =	smul.u32 $0x14000, s10  }
0x7: {  	s14 =	simm.s32 $0x1F00;
	s2 =	sand.u32 $0x1, s2;
	s7 =	smul.u32 $0x50000, s10  }
0x8: {  	[smem:$0x7FF] =	sst s6;
	s6 =	sadd.s32 $0x2C00, s1;
	s4 =	smul.u32 $0x140000, s2  }
0x9: {  	_ =	strace $0x8000004A;
	s15 =	ssub.s32 $0x2, s2;
	s7 =	sshrl.u32 s7, $0x2  }
0xa: {  	s9 =	sshll.u32 s2, $0x4;
	p0 =	sne.s32 s2, $0x0;
	s22 =	sadd.s32 s7, s3  }
0xb: {  	s2 =	simm.s32 $0x3;
	s7 =	sadd.s32 $0x2000, s22;
	[dreg:$0x4] =	wrdreg s22  }
0xc: {  	s8 =	sshrl.u32 s15, $0x1;
	s17 =	sadd.s32 $0x4000, s22;
	[dreg:$0x5] =	wrdreg s7  }
0xd: {  	s16 =	sor.u32 s10, s9;
	s18 =	sadd.s32 $0x6000, s22;
	[dreg:$0x6] =	wrdreg s17  }
0xe: {  	s9 =	simm.s32 $0x6;
	s19 =	sadd.s32 $0x8000, s22;
	[dreg:$0x7] =	wrdreg s18  }
0xf: {  	s10 =	simm.s32 $0x7;
	s20 =	sadd.s32 $0xA000, s22;
	[dreg:$0x8] =	wrdreg s19  }
0x10: {  	s4 =	sadd.s32 s5, s4;
	s21 =	sadd.s32 $0xC000, s22;
	[dreg:$0x9] =	wrdreg s20  }
0x11: {  	s5 =	sadd.s32 $0x26C00, s1;
	s23 =	sadd.s32 $0xE000, s22;
	[dreg:$0xa] =	wrdreg s21  }
0x12: {  	s4 =	sshrl.u32 s4, $0x3;
	s24 =	sadd.s32 $0x10000, s22;
	[dreg:$0xb] =	wrdreg s23  }
0x13: {  	s25 =	sadd.s32 $0x12000, s22;
	s1 =	sadd.s32 s4, s1;
	[dreg:$0xc] =	wrdreg s24  }
0x14: {  	s4 =	ssub.s32 s15, s8;
	[dreg:$0xd] =	wrdreg s25;
	s17 =	smul.u32 $0x9000, s16  }
0x15: {  	s20 =	simm.s32 $0x2000;
	s21 =	simm.s32 $0x9;
	s23 =	simm.s32 $0x40  }
0x16: {  	s24 =	simm.s32 $0x80;
	s25 =	simm.s32 $0x4000;
	s8 =	simm.s32 $0x5  }
0x17: {  	s15 =	simm.s32 $0x1F80;
	s16 =	simm.s32 $0x0;
	s1 =	sadd.s32 $0x4AC00, s1  }
0x18: {  	s26 =	smax.u32 s4, $0x1;
	s4 =	simm.s32 $0x4;
	[dreg:$0xe] =	wrdreg s1  }
0x19: {  	v0 =	vimm.f32 $0.0e+00;
	[dreg:$0xf] =	wrdreg s26;
	s26 =	simm.s32 $0x100;
	s1 =	simm.s32 $0x2  }
.LBB2_1:
0x1a: {  	s19 =	simm.s32 $0x0  }
0x1b: {  	s7 =	sand.u32 $0x7E00, s19  }
0x1c: {  	[dreg:$0x10] =	wrdreg s16;
	s16 =	sand.u32 $0x70, s19;
	s18 =	sshrl.u32 s7, $0x2  }
0x1d: {  	s7 =	simm.s32 $0x40;
	s18 =	sor.u32 s16, s18;
	s16 =	simm.s32 $0x0  }
.LBB2_2:
0x1e: {  	p1 =	sne.s32 s7, $0x7FC0  }
0x1f: {  	[tilespmem:s18+$0x2000] =	vst v0;
	s16 =	sadd.s32 $0x10, s16;
	s18 =	smov.u32 s7;
	s7 =	sadd.s32 $0x40, s7  }
.Ltmp0:
0x20: {  	(pc) =	sbr.rel @p1 .LBB2_2-.Ltmp0, $4  }
0x21: {  	_ = 	snop  }
0x22: {  	s18 =	sand.u32 $0x7E00, s18  }
0x23: {  	s19 =	sand.u32 $0x70, s16;
	s18 =	sshrl.u32 s18, $0x2  }
0x24: {  	s18 =	sor.u32 s19, s18  }
0x25: {  	[tilespmem:s18+$0x2000] =	vst v0  }
0x26: {  	[spmem:s22] =	stream.linear.scatter [tilespmem:s20], [sflag:$0x9], $0x2000, $0x38;
	[tilespmem:$0x1E000] =	vst v63  }
0x27: {  	_ =	swait.ge [sflag:s21], $0x2000  }
0x28: {  	[sflag:s21] =	ssyncset.done $0x0  }
0x29: {  	s7 =	rddreg [dreg:$0x5];
	[sflag:s21] =	ssyncadd.s32 $0xFFFFE000  }
0x2a: {  	[spmem:s7] =	stream.linear.scatter [tilespmem:s20], [sflag:$0x9], $0x2000, $0x38;
	[tilespmem:$0x1E000] =	vst v63  }
0x2b: {  	_ =	swait.ge [sflag:s21], $0x2000  }
0x2c: {  	[sflag:s21] =	ssyncset.done $0x0  }
0x2d: {  	s16 =	rddreg [dreg:$0x6];
	[sflag:s21] =	ssyncadd.s32 $0xFFFFE000  }
0x2e: {  	[spmem:s16] =	stream.linear.scatter [tilespmem:s20], [sflag:$0x9], $0x2000, $0x38;
	[tilespmem:$0x1E000] =	vst v63  }
0x2f: {  	_ =	swait.ge [sflag:s21], $0x2000  }
0x30: {  	[sflag:s21] =	ssyncset.done $0x0  }
0x31: {  	s18 =	rddreg [dreg:$0x7];
	[sflag:s21] =	ssyncadd.s32 $0xFFFFE000  }
0x32: {  	[spmem:s18] =	stream.linear.scatter [tilespmem:s20], [sflag:$0x9], $0x2000, $0x38;
	[tilespmem:$0x1E000] =	vst v63  }
0x33: {  	_ =	swait.ge [sflag:s21], $0x2000  }
0x34: {  	[sflag:s21] =	ssyncset.done $0x0  }
0x35: {  	s19 =	rddreg [dreg:$0x8];
	[sflag:s21] =	ssyncadd.s32 $0xFFFFE000  }
0x36: {  	[spmem:s19] =	stream.linear.scatter [tilespmem:s20], [sflag:$0x9], $0x2000, $0x38;
	[tilespmem:$0x1E000] =	vst v63  }
0x37: {  	_ =	swait.ge [sflag:s21], $0x2000  }
0x38: {  	[sflag:s21] =	ssyncset.done $0x0  }
0x39: {  	s22 =	rddreg [dreg:$0x9];
	[sflag:s21] =	ssyncadd.s32 $0xFFFFE000  }
0x3a: {  	[spmem:s22] =	stream.linear.scatter [tilespmem:s20], [sflag:$0x9], $0x2000, $0x38;
	[tilespmem:$0x1E000] =	vst v63  }
0x3b: {  	_ =	swait.ge [sflag:s21], $0x2000  }
0x3c: {  	[sflag:s21] =	ssyncset.done $0x0  }
0x3d: {  	s16 =	rddreg [dreg:$0xa];
	[sflag:s21] =	ssyncadd.s32 $0xFFFFE000  }
0x3e: {  	[spmem:s16] =	stream.linear.scatter [tilespmem:s20], [sflag:$0x9], $0x2000, $0x38;
	[tilespmem:$0x1E000] =	vst v63  }
0x3f: {  	_ =	swait.ge [sflag:s21], $0x2000  }
0x40: {  	[sflag:s21] =	ssyncset.done $0x0  }
0x41: {  	s18 =	rddreg [dreg:$0xb];
	[sflag:s21] =	ssyncadd.s32 $0xFFFFE000  }
0x42: {  	[spmem:s18] =	stream.linear.scatter [tilespmem:s20], [sflag:$0x9], $0x2000, $0x38;
	[tilespmem:$0x1E000] =	vst v63  }
0x43: {  	_ =	swait.ge [sflag:s21], $0x2000  }
0x44: {  	[sflag:s21] =	ssyncset.done $0x0  }
0x45: {  	s19 =	rddreg [dreg:$0xc];
	[sflag:s21] =	ssyncadd.s32 $0xFFFFE000  }
0x46: {  	[spmem:s19] =	stream.linear.scatter [tilespmem:s20], [sflag:$0x9], $0x2000, $0x38;
	[tilespmem:$0x1E000] =	vst v63  }
0x47: {  	_ =	swait.ge [sflag:s21], $0x2000  }
0x48: {  	[sflag:s21] =	ssyncset.done $0x0  }
0x49: {  	s22 =	rddreg [dreg:$0xd];
	[sflag:s21] =	ssyncadd.s32 $0xFFFFE000  }
0x4a: {  	[spmem:s22] =	stream.linear.scatter [tilespmem:s20], [sflag:$0x9], $0x2000, $0x38;
	[tilespmem:$0x1E000] =	vst v63  }
0x4b: {  	_ =	swait.ge [sflag:s21], $0x2000  }
0x4c: {  	[sflag:s21] =	ssyncset.done $0x0  }
0x4d: {  	[sflag:s21] =	ssyncadd.s32 $0xFFFFE000  }
0x4e: {  	s18 =	simm.s32 $0x0;
	s19 =	simm.s32 $0x0;
	[bflag:$0x0] =	sbarrier.arrive $0xFFFF  }
.LBB2_4:
0x4f: {  	s7 =	sshll.u32 s19, $0xC  }
0x50: {  	s7 =	sadd.s32 s17, s7  }
0x51: {  	s7 =	sshrl.u32 s7, $0x3  }
0x52: {  	s16 =	sadd.s32 s5, s7  }
0x53: {  	[tilespmem:s18], [sflag:$0x9] =	stream.linear.gather [hbm4b:s16+s18], $0x1000, $0x38;
	[tilespmem:$0x1E000] =	vst v63  }
0x54: {  	_ =	swait.ge [sflag:s21], $0x1000  }
0x55: {  	[sflag:s21] =	ssyncset.done $0x0  }
0x56: {  	s22 =	simm.s32 $0x1000;
	s7 =	sadd.s32 s6, s7;
	[sflag:s21] =	ssyncadd.s32 $0xFFFFF000  }
0x57: {  	[tilespmem:s22], [sflag:$0x9] =	stream.linear.gather [hbm4b:s7+s18], $0x1000, $0x38;
	[tilespmem:$0x1E000] =	vst v63  }
0x58: {  	_ =	swait.ge [sflag:s21], $0x1000  }
0x59: {  	[sflag:s21] =	ssyncset.done $0x0  }
0x5a: {  	[sflag:s21] =	ssyncadd.s32 $0xFFFFF000  }
0x5b: {  	[tilespmem:s20], [sflag:$0x1] =	stream.indirect.gather [hbm4b:s0+s23], $0x80, s18, s23, $0xb8;
	[tilespmem:$0x1E000] =	vst v63  }
0x5c: {  	_ = 	snop  }
0x5d: {  	[tilespmem:s25], [sflag:$0x2] =	stream.indirect.gather [hbm4b:s0+s23], $0x80, s24, s23, $0xb8;
	[tilespmem:$0x1E000] =	vst v63  }
0x5e: {  	_ = 	snop  }
0x5f: {  	[tilespmem:s28], [sflag:$0x3] =	stream.indirect.gather [hbm4b:s0+s23], $0x80, s26, s23, $0xb8;
	[tilespmem:$0x1E000] =	vst v63  }
0x60: {  	_ = 	snop  }
0x61: {  	[tilespmem:s30], [sflag:$0x4] =	stream.indirect.gather [hbm4b:s0+s23], $0x80, s29, s23, $0xb8;
	[tilespmem:$0x1E000] =	vst v63  }
0x62: {  	_ =	swait.ge [sflag:s31], $0x2000  }
0x63: {  	[sflag:s31] =	ssyncset.done $0x0  }
0x64: {  	s22 =	simm.s32 $0x1000;
	[sflag:s31] =	ssyncadd.s32 $0xFFFFE000  }
0x65: {  	[spmem:s3] =	stream.indirect.scatter.add.f32 [tilespmem:s20], [sflag:$0x5], $0x80, s22, s23, $0xb8;
	[tilespmem:$0x1E000] =	vst v63  }
0x66: {  	_ =	swait.ge [sflag:s1], $0x2000  }
0x67: {  	[sflag:s1] =	ssyncset.done $0x0  }
0x68: {  	s16 =	simm.s32 $0x1080;
	[sflag:s1] =	ssyncadd.s32 $0xFFFFE000  }
0x69: {  	[spmem:s3] =	stream.indirect.scatter.add.f32 [tilespmem:s25], [sflag:$0x6], $0x80, s16, s23, $0xb8;
	[tilespmem:$0x1E000] =	vst v63  }
0x6a: {  	_ =	swait.ge [sflag:s2], $0x2000  }
0x6b: {  	[sflag:s2] =	ssyncset.done $0x0  }
0x6c: {  	s22 =	simm.s32 $0x1100;
	[sflag:s2] =	ssyncadd.s32 $0xFFFFE000  }
0x6d: {  	[spmem:s3] =	stream.indirect.scatter.add.f32 [tilespmem:s28], [sflag:$0x7], $0x80, s22, s23, $0xb8;
	[tilespmem:$0x1E000] =	vst v63  }
0x6e: {  	_ =	swait.ge [sflag:s4], $0x2000  }
0x6f: {  	[sflag:s4] =	ssyncset.done $0x0  }
0x70: {  	s16 =	simm.s32 $0x1180;
	[sflag:s4] =	ssyncadd.s32 $0xFFFFE000  }
0x71: {  	[spmem:s3] =	stream.indirect.scatter.add.f32 [tilespmem:s30], [sflag:$0x8], $0x80, s16, s23, $0xb8;
	[tilespmem:$0x1E000] =	vst v63  }
0x72: {  	_ =	swait.ge [sflag:s8], $0x2000  }
0x73: {  	[sflag:s8] =	ssyncset.done $0x0  }
0x74: {  	s22 =	simm.s32 $0x200;
	[sflag:s8] =	ssyncadd.s32 $0xFFFFE000  }
0x75: {  	[tilespmem:s20], [sflag:$0x1] =	stream.indirect.gather [hbm4b:s0+s23], $0x80, s22, s23, $0xb8;
	[tilespmem:$0x1E000] =	vst v63  }
0x76: {  	_ =	swait.ge [sflag:s9], $0x2000  }
0x77: {  	[sflag:s9] =	ssyncset.done $0x0  }
0x78: {  	s16 =	simm.s32 $0x280;
	[sflag:s9] =	ssyncadd.s32 $0xFFFFE000  }
0x79: {  	[tilespmem:s25], [sflag:$0x2] =	stream.indirect.gather [hbm4b:s0+s23], $0x80, s16, s23, $0xb8;
	[tilespmem:$0x1E000] =	vst v63  }
0x7a: {  	_ =	swait.ge [sflag:s10], $0x2000  }
0x7b: {  	[sflag:s10] =	ssyncset.done $0x0  }
0x7c: {  	s22 =	simm.s32 $0x300;
	[sflag:s10] =	ssyncadd.s32 $0xFFFFE000  }
0x7d: {  	[tilespmem:s28], [sflag:$0x3] =	stream.indirect.gather [hbm4b:s0+s23], $0x80, s22, s23, $0xb8;
	[tilespmem:$0x1E000] =	vst v63  }
0x7e: {  	_ =	swait.ge [sflag:s11], $0x2000  }
0x7f: {  	[sflag:s11] =	ssyncset.done $0x0  }
0x80: {  	s7 =	simm.s32 $0x800;
	s16 =	simm.s32 $0x380;
	[sflag:s11] =	ssyncadd.s32 $0xFFFFE000  }
.LBB2_5:
0x81: {  	[tilespmem:s30], [sflag:$0x4] =	stream.indirect.gather [hbm4b:s0+s23], $0x80, s16, s23, $0xb8;
	[tilespmem:$0x1E000] =	vst v63  }
0x82: {  	s16 =	smov.u32 s7  }
0x83: {  	p1 =	sne.s32 s7, $0x3000;
	s7 =	sadd.s32 $0x800, s7;
	_ =	swait.ge [sflag:s31], $0x2000  }
0x84: {  	s16 =	sshra.s32 s16, $0x2;
	[sflag:s31] =	ssyncset.done $0x0  }
0x85: {  	s22 =	sadd.s32 $0x1000, s16;
	[sflag:s31] =	ssyncadd.s32 $0xFFFFE000  }
0x86: {  	[spmem:s3] =	stream.indirect.scatter.add.f32 [tilespmem:s20], [sflag:$0x5], $0x80, s22, s23, $0xb8;
	[tilespmem:$0x1E000] =	vst v63  }
0x87: {  	_ =	swait.ge [sflag:s1], $0x2000  }
0x88: {  	[sflag:s1] =	ssyncset.done $0x0  }
0x89: {  	s22 =	sadd.s32 $0x1080, s16;
	[sflag:s1] =	ssyncadd.s32 $0xFFFFE000  }
0x8a: {  	[spmem:s3] =	stream.indirect.scatter.add.f32 [tilespmem:s25], [sflag:$0x6], $0x80, s22, s23, $0xb8;
	[tilespmem:$0x1E000] =	vst v63  }
0x8b: {  	_ =	swait.ge [sflag:s2], $0x2000  }
0x8c: {  	[sflag:s2] =	ssyncset.done $0x0  }
0x8d: {  	s22 =	sadd.s32 $0x1100, s16;
	[sflag:s2] =	ssyncadd.s32 $0xFFFFE000  }
0x8e: {  	[spmem:s3] =	stream.indirect.scatter.add.f32 [tilespmem:s28], [sflag:$0x7], $0x80, s22, s23, $0xb8;
	[tilespmem:$0x1E000] =	vst v63  }
0x8f: {  	_ =	swait.ge [sflag:s4], $0x2000  }
0x90: {  	[sflag:s4] =	ssyncset.done $0x0  }
0x91: {  	s22 =	sadd.s32 $0x1180, s16;
	[sflag:s4] =	ssyncadd.s32 $0xFFFFE000  }
0x92: {  	[spmem:s3] =	stream.indirect.scatter.add.f32 [tilespmem:s30], [sflag:$0x8], $0x80, s22, s23, $0xb8;
	[tilespmem:$0x1E000] =	vst v63  }
0x93: {  	_ =	swait.ge [sflag:s8], $0x2000  }
0x94: {  	[sflag:s8] =	ssyncset.done $0x0  }
0x95: {  	s22 =	sadd.s32 $0x200, s16;
	[sflag:s8] =	ssyncadd.s32 $0xFFFFE000  }
0x96: {  	[tilespmem:s20], [sflag:$0x1] =	stream.indirect.gather [hbm4b:s0+s23], $0x80, s22, s23, $0xb8;
	[tilespmem:$0x1E000] =	vst v63  }
0x97: {  	_ =	swait.ge [sflag:s9], $0x2000  }
0x98: {  	[sflag:s9] =	ssyncset.done $0x0  }
0x99: {  	s22 =	sadd.s32 $0x280, s16;
	[sflag:s9] =	ssyncadd.s32 $0xFFFFE000  }
0x9a: {  	[tilespmem:s25], [sflag:$0x2] =	stream.indirect.gather [hbm4b:s0+s23], $0x80, s22, s23, $0xb8;
	[tilespmem:$0x1E000] =	vst v63  }
0x9b: {  	_ =	swait.ge [sflag:s10], $0x2000  }
0x9c: {  	[sflag:s10] =	ssyncset.done $0x0  }
.Ltmp1:
0x9d: {  	s22 =	sadd.s32 $0x300, s16;
	[sflag:s10] =	ssyncadd.s32 $0xFFFFE000;
	(pc) =	sbr.rel @p1 .LBB2_5-.Ltmp1, $4  }
0x9e: {  	[tilespmem:s28], [sflag:$0x3] =	stream.indirect.gather [hbm4b:s0+s23], $0x80, s22, s23, $0xb8;
	[tilespmem:$0x1E000] =	vst v63  }
0x9f: {  	_ =	swait.ge [sflag:s11], $0x2000  }
0xa0: {  	[sflag:s11] =	ssyncset.done $0x0  }
0xa1: {  	s16 =	sadd.s32 $0x380, s16;
	[sflag:s11] =	ssyncadd.s32 $0xFFFFE000  }
0xa2: {  	[tilespmem:s30], [sflag:$0x4] =	stream.indirect.gather [hbm4b:s0+s23], $0x80, s16, s23, $0xb8;
	[tilespmem:$0x1E000] =	vst v63  }
0xa3: {  	_ =	swait.ge [sflag:s31], $0x2000  }
0xa4: {  	[sflag:s31] =	ssyncset.done $0x0  }
0xa5: {  	[sflag:s31] =	ssyncadd.s32 $0xFFFFE000  }
0xa6: {  	[spmem:s3] =	stream.indirect.scatter.add.f32 [tilespmem:s20], [sflag:$0x5], $0x80, s12, s23, $0xb8;
	[tilespmem:$0x1E000] =	vst v63  }
0xa7: {  	_ =	swait.ge [sflag:s1], $0x2000  }
0xa8: {  	[sflag:s1] =	ssyncset.done $0x0  }
0xa9: {  	[sflag:s1] =	ssyncadd.s32 $0xFFFFE000  }
0xaa: {  	[spmem:s3] =	stream.indirect.scatter.add.f32 [tilespmem:s25], [sflag:$0x6], $0x80, s13, s23, $0xb8;
	[tilespmem:$0x1E000] =	vst v63  }
0xab: {  	_ =	swait.ge [sflag:s2], $0x2000  }
0xac: {  	[sflag:s2] =	ssyncset.done $0x0  }
0xad: {  	[sflag:s2] =	ssyncadd.s32 $0xFFFFE000  }
0xae: {  	[spmem:s3] =	stream.indirect.scatter.add.f32 [tilespmem:s28], [sflag:$0x7], $0x80, s14, s23, $0xb8;
	[tilespmem:$0x1E000] =	vst v63  }
0xaf: {  	_ =	swait.ge [sflag:s4], $0x2000  }
0xb0: {  	[sflag:s4] =	ssyncset.done $0x0  }
0xb1: {  	[sflag:s4] =	ssyncadd.s32 $0xFFFFE000  }
0xb2: {  	[spmem:s3] =	stream.indirect.scatter.add.f32 [tilespmem:s30], [sflag:$0x8], $0x80, s15, s23, $0xb8;
	[tilespmem:$0x1E000] =	vst v63  }
0xb3: {  	_ =	swait.ge [sflag:s8], $0x2000  }
0xb4: {  	[sflag:s8] =	ssyncset.done $0x0  }
0xb5: {  	[sflag:s8] =	ssyncadd.s32 $0xFFFFE000  }
0xb6: {  	_ =	swait.ge [sflag:s9], $0x2000  }
0xb7: {  	[sflag:s9] =	ssyncset.done $0x0  }
0xb8: {  	p1 =	slt.u32 @!p0 s19, $0x8;
	[sflag:s9] =	ssyncadd.s32 $0xFFFFE000  }
0xb9: {  	p1 =	por p0, !p1;
	_ =	swait.ge [sflag:s10], $0x2000  }
.Ltmp2:
0xba: {  	[sflag:s10] =	ssyncset.done $0x0;
	(pc) =	sbr.rel @!p1 .LBB2_4-.Ltmp2, $4  }
0xbb: {  	[sflag:s10] =	ssyncadd.s32 $0xFFFFE000  }
0xbc: {  	_ =	swait.ge [sflag:s11], $0x2000  }
0xbd: {  	[sflag:s11] =	ssyncset.done $0x0  }
0xbe: {  	s19 =	sadd.s32 $0x1, s19;
	[sflag:s11] =	ssyncadd.s32 $0xFFFFE000  }
0xbf: {  	s7 =	stileid.u32;
	[bflag:$0x0] =	sbarrier.arrive $0xFFFF  }
0xc0: {  	s7 =	sshll.u32 s7, $0x6;
	s22 =	rddreg [dreg:$0x4]  }
0xc1: {  	s18 =	rddreg [dreg:$0xe];
	s7 =	sor.u32 $0x1C09, s7;
	s16 =	sshrl.u32 s22, $0x3  }
0xc2: {  	[hbm:s18], [sflag:s7] =	dma.local [spmem:s16], $0x2800  }
0xc3: {  	_ =	swait.ge [sflag:s21], $0x2800  }
0xc4: {  	s18 =	rddreg [dreg:$0x10]  }
0xc5: {  	s19 =	rddreg [dreg:$0xf];
	s16 =	sadd.s32 $0x1, s18  }
0xc6: {  	p1 =	sne.s32 s16, s19  }
.Ltmp3:
0xc7: {  	_ = 	snop;
	(pc) =	sbr.rel @p1 .LBB2_1-.Ltmp3, $3  }
0xc8: {  	_ =	sdelay $0x1  }
0xc9: {  	[sflag:s21] =	ssyncset.done $0x0  }
0xca: {  	[sflag:s21] =	ssyncadd.s32 $0xFFFFD800  }
0xcb: {  	_ =	sfence.sel $0x180000  }
0xcc: {  	[bflag:$0x0] =	sbarrier.arrive $0xFFFF  }
0xcd: {  	_ =	strace $0x9000004A  }
0xce: {  	s0 =	stileid.u32;
	[bflag:$0x2] =	sbarrier.arrive $0xFFFF  }
0xcf: {  	p0 =	sne.s32 s0, $0x0;
	s0 =	rddreg [dreg:$0x3]  }
0xd0: {  	s0 =	sadd.s32 @!p0 $0x100000, s0  }
0xd1: {  	[sflag:s0] =	ssyncadd.tile.s32 @!p0 $0x1;
	_ =	shalt  }
.Lfunc_end2:
_tile_overlayer_lowered:
.L_overlay_start_2:
0xd2: {  	(tag) =	ssettag $0x2  }
0xd3: {  	s0 =	rddreg [dreg:$0x0];
	s2 =	stileid.u32  }
0xd4: {  	s1 =	rddreg [dreg:$0x1];
	p0 =	sne.s32 s2, $0x0  }
0xd5: {  	s3 =	rddreg [dreg:$0x2];
	[bflag:$0x3] =	sbarrier.arrive $0xFFFF;
	s2 =	simm.s32 @!p0 $0x1C09  }
0xd6: {  	[timem:s3], [sflag:s2] =	dma.local @!p0 [hbm:s0], s1  }
0xd7: {  	s0 =	simm.s32 @!p0 $0x9  }
0xd8: {  	_ =	swait.ge @!p0 [sflag:s0], s1  }
0xd9: {  	s1 =	ssub.s32 @!p0 $0x0, s1;
	[sflag:s0] =	ssyncset.done @!p0 $0x0  }
0xda: {  	[sflag:s0] =	ssyncadd.s32 @!p0 s1  }
0xdb: {  	[bflag:$0x3] =	sbarrier.arrive $0xFFFF  }
0xdc: {  	_ =	shalt  }

</sc_bundles>
